<compile_context>
chip_gen: v7x
topology: tpu7x:2x2x1
jax: 0.10.2.dev20260603
libtpu: 0.0.44.dev20260713+nightly
codegen_flags: <defaults>
</compile_context>

<pallas_src>
import functools
import math

import jax
import jax.numpy as jnp
from jax import lax
from jax.experimental import pallas as pl
from jax.experimental.pallas import tpu as pltpu
from jax.experimental.pallas import tpu_sc as plsc

_SENT = 4096
_SLEN = 50
_SPAD = 56
_EMB = 512
_SCALE = math.sqrt(_EMB)
_LANES = 16

_NC = 2
_NS = 16
_NW = _NC * _NS

_SPW = _SENT // _NW
_IPW = _SPW * _SPAD
_NBUF = 4
_OUTER = _SPW // _NBUF


def _make_sc_kernel():
  mesh = plsc.VectorSubcoreMesh(core_axis_name="c", subcore_axis_name="s")

  @functools.partial(
      pl.kernel,
      out_type=jax.ShapeDtypeStruct((_SENT * _SPAD, _EMB), jnp.float32),
      mesh=mesh,
      scratch_types=(
          [pltpu.VMEM((_IPW,), jnp.int32),
           pltpu.VMEM((_NBUF, _SPAD, _EMB), jnp.float32)]
          + [pltpu.SemaphoreType.DMA] * (2 * _NBUF)
      ),
  )
  def sc_embed(idx_hbm, table_hbm, out_hbm, idx_v, buf, *sems):
    g_sems = sems[:_NBUF]
    o_sems = sems[_NBUF:]
    wid = lax.axis_index("s") * _NC + lax.axis_index("c")
    sent_base = wid * _SPW
    pltpu.sync_copy(idx_hbm.at[pl.ds(wid * _IPW, _IPW)], idx_v)

    def gather_copy(i, b):
      return pltpu.make_async_copy(
          table_hbm.at[idx_v.at[pl.ds(i * _SPAD, _SPAD)]],
          buf.at[b], g_sems[b])

    def out_copy(i, b):
      return pltpu.make_async_copy(
          buf.at[b], out_hbm.at[pl.ds((sent_base + i) * _SPAD, _SPAD)],
          o_sems[b])

    gather_copy(0, 0).start()
    gather_copy(1, 1).start()

    def outer(j, carry):
      for b in range(_NBUF):
        i = j * _NBUF + b
        gather_copy(i, b).wait()

        def scale_row(r, c2, _b=b):
          for c in range(_EMB // _LANES):
            buf[_b, r, pl.ds(c * _LANES, _LANES)] = (
                buf[_b, r, pl.ds(c * _LANES, _LANES)] * _SCALE)
          return c2
        lax.fori_loop(0, _SLEN, scale_row, 0)

        out_copy(i, b).start()

        bn = (b + 2) % _NBUF
        if b < 2:
          @pl.when(j >= 1)
          def _(i=i, bn=bn):
            out_copy(i - 2, bn).wait()
          gather_copy(i + 2, bn).start()
        else:
          @pl.when(j < _OUTER - 1)
          def _(i=i, bn=bn):
            out_copy(i - 2, bn).wait()
            gather_copy(i + 2, bn).start()
      return carry

    lax.fori_loop(0, _OUTER, outer, 0)

    for b in range(_NBUF):
      out_copy(_SPW - _NBUF + b, b).wait()

  return sc_embed


_SC_EMBED = _make_sc_kernel()


def kernel(x, table):
  xp = jnp.concatenate([x, x[:, : _SPAD - _SLEN]], axis=1)
  out = _SC_EMBED(xp.reshape(-1), table)
  return out.reshape(_SENT, _SPAD, _EMB)[:, :_SLEN, :]

# --- scband reference (transcript-rebuilt; emitter-appended) ---
"""Pipeline reference for scband-embedding-33758442946806 (READ-ONLY COPY).

The authoritative reference and input builder live on the scoring server;
editing this copy changes nothing except your own understanding.
"""

import jax, jax.numpy as jnp
import numpy as np
import math

VOCAB = 32678
EMB = 512
PAD = 1

def setup_inputs(seed: int = 0) -> dict:
    key = jax.random.key(seed)
    k1, k2 = jax.random.split(key)
    x = jax.random.randint(k1, (4096, 50), 0, VOCAB, dtype=jnp.int32)
    table = jax.random.normal(k2, (VOCAB, EMB), dtype=jnp.float32)
    # padding_idx row is zero-initialized in torch nn.Embedding
    table = table.at[PAD].set(0.0)
    return {"x": x, "table": table}

def reference(x, table):
    # Faithful to: self.emb(x) * math.sqrt(self.embedding_size)
    emb = jnp.take(table, x, axis=0)
    return emb * math.sqrt(EMB)

if __name__ == "__main__":
    import jax
    _d = setup_inputs()
    print(jax.jit(kernel)(*tuple(_d.values())))

</pallas_src>

<mosaic_0001>
#map = affine_map<(d0, d1) -> (0)>
#map1 = affine_map<(d0, d1) -> (0, 0)>
module attributes {stable_mosaic.version = 14 : i64} {
  func.func @sc_embed(%arg0: i32, %arg1: i32, %arg2: memref<229376xi32, #tpu.memory_space<hbm>>, %arg3: memref<32678x512xf32, #tpu.memory_space<hbm>>, %arg4: memref<229376x512xf32, #tpu.memory_space<hbm>>, %arg5: memref<7168xi32, #tpu.memory_space<vmem>>, %arg6: memref<4x56x512xf32, #tpu.memory_space<vmem>>, %arg7: memref<!tpu.dma_semaphore, #tpu.memory_space<semaphore_mem>>, %arg8: memref<!tpu.dma_semaphore, #tpu.memory_space<semaphore_mem>>, %arg9: memref<!tpu.dma_semaphore, #tpu.memory_space<semaphore_mem>>, %arg10: memref<!tpu.dma_semaphore, #tpu.memory_space<semaphore_mem>>, %arg11: memref<!tpu.dma_semaphore, #tpu.memory_space<semaphore_mem>>, %arg12: memref<!tpu.dma_semaphore, #tpu.memory_space<semaphore_mem>>, %arg13: memref<!tpu.dma_semaphore, #tpu.memory_space<semaphore_mem>>, %arg14: memref<!tpu.dma_semaphore, #tpu.memory_space<semaphore_mem>>) attributes {dimension_semantics = [#tpu.dimension_semantics<core_parallel>, #tpu.dimension_semantics<subcore_parallel>], iteration_bounds = array<i64: 2, 16>, scalar_prefetch = 0 : i64, scratch_operands = 10 : i64, tpu.core_type = #tpu.core_type<sc_vector_subcore>, window_params = [{transform_indices = #map}, {transform_indices = #map1}, {transform_indices = #map1}]} {
    %mul3A = arith.constant 2 : i32
    %mul3A_0 = arith.muli %arg1, %mul3A : i32
    %add3A = arith.addi %mul3A_0, %arg0 : i32
    %mul3A_1 = arith.constant 128 : i32
    %mul3A_2 = arith.muli %add3A, %mul3A_1 : i32
    %mul3A_3 = arith.constant 7168 : i32
    %mul3A_4 = arith.muli %add3A, %mul3A_3 : i32
    "tpu.region"() ({
      %run_scoped3A = tpu.sem_alloc : memref<!tpu.dma_semaphore, #tpu.memory_space<semaphore_mem>>
      %dma_start3A_96 = tpu.memref_slice %arg2[%mul3A_4] : memref<229376xi32, #tpu.memory_space<hbm>> -> memref<7168xi32, #tpu.memory_space<hbm>>
      %dma_start3A_97 = tpu.memref_slice %arg2[%mul3A_4] : memref<229376xi32, #tpu.memory_space<hbm>> -> memref<7168xi32, #tpu.memory_space<hbm>>
      tpu.enqueue_dma source(%dma_start3A_97 : memref<7168xi32, #tpu.memory_space<hbm>>) target(%arg5 : memref<7168xi32, #tpu.memory_space<vmem>>) target_semaphore(%run_scoped3A : memref<!tpu.dma_semaphore, #tpu.memory_space<semaphore_mem>>)
      %dma_wait3A_98 = tpu.memref_slice %arg2[%mul3A_4] : memref<229376xi32, #tpu.memory_space<hbm>> -> memref<7168xi32, #tpu.memory_space<hbm>>
      %dma_wait3A_99 = tpu.memref_slice %arg2[%mul3A_4] : memref<229376xi32, #tpu.memory_space<hbm>> -> memref<7168xi32, #tpu.memory_space<hbm>>
      tpu.wait_dma2 semaphore(%run_scoped3A : memref<!tpu.dma_semaphore, #tpu.memory_space<semaphore_mem>>) src(%dma_wait3A_99 : memref<7168xi32, #tpu.memory_space<hbm>>) dst(%arg5 : memref<7168xi32, #tpu.memory_space<vmem>>)
      tpu.yield
    }) : () -> ()
    %dma_start3A = arith.constant 0 : i32
    %dma_start3A_5 = arith.constant 0 : i32
    %dma_start3A_6 = arith.constant 0 : i32
    %dma_start3A_7 = tpu.memref_slice %arg6[%dma_start3A, %dma_start3A_5, %dma_start3A_6] : memref<4x56x512xf32, #tpu.memory_space<vmem>> -> memref<1x56x512xf32, #tpu.memory_space<vmem>>
    %dma_start3A_8 = tpu.memref_squeeze %dma_start3A_7 : memref<1x56x512xf32, #tpu.memory_space<vmem>> -> memref<56x512xf32, #tpu.memory_space<vmem>>
    %dma_start3A_9 = arith.constant 0 : i32
    %dma_start3A_10 = tpu.memref_slice %arg5[%dma_start3A_9] : memref<7168xi32, #tpu.memory_space<vmem>> -> memref<56xi32, #tpu.memory_space<vmem>>
    %dma_start3A_11 = arith.constant 0 : i32
    %dma_start3A_12 = arith.constant 0 : i32
    %dma_start3A_13 = tpu.memref_slice %arg3[%dma_start3A_11, %dma_start3A_12] : memref<32678x512xf32, #tpu.memory_space<hbm>> -> memref<32678x512xf32, #tpu.memory_space<hbm>>
    tpu.enqueue_indirect_dma source(%dma_start3A_13 : memref<32678x512xf32, #tpu.memory_space<hbm>>) target(%dma_start3A_8 : memref<56x512xf32, #tpu.memory_space<vmem>>) offsets(%dma_start3A_10 : memref<56xi32, #tpu.memory_space<vmem>>) semaphore(%arg7 : memref<!tpu.dma_semaphore, #tpu.memory_space<semaphore_mem>>)
    %dma_start3A_14 = arith.constant 1 : i32
    %dma_start3A_15 = arith.constant 0 : i32
    %dma_start3A_16 = arith.constant 0 : i32
    %dma_start3A_17 = tpu.memref_slice %arg6[%dma_start3A_14, %dma_start3A_15, %dma_start3A_16] : memref<4x56x512xf32, #tpu.memory_space<vmem>> -> memref<1x56x512xf32, #tpu.memory_space<vmem>>
    %dma_start3A_18 = tpu.memref_squeeze %dma_start3A_17 : memref<1x56x512xf32, #tpu.memory_space<vmem>> -> memref<56x512xf32, #tpu.memory_space<vmem>>
    %dma_start3A_19 = arith.constant 56 : i32
    %dma_start3A_20 = tpu.memref_slice %arg5[%dma_start3A_19] : memref<7168xi32, #tpu.memory_space<vmem>> -> memref<56xi32, #tpu.memory_space<vmem>>
    %dma_start3A_21 = arith.constant 0 : i32
    %dma_start3A_22 = arith.constant 0 : i32
    %dma_start3A_23 = tpu.memref_slice %arg3[%dma_start3A_21, %dma_start3A_22] : memref<32678x512xf32, #tpu.memory_space<hbm>> -> memref<32678x512xf32, #tpu.memory_space<hbm>>
    tpu.enqueue_indirect_dma source(%dma_start3A_23 : memref<32678x512xf32, #tpu.memory_space<hbm>>) target(%dma_start3A_18 : memref<56x512xf32, #tpu.memory_space<vmem>>) offsets(%dma_start3A_20 : memref<56xi32, #tpu.memory_space<vmem>>) semaphore(%arg8 : memref<!tpu.dma_semaphore, #tpu.memory_space<semaphore_mem>>)
    %scan3A = arith.constant 0 : i32
    %scan3A_24 = arith.constant 0 : i32
    %scan3A_25 = arith.constant 32 : i32
    %scan3A_26 = arith.addi %scan3A_24, %scan3A_25 : i32
    %scan3A_27 = arith.constant 1 : i32
    scf.for %scan3A_96 = %scan3A_24 to %scan3A_26 step %scan3A_27  : i32 {
      %mul3A_97 = arith.constant 4 : i32
      %mul3A_98 = arith.muli %scan3A_96, %mul3A_97 : i32
      %add3A_99 = arith.constant 0 : i32
      %add3A_100 = arith.addi %mul3A_98, %add3A_99 : i32
      %mul3A_101 = arith.constant 56 : i32
      %mul3A_102 = arith.muli %add3A_100, %mul3A_101 : i32
      %dma_wait3A_103 = arith.constant 0 : i32
      %dma_wait3A_104 = arith.constant 0 : i32
      %dma_wait3A_105 = arith.constant 0 : i32
      %dma_wait3A_106 = tpu.memref_slice %arg6[%dma_wait3A_103, %dma_wait3A_104, %dma_wait3A_105] : memref<4x56x512xf32, #tpu.memory_space<vmem>> -> memref<1x56x512xf32, #tpu.memory_space<vmem>>
      %dma_wait3A_107 = tpu.memref_squeeze %dma_wait3A_106 : memref<1x56x512xf32, #tpu.memory_space<vmem>> -> memref<56x512xf32, #tpu.memory_space<vmem>>
      %dma_wait3A_108 = tpu.memref_slice %arg5[%mul3A_102] : memref<7168xi32, #tpu.memory_space<vmem>> -> memref<56xi32, #tpu.memory_space<vmem>>
      %dma_wait3A_109 = arith.constant 0 : i32
      %dma_wait3A_110 = arith.constant 0 : i32
      %dma_wait3A_111 = tpu.memref_slice %arg3[%dma_wait3A_109, %dma_wait3A_110] : memref<32678x512xf32, #tpu.memory_space<hbm>> -> memref<32678x512xf32, #tpu.memory_space<hbm>>
      tpu.wait_indirect_dma semaphore(%arg7 : memref<!tpu.dma_semaphore, #tpu.memory_space<semaphore_mem>>) src(%dma_wait3A_111 : memref<32678x512xf32, #tpu.memory_space<hbm>>) dst(%dma_wait3A_107 : memref<56x512xf32, #tpu.memory_space<vmem>>)
      %scan3A_112 = arith.constant 0 : i32
      %scan3A_113 = arith.constant 0 : i32
      %scan3A_114 = arith.constant 50 : i32
      %scan3A_115 = arith.addi %scan3A_113, %scan3A_114 : i32
      %scan3A_116 = arith.constant 1 : i32
      scf.for %scan3A_287 = %scan3A_113 to %scan3A_115 step %scan3A_116  : i32 {
        %get3A = arith.constant 0 : i32
        %get3A_288 = arith.index_cast %get3A : i32 to index
        %get3A_289 = arith.index_cast %scan3A_287 : i32 to index
        %get3A_290 = arith.constant 0 : index
        %get3A_291 = tpu.vector_load %arg6[%get3A_288, %get3A_289, %get3A_290] {strides = array<i32>} : memref<4x56x512xf32, #tpu.memory_space<vmem>>, vector<1x1x16xf32>,
        %get3A_292 = vector.shape_cast %get3A_291 : vector<1x1x16xf32> to vector<16xf32>
        %mul3A_293 = arith.constant 22.6274166 : f32
        %mul3A_294 = vector.broadcast %mul3A_293 : f32 to vector<16xf32>
        %mul3A_295 = arith.mulf %get3A_292, %mul3A_294 : vector<16xf32>
        %swap3A = arith.constant 0 : i32
        %swap3A_296 = arith.index_cast %swap3A : i32 to index
        %swap3A_297 = arith.index_cast %scan3A_287 : i32 to index
        %swap3A_298 = arith.constant 0 : index
        %swap3A_299 = tpu.vector_load %arg6[%swap3A_296, %swap3A_297, %swap3A_298] {strides = array<i32>} : memref<4x56x512xf32, #tpu.memory_space<vmem>>, vector<1x1x16xf32>,
        %swap3A_300 = vector.shape_cast %swap3A_299 : vector<1x1x16xf32> to vector<16xf32>
        %swap3A_301 = vector.shape_cast %mul3A_295 : vector<16xf32> to vector<1x1x16xf32>
        tpu.vector_store %arg6[%swap3A_296, %swap3A_297, %swap3A_298], %swap3A_301 {strides = array<i32>} : memref<4x56x512xf32, #tpu.memory_space<vmem>>, vector<1x1x16xf32>,
        %get3A_302 = arith.constant 0 : i32
        %get3A_303 = arith.index_cast %get3A_302 : i32 to index
        %get3A_304 = arith.index_cast %scan3A_287 : i32 to index
        %get3A_305 = arith.constant 16 : index
        %get3A_306 = tpu.vector_load %arg6[%get3A_303, %get3A_304, %get3A_305] {strides = array<i32>} : memref<4x56x512xf32, #tpu.memory_space<vmem>>, vector<1x1x16xf32>,
        %get3A_307 = vector.shape_cast %get3A_306 : vector<1x1x16xf32> to vector<16xf32>
        %mul3A_308 = arith.constant 22.6274166 : f32
        %mul3A_309 = vector.broadcast %mul3A_308 : f32 to vector<16xf32>
        %mul3A_310 = arith.mulf %get3A_307, %mul3A_309 : vector<16xf32>
        %swap3A_311 = arith.constant 0 : i32
        %swap3A_312 = arith.index_cast %swap3A_311 : i32 to index
        %swap3A_313 = arith.index_cast %scan3A_287 : i32 to index
        %swap3A_314 = arith.constant 16 : index
        %swap3A_315 = tpu.vector_load %arg6[%swap3A_312, %swap3A_313, %swap3A_314] {strides = array<i32>} : memref<4x56x512xf32, #tpu.memory_space<vmem>>, vector<1x1x16xf32>,
        %swap3A_316 = vector.shape_cast %swap3A_315 : vector<1x1x16xf32> to vector<16xf32>
        %swap3A_317 = vector.shape_cast %mul3A_310 : vector<16xf32> to vector<1x1x16xf32>
        tpu.vector_store %arg6[%swap3A_312, %swap3A_313, %swap3A_314], %swap3A_317 {strides = array<i32>} : memref<4x56x512xf32, #tpu.memory_space<vmem>>, vector<1x1x16xf32>,
        %get3A_318 = arith.constant 0 : i32
        %get3A_319 = arith.index_cast %get3A_318 : i32 to index
        %get3A_320 = arith.index_cast %scan3A_287 : i32 to index
        %get3A_321 = arith.constant 32 : index
        %get3A_322 = tpu.vector_load %arg6[%get3A_319, %get3A_320, %get3A_321] {strides = array<i32>} : memref<4x56x512xf32, #tpu.memory_space<vmem>>, vector<1x1x16xf32>,
        %get3A_323 = vector.shape_cast %get3A_322 : vector<1x1x16xf32> to vector<16xf32>
        %mul3A_324 = arith.constant 22.6274166 : f32
        %mul3A_325 = vector.broadcast %mul3A_324 : f32 to vector<16xf32>
        %mul3A_326 = arith.mulf %get3A_323, %mul3A_325 : vector<16xf32>
        %swap3A_327 = arith.constant 0 : i32
        %swap3A_328 = arith.index_cast %swap3A_327 : i32 to index
        %swap3A_329 = arith.index_cast %scan3A_287 : i32 to index
        %swap3A_330 = arith.constant 32 : index
        %swap3A_331 = tpu.vector_load %arg6[%swap3A_328, %swap3A_329, %swap3A_330] {strides = array<i32>} : memref<4x56x512xf32, #tpu.memory_space<vmem>>, vector<1x1x16xf32>,
        %swap3A_332 = vector.shape_cast %swap3A_331 : vector<1x1x16xf32> to vector<16xf32>
        %swap3A_333 = vector.shape_cast %mul3A_326 : vector<16xf32> to vector<1x1x16xf32>
        tpu.vector_store %arg6[%swap3A_328, %swap3A_329, %swap3A_330], %swap3A_333 {strides = array<i32>} : memref<4x56x512xf32, #tpu.memory_space<vmem>>, vector<1x1x16xf32>,
        %get3A_334 = arith.constant 0 : i32
        %get3A_335 = arith.index_cast %get3A_334 : i32 to index
        %get3A_336 = arith.index_cast %scan3A_287 : i32 to index
        %get3A_337 = arith.constant 48 : index
        %get3A_338 = tpu.vector_load %arg6[%get3A_335, %get3A_336, %get3A_337] {strides = array<i32>} : memref<4x56x512xf32, #tpu.memory_space<vmem>>, vector<1x1x16xf32>,
        %get3A_339 = vector.shape_cast %get3A_338 : vector<1x1x16xf32> to vector<16xf32>
        %mul3A_340 = arith.constant 22.6274166 : f32
        %mul3A_341 = vector.broadcast %mul3A_340 : f32 to vector<16xf32>
        %mul3A_342 = arith.mulf %get3A_339, %mul3A_341 : vector<16xf32>
        %swap3A_343 = arith.constant 0 : i32
        %swap3A_344 = arith.index_cast %swap3A_343 : i32 to index
        %swap3A_345 = arith.index_cast %scan3A_287 : i32 to index
        %swap3A_346 = arith.constant 48 : index
        %swap3A_347 = tpu.vector_load %arg6[%swap3A_344, %swap3A_345, %swap3A_346] {strides = array<i32>} : memref<4x56x512xf32, #tpu.memory_space<vmem>>, vector<1x1x16xf32>,
        %swap3A_348 = vector.shape_cast %swap3A_347 : vector<1x1x16xf32> to vector<16xf32>
        %swap3A_349 = vector.shape_cast %mul3A_342 : vector<16xf32> to vector<1x1x16xf32>
        tpu.vector_store %arg6[%swap3A_344, %swap3A_345, %swap3A_346], %swap3A_349 {strides = array<i32>} : memref<4x56x512xf32, #tpu.memory_space<vmem>>, vector<1x1x16xf32>,
        %get3A_350 = arith.constant 0 : i32
        %get3A_351 = arith.index_cast %get3A_350 : i32 to index
        %get3A_352 = arith.index_cast %scan3A_287 : i32 to index
        %get3A_353 = arith.constant 64 : index
        %get3A_354 = tpu.vector_load %arg6[%get3A_351, %get3A_352, %get3A_353] {strides = array<i32>} : memref<4x56x512xf32, #tpu.memory_space<vmem>>, vector<1x1x16xf32>,
        %get3A_355 = vector.shape_cast %get3A_354 : vector<1x1x16xf32> to vector<16xf32>
        %mul3A_356 = arith.constant 22.6274166 : f32
        %mul3A_357 = vector.broadcast %mul3A_356 : f32 to vector<16xf32>
        %mul3A_358 = arith.mulf %get3A_355, %mul3A_357 : vector<16xf32>
        %swap3A_359 = arith.constant 0 : i32
        %swap3A_360 = arith.index_cast %swap3A_359 : i32 to index
        %swap3A_361 = arith.index_cast %scan3A_287 : i32 to index
        %swap3A_362 = arith.constant 64 : index
        %swap3A_363 = tpu.vector_load %arg6[%swap3A_360, %swap3A_361, %swap3A_362] {strides = array<i32>} : memref<4x56x512xf32, #tpu.memory_space<vmem>>, vector<1x1x16xf32>,
        %swap3A_364 = vector.shape_cast %swap3A_363 : vector<1x1x16xf32> to vector<16xf32>
        %swap3A_365 = vector.shape_cast %mul3A_358 : vector<16xf32> to vector<1x1x16xf32>
        tpu.vector_store %arg6[%swap3A_360, %swap3A_361, %swap3A_362], %swap3A_365 {strides = array<i32>} : memref<4x56x512xf32, #tpu.memory_space<vmem>>, vector<1x1x16xf32>,
        %get3A_366 = arith.constant 0 : i32
        %get3A_367 = arith.index_cast %get3A_366 : i32 to index
        %get3A_368 = arith.index_cast %scan3A_287 : i32 to index
        %get3A_369 = arith.constant 80 : index
        %get3A_370 = tpu.vector_load %arg6[%get3A_367, %get3A_368, %get3A_369] {strides = array<i32>} : memref<4x56x512xf32, #tpu.memory_space<vmem>>, vector<1x1x16xf32>,
        %get3A_371 = vector.shape_cast %get3A_370 : vector<1x1x16xf32> to vector<16xf32>
        %mul3A_372 = arith.constant 22.6274166 : f32
        %mul3A_373 = vector.broadcast %mul3A_372 : f32 to vector<16xf32>
        %mul3A_374 = arith.mulf %get3A_371, %mul3A_373 : vector<16xf32>
        %swap3A_375 = arith.constant 0 : i32
        %swap3A_376 = arith.index_cast %swap3A_375 : i32 to index
        %swap3A_377 = arith.index_cast %scan3A_287 : i32 to index
        %swap3A_378 = arith.constant 80 : index
        %swap3A_379 = tpu.vector_load %arg6[%swap3A_376, %swap3A_377, %swap3A_378] {strides = array<i32>} : memref<4x56x512xf32, #tpu.memory_space<vmem>>, vector<1x1x16xf32>,
        %swap3A_380 = vector.shape_cast %swap3A_379 : vector<1x1x16xf32> to vector<16xf32>
        %swap3A_381 = vector.shape_cast %mul3A_374 : vector<16xf32> to vector<1x1x16xf32>
        tpu.vector_store %arg6[%swap3A_376, %swap3A_377, %swap3A_378], %swap3A_381 {strides = array<i32>} : memref<4x56x512xf32, #tpu.memory_space<vmem>>, vector<1x1x16xf32>,
        %get3A_382 = arith.constant 0 : i32
        %get3A_383 = arith.index_cast %get3A_382 : i32 to index
        %get3A_384 = arith.index_cast %scan3A_287 : i32 to index
        %get3A_385 = arith.constant 96 : index
        %get3A_386 = tpu.vector_load %arg6[%get3A_383, %get3A_384, %get3A_385] {strides = array<i32>} : memref<4x56x512xf32, #tpu.memory_space<vmem>>, vector<1x1x16xf32>,
        %get3A_387 = vector.shape_cast %get3A_386 : vector<1x1x16xf32> to vector<16xf32>
        %mul3A_388 = arith.constant 22.6274166 : f32
        %mul3A_389 = vector.broadcast %mul3A_388 : f32 to vector<16xf32>
        %mul3A_390 = arith.mulf %get3A_387, %mul3A_389 : vector<16xf32>
        %swap3A_391 = arith.constant 0 : i32
        %swap3A_392 = arith.index_cast %swap3A_391 : i32 to index
        %swap3A_393 = arith.index_cast %scan3A_287 : i32 to index
        %swap3A_394 = arith.constant 96 : index
        %swap3A_395 = tpu.vector_load %arg6[%swap3A_392, %swap3A_393, %swap3A_394] {strides = array<i32>} : memref<4x56x512xf32, #tpu.memory_space<vmem>>, vector<1x1x16xf32>,
        %swap3A_396 = vector.shape_cast %swap3A_395 : vector<1x1x16xf32> to vector<16xf32>
        %swap3A_397 = vector.shape_cast %mul3A_390 : vector<16xf32> to vector<1x1x16xf32>
        tpu.vector_store %arg6[%swap3A_392, %swap3A_393, %swap3A_394], %swap3A_397 {strides = array<i32>} : memref<4x56x512xf32, #tpu.memory_space<vmem>>, vector<1x1x16xf32>,
        %get3A_398 = arith.constant 0 : i32
        %get3A_399 = arith.index_cast %get3A_398 : i32 to index
        %get3A_400 = arith.index_cast %scan3A_287 : i32 to index
        %get3A_401 = arith.constant 112 : index
        %get3A_402 = tpu.vector_load %arg6[%get3A_399, %get3A_400, %get3A_401] {strides = array<i32>} : memref<4x56x512xf32, #tpu.memory_space<vmem>>, vector<1x1x16xf32>,
        %get3A_403 = vector.shape_cast %get3A_402 : vector<1x1x16xf32> to vector<16xf32>
        %mul3A_404 = arith.constant 22.6274166 : f32
        %mul3A_405 = vector.broadcast %mul3A_404 : f32 to vector<16xf32>
        %mul3A_406 = arith.mulf %get3A_403, %mul3A_405 : vector<16xf32>
        %swap3A_407 = arith.constant 0 : i32
        %swap3A_408 = arith.index_cast %swap3A_407 : i32 to index
        %swap3A_409 = arith.index_cast %scan3A_287 : i32 to index
        %swap3A_410 = arith.constant 112 : index
        %swap3A_411 = tpu.vector_load %arg6[%swap3A_408, %swap3A_409, %swap3A_410] {strides = array<i32>} : memref<4x56x512xf32, #tpu.memory_space<vmem>>, vector<1x1x16xf32>,
        %swap3A_412 = vector.shape_cast %swap3A_411 : vector<1x1x16xf32> to vector<16xf32>
        %swap3A_413 = vector.shape_cast %mul3A_406 : vector<16xf32> to vector<1x1x16xf32>
        tpu.vector_store %arg6[%swap3A_408, %swap3A_409, %swap3A_410], %swap3A_413 {strides = array<i32>} : memref<4x56x512xf32, #tpu.memory_space<vmem>>, vector<1x1x16xf32>,
        %get3A_414 = arith.constant 0 : i32
        %get3A_415 = arith.index_cast %get3A_414 : i32 to index
        %get3A_416 = arith.index_cast %scan3A_287 : i32 to index
        %get3A_417 = arith.constant 128 : index
        %get3A_418 = tpu.vector_load %arg6[%get3A_415, %get3A_416, %get3A_417] {strides = array<i32>} : memref<4x56x512xf32, #tpu.memory_space<vmem>>, vector<1x1x16xf32>,
        %get3A_419 = vector.shape_cast %get3A_418 : vector<1x1x16xf32> to vector<16xf32>
        %mul3A_420 = arith.constant 22.6274166 : f32
        %mul3A_421 = vector.broadcast %mul3A_420 : f32 to vector<16xf32>
        %mul3A_422 = arith.mulf %get3A_419, %mul3A_421 : vector<16xf32>
        %swap3A_423 = arith.constant 0 : i32
        %swap3A_424 = arith.index_cast %swap3A_423 : i32 to index
        %swap3A_425 = arith.index_cast %scan3A_287 : i32 to index
        %swap3A_426 = arith.constant 128 : index
        %swap3A_427 = tpu.vector_load %arg6[%swap3A_424, %swap3A_425, %swap3A_426] {strides = array<i32>} : memref<4x56x512xf32, #tpu.memory_space<vmem>>, vector<1x1x16xf32>,
        %swap3A_428 = vector.shape_cast %swap3A_427 : vector<1x1x16xf32> to vector<16xf32>
        %swap3A_429 = vector.shape_cast %mul3A_422 : vector<16xf32> to vector<1x1x16xf32>
        tpu.vector_store %arg6[%swap3A_424, %swap3A_425, %swap3A_426], %swap3A_429 {strides = array<i32>} : memref<4x56x512xf32, #tpu.memory_space<vmem>>, vector<1x1x16xf32>,
        %get3A_430 = arith.constant 0 : i32
        %get3A_431 = arith.index_cast %get3A_430 : i32 to index
        %get3A_432 = arith.index_cast %scan3A_287 : i32 to index
        %get3A_433 = arith.constant 144 : index
        %get3A_434 = tpu.vector_load %arg6[%get3A_431, %get3A_432, %get3A_433] {strides = array<i32>} : memref<4x56x512xf32, #tpu.memory_space<vmem>>, vector<1x1x16xf32>,
        %get3A_435 = vector.shape_cast %get3A_434 : vector<1x1x16xf32> to vector<16xf32>
        %mul3A_436 = arith.constant 22.6274166 : f32
        %mul3A_437 = vector.broadcast %mul3A_436 : f32 to vector<16xf32>
        %mul3A_438 = arith.mulf %get3A_435, %mul3A_437 : vector<16xf32>
        %swap3A_439 = arith.constant 0 : i32
        %swap3A_440 = arith.index_cast %swap3A_439 : i32 to index
        %swap3A_441 = arith.index_cast %scan3A_287 : i32 to index
        %swap3A_442 = arith.constant 144 : index
        %swap3A_443 = tpu.vector_load %arg6[%swap3A_440, %swap3A_441, %swap3A_442] {strides = array<i32>} : memref<4x56x512xf32, #tpu.memory_space<vmem>>, vector<1x1x16xf32>,
        %swap3A_444 = vector.shape_cast %swap3A_443 : vector<1x1x16xf32> to vector<16xf32>
        %swap3A_445 = vector.shape_cast %mul3A_438 : vector<16xf32> to vector<1x1x16xf32>
        tpu.vector_store %arg6[%swap3A_440, %swap3A_441, %swap3A_442], %swap3A_445 {strides = array<i32>} : memref<4x56x512xf32, #tpu.memory_space<vmem>>, vector<1x1x16xf32>,
        %get3A_446 = arith.constant 0 : i32
        %get3A_447 = arith.index_cast %get3A_446 : i32 to index
        %get3A_448 = arith.index_cast %scan3A_287 : i32 to index
        %get3A_449 = arith.constant 160 : index
        %get3A_450 = tpu.vector_load %arg6[%get3A_447, %get3A_448, %get3A_449] {strides = array<i32>} : memref<4x56x512xf32, #tpu.memory_space<vmem>>, vector<1x1x16xf32>,
        %get3A_451 = vector.shape_cast %get3A_450 : vector<1x1x16xf32> to vector<16xf32>
        %mul3A_452 = arith.constant 22.6274166 : f32
        %mul3A_453 = vector.broadcast %mul3A_452 : f32 to vector<16xf32>
        %mul3A_454 = arith.mulf %get3A_451, %mul3A_453 : vector<16xf32>
        %swap3A_455 = arith.constant 0 : i32
        %swap3A_456 = arith.index_cast %swap3A_455 : i32 to index
        %swap3A_457 = arith.index_cast %scan3A_287 : i32 to index
        %swap3A_458 = arith.constant 160 : index
        %swap3A_459 = tpu.vector_load %arg6[%swap3A_456, %swap3A_457, %swap3A_458] {strides = array<i32>} : memref<4x56x512xf32, #tpu.memory_space<vmem>>, vector<1x1x16xf32>,
        %swap3A_460 = vector.shape_cast %swap3A_459 : vector<1x1x16xf32> to vector<16xf32>
        %swap3A_461 = vector.shape_cast %mul3A_454 : vector<16xf32> to vector<1x1x16xf32>
        tpu.vector_store %arg6[%swap3A_456, %swap3A_457, %swap3A_458], %swap3A_461 {strides = array<i32>} : memref<4x56x512xf32, #tpu.memory_space<vmem>>, vector<1x1x16xf32>,
        %get3A_462 = arith.constant 0 : i32
        %get3A_463 = arith.index_cast %get3A_462 : i32 to index
        %get3A_464 = arith.index_cast %scan3A_287 : i32 to index
        %get3A_465 = arith.constant 176 : index
        %get3A_466 = tpu.vector_load %arg6[%get3A_463, %get3A_464, %get3A_465] {strides = array<i32>} : memref<4x56x512xf32, #tpu.memory_space<vmem>>, vector<1x1x16xf32>,
        %get3A_467 = vector.shape_cast %get3A_466 : vector<1x1x16xf32> to vector<16xf32>
        %mul3A_468 = arith.constant 22.6274166 : f32
        %mul3A_469 = vector.broadcast %mul3A_468 : f32 to vector<16xf32>
        %mul3A_470 = arith.mulf %get3A_467, %mul3A_469 : vector<16xf32>
        %swap3A_471 = arith.constant 0 : i32
        %swap3A_472 = arith.index_cast %swap3A_471 : i32 to index
        %swap3A_473 = arith.index_cast %scan3A_287 : i32 to index
        %swap3A_474 = arith.constant 176 : index
        %swap3A_475 = tpu.vector_load %arg6[%swap3A_472, %swap3A_473, %swap3A_474] {strides = array<i32>} : memref<4x56x512xf32, #tpu.memory_space<vmem>>, vector<1x1x16xf32>,
        %swap3A_476 = vector.shape_cast %swap3A_475 : vector<1x1x16xf32> to vector<16xf32>
        %swap3A_477 = vector.shape_cast %mul3A_470 : vector<16xf32> to vector<1x1x16xf32>
        tpu.vector_store %arg6[%swap3A_472, %swap3A_473, %swap3A_474], %swap3A_477 {strides = array<i32>} : memref<4x56x512xf32, #tpu.memory_space<vmem>>, vector<1x1x16xf32>,
        %get3A_478 = arith.constant 0 : i32
        %get3A_479 = arith.index_cast %get3A_478 : i32 to index
        %get3A_480 = arith.index_cast %scan3A_287 : i32 to index
        %get3A_481 = arith.constant 192 : index
        %get3A_482 = tpu.vector_load %arg6[%get3A_479, %get3A_480, %get3A_481] {strides = array<i32>} : memref<4x56x512xf32, #tpu.memory_space<vmem>>, vector<1x1x16xf32>,
        %get3A_483 = vector.shape_cast %get3A_482 : vector<1x1x16xf32> to vector<16xf32>
        %mul3A_484 = arith.constant 22.6274166 : f32
        %mul3A_485 = vector.broadcast %mul3A_484 : f32 to vector<16xf32>
        %mul3A_486 = arith.mulf %get3A_483, %mul3A_485 : vector<16xf32>
        %swap3A_487 = arith.constant 0 : i32
        %swap3A_488 = arith.index_cast %swap3A_487 : i32 to index
        %swap3A_489 = arith.index_cast %scan3A_287 : i32 to index
        %swap3A_490 = arith.constant 192 : index
        %swap3A_491 = tpu.vector_load %arg6[%swap3A_488, %swap3A_489, %swap3A_490] {strides = array<i32>} : memref<4x56x512xf32, #tpu.memory_space<vmem>>, vector<1x1x16xf32>,
        %swap3A_492 = vector.shape_cast %swap3A_491 : vector<1x1x16xf32> to vector<16xf32>
        %swap3A_493 = vector.shape_cast %mul3A_486 : vector<16xf32> to vector<1x1x16xf32>
        tpu.vector_store %arg6[%swap3A_488, %swap3A_489, %swap3A_490], %swap3A_493 {strides = array<i32>} : memref<4x56x512xf32, #tpu.memory_space<vmem>>, vector<1x1x16xf32>,
        %get3A_494 = arith.constant 0 : i32
        %get3A_495 = arith.index_cast %get3A_494 : i32 to index
        %get3A_496 = arith.index_cast %scan3A_287 : i32 to index
        %get3A_497 = arith.constant 208 : index
        %get3A_498 = tpu.vector_load %arg6[%get3A_495, %get3A_496, %get3A_497] {strides = array<i32>} : memref<4x56x512xf32, #tpu.memory_space<vmem>>, vector<1x1x16xf32>,
        %get3A_499 = vector.shape_cast %get3A_498 : vector<1x1x16xf32> to vector<16xf32>
        %mul3A_500 = arith.constant 22.6274166 : f32
        %mul3A_501 = vector.broadcast %mul3A_500 : f32 to vector<16xf32>
        %mul3A_502 = arith.mulf %get3A_499, %mul3A_501 : vector<16xf32>
        %swap3A_503 = arith.constant 0 : i32
        %swap3A_504 = arith.index_cast %swap3A_503 : i32 to index
        %swap3A_505 = arith.index_cast %scan3A_287 : i32 to index
        %swap3A_506 = arith.constant 208 : index
        %swap3A_507 = tpu.vector_load %arg6[%swap3A_504, %swap3A_505, %swap3A_506] {strides = array<i32>} : memref<4x56x512xf32, #tpu.memory_space<vmem>>, vector<1x1x16xf32>,
        %swap3A_508 = vector.shape_cast %swap3A_507 : vector<1x1x16xf32> to vector<16xf32>
        %swap3A_509 = vector.shape_cast %mul3A_502 : vector<16xf32> to vector<1x1x16xf32>
        tpu.vector_store %arg6[%swap3A_504, %swap3A_505, %swap3A_506], %swap3A_509 {strides = array<i32>} : memref<4x56x512xf32, #tpu.memory_space<vmem>>, vector<1x1x16xf32>,
        %get3A_510 = arith.constant 0 : i32
        %get3A_511 = arith.index_cast %get3A_510 : i32 to index
        %get3A_512 = arith.index_cast %scan3A_287 : i32 to index
        %get3A_513 = arith.constant 224 : index
        %get3A_514 = tpu.vector_load %arg6[%get3A_511, %get3A_512, %get3A_513] {strides = array<i32>} : memref<4x56x512xf32, #tpu.memory_space<vmem>>, vector<1x1x16xf32>,
        %get3A_515 = vector.shape_cast %get3A_514 : vector<1x1x16xf32> to vector<16xf32>
        %mul3A_516 = arith.constant 22.6274166 : f32
        %mul3A_517 = vector.broadcast %mul3A_516 : f32 to vector<16xf32>
        %mul3A_518 = arith.mulf %get3A_515, %mul3A_517 : vector<16xf32>
        %swap3A_519 = arith.constant 0 : i32
        %swap3A_520 = arith.index_cast %swap3A_519 : i32 to index
        %swap3A_521 = arith.index_cast %scan3A_287 : i32 to index
        %swap3A_522 = arith.constant 224 : index
        %swap3A_523 = tpu.vector_load %arg6[%swap3A_520, %swap3A_521, %swap3A_522] {strides = array<i32>} : memref<4x56x512xf32, #tpu.memory_space<vmem>>, vector<1x1x16xf32>,
        %swap3A_524 = vector.shape_cast %swap3A_523 : vector<1x1x16xf32> to vector<16xf32>
        %swap3A_525 = vector.shape_cast %mul3A_518 : vector<16xf32> to vector<1x1x16xf32>
        tpu.vector_store %arg6[%swap3A_520, %swap3A_521, %swap3A_522], %swap3A_525 {strides = array<i32>} : memref<4x56x512xf32, #tpu.memory_space<vmem>>, vector<1x1x16xf32>,
        %get3A_526 = arith.constant 0 : i32
        %get3A_527 = arith.index_cast %get3A_526 : i32 to index
        %get3A_528 = arith.index_cast %scan3A_287 : i32 to index
        %get3A_529 = arith.constant 240 : index
        %get3A_530 = tpu.vector_load %arg6[%get3A_527, %get3A_528, %get3A_529] {strides = array<i32>} : memref<4x56x512xf32, #tpu.memory_space<vmem>>, vector<1x1x16xf32>,
        %get3A_531 = vector.shape_cast %get3A_530 : vector<1x1x16xf32> to vector<16xf32>
        %mul3A_532 = arith.constant 22.6274166 : f32
        %mul3A_533 = vector.broadcast %mul3A_532 : f32 to vector<16xf32>
        %mul3A_534 = arith.mulf %get3A_531, %mul3A_533 : vector<16xf32>
        %swap3A_535 = arith.constant 0 : i32
        %swap3A_536 = arith.index_cast %swap3A_535 : i32 to index
        %swap3A_537 = arith.index_cast %scan3A_287 : i32 to index
        %swap3A_538 = arith.constant 240 : index
        %swap3A_539 = tpu.vector_load %arg6[%swap3A_536, %swap3A_537, %swap3A_538] {strides = array<i32>} : memref<4x56x512xf32, #tpu.memory_space<vmem>>, vector<1x1x16xf32>,
        %swap3A_540 = vector.shape_cast %swap3A_539 : vector<1x1x16xf32> to vector<16xf32>
        %swap3A_541 = vector.shape_cast %mul3A_534 : vector<16xf32> to vector<1x1x16xf32>
        tpu.vector_store %arg6[%swap3A_536, %swap3A_537, %swap3A_538], %swap3A_541 {strides = array<i32>} : memref<4x56x512xf32, #tpu.memory_space<vmem>>, vector<1x1x16xf32>,
        %get3A_542 = arith.constant 0 : i32
        %get3A_543 = arith.index_cast %get3A_542 : i32 to index
        %get3A_544 = arith.index_cast %scan3A_287 : i32 to index
        %get3A_545 = arith.constant 256 : index
        %get3A_546 = tpu.vector_load %arg6[%get3A_543, %get3A_544, %get3A_545] {strides = array<i32>} : memref<4x56x512xf32, #tpu.memory_space<vmem>>, vector<1x1x16xf32>,
        %get3A_547 = vector.shape_cast %get3A_546 : vector<1x1x16xf32> to vector<16xf32>
        %mul3A_548 = arith.constant 22.6274166 : f32
        %mul3A_549 = vector.broadcast %mul3A_548 : f32 to vector<16xf32>
        %mul3A_550 = arith.mulf %get3A_547, %mul3A_549 : vector<16xf32>
        %swap3A_551 = arith.constant 0 : i32
        %swap3A_552 = arith.index_cast %swap3A_551 : i32 to index
        %swap3A_553 = arith.index_cast %scan3A_287 : i32 to index
        %swap3A_554 = arith.constant 256 : index
        %swap3A_555 = tpu.vector_load %arg6[%swap3A_552, %swap3A_553, %swap3A_554] {strides = array<i32>} : memref<4x56x512xf32, #tpu.memory_space<vmem>>, vector<1x1x16xf32>,
        %swap3A_556 = vector.shape_cast %swap3A_555 : vector<1x1x16xf32> to vector<16xf32>
        %swap3A_557 = vector.shape_cast %mul3A_550 : vector<16xf32> to vector<1x1x16xf32>
        tpu.vector_store %arg6[%swap3A_552, %swap3A_553, %swap3A_554], %swap3A_557 {strides = array<i32>} : memref<4x56x512xf32, #tpu.memory_space<vmem>>, vector<1x1x16xf32>,
        %get3A_558 = arith.constant 0 : i32
        %get3A_559 = arith.index_cast %get3A_558 : i32 to index
        %get3A_560 = arith.index_cast %scan3A_287 : i32 to index
        %get3A_561 = arith.constant 272 : index
        %get3A_562 = tpu.vector_load %arg6[%get3A_559, %get3A_560, %get3A_561] {strides = array<i32>} : memref<4x56x512xf32, #tpu.memory_space<vmem>>, vector<1x1x16xf32>,
        %get3A_563 = vector.shape_cast %get3A_562 : vector<1x1x16xf32> to vector<16xf32>
        %mul3A_564 = arith.constant 22.6274166 : f32
        %mul3A_565 = vector.broadcast %mul3A_564 : f32 to vector<16xf32>
        %mul3A_566 = arith.mulf %get3A_563, %mul3A_565 : vector<16xf32>
        %swap3A_567 = arith.constant 0 : i32
        %swap3A_568 = arith.index_cast %swap3A_567 : i32 to index
        %swap3A_569 = arith.index_cast %scan3A_287 : i32 to index
        %swap3A_570 = arith.constant 272 : index
        %swap3A_571 = tpu.vector_load %arg6[%swap3A_568, %swap3A_569, %swap3A_570] {strides = array<i32>} : memref<4x56x512xf32, #tpu.memory_space<vmem>>, vector<1x1x16xf32>,
        %swap3A_572 = vector.shape_cast %swap3A_571 : vector<1x1x16xf32> to vector<16xf32>
        %swap3A_573 = vector.shape_cast %mul3A_566 : vector<16xf32> to vector<1x1x16xf32>
        tpu.vector_store %arg6[%swap3A_568, %swap3A_569, %swap3A_570], %swap3A_573 {strides = array<i32>} : memref<4x56x512xf32, #tpu.memory_space<vmem>>, vector<1x1x16xf32>,
        %get3A_574 = arith.constant 0 : i32
        %get3A_575 = arith.index_cast %get3A_574 : i32 to index
        %get3A_576 = arith.index_cast %scan3A_287 : i32 to index
        %get3A_577 = arith.constant 288 : index
        %get3A_578 = tpu.vector_load %arg6[%get3A_575, %get3A_576, %get3A_577] {strides = array<i32>} : memref<4x56x512xf32, #tpu.memory_space<vmem>>, vector<1x1x16xf32>,
        %get3A_579 = vector.shape_cast %get3A_578 : vector<1x1x16xf32> to vector<16xf32>
        %mul3A_580 = arith.constant 22.6274166 : f32
        %mul3A_581 = vector.broadcast %mul3A_580 : f32 to vector<16xf32>
        %mul3A_582 = arith.mulf %get3A_579, %mul3A_581 : vector<16xf32>
        %swap3A_583 = arith.constant 0 : i32
        %swap3A_584 = arith.index_cast %swap3A_583 : i32 to index
        %swap3A_585 = arith.index_cast %scan3A_287 : i32 to index
        %swap3A_586 = arith.constant 288 : index
        %swap3A_587 = tpu.vector_load %arg6[%swap3A_584, %swap3A_585, %swap3A_586] {strides = array<i32>} : memref<4x56x512xf32, #tpu.memory_space<vmem>>, vector<1x1x16xf32>,
        %swap3A_588 = vector.shape_cast %swap3A_587 : vector<1x1x16xf32> to vector<16xf32>
        %swap3A_589 = vector.shape_cast %mul3A_582 : vector<16xf32> to vector<1x1x16xf32>
        tpu.vector_store %arg6[%swap3A_584, %swap3A_585, %swap3A_586], %swap3A_589 {strides = array<i32>} : memref<4x56x512xf32, #tpu.memory_space<vmem>>, vector<1x1x16xf32>,
        %get3A_590 = arith.constant 0 : i32
        %get3A_591 = arith.index_cast %get3A_590 : i32 to index
        %get3A_592 = arith.index_cast %scan3A_287 : i32 to index
        %get3A_593 = arith.constant 304 : index
        %get3A_594 = tpu.vector_load %arg6[%get3A_591, %get3A_592, %get3A_593] {strides = array<i32>} : memref<4x56x512xf32, #tpu.memory_space<vmem>>, vector<1x1x16xf32>,
        %get3A_595 = vector.shape_cast %get3A_594 : vector<1x1x16xf32> to vector<16xf32>
        %mul3A_596 = arith.constant 22.6274166 : f32
        %mul3A_597 = vector.broadcast %mul3A_596 : f32 to vector<16xf32>
        %mul3A_598 = arith.mulf %get3A_595, %mul3A_597 : vector<16xf32>
        %swap3A_599 = arith.constant 0 : i32
        %swap3A_600 = arith.index_cast %swap3A_599 : i32 to index
        %swap3A_601 = arith.index_cast %scan3A_287 : i32 to index
        %swap3A_602 = arith.constant 304 : index
        %swap3A_603 = tpu.vector_load %arg6[%swap3A_600, %swap3A_601, %swap3A_602] {strides = array<i32>} : memref<4x56x512xf32, #tpu.memory_space<vmem>>, vector<1x1x16xf32>,
        %swap3A_604 = vector.shape_cast %swap3A_603 : vector<1x1x16xf32> to vector<16xf32>
        %swap3A_605 = vector.shape_cast %mul3A_598 : vector<16xf32> to vector<1x1x16xf32>
        tpu.vector_store %arg6[%swap3A_600, %swap3A_601, %swap3A_602], %swap3A_605 {strides = array<i32>} : memref<4x56x512xf32, #tpu.memory_space<vmem>>, vector<1x1x16xf32>,
        %get3A_606 = arith.constant 0 : i32
        %get3A_607 = arith.index_cast %get3A_606 : i32 to index
        %get3A_608 = arith.index_cast %scan3A_287 : i32 to index
        %get3A_609 = arith.constant 320 : index
        %get3A_610 = tpu.vector_load %arg6[%get3A_607, %get3A_608, %get3A_609] {strides = array<i32>} : memref<4x56x512xf32, #tpu.memory_space<vmem>>, vector<1x1x16xf32>,
        %get3A_611 = vector.shape_cast %get3A_610 : vector<1x1x16xf32> to vector<16xf32>
        %mul3A_612 = arith.constant 22.6274166 : f32
        %mul3A_613 = vector.broadcast %mul3A_612 : f32 to vector<16xf32>
        %mul3A_614 = arith.mulf %get3A_611, %mul3A_613 : vector<16xf32>
        %swap3A_615 = arith.constant 0 : i32
        %swap3A_616 = arith.index_cast %swap3A_615 : i32 to index
        %swap3A_617 = arith.index_cast %scan3A_287 : i32 to index
        %swap3A_618 = arith.constant 320 : index
        %swap3A_619 = tpu.vector_load %arg6[%swap3A_616, %swap3A_617, %swap3A_618] {strides = array<i32>} : memref<4x56x512xf32, #tpu.memory_space<vmem>>, vector<1x1x16xf32>,
        %swap3A_620 = vector.shape_cast %swap3A_619 : vector<1x1x16xf32> to vector<16xf32>
        %swap3A_621 = vector.shape_cast %mul3A_614 : vector<16xf32> to vector<1x1x16xf32>
        tpu.vector_store %arg6[%swap3A_616, %swap3A_617, %swap3A_618], %swap3A_621 {strides = array<i32>} : memref<4x56x512xf32, #tpu.memory_space<vmem>>, vector<1x1x16xf32>,
        %get3A_622 = arith.constant 0 : i32
        %get3A_623 = arith.index_cast %get3A_622 : i32 to index
        %get3A_624 = arith.index_cast %scan3A_287 : i32 to index
        %get3A_625 = arith.constant 336 : index
        %get3A_626 = tpu.vector_load %arg6[%get3A_623, %get3A_624, %get3A_625] {strides = array<i32>} : memref<4x56x512xf32, #tpu.memory_space<vmem>>, vector<1x1x16xf32>,
        %get3A_627 = vector.shape_cast %get3A_626 : vector<1x1x16xf32> to vector<16xf32>
        %mul3A_628 = arith.constant 22.6274166 : f32
        %mul3A_629 = vector.broadcast %mul3A_628 : f32 to vector<16xf32>
        %mul3A_630 = arith.mulf %get3A_627, %mul3A_629 : vector<16xf32>
        %swap3A_631 = arith.constant 0 : i32
        %swap3A_632 = arith.index_cast %swap3A_631 : i32 to index
        %swap3A_633 = arith.index_cast %scan3A_287 : i32 to index
        %swap3A_634 = arith.constant 336 : index
        %swap3A_635 = tpu.vector_load %arg6[%swap3A_632, %swap3A_633, %swap3A_634] {strides = array<i32>} : memref<4x56x512xf32, #tpu.memory_space<vmem>>, vector<1x1x16xf32>,
        %swap3A_636 = vector.shape_cast %swap3A_635 : vector<1x1x16xf32> to vector<16xf32>
        %swap3A_637 = vector.shape_cast %mul3A_630 : vector<16xf32> to vector<1x1x16xf32>
        tpu.vector_store %arg6[%swap3A_632, %swap3A_633, %swap3A_634], %swap3A_637 {strides = array<i32>} : memref<4x56x512xf32, #tpu.memory_space<vmem>>, vector<1x1x16xf32>,
        %get3A_638 = arith.constant 0 : i32
        %get3A_639 = arith.index_cast %get3A_638 : i32 to index
        %get3A_640 = arith.index_cast %scan3A_287 : i32 to index
        %get3A_641 = arith.constant 352 : index
        %get3A_642 = tpu.vector_load %arg6[%get3A_639, %get3A_640, %get3A_641] {strides = array<i32>} : memref<4x56x512xf32, #tpu.memory_space<vmem>>, vector<1x1x16xf32>,
        %get3A_643 = vector.shape_cast %get3A_642 : vector<1x1x16xf32> to vector<16xf32>
        %mul3A_644 = arith.constant 22.6274166 : f32
        %mul3A_645 = vector.broadcast %mul3A_644 : f32 to vector<16xf32>
        %mul3A_646 = arith.mulf %get3A_643, %mul3A_645 : vector<16xf32>
        %swap3A_647 = arith.constant 0 : i32
        %swap3A_648 = arith.index_cast %swap3A_647 : i32 to index
        %swap3A_649 = arith.index_cast %scan3A_287 : i32 to index
        %swap3A_650 = arith.constant 352 : index
        %swap3A_651 = tpu.vector_load %arg6[%swap3A_648, %swap3A_649, %swap3A_650] {strides = array<i32>} : memref<4x56x512xf32, #tpu.memory_space<vmem>>, vector<1x1x16xf32>,
        %swap3A_652 = vector.shape_cast %swap3A_651 : vector<1x1x16xf32> to vector<16xf32>
        %swap3A_653 = vector.shape_cast %mul3A_646 : vector<16xf32> to vector<1x1x16xf32>
        tpu.vector_store %arg6[%swap3A_648, %swap3A_649, %swap3A_650], %swap3A_653 {strides = array<i32>} : memref<4x56x512xf32, #tpu.memory_space<vmem>>, vector<1x1x16xf32>,
        %get3A_654 = arith.constant 0 : i32
        %get3A_655 = arith.index_cast %get3A_654 : i32 to index
        %get3A_656 = arith.index_cast %scan3A_287 : i32 to index
        %get3A_657 = arith.constant 368 : index
        %get3A_658 = tpu.vector_load %arg6[%get3A_655, %get3A_656, %get3A_657] {strides = array<i32>} : memref<4x56x512xf32, #tpu.memory_space<vmem>>, vector<1x1x16xf32>,
        %get3A_659 = vector.shape_cast %get3A_658 : vector<1x1x16xf32> to vector<16xf32>
        %mul3A_660 = arith.constant 22.6274166 : f32
        %mul3A_661 = vector.broadcast %mul3A_660 : f32 to vector<16xf32>
        %mul3A_662 = arith.mulf %get3A_659, %mul3A_661 : vector<16xf32>
        %swap3A_663 = arith.constant 0 : i32
        %swap3A_664 = arith.index_cast %swap3A_663 : i32 to index
        %swap3A_665 = arith.index_cast %scan3A_287 : i32 to index
        %swap3A_666 = arith.constant 368 : index
        %swap3A_667 = tpu.vector_load %arg6[%swap3A_664, %swap3A_665, %swap3A_666] {strides = array<i32>} : memref<4x56x512xf32, #tpu.memory_space<vmem>>, vector<1x1x16xf32>,
        %swap3A_668 = vector.shape_cast %swap3A_667 : vector<1x1x16xf32> to vector<16xf32>
        %swap3A_669 = vector.shape_cast %mul3A_662 : vector<16xf32> to vector<1x1x16xf32>
        tpu.vector_store %arg6[%swap3A_664, %swap3A_665, %swap3A_666], %swap3A_669 {strides = array<i32>} : memref<4x56x512xf32, #tpu.memory_space<vmem>>, vector<1x1x16xf32>,
        %get3A_670 = arith.constant 0 : i32
        %get3A_671 = arith.index_cast %get3A_670 : i32 to index
        %get3A_672 = arith.index_cast %scan3A_287 : i32 to index
        %get3A_673 = arith.constant 384 : index
        %get3A_674 = tpu.vector_load %arg6[%get3A_671, %get3A_672, %get3A_673] {strides = array<i32>} : memref<4x56x512xf32, #tpu.memory_space<vmem>>, vector<1x1x16xf32>,
        %get3A_675 = vector.shape_cast %get3A_674 : vector<1x1x16xf32> to vector<16xf32>
        %mul3A_676 = arith.constant 22.6274166 : f32
        %mul3A_677 = vector.broadcast %mul3A_676 : f32 to vector<16xf32>
        %mul3A_678 = arith.mulf %get3A_675, %mul3A_677 : vector<16xf32>
        %swap3A_679 = arith.constant 0 : i32
        %swap3A_680 = arith.index_cast %swap3A_679 : i32 to index
        %swap3A_681 = arith.index_cast %scan3A_287 : i32 to index
        %swap3A_682 = arith.constant 384 : index
        %swap3A_683 = tpu.vector_load %arg6[%swap3A_680, %swap3A_681, %swap3A_682] {strides = array<i32>} : memref<4x56x512xf32, #tpu.memory_space<vmem>>, vector<1x1x16xf32>,
        %swap3A_684 = vector.shape_cast %swap3A_683 : vector<1x1x16xf32> to vector<16xf32>
        %swap3A_685 = vector.shape_cast %mul3A_678 : vector<16xf32> to vector<1x1x16xf32>
        tpu.vector_store %arg6[%swap3A_680, %swap3A_681, %swap3A_682], %swap3A_685 {strides = array<i32>} : memref<4x56x512xf32, #tpu.memory_space<vmem>>, vector<1x1x16xf32>,
        %get3A_686 = arith.constant 0 : i32
        %get3A_687 = arith.index_cast %get3A_686 : i32 to index
        %get3A_688 = arith.index_cast %scan3A_287 : i32 to index
        %get3A_689 = arith.constant 400 : index
        %get3A_690 = tpu.vector_load %arg6[%get3A_687, %get3A_688, %get3A_689] {strides = array<i32>} : memref<4x56x512xf32, #tpu.memory_space<vmem>>, vector<1x1x16xf32>,
        %get3A_691 = vector.shape_cast %get3A_690 : vector<1x1x16xf32> to vector<16xf32>
        %mul3A_692 = arith.constant 22.6274166 : f32
        %mul3A_693 = vector.broadcast %mul3A_692 : f32 to vector<16xf32>
        %mul3A_694 = arith.mulf %get3A_691, %mul3A_693 : vector<16xf32>
        %swap3A_695 = arith.constant 0 : i32
        %swap3A_696 = arith.index_cast %swap3A_695 : i32 to index
        %swap3A_697 = arith.index_cast %scan3A_287 : i32 to index
        %swap3A_698 = arith.constant 400 : index
        %swap3A_699 = tpu.vector_load %arg6[%swap3A_696, %swap3A_697, %swap3A_698] {strides = array<i32>} : memref<4x56x512xf32, #tpu.memory_space<vmem>>, vector<1x1x16xf32>,
        %swap3A_700 = vector.shape_cast %swap3A_699 : vector<1x1x16xf32> to vector<16xf32>
        %swap3A_701 = vector.shape_cast %mul3A_694 : vector<16xf32> to vector<1x1x16xf32>
        tpu.vector_store %arg6[%swap3A_696, %swap3A_697, %swap3A_698], %swap3A_701 {strides = array<i32>} : memref<4x56x512xf32, #tpu.memory_space<vmem>>, vector<1x1x16xf32>,
        %get3A_702 = arith.constant 0 : i32
        %get3A_703 = arith.index_cast %get3A_702 : i32 to index
        %get3A_704 = arith.index_cast %scan3A_287 : i32 to index
        %get3A_705 = arith.constant 416 : index
        %get3A_706 = tpu.vector_load %arg6[%get3A_703, %get3A_704, %get3A_705] {strides = array<i32>} : memref<4x56x512xf32, #tpu.memory_space<vmem>>, vector<1x1x16xf32>,
        %get3A_707 = vector.shape_cast %get3A_706 : vector<1x1x16xf32> to vector<16xf32>
        %mul3A_708 = arith.constant 22.6274166 : f32
        %mul3A_709 = vector.broadcast %mul3A_708 : f32 to vector<16xf32>
        %mul3A_710 = arith.mulf %get3A_707, %mul3A_709 : vector<16xf32>
        %swap3A_711 = arith.constant 0 : i32
        %swap3A_712 = arith.index_cast %swap3A_711 : i32 to index
        %swap3A_713 = arith.index_cast %scan3A_287 : i32 to index
        %swap3A_714 = arith.constant 416 : index
        %swap3A_715 = tpu.vector_load %arg6[%swap3A_712, %swap3A_713, %swap3A_714] {strides = array<i32>} : memref<4x56x512xf32, #tpu.memory_space<vmem>>, vector<1x1x16xf32>,
        %swap3A_716 = vector.shape_cast %swap3A_715 : vector<1x1x16xf32> to vector<16xf32>
        %swap3A_717 = vector.shape_cast %mul3A_710 : vector<16xf32> to vector<1x1x16xf32>
        tpu.vector_store %arg6[%swap3A_712, %swap3A_713, %swap3A_714], %swap3A_717 {strides = array<i32>} : memref<4x56x512xf32, #tpu.memory_space<vmem>>, vector<1x1x16xf32>,
        %get3A_718 = arith.constant 0 : i32
        %get3A_719 = arith.index_cast %get3A_718 : i32 to index
        %get3A_720 = arith.index_cast %scan3A_287 : i32 to index
        %get3A_721 = arith.constant 432 : index
        %get3A_722 = tpu.vector_load %arg6[%get3A_719, %get3A_720, %get3A_721] {strides = array<i32>} : memref<4x56x512xf32, #tpu.memory_space<vmem>>, vector<1x1x16xf32>,
        %get3A_723 = vector.shape_cast %get3A_722 : vector<1x1x16xf32> to vector<16xf32>
        %mul3A_724 = arith.constant 22.6274166 : f32
        %mul3A_725 = vector.broadcast %mul3A_724 : f32 to vector<16xf32>
        %mul3A_726 = arith.mulf %get3A_723, %mul3A_725 : vector<16xf32>
        %swap3A_727 = arith.constant 0 : i32
        %swap3A_728 = arith.index_cast %swap3A_727 : i32 to index
        %swap3A_729 = arith.index_cast %scan3A_287 : i32 to index
        %swap3A_730 = arith.constant 432 : index
        %swap3A_731 = tpu.vector_load %arg6[%swap3A_728, %swap3A_729, %swap3A_730] {strides = array<i32>} : memref<4x56x512xf32, #tpu.memory_space<vmem>>, vector<1x1x16xf32>,
        %swap3A_732 = vector.shape_cast %swap3A_731 : vector<1x1x16xf32> to vector<16xf32>
        %swap3A_733 = vector.shape_cast %mul3A_726 : vector<16xf32> to vector<1x1x16xf32>
        tpu.vector_store %arg6[%swap3A_728, %swap3A_729, %swap3A_730], %swap3A_733 {strides = array<i32>} : memref<4x56x512xf32, #tpu.memory_space<vmem>>, vector<1x1x16xf32>,
        %get3A_734 = arith.constant 0 : i32
        %get3A_735 = arith.index_cast %get3A_734 : i32 to index
        %get3A_736 = arith.index_cast %scan3A_287 : i32 to index
        %get3A_737 = arith.constant 448 : index
        %get3A_738 = tpu.vector_load %arg6[%get3A_735, %get3A_736, %get3A_737] {strides = array<i32>} : memref<4x56x512xf32, #tpu.memory_space<vmem>>, vector<1x1x16xf32>,
        %get3A_739 = vector.shape_cast %get3A_738 : vector<1x1x16xf32> to vector<16xf32>
        %mul3A_740 = arith.constant 22.6274166 : f32
        %mul3A_741 = vector.broadcast %mul3A_740 : f32 to vector<16xf32>
        %mul3A_742 = arith.mulf %get3A_739, %mul3A_741 : vector<16xf32>
        %swap3A_743 = arith.constant 0 : i32
        %swap3A_744 = arith.index_cast %swap3A_743 : i32 to index
        %swap3A_745 = arith.index_cast %scan3A_287 : i32 to index
        %swap3A_746 = arith.constant 448 : index
        %swap3A_747 = tpu.vector_load %arg6[%swap3A_744, %swap3A_745, %swap3A_746] {strides = array<i32>} : memref<4x56x512xf32, #tpu.memory_space<vmem>>, vector<1x1x16xf32>,
        %swap3A_748 = vector.shape_cast %swap3A_747 : vector<1x1x16xf32> to vector<16xf32>
        %swap3A_749 = vector.shape_cast %mul3A_742 : vector<16xf32> to vector<1x1x16xf32>
        tpu.vector_store %arg6[%swap3A_744, %swap3A_745, %swap3A_746], %swap3A_749 {strides = array<i32>} : memref<4x56x512xf32, #tpu.memory_space<vmem>>, vector<1x1x16xf32>,
        %get3A_750 = arith.constant 0 : i32
        %get3A_751 = arith.index_cast %get3A_750 : i32 to index
        %get3A_752 = arith.index_cast %scan3A_287 : i32 to index
        %get3A_753 = arith.constant 464 : index
        %get3A_754 = tpu.vector_load %arg6[%get3A_751, %get3A_752, %get3A_753] {strides = array<i32>} : memref<4x56x512xf32, #tpu.memory_space<vmem>>, vector<1x1x16xf32>,
        %get3A_755 = vector.shape_cast %get3A_754 : vector<1x1x16xf32> to vector<16xf32>
        %mul3A_756 = arith.constant 22.6274166 : f32
        %mul3A_757 = vector.broadcast %mul3A_756 : f32 to vector<16xf32>
        %mul3A_758 = arith.mulf %get3A_755, %mul3A_757 : vector<16xf32>
        %swap3A_759 = arith.constant 0 : i32
        %swap3A_760 = arith.index_cast %swap3A_759 : i32 to index
        %swap3A_761 = arith.index_cast %scan3A_287 : i32 to index
        %swap3A_762 = arith.constant 464 : index
        %swap3A_763 = tpu.vector_load %arg6[%swap3A_760, %swap3A_761, %swap3A_762] {strides = array<i32>} : memref<4x56x512xf32, #tpu.memory_space<vmem>>, vector<1x1x16xf32>,
        %swap3A_764 = vector.shape_cast %swap3A_763 : vector<1x1x16xf32> to vector<16xf32>
        %swap3A_765 = vector.shape_cast %mul3A_758 : vector<16xf32> to vector<1x1x16xf32>
        tpu.vector_store %arg6[%swap3A_760, %swap3A_761, %swap3A_762], %swap3A_765 {strides = array<i32>} : memref<4x56x512xf32, #tpu.memory_space<vmem>>, vector<1x1x16xf32>,
        %get3A_766 = arith.constant 0 : i32
        %get3A_767 = arith.index_cast %get3A_766 : i32 to index
        %get3A_768 = arith.index_cast %scan3A_287 : i32 to index
        %get3A_769 = arith.constant 480 : index
        %get3A_770 = tpu.vector_load %arg6[%get3A_767, %get3A_768, %get3A_769] {strides = array<i32>} : memref<4x56x512xf32, #tpu.memory_space<vmem>>, vector<1x1x16xf32>,
        %get3A_771 = vector.shape_cast %get3A_770 : vector<1x1x16xf32> to vector<16xf32>
        %mul3A_772 = arith.constant 22.6274166 : f32
        %mul3A_773 = vector.broadcast %mul3A_772 : f32 to vector<16xf32>
        %mul3A_774 = arith.mulf %get3A_771, %mul3A_773 : vector<16xf32>
        %swap3A_775 = arith.constant 0 : i32
        %swap3A_776 = arith.index_cast %swap3A_775 : i32 to index
        %swap3A_777 = arith.index_cast %scan3A_287 : i32 to index
        %swap3A_778 = arith.constant 480 : index
        %swap3A_779 = tpu.vector_load %arg6[%swap3A_776, %swap3A_777, %swap3A_778] {strides = array<i32>} : memref<4x56x512xf32, #tpu.memory_space<vmem>>, vector<1x1x16xf32>,
        %swap3A_780 = vector.shape_cast %swap3A_779 : vector<1x1x16xf32> to vector<16xf32>
        %swap3A_781 = vector.shape_cast %mul3A_774 : vector<16xf32> to vector<1x1x16xf32>
        tpu.vector_store %arg6[%swap3A_776, %swap3A_777, %swap3A_778], %swap3A_781 {strides = array<i32>} : memref<4x56x512xf32, #tpu.memory_space<vmem>>, vector<1x1x16xf32>,
        %get3A_782 = arith.constant 0 : i32
        %get3A_783 = arith.index_cast %get3A_782 : i32 to index
        %get3A_784 = arith.index_cast %scan3A_287 : i32 to index
        %get3A_785 = arith.constant 496 : index
        %get3A_786 = tpu.vector_load %arg6[%get3A_783, %get3A_784, %get3A_785] {strides = array<i32>} : memref<4x56x512xf32, #tpu.memory_space<vmem>>, vector<1x1x16xf32>,
        %get3A_787 = vector.shape_cast %get3A_786 : vector<1x1x16xf32> to vector<16xf32>
        %mul3A_788 = arith.constant 22.6274166 : f32
        %mul3A_789 = vector.broadcast %mul3A_788 : f32 to vector<16xf32>
        %mul3A_790 = arith.mulf %get3A_787, %mul3A_789 : vector<16xf32>
        %swap3A_791 = arith.constant 0 : i32
        %swap3A_792 = arith.index_cast %swap3A_791 : i32 to index
        %swap3A_793 = arith.index_cast %scan3A_287 : i32 to index
        %swap3A_794 = arith.constant 496 : index
        %swap3A_795 = tpu.vector_load %arg6[%swap3A_792, %swap3A_793, %swap3A_794] {strides = array<i32>} : memref<4x56x512xf32, #tpu.memory_space<vmem>>, vector<1x1x16xf32>,
        %swap3A_796 = vector.shape_cast %swap3A_795 : vector<1x1x16xf32> to vector<16xf32>
        %swap3A_797 = vector.shape_cast %mul3A_790 : vector<16xf32> to vector<1x1x16xf32>
        tpu.vector_store %arg6[%swap3A_792, %swap3A_793, %swap3A_794], %swap3A_797 {strides = array<i32>} : memref<4x56x512xf32, #tpu.memory_space<vmem>>, vector<1x1x16xf32>,
      }
      %scan3A_117 = arith.constant 50 : i32
      %add3A_118 = arith.addi %mul3A_2, %add3A_100 : i32
      %mul3A_119 = arith.constant 56 : i32
      %mul3A_120 = arith.muli %add3A_118, %mul3A_119 : i32
      %dma_start3A_121 = arith.constant 0 : i32
      %dma_start3A_122 = arith.constant 0 : i32
      %dma_start3A_123 = arith.constant 0 : i32
      %dma_start3A_124 = tpu.memref_slice %arg6[%dma_start3A_121, %dma_start3A_122, %dma_start3A_123] : memref<4x56x512xf32, #tpu.memory_space<vmem>> -> memref<1x56x512xf32, #tpu.memory_space<vmem>>
      %dma_start3A_125 = tpu.memref_squeeze %dma_start3A_124 : memref<1x56x512xf32, #tpu.memory_space<vmem>> -> memref<56x512xf32, #tpu.memory_space<vmem>>
      %dma_start3A_126 = arith.constant 0 : i32
      %dma_start3A_127 = tpu.memref_slice %arg4[%mul3A_120, %dma_start3A_126] : memref<229376x512xf32, #tpu.memory_space<hbm>> -> memref<56x512xf32, #tpu.memory_space<hbm>>
      %dma_start3A_128 = arith.constant 0 : i32
      %dma_start3A_129 = tpu.memref_slice %arg4[%mul3A_120, %dma_start3A_128] : memref<229376x512xf32, #tpu.memory_space<hbm>> -> memref<56x512xf32, #tpu.memory_space<hbm>>
      %dma_start3A_130 = arith.constant 0 : i32
      %dma_start3A_131 = arith.constant 0 : i32
      %dma_start3A_132 = tpu.memref_slice %arg6[%dma_start3A_121, %dma_start3A_130, %dma_start3A_131] : memref<4x56x512xf32, #tpu.memory_space<vmem>> -> memref<1x56x512xf32, #tpu.memory_space<vmem>>
      %dma_start3A_133 = tpu.memref_squeeze %dma_start3A_132 : memref<1x56x512xf32, #tpu.memory_space<vmem>> -> memref<56x512xf32, #tpu.memory_space<vmem>>
      tpu.enqueue_dma source(%dma_start3A_133 : memref<56x512xf32, #tpu.memory_space<vmem>>) target(%dma_start3A_129 : memref<56x512xf32, #tpu.memory_space<hbm>>) target_semaphore(%arg11 : memref<!tpu.dma_semaphore, #tpu.memory_space<semaphore_mem>>)
      %ge3A = arith.constant 1 : i32
      %ge3A_134 = arith.cmpi sge, %scan3A_96, %ge3A : i32
      %convert_element_type3A = arith.extui %ge3A_134 : i1 to i32
      %cond3A = arith.constant 0 : i32
      %cond3A_135 = arith.cmpi ne, %convert_element_type3A, %cond3A : i32
      scf.if %cond3A_135 {
        %sub3A = arith.constant 2 : i32
        %sub3A_287 = arith.subi %add3A_100, %sub3A : i32
        %add3A_288 = arith.addi %mul3A_2, %sub3A_287 : i32
        %mul3A_289 = arith.constant 56 : i32
        %mul3A_290 = arith.muli %add3A_288, %mul3A_289 : i32
        %dma_wait3A_291 = arith.constant 2 : i32
        %dma_wait3A_292 = arith.constant 0 : i32
        %dma_wait3A_293 = arith.constant 0 : i32
        %dma_wait3A_294 = tpu.memref_slice %arg6[%dma_wait3A_291, %dma_wait3A_292, %dma_wait3A_293] : memref<4x56x512xf32, #tpu.memory_space<vmem>> -> memref<1x56x512xf32, #tpu.memory_space<vmem>>
        %dma_wait3A_295 = tpu.memref_squeeze %dma_wait3A_294 : memref<1x56x512xf32, #tpu.memory_space<vmem>> -> memref<56x512xf32, #tpu.memory_space<vmem>>
        %dma_wait3A_296 = arith.constant 0 : i32
        %dma_wait3A_297 = tpu.memref_slice %arg4[%mul3A_290, %dma_wait3A_296] : memref<229376x512xf32, #tpu.memory_space<hbm>> -> memref<56x512xf32, #tpu.memory_space<hbm>>
        %dma_wait3A_298 = arith.constant 0 : i32
        %dma_wait3A_299 = tpu.memref_slice %arg4[%mul3A_290, %dma_wait3A_298] : memref<229376x512xf32, #tpu.memory_space<hbm>> -> memref<56x512xf32, #tpu.memory_space<hbm>>
        %dma_wait3A_300 = arith.constant 0 : i32
        %dma_wait3A_301 = arith.constant 0 : i32
        %dma_wait3A_302 = tpu.memref_slice %arg6[%dma_wait3A_291, %dma_wait3A_300, %dma_wait3A_301] : memref<4x56x512xf32, #tpu.memory_space<vmem>> -> memref<1x56x512xf32, #tpu.memory_space<vmem>>
        %dma_wait3A_303 = tpu.memref_squeeze %dma_wait3A_302 : memref<1x56x512xf32, #tpu.memory_space<vmem>> -> memref<56x512xf32, #tpu.memory_space<vmem>>
        tpu.wait_dma2 semaphore(%arg13 : memref<!tpu.dma_semaphore, #tpu.memory_space<semaphore_mem>>) src(%dma_wait3A_303 : memref<56x512xf32, #tpu.memory_space<vmem>>) dst(%dma_wait3A_299 : memref<56x512xf32, #tpu.memory_space<hbm>>)
      } else {
      }
      %add3A_136 = arith.constant 2 : i32
      %add3A_137 = arith.addi %add3A_100, %add3A_136 : i32
      %mul3A_138 = arith.constant 56 : i32
      %mul3A_139 = arith.muli %add3A_137, %mul3A_138 : i32
      %dma_start3A_140 = arith.constant 2 : i32
      %dma_start3A_141 = arith.constant 0 : i32
      %dma_start3A_142 = arith.constant 0 : i32
      %dma_start3A_143 = tpu.memref_slice %arg6[%dma_start3A_140, %dma_start3A_141, %dma_start3A_142] : memref<4x56x512xf32, #tpu.memory_space<vmem>> -> memref<1x56x512xf32, #tpu.memory_space<vmem>>
      %dma_start3A_144 = tpu.memref_squeeze %dma_start3A_143 : memref<1x56x512xf32, #tpu.memory_space<vmem>> -> memref<56x512xf32, #tpu.memory_space<vmem>>
      %dma_start3A_145 = tpu.memref_slice %arg5[%mul3A_139] : memref<7168xi32, #tpu.memory_space<vmem>> -> memref<56xi32, #tpu.memory_space<vmem>>
      %dma_start3A_146 = arith.constant 0 : i32
      %dma_start3A_147 = arith.constant 0 : i32
      %dma_start3A_148 = tpu.memref_slice %arg3[%dma_start3A_146, %dma_start3A_147] : memref<32678x512xf32, #tpu.memory_space<hbm>> -> memref<32678x512xf32, #tpu.memory_space<hbm>>
      tpu.enqueue_indirect_dma source(%dma_start3A_148 : memref<32678x512xf32, #tpu.memory_space<hbm>>) target(%dma_start3A_144 : memref<56x512xf32, #tpu.memory_space<vmem>>) offsets(%dma_start3A_145 : memref<56xi32, #tpu.memory_space<vmem>>) semaphore(%arg9 : memref<!tpu.dma_semaphore, #tpu.memory_space<semaphore_mem>>)
      %mul3A_149 = arith.constant 4 : i32
      %mul3A_150 = arith.muli %scan3A_96, %mul3A_149 : i32
      %add3A_151 = arith.constant 1 : i32
      %add3A_152 = arith.addi %mul3A_150, %add3A_151 : i32
      %mul3A_153 = arith.constant 56 : i32
      %mul3A_154 = arith.muli %add3A_152, %mul3A_153 : i32
      %dma_wait3A_155 = arith.constant 1 : i32
      %dma_wait3A_156 = arith.constant 0 : i32
      %dma_wait3A_157 = arith.constant 0 : i32
      %dma_wait3A_158 = tpu.memref_slice %arg6[%dma_wait3A_155, %dma_wait3A_156, %dma_wait3A_157] : memref<4x56x512xf32, #tpu.memory_space<vmem>> -> memref<1x56x512xf32, #tpu.memory_space<vmem>>
      %dma_wait3A_159 = tpu.memref_squeeze %dma_wait3A_158 : memref<1x56x512xf32, #tpu.memory_space<vmem>> -> memref<56x512xf32, #tpu.memory_space<vmem>>
      %dma_wait3A_160 = tpu.memref_slice %arg5[%mul3A_154] : memref<7168xi32, #tpu.memory_space<vmem>> -> memref<56xi32, #tpu.memory_space<vmem>>
      %dma_wait3A_161 = arith.constant 0 : i32
      %dma_wait3A_162 = arith.constant 0 : i32
      %dma_wait3A_163 = tpu.memref_slice %arg3[%dma_wait3A_161, %dma_wait3A_162] : memref<32678x512xf32, #tpu.memory_space<hbm>> -> memref<32678x512xf32, #tpu.memory_space<hbm>>
      tpu.wait_indirect_dma semaphore(%arg8 : memref<!tpu.dma_semaphore, #tpu.memory_space<semaphore_mem>>) src(%dma_wait3A_163 : memref<32678x512xf32, #tpu.memory_space<hbm>>) dst(%dma_wait3A_159 : memref<56x512xf32, #tpu.memory_space<vmem>>)
      %scan3A_164 = arith.constant 0 : i32
      %scan3A_165 = arith.constant 0 : i32
      %scan3A_166 = arith.constant 50 : i32
      %scan3A_167 = arith.addi %scan3A_165, %scan3A_166 : i32
      %scan3A_168 = arith.constant 1 : i32
      scf.for %scan3A_287 = %scan3A_165 to %scan3A_167 step %scan3A_168  : i32 {
        %get3A = arith.constant 1 : i32
        %get3A_288 = arith.index_cast %get3A : i32 to index
        %get3A_289 = arith.index_cast %scan3A_287 : i32 to index
        %get3A_290 = arith.constant 0 : index
        %get3A_291 = tpu.vector_load %arg6[%get3A_288, %get3A_289, %get3A_290] {strides = array<i32>} : memref<4x56x512xf32, #tpu.memory_space<vmem>>, vector<1x1x16xf32>,
        %get3A_292 = vector.shape_cast %get3A_291 : vector<1x1x16xf32> to vector<16xf32>
        %mul3A_293 = arith.constant 22.6274166 : f32
        %mul3A_294 = vector.broadcast %mul3A_293 : f32 to vector<16xf32>
        %mul3A_295 = arith.mulf %get3A_292, %mul3A_294 : vector<16xf32>
        %swap3A = arith.constant 1 : i32
        %swap3A_296 = arith.index_cast %swap3A : i32 to index
        %swap3A_297 = arith.index_cast %scan3A_287 : i32 to index
        %swap3A_298 = arith.constant 0 : index
        %swap3A_299 = tpu.vector_load %arg6[%swap3A_296, %swap3A_297, %swap3A_298] {strides = array<i32>} : memref<4x56x512xf32, #tpu.memory_space<vmem>>, vector<1x1x16xf32>,
        %swap3A_300 = vector.shape_cast %swap3A_299 : vector<1x1x16xf32> to vector<16xf32>
        %swap3A_301 = vector.shape_cast %mul3A_295 : vector<16xf32> to vector<1x1x16xf32>
        tpu.vector_store %arg6[%swap3A_296, %swap3A_297, %swap3A_298], %swap3A_301 {strides = array<i32>} : memref<4x56x512xf32, #tpu.memory_space<vmem>>, vector<1x1x16xf32>,
        %get3A_302 = arith.constant 1 : i32
        %get3A_303 = arith.index_cast %get3A_302 : i32 to index
        %get3A_304 = arith.index_cast %scan3A_287 : i32 to index
        %get3A_305 = arith.constant 16 : index
        %get3A_306 = tpu.vector_load %arg6[%get3A_303, %get3A_304, %get3A_305] {strides = array<i32>} : memref<4x56x512xf32, #tpu.memory_space<vmem>>, vector<1x1x16xf32>,
        %get3A_307 = vector.shape_cast %get3A_306 : vector<1x1x16xf32> to vector<16xf32>
        %mul3A_308 = arith.constant 22.6274166 : f32
        %mul3A_309 = vector.broadcast %mul3A_308 : f32 to vector<16xf32>
        %mul3A_310 = arith.mulf %get3A_307, %mul3A_309 : vector<16xf32>
        %swap3A_311 = arith.constant 1 : i32
        %swap3A_312 = arith.index_cast %swap3A_311 : i32 to index
        %swap3A_313 = arith.index_cast %scan3A_287 : i32 to index
        %swap3A_314 = arith.constant 16 : index
        %swap3A_315 = tpu.vector_load %arg6[%swap3A_312, %swap3A_313, %swap3A_314] {strides = array<i32>} : memref<4x56x512xf32, #tpu.memory_space<vmem>>, vector<1x1x16xf32>,
        %swap3A_316 = vector.shape_cast %swap3A_315 : vector<1x1x16xf32> to vector<16xf32>
        %swap3A_317 = vector.shape_cast %mul3A_310 : vector<16xf32> to vector<1x1x16xf32>
        tpu.vector_store %arg6[%swap3A_312, %swap3A_313, %swap3A_314], %swap3A_317 {strides = array<i32>} : memref<4x56x512xf32, #tpu.memory_space<vmem>>, vector<1x1x16xf32>,
        %get3A_318 = arith.constant 1 : i32
        %get3A_319 = arith.index_cast %get3A_318 : i32 to index
        %get3A_320 = arith.index_cast %scan3A_287 : i32 to index
        %get3A_321 = arith.constant 32 : index
        %get3A_322 = tpu.vector_load %arg6[%get3A_319, %get3A_320, %get3A_321] {strides = array<i32>} : memref<4x56x512xf32, #tpu.memory_space<vmem>>, vector<1x1x16xf32>,
        %get3A_323 = vector.shape_cast %get3A_322 : vector<1x1x16xf32> to vector<16xf32>
        %mul3A_324 = arith.constant 22.6274166 : f32
        %mul3A_325 = vector.broadcast %mul3A_324 : f32 to vector<16xf32>
        %mul3A_326 = arith.mulf %get3A_323, %mul3A_325 : vector<16xf32>
        %swap3A_327 = arith.constant 1 : i32
        %swap3A_328 = arith.index_cast %swap3A_327 : i32 to index
        %swap3A_329 = arith.index_cast %scan3A_287 : i32 to index
        %swap3A_330 = arith.constant 32 : index
        %swap3A_331 = tpu.vector_load %arg6[%swap3A_328, %swap3A_329, %swap3A_330] {strides = array<i32>} : memref<4x56x512xf32, #tpu.memory_space<vmem>>, vector<1x1x16xf32>,
        %swap3A_332 = vector.shape_cast %swap3A_331 : vector<1x1x16xf32> to vector<16xf32>
        %swap3A_333 = vector.shape_cast %mul3A_326 : vector<16xf32> to vector<1x1x16xf32>
        tpu.vector_store %arg6[%swap3A_328, %swap3A_329, %swap3A_330], %swap3A_333 {strides = array<i32>} : memref<4x56x512xf32, #tpu.memory_space<vmem>>, vector<1x1x16xf32>,
        %get3A_334 = arith.constant 1 : i32
        %get3A_335 = arith.index_cast %get3A_334 : i32 to index
        %get3A_336 = arith.index_cast %scan3A_287 : i32 to index
        %get3A_337 = arith.constant 48 : index
        %get3A_338 = tpu.vector_load %arg6[%get3A_335, %get3A_336, %get3A_337] {strides = array<i32>} : memref<4x56x512xf32, #tpu.memory_space<vmem>>, vector<1x1x16xf32>,
        %get3A_339 = vector.shape_cast %get3A_338 : vector<1x1x16xf32> to vector<16xf32>
        %mul3A_340 = arith.constant 22.6274166 : f32
        %mul3A_341 = vector.broadcast %mul3A_340 : f32 to vector<16xf32>
        %mul3A_342 = arith.mulf %get3A_339, %mul3A_341 : vector<16xf32>
        %swap3A_343 = arith.constant 1 : i32
        %swap3A_344 = arith.index_cast %swap3A_343 : i32 to index
        %swap3A_345 = arith.index_cast %scan3A_287 : i32 to index
        %swap3A_346 = arith.constant 48 : index
        %swap3A_347 = tpu.vector_load %arg6[%swap3A_344, %swap3A_345, %swap3A_346] {strides = array<i32>} : memref<4x56x512xf32, #tpu.memory_space<vmem>>, vector<1x1x16xf32>,
        %swap3A_348 = vector.shape_cast %swap3A_347 : vector<1x1x16xf32> to vector<16xf32>
        %swap3A_349 = vector.shape_cast %mul3A_342 : vector<16xf32> to vector<1x1x16xf32>
        tpu.vector_store %arg6[%swap3A_344, %swap3A_345, %swap3A_346], %swap3A_349 {strides = array<i32>} : memref<4x56x512xf32, #tpu.memory_space<vmem>>, vector<1x1x16xf32>,
        %get3A_350 = arith.constant 1 : i32
        %get3A_351 = arith.index_cast %get3A_350 : i32 to index
        %get3A_352 = arith.index_cast %scan3A_287 : i32 to index
        %get3A_353 = arith.constant 64 : index
        %get3A_354 = tpu.vector_load %arg6[%get3A_351, %get3A_352, %get3A_353] {strides = array<i32>} : memref<4x56x512xf32, #tpu.memory_space<vmem>>, vector<1x1x16xf32>,
        %get3A_355 = vector.shape_cast %get3A_354 : vector<1x1x16xf32> to vector<16xf32>
        %mul3A_356 = arith.constant 22.6274166 : f32
        %mul3A_357 = vector.broadcast %mul3A_356 : f32 to vector<16xf32>
        %mul3A_358 = arith.mulf %get3A_355, %mul3A_357 : vector<16xf32>
        %swap3A_359 = arith.constant 1 : i32
        %swap3A_360 = arith.index_cast %swap3A_359 : i32 to index
        %swap3A_361 = arith.index_cast %scan3A_287 : i32 to index
        %swap3A_362 = arith.constant 64 : index
        %swap3A_363 = tpu.vector_load %arg6[%swap3A_360, %swap3A_361, %swap3A_362] {strides = array<i32>} : memref<4x56x512xf32, #tpu.memory_space<vmem>>, vector<1x1x16xf32>,
        %swap3A_364 = vector.shape_cast %swap3A_363 : vector<1x1x16xf32> to vector<16xf32>
        %swap3A_365 = vector.shape_cast %mul3A_358 : vector<16xf32> to vector<1x1x16xf32>
        tpu.vector_store %arg6[%swap3A_360, %swap3A_361, %swap3A_362], %swap3A_365 {strides = array<i32>} : memref<4x56x512xf32, #tpu.memory_space<vmem>>, vector<1x1x16xf32>,
        %get3A_366 = arith.constant 1 : i32
        %get3A_367 = arith.index_cast %get3A_366 : i32 to index
        %get3A_368 = arith.index_cast %scan3A_287 : i32 to index
        %get3A_369 = arith.constant 80 : index
        %get3A_370 = tpu.vector_load %arg6[%get3A_367, %get3A_368, %get3A_369] {strides = array<i32>} : memref<4x56x512xf32, #tpu.memory_space<vmem>>, vector<1x1x16xf32>,
        %get3A_371 = vector.shape_cast %get3A_370 : vector<1x1x16xf32> to vector<16xf32>
        %mul3A_372 = arith.constant 22.6274166 : f32
        %mul3A_373 = vector.broadcast %mul3A_372 : f32 to vector<16xf32>
        %mul3A_374 = arith.mulf %get3A_371, %mul3A_373 : vector<16xf32>
        %swap3A_375 = arith.constant 1 : i32
        %swap3A_376 = arith.index_cast %swap3A_375 : i32 to index
        %swap3A_377 = arith.index_cast %scan3A_287 : i32 to index
        %swap3A_378 = arith.constant 80 : index
        %swap3A_379 = tpu.vector_load %arg6[%swap3A_376, %swap3A_377, %swap3A_378] {strides = array<i32>} : memref<4x56x512xf32, #tpu.memory_space<vmem>>, vector<1x1x16xf32>,
        %swap3A_380 = vector.shape_cast %swap3A_379 : vector<1x1x16xf32> to vector<16xf32>
        %swap3A_381 = vector.shape_cast %mul3A_374 : vector<16xf32> to vector<1x1x16xf32>
        tpu.vector_store %arg6[%swap3A_376, %swap3A_377, %swap3A_378], %swap3A_381 {strides = array<i32>} : memref<4x56x512xf32, #tpu.memory_space<vmem>>, vector<1x1x16xf32>,
        %get3A_382 = arith.constant 1 : i32
        %get3A_383 = arith.index_cast %get3A_382 : i32 to index
        %get3A_384 = arith.index_cast %scan3A_287 : i32 to index
        %get3A_385 = arith.constant 96 : index
        %get3A_386 = tpu.vector_load %arg6[%get3A_383, %get3A_384, %get3A_385] {strides = array<i32>} : memref<4x56x512xf32, #tpu.memory_space<vmem>>, vector<1x1x16xf32>,
        %get3A_387 = vector.shape_cast %get3A_386 : vector<1x1x16xf32> to vector<16xf32>
        %mul3A_388 = arith.constant 22.6274166 : f32
        %mul3A_389 = vector.broadcast %mul3A_388 : f32 to vector<16xf32>
        %mul3A_390 = arith.mulf %get3A_387, %mul3A_389 : vector<16xf32>
        %swap3A_391 = arith.constant 1 : i32
        %swap3A_392 = arith.index_cast %swap3A_391 : i32 to index
        %swap3A_393 = arith.index_cast %scan3A_287 : i32 to index
        %swap3A_394 = arith.constant 96 : index
        %swap3A_395 = tpu.vector_load %arg6[%swap3A_392, %swap3A_393, %swap3A_394] {strides = array<i32>} : memref<4x56x512xf32, #tpu.memory_space<vmem>>, vector<1x1x16xf32>,
        %swap3A_396 = vector.shape_cast %swap3A_395 : vector<1x1x16xf32> to vector<16xf32>
        %swap3A_397 = vector.shape_cast %mul3A_390 : vector<16xf32> to vector<1x1x16xf32>
        tpu.vector_store %arg6[%swap3A_392, %swap3A_393, %swap3A_394], %swap3A_397 {strides = array<i32>} : memref<4x56x512xf32, #tpu.memory_space<vmem>>, vector<1x1x16xf32>,
        %get3A_398 = arith.constant 1 : i32
        %get3A_399 = arith.index_cast %get3A_398 : i32 to index
        %get3A_400 = arith.index_cast %scan3A_287 : i32 to index
        %get3A_401 = arith.constant 112 : index
        %get3A_402 = tpu.vector_load %arg6[%get3A_399, %get3A_400, %get3A_401] {strides = array<i32>} : memref<4x56x512xf32, #tpu.memory_space<vmem>>, vector<1x1x16xf32>,
        %get3A_403 = vector.shape_cast %get3A_402 : vector<1x1x16xf32> to vector<16xf32>
        %mul3A_404 = arith.constant 22.6274166 : f32
        %mul3A_405 = vector.broadcast %mul3A_404 : f32 to vector<16xf32>
        %mul3A_406 = arith.mulf %get3A_403, %mul3A_405 : vector<16xf32>
        %swap3A_407 = arith.constant 1 : i32
        %swap3A_408 = arith.index_cast %swap3A_407 : i32 to index
        %swap3A_409 = arith.index_cast %scan3A_287 : i32 to index
        %swap3A_410 = arith.constant 112 : index
        %swap3A_411 = tpu.vector_load %arg6[%swap3A_408, %swap3A_409, %swap3A_410] {strides = array<i32>} : memref<4x56x512xf32, #tpu.memory_space<vmem>>, vector<1x1x16xf32>,
        %swap3A_412 = vector.shape_cast %swap3A_411 : vector<1x1x16xf32> to vector<16xf32>
        %swap3A_413 = vector.shape_cast %mul3A_406 : vector<16xf32> to vector<1x1x16xf32>
        tpu.vector_store %arg6[%swap3A_408, %swap3A_409, %swap3A_410], %swap3A_413 {strides = array<i32>} : memref<4x56x512xf32, #tpu.memory_space<vmem>>, vector<1x1x16xf32>,
        %get3A_414 = arith.constant 1 : i32
        %get3A_415 = arith.index_cast %get3A_414 : i32 to index
        %get3A_416 = arith.index_cast %scan3A_287 : i32 to index
        %get3A_417 = arith.constant 128 : index
        %get3A_418 = tpu.vector_load %arg6[%get3A_415, %get3A_416, %get3A_417] {strides = array<i32>} : memref<4x56x512xf32, #tpu.memory_space<vmem>>, vector<1x1x16xf32>,
        %get3A_419 = vector.shape_cast %get3A_418 : vector<1x1x16xf32> to vector<16xf32>
        %mul3A_420 = arith.constant 22.6274166 : f32
        %mul3A_421 = vector.broadcast %mul3A_420 : f32 to vector<16xf32>
        %mul3A_422 = arith.mulf %get3A_419, %mul3A_421 : vector<16xf32>
        %swap3A_423 = arith.constant 1 : i32
        %swap3A_424 = arith.index_cast %swap3A_423 : i32 to index
        %swap3A_425 = arith.index_cast %scan3A_287 : i32 to index
        %swap3A_426 = arith.constant 128 : index
        %swap3A_427 = tpu.vector_load %arg6[%swap3A_424, %swap3A_425, %swap3A_426] {strides = array<i32>} : memref<4x56x512xf32, #tpu.memory_space<vmem>>, vector<1x1x16xf32>,
        %swap3A_428 = vector.shape_cast %swap3A_427 : vector<1x1x16xf32> to vector<16xf32>
        %swap3A_429 = vector.shape_cast %mul3A_422 : vector<16xf32> to vector<1x1x16xf32>
        tpu.vector_store %arg6[%swap3A_424, %swap3A_425, %swap3A_426], %swap3A_429 {strides = array<i32>} : memref<4x56x512xf32, #tpu.memory_space<vmem>>, vector<1x1x16xf32>,
        %get3A_430 = arith.constant 1 : i32
        %get3A_431 = arith.index_cast %get3A_430 : i32 to index
        %get3A_432 = arith.index_cast %scan3A_287 : i32 to index
        %get3A_433 = arith.constant 144 : index
        %get3A_434 = tpu.vector_load %arg6[%get3A_431, %get3A_432, %get3A_433] {strides = array<i32>} : memref<4x56x512xf32, #tpu.memory_space<vmem>>, vector<1x1x16xf32>,
        %get3A_435 = vector.shape_cast %get3A_434 : vector<1x1x16xf32> to vector<16xf32>
        %mul3A_436 = arith.constant 22.6274166 : f32
        %mul3A_437 = vector.broadcast %mul3A_436 : f32 to vector<16xf32>
        %mul3A_438 = arith.mulf %get3A_435, %mul3A_437 : vector<16xf32>
        %swap3A_439 = arith.constant 1 : i32
        %swap3A_440 = arith.index_cast %swap3A_439 : i32 to index
        %swap3A_441 = arith.index_cast %scan3A_287 : i32 to index
        %swap3A_442 = arith.constant 144 : index
        %swap3A_443 = tpu.vector_load %arg6[%swap3A_440, %swap3A_441, %swap3A_442] {strides = array<i32>} : memref<4x56x512xf32, #tpu.memory_space<vmem>>, vector<1x1x16xf32>,
        %swap3A_444 = vector.shape_cast %swap3A_443 : vector<1x1x16xf32> to vector<16xf32>
        %swap3A_445 = vector.shape_cast %mul3A_438 : vector<16xf32> to vector<1x1x16xf32>
        tpu.vector_store %arg6[%swap3A_440, %swap3A_441, %swap3A_442], %swap3A_445 {strides = array<i32>} : memref<4x56x512xf32, #tpu.memory_space<vmem>>, vector<1x1x16xf32>,
        %get3A_446 = arith.constant 1 : i32
        %get3A_447 = arith.index_cast %get3A_446 : i32 to index
        %get3A_448 = arith.index_cast %scan3A_287 : i32 to index
        %get3A_449 = arith.constant 160 : index
        %get3A_450 = tpu.vector_load %arg6[%get3A_447, %get3A_448, %get3A_449] {strides = array<i32>} : memref<4x56x512xf32, #tpu.memory_space<vmem>>, vector<1x1x16xf32>,
        %get3A_451 = vector.shape_cast %get3A_450 : vector<1x1x16xf32> to vector<16xf32>
        %mul3A_452 = arith.constant 22.6274166 : f32
        %mul3A_453 = vector.broadcast %mul3A_452 : f32 to vector<16xf32>
        %mul3A_454 = arith.mulf %get3A_451, %mul3A_453 : vector<16xf32>
        %swap3A_455 = arith.constant 1 : i32
        %swap3A_456 = arith.index_cast %swap3A_455 : i32 to index
        %swap3A_457 = arith.index_cast %scan3A_287 : i32 to index
        %swap3A_458 = arith.constant 160 : index
        %swap3A_459 = tpu.vector_load %arg6[%swap3A_456, %swap3A_457, %swap3A_458] {strides = array<i32>} : memref<4x56x512xf32, #tpu.memory_space<vmem>>, vector<1x1x16xf32>,
        %swap3A_460 = vector.shape_cast %swap3A_459 : vector<1x1x16xf32> to vector<16xf32>
        %swap3A_461 = vector.shape_cast %mul3A_454 : vector<16xf32> to vector<1x1x16xf32>
        tpu.vector_store %arg6[%swap3A_456, %swap3A_457, %swap3A_458], %swap3A_461 {strides = array<i32>} : memref<4x56x512xf32, #tpu.memory_space<vmem>>, vector<1x1x16xf32>,
        %get3A_462 = arith.constant 1 : i32
        %get3A_463 = arith.index_cast %get3A_462 : i32 to index
        %get3A_464 = arith.index_cast %scan3A_287 : i32 to index
        %get3A_465 = arith.constant 176 : index
        %get3A_466 = tpu.vector_load %arg6[%get3A_463, %get3A_464, %get3A_465] {strides = array<i32>} : memref<4x56x512xf32, #tpu.memory_space<vmem>>, vector<1x1x16xf32>,
        %get3A_467 = vector.shape_cast %get3A_466 : vector<1x1x16xf32> to vector<16xf32>
        %mul3A_468 = arith.constant 22.6274166 : f32
        %mul3A_469 = vector.broadcast %mul3A_468 : f32 to vector<16xf32>
        %mul3A_470 = arith.mulf %get3A_467, %mul3A_469 : vector<16xf32>
        %swap3A_471 = arith.constant 1 : i32
        %swap3A_472 = arith.index_cast %swap3A_471 : i32 to index
        %swap3A_473 = arith.index_cast %scan3A_287 : i32 to index
        %swap3A_474 = arith.constant 176 : index
        %swap3A_475 = tpu.vector_load %arg6[%swap3A_472, %swap3A_473, %swap3A_474] {strides = array<i32>} : memref<4x56x512xf32, #tpu.memory_space<vmem>>, vector<1x1x16xf32>,
        %swap3A_476 = vector.shape_cast %swap3A_475 : vector<1x1x16xf32> to vector<16xf32>
        %swap3A_477 = vector.shape_cast %mul3A_470 : vector<16xf32> to vector<1x1x16xf32>
        tpu.vector_store %arg6[%swap3A_472, %swap3A_473, %swap3A_474], %swap3A_477 {strides = array<i32>} : memref<4x56x512xf32, #tpu.memory_space<vmem>>, vector<1x1x16xf32>,
        %get3A_478 = arith.constant 1 : i32
        %get3A_479 = arith.index_cast %get3A_478 : i32 to index
        %get3A_480 = arith.index_cast %scan3A_287 : i32 to index
        %get3A_481 = arith.constant 192 : index
        %get3A_482 = tpu.vector_load %arg6[%get3A_479, %get3A_480, %get3A_481] {strides = array<i32>} : memref<4x56x512xf32, #tpu.memory_space<vmem>>, vector<1x1x16xf32>,
        %get3A_483 = vector.shape_cast %get3A_482 : vector<1x1x16xf32> to vector<16xf32>
        %mul3A_484 = arith.constant 22.6274166 : f32
        %mul3A_485 = vector.broadcast %mul3A_484 : f32 to vector<16xf32>
        %mul3A_486 = arith.mulf %get3A_483, %mul3A_485 : vector<16xf32>
        %swap3A_487 = arith.constant 1 : i32
        %swap3A_488 = arith.index_cast %swap3A_487 : i32 to index
        %swap3A_489 = arith.index_cast %scan3A_287 : i32 to index
        %swap3A_490 = arith.constant 192 : index
        %swap3A_491 = tpu.vector_load %arg6[%swap3A_488, %swap3A_489, %swap3A_490] {strides = array<i32>} : memref<4x56x512xf32, #tpu.memory_space<vmem>>, vector<1x1x16xf32>,
        %swap3A_492 = vector.shape_cast %swap3A_491 : vector<1x1x16xf32> to vector<16xf32>
        %swap3A_493 = vector.shape_cast %mul3A_486 : vector<16xf32> to vector<1x1x16xf32>
        tpu.vector_store %arg6[%swap3A_488, %swap3A_489, %swap3A_490], %swap3A_493 {strides = array<i32>} : memref<4x56x512xf32, #tpu.memory_space<vmem>>, vector<1x1x16xf32>,
        %get3A_494 = arith.constant 1 : i32
        %get3A_495 = arith.index_cast %get3A_494 : i32 to index
        %get3A_496 = arith.index_cast %scan3A_287 : i32 to index
        %get3A_497 = arith.constant 208 : index
        %get3A_498 = tpu.vector_load %arg6[%get3A_495, %get3A_496, %get3A_497] {strides = array<i32>} : memref<4x56x512xf32, #tpu.memory_space<vmem>>, vector<1x1x16xf32>,
        %get3A_499 = vector.shape_cast %get3A_498 : vector<1x1x16xf32> to vector<16xf32>
        %mul3A_500 = arith.constant 22.6274166 : f32
        %mul3A_501 = vector.broadcast %mul3A_500 : f32 to vector<16xf32>
        %mul3A_502 = arith.mulf %get3A_499, %mul3A_501 : vector<16xf32>
        %swap3A_503 = arith.constant 1 : i32
        %swap3A_504 = arith.index_cast %swap3A_503 : i32 to index
        %swap3A_505 = arith.index_cast %scan3A_287 : i32 to index
        %swap3A_506 = arith.constant 208 : index
        %swap3A_507 = tpu.vector_load %arg6[%swap3A_504, %swap3A_505, %swap3A_506] {strides = array<i32>} : memref<4x56x512xf32, #tpu.memory_space<vmem>>, vector<1x1x16xf32>,
        %swap3A_508 = vector.shape_cast %swap3A_507 : vector<1x1x16xf32> to vector<16xf32>
        %swap3A_509 = vector.shape_cast %mul3A_502 : vector<16xf32> to vector<1x1x16xf32>
        tpu.vector_store %arg6[%swap3A_504, %swap3A_505, %swap3A_506], %swap3A_509 {strides = array<i32>} : memref<4x56x512xf32, #tpu.memory_space<vmem>>, vector<1x1x16xf32>,
        %get3A_510 = arith.constant 1 : i32
        %get3A_511 = arith.index_cast %get3A_510 : i32 to index
        %get3A_512 = arith.index_cast %scan3A_287 : i32 to index
        %get3A_513 = arith.constant 224 : index
        %get3A_514 = tpu.vector_load %arg6[%get3A_511, %get3A_512, %get3A_513] {strides = array<i32>} : memref<4x56x512xf32, #tpu.memory_space<vmem>>, vector<1x1x16xf32>,
        %get3A_515 = vector.shape_cast %get3A_514 : vector<1x1x16xf32> to vector<16xf32>
        %mul3A_516 = arith.constant 22.6274166 : f32
        %mul3A_517 = vector.broadcast %mul3A_516 : f32 to vector<16xf32>
        %mul3A_518 = arith.mulf %get3A_515, %mul3A_517 : vector<16xf32>
        %swap3A_519 = arith.constant 1 : i32
        %swap3A_520 = arith.index_cast %swap3A_519 : i32 to index
        %swap3A_521 = arith.index_cast %scan3A_287 : i32 to index
        %swap3A_522 = arith.constant 224 : index
        %swap3A_523 = tpu.vector_load %arg6[%swap3A_520, %swap3A_521, %swap3A_522] {strides = array<i32>} : memref<4x56x512xf32, #tpu.memory_space<vmem>>, vector<1x1x16xf32>,
        %swap3A_524 = vector.shape_cast %swap3A_523 : vector<1x1x16xf32> to vector<16xf32>
        %swap3A_525 = vector.shape_cast %mul3A_518 : vector<16xf32> to vector<1x1x16xf32>
        tpu.vector_store %arg6[%swap3A_520, %swap3A_521, %swap3A_522], %swap3A_525 {strides = array<i32>} : memref<4x56x512xf32, #tpu.memory_space<vmem>>, vector<1x1x16xf32>,
        %get3A_526 = arith.constant 1 : i32
        %get3A_527 = arith.index_cast %get3A_526 : i32 to index
        %get3A_528 = arith.index_cast %scan3A_287 : i32 to index
        %get3A_529 = arith.constant 240 : index
        %get3A_530 = tpu.vector_load %arg6[%get3A_527, %get3A_528, %get3A_529] {strides = array<i32>} : memref<4x56x512xf32, #tpu.memory_space<vmem>>, vector<1x1x16xf32>,
        %get3A_531 = vector.shape_cast %get3A_530 : vector<1x1x16xf32> to vector<16xf32>
        %mul3A_532 = arith.constant 22.6274166 : f32
        %mul3A_533 = vector.broadcast %mul3A_532 : f32 to vector<16xf32>
        %mul3A_534 = arith.mulf %get3A_531, %mul3A_533 : vector<16xf32>
        %swap3A_535 = arith.constant 1 : i32
        %swap3A_536 = arith.index_cast %swap3A_535 : i32 to index
        %swap3A_537 = arith.index_cast %scan3A_287 : i32 to index
        %swap3A_538 = arith.constant 240 : index
        %swap3A_539 = tpu.vector_load %arg6[%swap3A_536, %swap3A_537, %swap3A_538] {strides = array<i32>} : memref<4x56x512xf32, #tpu.memory_space<vmem>>, vector<1x1x16xf32>,
        %swap3A_540 = vector.shape_cast %swap3A_539 : vector<1x1x16xf32> to vector<16xf32>
        %swap3A_541 = vector.shape_cast %mul3A_534 : vector<16xf32> to vector<1x1x16xf32>
        tpu.vector_store %arg6[%swap3A_536, %swap3A_537, %swap3A_538], %swap3A_541 {strides = array<i32>} : memref<4x56x512xf32, #tpu.memory_space<vmem>>, vector<1x1x16xf32>,
        %get3A_542 = arith.constant 1 : i32
        %get3A_543 = arith.index_cast %get3A_542 : i32 to index
        %get3A_544 = arith.index_cast %scan3A_287 : i32 to index
        %get3A_545 = arith.constant 256 : index
        %get3A_546 = tpu.vector_load %arg6[%get3A_543, %get3A_544, %get3A_545] {strides = array<i32>} : memref<4x56x512xf32, #tpu.memory_space<vmem>>, vector<1x1x16xf32>,
        %get3A_547 = vector.shape_cast %get3A_546 : vector<1x1x16xf32> to vector<16xf32>
        %mul3A_548 = arith.constant 22.6274166 : f32
        %mul3A_549 = vector.broadcast %mul3A_548 : f32 to vector<16xf32>
        %mul3A_550 = arith.mulf %get3A_547, %mul3A_549 : vector<16xf32>
        %swap3A_551 = arith.constant 1 : i32
        %swap3A_552 = arith.index_cast %swap3A_551 : i32 to index
        %swap3A_553 = arith.index_cast %scan3A_287 : i32 to index
        %swap3A_554 = arith.constant 256 : index
        %swap3A_555 = tpu.vector_load %arg6[%swap3A_552, %swap3A_553, %swap3A_554] {strides = array<i32>} : memref<4x56x512xf32, #tpu.memory_space<vmem>>, vector<1x1x16xf32>,
        %swap3A_556 = vector.shape_cast %swap3A_555 : vector<1x1x16xf32> to vector<16xf32>
        %swap3A_557 = vector.shape_cast %mul3A_550 : vector<16xf32> to vector<1x1x16xf32>
        tpu.vector_store %arg6[%swap3A_552, %swap3A_553, %swap3A_554], %swap3A_557 {strides = array<i32>} : memref<4x56x512xf32, #tpu.memory_space<vmem>>, vector<1x1x16xf32>,
        %get3A_558 = arith.constant 1 : i32
        %get3A_559 = arith.index_cast %get3A_558 : i32 to index
        %get3A_560 = arith.index_cast %scan3A_287 : i32 to index
        %get3A_561 = arith.constant 272 : index
        %get3A_562 = tpu.vector_load %arg6[%get3A_559, %get3A_560, %get3A_561] {strides = array<i32>} : memref<4x56x512xf32, #tpu.memory_space<vmem>>, vector<1x1x16xf32>,
        %get3A_563 = vector.shape_cast %get3A_562 : vector<1x1x16xf32> to vector<16xf32>
        %mul3A_564 = arith.constant 22.6274166 : f32
        %mul3A_565 = vector.broadcast %mul3A_564 : f32 to vector<16xf32>
        %mul3A_566 = arith.mulf %get3A_563, %mul3A_565 : vector<16xf32>
        %swap3A_567 = arith.constant 1 : i32
        %swap3A_568 = arith.index_cast %swap3A_567 : i32 to index
        %swap3A_569 = arith.index_cast %scan3A_287 : i32 to index
        %swap3A_570 = arith.constant 272 : index
        %swap3A_571 = tpu.vector_load %arg6[%swap3A_568, %swap3A_569, %swap3A_570] {strides = array<i32>} : memref<4x56x512xf32, #tpu.memory_space<vmem>>, vector<1x1x16xf32>,
        %swap3A_572 = vector.shape_cast %swap3A_571 : vector<1x1x16xf32> to vector<16xf32>
        %swap3A_573 = vector.shape_cast %mul3A_566 : vector<16xf32> to vector<1x1x16xf32>
        tpu.vector_store %arg6[%swap3A_568, %swap3A_569, %swap3A_570], %swap3A_573 {strides = array<i32>} : memref<4x56x512xf32, #tpu.memory_space<vmem>>, vector<1x1x16xf32>,
        %get3A_574 = arith.constant 1 : i32
        %get3A_575 = arith.index_cast %get3A_574 : i32 to index
        %get3A_576 = arith.index_cast %scan3A_287 : i32 to index
        %get3A_577 = arith.constant 288 : index
        %get3A_578 = tpu.vector_load %arg6[%get3A_575, %get3A_576, %get3A_577] {strides = array<i32>} : memref<4x56x512xf32, #tpu.memory_space<vmem>>, vector<1x1x16xf32>,
        %get3A_579 = vector.shape_cast %get3A_578 : vector<1x1x16xf32> to vector<16xf32>
        %mul3A_580 = arith.constant 22.6274166 : f32
        %mul3A_581 = vector.broadcast %mul3A_580 : f32 to vector<16xf32>
        %mul3A_582 = arith.mulf %get3A_579, %mul3A_581 : vector<16xf32>
        %swap3A_583 = arith.constant 1 : i32
        %swap3A_584 = arith.index_cast %swap3A_583 : i32 to index
        %swap3A_585 = arith.index_cast %scan3A_287 : i32 to index
        %swap3A_586 = arith.constant 288 : index
        %swap3A_587 = tpu.vector_load %arg6[%swap3A_584, %swap3A_585, %swap3A_586] {strides = array<i32>} : memref<4x56x512xf32, #tpu.memory_space<vmem>>, vector<1x1x16xf32>,
        %swap3A_588 = vector.shape_cast %swap3A_587 : vector<1x1x16xf32> to vector<16xf32>
        %swap3A_589 = vector.shape_cast %mul3A_582 : vector<16xf32> to vector<1x1x16xf32>
        tpu.vector_store %arg6[%swap3A_584, %swap3A_585, %swap3A_586], %swap3A_589 {strides = array<i32>} : memref<4x56x512xf32, #tpu.memory_space<vmem>>, vector<1x1x16xf32>,
        %get3A_590 = arith.constant 1 : i32
        %get3A_591 = arith.index_cast %get3A_590 : i32 to index
        %get3A_592 = arith.index_cast %scan3A_287 : i32 to index
        %get3A_593 = arith.constant 304 : index
        %get3A_594 = tpu.vector_load %arg6[%get3A_591, %get3A_592, %get3A_593] {strides = array<i32>} : memref<4x56x512xf32, #tpu.memory_space<vmem>>, vector<1x1x16xf32>,
        %get3A_595 = vector.shape_cast %get3A_594 : vector<1x1x16xf32> to vector<16xf32>
        %mul3A_596 = arith.constant 22.6274166 : f32
        %mul3A_597 = vector.broadcast %mul3A_596 : f32 to vector<16xf32>
        %mul3A_598 = arith.mulf %get3A_595, %mul3A_597 : vector<16xf32>
        %swap3A_599 = arith.constant 1 : i32
        %swap3A_600 = arith.index_cast %swap3A_599 : i32 to index
        %swap3A_601 = arith.index_cast %scan3A_287 : i32 to index
        %swap3A_602 = arith.constant 304 : index
        %swap3A_603 = tpu.vector_load %arg6[%swap3A_600, %swap3A_601, %swap3A_602] {strides = array<i32>} : memref<4x56x512xf32, #tpu.memory_space<vmem>>, vector<1x1x16xf32>,
        %swap3A_604 = vector.shape_cast %swap3A_603 : vector<1x1x16xf32> to vector<16xf32>
        %swap3A_605 = vector.shape_cast %mul3A_598 : vector<16xf32> to vector<1x1x16xf32>
        tpu.vector_store %arg6[%swap3A_600, %swap3A_601, %swap3A_602], %swap3A_605 {strides = array<i32>} : memref<4x56x512xf32, #tpu.memory_space<vmem>>, vector<1x1x16xf32>,
        %get3A_606 = arith.constant 1 : i32
        %get3A_607 = arith.index_cast %get3A_606 : i32 to index
        %get3A_608 = arith.index_cast %scan3A_287 : i32 to index
        %get3A_609 = arith.constant 320 : index
        %get3A_610 = tpu.vector_load %arg6[%get3A_607, %get3A_608, %get3A_609] {strides = array<i32>} : memref<4x56x512xf32, #tpu.memory_space<vmem>>, vector<1x1x16xf32>,
        %get3A_611 = vector.shape_cast %get3A_610 : vector<1x1x16xf32> to vector<16xf32>
        %mul3A_612 = arith.constant 22.6274166 : f32
        %mul3A_613 = vector.broadcast %mul3A_612 : f32 to vector<16xf32>
        %mul3A_614 = arith.mulf %get3A_611, %mul3A_613 : vector<16xf32>
        %swap3A_615 = arith.constant 1 : i32
        %swap3A_616 = arith.index_cast %swap3A_615 : i32 to index
        %swap3A_617 = arith.index_cast %scan3A_287 : i32 to index
        %swap3A_618 = arith.constant 320 : index
        %swap3A_619 = tpu.vector_load %arg6[%swap3A_616, %swap3A_617, %swap3A_618] {strides = array<i32>} : memref<4x56x512xf32, #tpu.memory_space<vmem>>, vector<1x1x16xf32>,
        %swap3A_620 = vector.shape_cast %swap3A_619 : vector<1x1x16xf32> to vector<16xf32>
        %swap3A_621 = vector.shape_cast %mul3A_614 : vector<16xf32> to vector<1x1x16xf32>
        tpu.vector_store %arg6[%swap3A_616, %swap3A_617, %swap3A_618], %swap3A_621 {strides = array<i32>} : memref<4x56x512xf32, #tpu.memory_space<vmem>>, vector<1x1x16xf32>,
        %get3A_622 = arith.constant 1 : i32
        %get3A_623 = arith.index_cast %get3A_622 : i32 to index
        %get3A_624 = arith.index_cast %scan3A_287 : i32 to index
        %get3A_625 = arith.constant 336 : index
        %get3A_626 = tpu.vector_load %arg6[%get3A_623, %get3A_624, %get3A_625] {strides = array<i32>} : memref<4x56x512xf32, #tpu.memory_space<vmem>>, vector<1x1x16xf32>,
        %get3A_627 = vector.shape_cast %get3A_626 : vector<1x1x16xf32> to vector<16xf32>
        %mul3A_628 = arith.constant 22.6274166 : f32
        %mul3A_629 = vector.broadcast %mul3A_628 : f32 to vector<16xf32>
        %mul3A_630 = arith.mulf %get3A_627, %mul3A_629 : vector<16xf32>
        %swap3A_631 = arith.constant 1 : i32
        %swap3A_632 = arith.index_cast %swap3A_631 : i32 to index
        %swap3A_633 = arith.index_cast %scan3A_287 : i32 to index
        %swap3A_634 = arith.constant 336 : index
        %swap3A_635 = tpu.vector_load %arg6[%swap3A_632, %swap3A_633, %swap3A_634] {strides = array<i32>} : memref<4x56x512xf32, #tpu.memory_space<vmem>>, vector<1x1x16xf32>,
        %swap3A_636 = vector.shape_cast %swap3A_635 : vector<1x1x16xf32> to vector<16xf32>
        %swap3A_637 = vector.shape_cast %mul3A_630 : vector<16xf32> to vector<1x1x16xf32>
        tpu.vector_store %arg6[%swap3A_632, %swap3A_633, %swap3A_634], %swap3A_637 {strides = array<i32>} : memref<4x56x512xf32, #tpu.memory_space<vmem>>, vector<1x1x16xf32>,
        %get3A_638 = arith.constant 1 : i32
        %get3A_639 = arith.index_cast %get3A_638 : i32 to index
        %get3A_640 = arith.index_cast %scan3A_287 : i32 to index
        %get3A_641 = arith.constant 352 : index
        %get3A_642 = tpu.vector_load %arg6[%get3A_639, %get3A_640, %get3A_641] {strides = array<i32>} : memref<4x56x512xf32, #tpu.memory_space<vmem>>, vector<1x1x16xf32>,
        %get3A_643 = vector.shape_cast %get3A_642 : vector<1x1x16xf32> to vector<16xf32>
        %mul3A_644 = arith.constant 22.6274166 : f32
        %mul3A_645 = vector.broadcast %mul3A_644 : f32 to vector<16xf32>
        %mul3A_646 = arith.mulf %get3A_643, %mul3A_645 : vector<16xf32>
        %swap3A_647 = arith.constant 1 : i32
        %swap3A_648 = arith.index_cast %swap3A_647 : i32 to index
        %swap3A_649 = arith.index_cast %scan3A_287 : i32 to index
        %swap3A_650 = arith.constant 352 : index
        %swap3A_651 = tpu.vector_load %arg6[%swap3A_648, %swap3A_649, %swap3A_650] {strides = array<i32>} : memref<4x56x512xf32, #tpu.memory_space<vmem>>, vector<1x1x16xf32>,
        %swap3A_652 = vector.shape_cast %swap3A_651 : vector<1x1x16xf32> to vector<16xf32>
        %swap3A_653 = vector.shape_cast %mul3A_646 : vector<16xf32> to vector<1x1x16xf32>
        tpu.vector_store %arg6[%swap3A_648, %swap3A_649, %swap3A_650], %swap3A_653 {strides = array<i32>} : memref<4x56x512xf32, #tpu.memory_space<vmem>>, vector<1x1x16xf32>,
        %get3A_654 = arith.constant 1 : i32
        %get3A_655 = arith.index_cast %get3A_654 : i32 to index
        %get3A_656 = arith.index_cast %scan3A_287 : i32 to index
        %get3A_657 = arith.constant 368 : index
        %get3A_658 = tpu.vector_load %arg6[%get3A_655, %get3A_656, %get3A_657] {strides = array<i32>} : memref<4x56x512xf32, #tpu.memory_space<vmem>>, vector<1x1x16xf32>,
        %get3A_659 = vector.shape_cast %get3A_658 : vector<1x1x16xf32> to vector<16xf32>
        %mul3A_660 = arith.constant 22.6274166 : f32
        %mul3A_661 = vector.broadcast %mul3A_660 : f32 to vector<16xf32>
        %mul3A_662 = arith.mulf %get3A_659, %mul3A_661 : vector<16xf32>
        %swap3A_663 = arith.constant 1 : i32
        %swap3A_664 = arith.index_cast %swap3A_663 : i32 to index
        %swap3A_665 = arith.index_cast %scan3A_287 : i32 to index
        %swap3A_666 = arith.constant 368 : index
        %swap3A_667 = tpu.vector_load %arg6[%swap3A_664, %swap3A_665, %swap3A_666] {strides = array<i32>} : memref<4x56x512xf32, #tpu.memory_space<vmem>>, vector<1x1x16xf32>,
        %swap3A_668 = vector.shape_cast %swap3A_667 : vector<1x1x16xf32> to vector<16xf32>
        %swap3A_669 = vector.shape_cast %mul3A_662 : vector<16xf32> to vector<1x1x16xf32>
        tpu.vector_store %arg6[%swap3A_664, %swap3A_665, %swap3A_666], %swap3A_669 {strides = array<i32>} : memref<4x56x512xf32, #tpu.memory_space<vmem>>, vector<1x1x16xf32>,
        %get3A_670 = arith.constant 1 : i32
        %get3A_671 = arith.index_cast %get3A_670 : i32 to index
        %get3A_672 = arith.index_cast %scan3A_287 : i32 to index
        %get3A_673 = arith.constant 384 : index
        %get3A_674 = tpu.vector_load %arg6[%get3A_671, %get3A_672, %get3A_673] {strides = array<i32>} : memref<4x56x512xf32, #tpu.memory_space<vmem>>, vector<1x1x16xf32>,
        %get3A_675 = vector.shape_cast %get3A_674 : vector<1x1x16xf32> to vector<16xf32>
        %mul3A_676 = arith.constant 22.6274166 : f32
        %mul3A_677 = vector.broadcast %mul3A_676 : f32 to vector<16xf32>
        %mul3A_678 = arith.mulf %get3A_675, %mul3A_677 : vector<16xf32>
        %swap3A_679 = arith.constant 1 : i32
        %swap3A_680 = arith.index_cast %swap3A_679 : i32 to index
        %swap3A_681 = arith.index_cast %scan3A_287 : i32 to index
        %swap3A_682 = arith.constant 384 : index
        %swap3A_683 = tpu.vector_load %arg6[%swap3A_680, %swap3A_681, %swap3A_682] {strides = array<i32>} : memref<4x56x512xf32, #tpu.memory_space<vmem>>, vector<1x1x16xf32>,
        %swap3A_684 = vector.shape_cast %swap3A_683 : vector<1x1x16xf32> to vector<16xf32>
        %swap3A_685 = vector.shape_cast %mul3A_678 : vector<16xf32> to vector<1x1x16xf32>
        tpu.vector_store %arg6[%swap3A_680, %swap3A_681, %swap3A_682], %swap3A_685 {strides = array<i32>} : memref<4x56x512xf32, #tpu.memory_space<vmem>>, vector<1x1x16xf32>,
        %get3A_686 = arith.constant 1 : i32
        %get3A_687 = arith.index_cast %get3A_686 : i32 to index
        %get3A_688 = arith.index_cast %scan3A_287 : i32 to index
        %get3A_689 = arith.constant 400 : index
        %get3A_690 = tpu.vector_load %arg6[%get3A_687, %get3A_688, %get3A_689] {strides = array<i32>} : memref<4x56x512xf32, #tpu.memory_space<vmem>>, vector<1x1x16xf32>,
        %get3A_691 = vector.shape_cast %get3A_690 : vector<1x1x16xf32> to vector<16xf32>
        %mul3A_692 = arith.constant 22.6274166 : f32
        %mul3A_693 = vector.broadcast %mul3A_692 : f32 to vector<16xf32>
        %mul3A_694 = arith.mulf %get3A_691, %mul3A_693 : vector<16xf32>
        %swap3A_695 = arith.constant 1 : i32
        %swap3A_696 = arith.index_cast %swap3A_695 : i32 to index
        %swap3A_697 = arith.index_cast %scan3A_287 : i32 to index
        %swap3A_698 = arith.constant 400 : index
        %swap3A_699 = tpu.vector_load %arg6[%swap3A_696, %swap3A_697, %swap3A_698] {strides = array<i32>} : memref<4x56x512xf32, #tpu.memory_space<vmem>>, vector<1x1x16xf32>,
        %swap3A_700 = vector.shape_cast %swap3A_699 : vector<1x1x16xf32> to vector<16xf32>
        %swap3A_701 = vector.shape_cast %mul3A_694 : vector<16xf32> to vector<1x1x16xf32>
        tpu.vector_store %arg6[%swap3A_696, %swap3A_697, %swap3A_698], %swap3A_701 {strides = array<i32>} : memref<4x56x512xf32, #tpu.memory_space<vmem>>, vector<1x1x16xf32>,
        %get3A_702 = arith.constant 1 : i32
        %get3A_703 = arith.index_cast %get3A_702 : i32 to index
        %get3A_704 = arith.index_cast %scan3A_287 : i32 to index
        %get3A_705 = arith.constant 416 : index
        %get3A_706 = tpu.vector_load %arg6[%get3A_703, %get3A_704, %get3A_705] {strides = array<i32>} : memref<4x56x512xf32, #tpu.memory_space<vmem>>, vector<1x1x16xf32>,
        %get3A_707 = vector.shape_cast %get3A_706 : vector<1x1x16xf32> to vector<16xf32>
        %mul3A_708 = arith.constant 22.6274166 : f32
        %mul3A_709 = vector.broadcast %mul3A_708 : f32 to vector<16xf32>
        %mul3A_710 = arith.mulf %get3A_707, %mul3A_709 : vector<16xf32>
        %swap3A_711 = arith.constant 1 : i32
        %swap3A_712 = arith.index_cast %swap3A_711 : i32 to index
        %swap3A_713 = arith.index_cast %scan3A_287 : i32 to index
        %swap3A_714 = arith.constant 416 : index
        %swap3A_715 = tpu.vector_load %arg6[%swap3A_712, %swap3A_713, %swap3A_714] {strides = array<i32>} : memref<4x56x512xf32, #tpu.memory_space<vmem>>, vector<1x1x16xf32>,
        %swap3A_716 = vector.shape_cast %swap3A_715 : vector<1x1x16xf32> to vector<16xf32>
        %swap3A_717 = vector.shape_cast %mul3A_710 : vector<16xf32> to vector<1x1x16xf32>
        tpu.vector_store %arg6[%swap3A_712, %swap3A_713, %swap3A_714], %swap3A_717 {strides = array<i32>} : memref<4x56x512xf32, #tpu.memory_space<vmem>>, vector<1x1x16xf32>,
        %get3A_718 = arith.constant 1 : i32
        %get3A_719 = arith.index_cast %get3A_718 : i32 to index
        %get3A_720 = arith.index_cast %scan3A_287 : i32 to index
        %get3A_721 = arith.constant 432 : index
        %get3A_722 = tpu.vector_load %arg6[%get3A_719, %get3A_720, %get3A_721] {strides = array<i32>} : memref<4x56x512xf32, #tpu.memory_space<vmem>>, vector<1x1x16xf32>,
        %get3A_723 = vector.shape_cast %get3A_722 : vector<1x1x16xf32> to vector<16xf32>
        %mul3A_724 = arith.constant 22.6274166 : f32
        %mul3A_725 = vector.broadcast %mul3A_724 : f32 to vector<16xf32>
        %mul3A_726 = arith.mulf %get3A_723, %mul3A_725 : vector<16xf32>
        %swap3A_727 = arith.constant 1 : i32
        %swap3A_728 = arith.index_cast %swap3A_727 : i32 to index
        %swap3A_729 = arith.index_cast %scan3A_287 : i32 to index
        %swap3A_730 = arith.constant 432 : index
        %swap3A_731 = tpu.vector_load %arg6[%swap3A_728, %swap3A_729, %swap3A_730] {strides = array<i32>} : memref<4x56x512xf32, #tpu.memory_space<vmem>>, vector<1x1x16xf32>,
        %swap3A_732 = vector.shape_cast %swap3A_731 : vector<1x1x16xf32> to vector<16xf32>
        %swap3A_733 = vector.shape_cast %mul3A_726 : vector<16xf32> to vector<1x1x16xf32>
        tpu.vector_store %arg6[%swap3A_728, %swap3A_729, %swap3A_730], %swap3A_733 {strides = array<i32>} : memref<4x56x512xf32, #tpu.memory_space<vmem>>, vector<1x1x16xf32>,
        %get3A_734 = arith.constant 1 : i32
        %get3A_735 = arith.index_cast %get3A_734 : i32 to index
        %get3A_736 = arith.index_cast %scan3A_287 : i32 to index
        %get3A_737 = arith.constant 448 : index
        %get3A_738 = tpu.vector_load %arg6[%get3A_735, %get3A_736, %get3A_737] {strides = array<i32>} : memref<4x56x512xf32, #tpu.memory_space<vmem>>, vector<1x1x16xf32>,
        %get3A_739 = vector.shape_cast %get3A_738 : vector<1x1x16xf32> to vector<16xf32>
        %mul3A_740 = arith.constant 22.6274166 : f32
        %mul3A_741 = vector.broadcast %mul3A_740 : f32 to vector<16xf32>
        %mul3A_742 = arith.mulf %get3A_739, %mul3A_741 : vector<16xf32>
        %swap3A_743 = arith.constant 1 : i32
        %swap3A_744 = arith.index_cast %swap3A_743 : i32 to index
        %swap3A_745 = arith.index_cast %scan3A_287 : i32 to index
        %swap3A_746 = arith.constant 448 : index
        %swap3A_747 = tpu.vector_load %arg6[%swap3A_744, %swap3A_745, %swap3A_746] {strides = array<i32>} : memref<4x56x512xf32, #tpu.memory_space<vmem>>, vector<1x1x16xf32>,
        %swap3A_748 = vector.shape_cast %swap3A_747 : vector<1x1x16xf32> to vector<16xf32>
        %swap3A_749 = vector.shape_cast %mul3A_742 : vector<16xf32> to vector<1x1x16xf32>
        tpu.vector_store %arg6[%swap3A_744, %swap3A_745, %swap3A_746], %swap3A_749 {strides = array<i32>} : memref<4x56x512xf32, #tpu.memory_space<vmem>>, vector<1x1x16xf32>,
        %get3A_750 = arith.constant 1 : i32
        %get3A_751 = arith.index_cast %get3A_750 : i32 to index
        %get3A_752 = arith.index_cast %scan3A_287 : i32 to index
        %get3A_753 = arith.constant 464 : index
        %get3A_754 = tpu.vector_load %arg6[%get3A_751, %get3A_752, %get3A_753] {strides = array<i32>} : memref<4x56x512xf32, #tpu.memory_space<vmem>>, vector<1x1x16xf32>,
        %get3A_755 = vector.shape_cast %get3A_754 : vector<1x1x16xf32> to vector<16xf32>
        %mul3A_756 = arith.constant 22.6274166 : f32
        %mul3A_757 = vector.broadcast %mul3A_756 : f32 to vector<16xf32>
        %mul3A_758 = arith.mulf %get3A_755, %mul3A_757 : vector<16xf32>
        %swap3A_759 = arith.constant 1 : i32
        %swap3A_760 = arith.index_cast %swap3A_759 : i32 to index
        %swap3A_761 = arith.index_cast %scan3A_287 : i32 to index
        %swap3A_762 = arith.constant 464 : index
        %swap3A_763 = tpu.vector_load %arg6[%swap3A_760, %swap3A_761, %swap3A_762] {strides = array<i32>} : memref<4x56x512xf32, #tpu.memory_space<vmem>>, vector<1x1x16xf32>,
        %swap3A_764 = vector.shape_cast %swap3A_763 : vector<1x1x16xf32> to vector<16xf32>
        %swap3A_765 = vector.shape_cast %mul3A_758 : vector<16xf32> to vector<1x1x16xf32>
        tpu.vector_store %arg6[%swap3A_760, %swap3A_761, %swap3A_762], %swap3A_765 {strides = array<i32>} : memref<4x56x512xf32, #tpu.memory_space<vmem>>, vector<1x1x16xf32>,
        %get3A_766 = arith.constant 1 : i32
        %get3A_767 = arith.index_cast %get3A_766 : i32 to index
        %get3A_768 = arith.index_cast %scan3A_287 : i32 to index
        %get3A_769 = arith.constant 480 : index
        %get3A_770 = tpu.vector_load %arg6[%get3A_767, %get3A_768, %get3A_769] {strides = array<i32>} : memref<4x56x512xf32, #tpu.memory_space<vmem>>, vector<1x1x16xf32>,
        %get3A_771 = vector.shape_cast %get3A_770 : vector<1x1x16xf32> to vector<16xf32>
        %mul3A_772 = arith.constant 22.6274166 : f32
        %mul3A_773 = vector.broadcast %mul3A_772 : f32 to vector<16xf32>
        %mul3A_774 = arith.mulf %get3A_771, %mul3A_773 : vector<16xf32>
        %swap3A_775 = arith.constant 1 : i32
        %swap3A_776 = arith.index_cast %swap3A_775 : i32 to index
        %swap3A_777 = arith.index_cast %scan3A_287 : i32 to index
        %swap3A_778 = arith.constant 480 : index
        %swap3A_779 = tpu.vector_load %arg6[%swap3A_776, %swap3A_777, %swap3A_778] {strides = array<i32>} : memref<4x56x512xf32, #tpu.memory_space<vmem>>, vector<1x1x16xf32>,
        %swap3A_780 = vector.shape_cast %swap3A_779 : vector<1x1x16xf32> to vector<16xf32>
        %swap3A_781 = vector.shape_cast %mul3A_774 : vector<16xf32> to vector<1x1x16xf32>
        tpu.vector_store %arg6[%swap3A_776, %swap3A_777, %swap3A_778], %swap3A_781 {strides = array<i32>} : memref<4x56x512xf32, #tpu.memory_space<vmem>>, vector<1x1x16xf32>,
        %get3A_782 = arith.constant 1 : i32
        %get3A_783 = arith.index_cast %get3A_782 : i32 to index
        %get3A_784 = arith.index_cast %scan3A_287 : i32 to index
        %get3A_785 = arith.constant 496 : index
        %get3A_786 = tpu.vector_load %arg6[%get3A_783, %get3A_784, %get3A_785] {strides = array<i32>} : memref<4x56x512xf32, #tpu.memory_space<vmem>>, vector<1x1x16xf32>,
        %get3A_787 = vector.shape_cast %get3A_786 : vector<1x1x16xf32> to vector<16xf32>
        %mul3A_788 = arith.constant 22.6274166 : f32
        %mul3A_789 = vector.broadcast %mul3A_788 : f32 to vector<16xf32>
        %mul3A_790 = arith.mulf %get3A_787, %mul3A_789 : vector<16xf32>
        %swap3A_791 = arith.constant 1 : i32
        %swap3A_792 = arith.index_cast %swap3A_791 : i32 to index
        %swap3A_793 = arith.index_cast %scan3A_287 : i32 to index
        %swap3A_794 = arith.constant 496 : index
        %swap3A_795 = tpu.vector_load %arg6[%swap3A_792, %swap3A_793, %swap3A_794] {strides = array<i32>} : memref<4x56x512xf32, #tpu.memory_space<vmem>>, vector<1x1x16xf32>,
        %swap3A_796 = vector.shape_cast %swap3A_795 : vector<1x1x16xf32> to vector<16xf32>
        %swap3A_797 = vector.shape_cast %mul3A_790 : vector<16xf32> to vector<1x1x16xf32>
        tpu.vector_store %arg6[%swap3A_792, %swap3A_793, %swap3A_794], %swap3A_797 {strides = array<i32>} : memref<4x56x512xf32, #tpu.memory_space<vmem>>, vector<1x1x16xf32>,
      }
      %scan3A_169 = arith.constant 50 : i32
      %add3A_170 = arith.addi %mul3A_2, %add3A_152 : i32
      %mul3A_171 = arith.constant 56 : i32
      %mul3A_172 = arith.muli %add3A_170, %mul3A_171 : i32
      %dma_start3A_173 = arith.constant 1 : i32
      %dma_start3A_174 = arith.constant 0 : i32
      %dma_start3A_175 = arith.constant 0 : i32
      %dma_start3A_176 = tpu.memref_slice %arg6[%dma_start3A_173, %dma_start3A_174, %dma_start3A_175] : memref<4x56x512xf32, #tpu.memory_space<vmem>> -> memref<1x56x512xf32, #tpu.memory_space<vmem>>
      %dma_start3A_177 = tpu.memref_squeeze %dma_start3A_176 : memref<1x56x512xf32, #tpu.memory_space<vmem>> -> memref<56x512xf32, #tpu.memory_space<vmem>>
      %dma_start3A_178 = arith.constant 0 : i32
      %dma_start3A_179 = tpu.memref_slice %arg4[%mul3A_172, %dma_start3A_178] : memref<229376x512xf32, #tpu.memory_space<hbm>> -> memref<56x512xf32, #tpu.memory_space<hbm>>
      %dma_start3A_180 = arith.constant 0 : i32
      %dma_start3A_181 = tpu.memref_slice %arg4[%mul3A_172, %dma_start3A_180] : memref<229376x512xf32, #tpu.memory_space<hbm>> -> memref<56x512xf32, #tpu.memory_space<hbm>>
      %dma_start3A_182 = arith.constant 0 : i32
      %dma_start3A_183 = arith.constant 0 : i32
      %dma_start3A_184 = tpu.memref_slice %arg6[%dma_start3A_173, %dma_start3A_182, %dma_start3A_183] : memref<4x56x512xf32, #tpu.memory_space<vmem>> -> memref<1x56x512xf32, #tpu.memory_space<vmem>>
      %dma_start3A_185 = tpu.memref_squeeze %dma_start3A_184 : memref<1x56x512xf32, #tpu.memory_space<vmem>> -> memref<56x512xf32, #tpu.memory_space<vmem>>
      tpu.enqueue_dma source(%dma_start3A_185 : memref<56x512xf32, #tpu.memory_space<vmem>>) target(%dma_start3A_181 : memref<56x512xf32, #tpu.memory_space<hbm>>) target_semaphore(%arg12 : memref<!tpu.dma_semaphore, #tpu.memory_space<semaphore_mem>>)
      %ge3A_186 = arith.constant 1 : i32
      %ge3A_187 = arith.cmpi sge, %scan3A_96, %ge3A_186 : i32
      %convert_element_type3A_188 = arith.extui %ge3A_187 : i1 to i32
      %cond3A_189 = arith.constant 0 : i32
      %cond3A_190 = arith.cmpi ne, %convert_element_type3A_188, %cond3A_189 : i32
      scf.if %cond3A_190 {
        %sub3A = arith.constant 2 : i32
        %sub3A_287 = arith.subi %add3A_152, %sub3A : i32
        %add3A_288 = arith.addi %mul3A_2, %sub3A_287 : i32
        %mul3A_289 = arith.constant 56 : i32
        %mul3A_290 = arith.muli %add3A_288, %mul3A_289 : i32
        %dma_wait3A_291 = arith.constant 3 : i32
        %dma_wait3A_292 = arith.constant 0 : i32
        %dma_wait3A_293 = arith.constant 0 : i32
        %dma_wait3A_294 = tpu.memref_slice %arg6[%dma_wait3A_291, %dma_wait3A_292, %dma_wait3A_293] : memref<4x56x512xf32, #tpu.memory_space<vmem>> -> memref<1x56x512xf32, #tpu.memory_space<vmem>>
        %dma_wait3A_295 = tpu.memref_squeeze %dma_wait3A_294 : memref<1x56x512xf32, #tpu.memory_space<vmem>> -> memref<56x512xf32, #tpu.memory_space<vmem>>
        %dma_wait3A_296 = arith.constant 0 : i32
        %dma_wait3A_297 = tpu.memref_slice %arg4[%mul3A_290, %dma_wait3A_296] : memref<229376x512xf32, #tpu.memory_space<hbm>> -> memref<56x512xf32, #tpu.memory_space<hbm>>
        %dma_wait3A_298 = arith.constant 0 : i32
        %dma_wait3A_299 = tpu.memref_slice %arg4[%mul3A_290, %dma_wait3A_298] : memref<229376x512xf32, #tpu.memory_space<hbm>> -> memref<56x512xf32, #tpu.memory_space<hbm>>
        %dma_wait3A_300 = arith.constant 0 : i32
        %dma_wait3A_301 = arith.constant 0 : i32
        %dma_wait3A_302 = tpu.memref_slice %arg6[%dma_wait3A_291, %dma_wait3A_300, %dma_wait3A_301] : memref<4x56x512xf32, #tpu.memory_space<vmem>> -> memref<1x56x512xf32, #tpu.memory_space<vmem>>
        %dma_wait3A_303 = tpu.memref_squeeze %dma_wait3A_302 : memref<1x56x512xf32, #tpu.memory_space<vmem>> -> memref<56x512xf32, #tpu.memory_space<vmem>>
        tpu.wait_dma2 semaphore(%arg14 : memref<!tpu.dma_semaphore, #tpu.memory_space<semaphore_mem>>) src(%dma_wait3A_303 : memref<56x512xf32, #tpu.memory_space<vmem>>) dst(%dma_wait3A_299 : memref<56x512xf32, #tpu.memory_space<hbm>>)
      } else {
      }
      %add3A_191 = arith.constant 2 : i32
      %add3A_192 = arith.addi %add3A_152, %add3A_191 : i32
      %mul3A_193 = arith.constant 56 : i32
      %mul3A_194 = arith.muli %add3A_192, %mul3A_193 : i32
      %dma_start3A_195 = arith.constant 3 : i32
      %dma_start3A_196 = arith.constant 0 : i32
      %dma_start3A_197 = arith.constant 0 : i32
      %dma_start3A_198 = tpu.memref_slice %arg6[%dma_start3A_195, %dma_start3A_196, %dma_start3A_197] : memref<4x56x512xf32, #tpu.memory_space<vmem>> -> memref<1x56x512xf32, #tpu.memory_space<vmem>>
      %dma_start3A_199 = tpu.memref_squeeze %dma_start3A_198 : memref<1x56x512xf32, #tpu.memory_space<vmem>> -> memref<56x512xf32, #tpu.memory_space<vmem>>
      %dma_start3A_200 = tpu.memref_slice %arg5[%mul3A_194] : memref<7168xi32, #tpu.memory_space<vmem>> -> memref<56xi32, #tpu.memory_space<vmem>>
      %dma_start3A_201 = arith.constant 0 : i32
      %dma_start3A_202 = arith.constant 0 : i32
      %dma_start3A_203 = tpu.memref_slice %arg3[%dma_start3A_201, %dma_start3A_202] : memref<32678x512xf32, #tpu.memory_space<hbm>> -> memref<32678x512xf32, #tpu.memory_space<hbm>>
      tpu.enqueue_indirect_dma source(%dma_start3A_203 : memref<32678x512xf32, #tpu.memory_space<hbm>>) target(%dma_start3A_199 : memref<56x512xf32, #tpu.memory_space<vmem>>) offsets(%dma_start3A_200 : memref<56xi32, #tpu.memory_space<vmem>>) semaphore(%arg10 : memref<!tpu.dma_semaphore, #tpu.memory_space<semaphore_mem>>)
      %mul3A_204 = arith.constant 4 : i32
      %mul3A_205 = arith.muli %scan3A_96, %mul3A_204 : i32
      %add3A_206 = arith.constant 2 : i32
      %add3A_207 = arith.addi %mul3A_205, %add3A_206 : i32
      %mul3A_208 = arith.constant 56 : i32
      %mul3A_209 = arith.muli %add3A_207, %mul3A_208 : i32
      %dma_wait3A_210 = arith.constant 2 : i32
      %dma_wait3A_211 = arith.constant 0 : i32
      %dma_wait3A_212 = arith.constant 0 : i32
      %dma_wait3A_213 = tpu.memref_slice %arg6[%dma_wait3A_210, %dma_wait3A_211, %dma_wait3A_212] : memref<4x56x512xf32, #tpu.memory_space<vmem>> -> memref<1x56x512xf32, #tpu.memory_space<vmem>>
      %dma_wait3A_214 = tpu.memref_squeeze %dma_wait3A_213 : memref<1x56x512xf32, #tpu.memory_space<vmem>> -> memref<56x512xf32, #tpu.memory_space<vmem>>
      %dma_wait3A_215 = tpu.memref_slice %arg5[%mul3A_209] : memref<7168xi32, #tpu.memory_space<vmem>> -> memref<56xi32, #tpu.memory_space<vmem>>
      %dma_wait3A_216 = arith.constant 0 : i32
      %dma_wait3A_217 = arith.constant 0 : i32
      %dma_wait3A_218 = tpu.memref_slice %arg3[%dma_wait3A_216, %dma_wait3A_217] : memref<32678x512xf32, #tpu.memory_space<hbm>> -> memref<32678x512xf32, #tpu.memory_space<hbm>>
      tpu.wait_indirect_dma semaphore(%arg9 : memref<!tpu.dma_semaphore, #tpu.memory_space<semaphore_mem>>) src(%dma_wait3A_218 : memref<32678x512xf32, #tpu.memory_space<hbm>>) dst(%dma_wait3A_214 : memref<56x512xf32, #tpu.memory_space<vmem>>)
      %scan3A_219 = arith.constant 0 : i32
      %scan3A_220 = arith.constant 0 : i32
      %scan3A_221 = arith.constant 50 : i32
      %scan3A_222 = arith.addi %scan3A_220, %scan3A_221 : i32
      %scan3A_223 = arith.constant 1 : i32
      scf.for %scan3A_287 = %scan3A_220 to %scan3A_222 step %scan3A_223  : i32 {
        %get3A = arith.constant 2 : i32
        %get3A_288 = arith.index_cast %get3A : i32 to index
        %get3A_289 = arith.index_cast %scan3A_287 : i32 to index
        %get3A_290 = arith.constant 0 : index
        %get3A_291 = tpu.vector_load %arg6[%get3A_288, %get3A_289, %get3A_290] {strides = array<i32>} : memref<4x56x512xf32, #tpu.memory_space<vmem>>, vector<1x1x16xf32>,
        %get3A_292 = vector.shape_cast %get3A_291 : vector<1x1x16xf32> to vector<16xf32>
        %mul3A_293 = arith.constant 22.6274166 : f32
        %mul3A_294 = vector.broadcast %mul3A_293 : f32 to vector<16xf32>
        %mul3A_295 = arith.mulf %get3A_292, %mul3A_294 : vector<16xf32>
        %swap3A = arith.constant 2 : i32
        %swap3A_296 = arith.index_cast %swap3A : i32 to index
        %swap3A_297 = arith.index_cast %scan3A_287 : i32 to index
        %swap3A_298 = arith.constant 0 : index
        %swap3A_299 = tpu.vector_load %arg6[%swap3A_296, %swap3A_297, %swap3A_298] {strides = array<i32>} : memref<4x56x512xf32, #tpu.memory_space<vmem>>, vector<1x1x16xf32>,
        %swap3A_300 = vector.shape_cast %swap3A_299 : vector<1x1x16xf32> to vector<16xf32>
        %swap3A_301 = vector.shape_cast %mul3A_295 : vector<16xf32> to vector<1x1x16xf32>
        tpu.vector_store %arg6[%swap3A_296, %swap3A_297, %swap3A_298], %swap3A_301 {strides = array<i32>} : memref<4x56x512xf32, #tpu.memory_space<vmem>>, vector<1x1x16xf32>,
        %get3A_302 = arith.constant 2 : i32
        %get3A_303 = arith.index_cast %get3A_302 : i32 to index
        %get3A_304 = arith.index_cast %scan3A_287 : i32 to index
        %get3A_305 = arith.constant 16 : index
        %get3A_306 = tpu.vector_load %arg6[%get3A_303, %get3A_304, %get3A_305] {strides = array<i32>} : memref<4x56x512xf32, #tpu.memory_space<vmem>>, vector<1x1x16xf32>,
        %get3A_307 = vector.shape_cast %get3A_306 : vector<1x1x16xf32> to vector<16xf32>
        %mul3A_308 = arith.constant 22.6274166 : f32
        %mul3A_309 = vector.broadcast %mul3A_308 : f32 to vector<16xf32>
        %mul3A_310 = arith.mulf %get3A_307, %mul3A_309 : vector<16xf32>
        %swap3A_311 = arith.constant 2 : i32
        %swap3A_312 = arith.index_cast %swap3A_311 : i32 to index
        %swap3A_313 = arith.index_cast %scan3A_287 : i32 to index
        %swap3A_314 = arith.constant 16 : index
        %swap3A_315 = tpu.vector_load %arg6[%swap3A_312, %swap3A_313, %swap3A_314] {strides = array<i32>} : memref<4x56x512xf32, #tpu.memory_space<vmem>>, vector<1x1x16xf32>,
        %swap3A_316 = vector.shape_cast %swap3A_315 : vector<1x1x16xf32> to vector<16xf32>
        %swap3A_317 = vector.shape_cast %mul3A_310 : vector<16xf32> to vector<1x1x16xf32>
        tpu.vector_store %arg6[%swap3A_312, %swap3A_313, %swap3A_314], %swap3A_317 {strides = array<i32>} : memref<4x56x512xf32, #tpu.memory_space<vmem>>, vector<1x1x16xf32>,
        %get3A_318 = arith.constant 2 : i32
        %get3A_319 = arith.index_cast %get3A_318 : i32 to index
        %get3A_320 = arith.index_cast %scan3A_287 : i32 to index
        %get3A_321 = arith.constant 32 : index
        %get3A_322 = tpu.vector_load %arg6[%get3A_319, %get3A_320, %get3A_321] {strides = array<i32>} : memref<4x56x512xf32, #tpu.memory_space<vmem>>, vector<1x1x16xf32>,
        %get3A_323 = vector.shape_cast %get3A_322 : vector<1x1x16xf32> to vector<16xf32>
        %mul3A_324 = arith.constant 22.6274166 : f32
        %mul3A_325 = vector.broadcast %mul3A_324 : f32 to vector<16xf32>
        %mul3A_326 = arith.mulf %get3A_323, %mul3A_325 : vector<16xf32>
        %swap3A_327 = arith.constant 2 : i32
        %swap3A_328 = arith.index_cast %swap3A_327 : i32 to index
        %swap3A_329 = arith.index_cast %scan3A_287 : i32 to index
        %swap3A_330 = arith.constant 32 : index
        %swap3A_331 = tpu.vector_load %arg6[%swap3A_328, %swap3A_329, %swap3A_330] {strides = array<i32>} : memref<4x56x512xf32, #tpu.memory_space<vmem>>, vector<1x1x16xf32>,
        %swap3A_332 = vector.shape_cast %swap3A_331 : vector<1x1x16xf32> to vector<16xf32>
        %swap3A_333 = vector.shape_cast %mul3A_326 : vector<16xf32> to vector<1x1x16xf32>
        tpu.vector_store %arg6[%swap3A_328, %swap3A_329, %swap3A_330], %swap3A_333 {strides = array<i32>} : memref<4x56x512xf32, #tpu.memory_space<vmem>>, vector<1x1x16xf32>,
        %get3A_334 = arith.constant 2 : i32
        %get3A_335 = arith.index_cast %get3A_334 : i32 to index
        %get3A_336 = arith.index_cast %scan3A_287 : i32 to index
        %get3A_337 = arith.constant 48 : index
        %get3A_338 = tpu.vector_load %arg6[%get3A_335, %get3A_336, %get3A_337] {strides = array<i32>} : memref<4x56x512xf32, #tpu.memory_space<vmem>>, vector<1x1x16xf32>,
        %get3A_339 = vector.shape_cast %get3A_338 : vector<1x1x16xf32> to vector<16xf32>
        %mul3A_340 = arith.constant 22.6274166 : f32
        %mul3A_341 = vector.broadcast %mul3A_340 : f32 to vector<16xf32>
        %mul3A_342 = arith.mulf %get3A_339, %mul3A_341 : vector<16xf32>
        %swap3A_343 = arith.constant 2 : i32
        %swap3A_344 = arith.index_cast %swap3A_343 : i32 to index
        %swap3A_345 = arith.index_cast %scan3A_287 : i32 to index
        %swap3A_346 = arith.constant 48 : index
        %swap3A_347 = tpu.vector_load %arg6[%swap3A_344, %swap3A_345, %swap3A_346] {strides = array<i32>} : memref<4x56x512xf32, #tpu.memory_space<vmem>>, vector<1x1x16xf32>,
        %swap3A_348 = vector.shape_cast %swap3A_347 : vector<1x1x16xf32> to vector<16xf32>
        %swap3A_349 = vector.shape_cast %mul3A_342 : vector<16xf32> to vector<1x1x16xf32>
        tpu.vector_store %arg6[%swap3A_344, %swap3A_345, %swap3A_346], %swap3A_349 {strides = array<i32>} : memref<4x56x512xf32, #tpu.memory_space<vmem>>, vector<1x1x16xf32>,
        %get3A_350 = arith.constant 2 : i32
        %get3A_351 = arith.index_cast %get3A_350 : i32 to index
        %get3A_352 = arith.index_cast %scan3A_287 : i32 to index
        %get3A_353 = arith.constant 64 : index
        %get3A_354 = tpu.vector_load %arg6[%get3A_351, %get3A_352, %get3A_353] {strides = array<i32>} : memref<4x56x512xf32, #tpu.memory_space<vmem>>, vector<1x1x16xf32>,
        %get3A_355 = vector.shape_cast %get3A_354 : vector<1x1x16xf32> to vector<16xf32>
        %mul3A_356 = arith.constant 22.6274166 : f32
        %mul3A_357 = vector.broadcast %mul3A_356 : f32 to vector<16xf32>
        %mul3A_358 = arith.mulf %get3A_355, %mul3A_357 : vector<16xf32>
        %swap3A_359 = arith.constant 2 : i32
        %swap3A_360 = arith.index_cast %swap3A_359 : i32 to index
        %swap3A_361 = arith.index_cast %scan3A_287 : i32 to index
        %swap3A_362 = arith.constant 64 : index
        %swap3A_363 = tpu.vector_load %arg6[%swap3A_360, %swap3A_361, %swap3A_362] {strides = array<i32>} : memref<4x56x512xf32, #tpu.memory_space<vmem>>, vector<1x1x16xf32>,
        %swap3A_364 = vector.shape_cast %swap3A_363 : vector<1x1x16xf32> to vector<16xf32>
        %swap3A_365 = vector.shape_cast %mul3A_358 : vector<16xf32> to vector<1x1x16xf32>
        tpu.vector_store %arg6[%swap3A_360, %swap3A_361, %swap3A_362], %swap3A_365 {strides = array<i32>} : memref<4x56x512xf32, #tpu.memory_space<vmem>>, vector<1x1x16xf32>,
        %get3A_366 = arith.constant 2 : i32
        %get3A_367 = arith.index_cast %get3A_366 : i32 to index
        %get3A_368 = arith.index_cast %scan3A_287 : i32 to index
        %get3A_369 = arith.constant 80 : index
        %get3A_370 = tpu.vector_load %arg6[%get3A_367, %get3A_368, %get3A_369] {strides = array<i32>} : memref<4x56x512xf32, #tpu.memory_space<vmem>>, vector<1x1x16xf32>,
        %get3A_371 = vector.shape_cast %get3A_370 : vector<1x1x16xf32> to vector<16xf32>
        %mul3A_372 = arith.constant 22.6274166 : f32
        %mul3A_373 = vector.broadcast %mul3A_372 : f32 to vector<16xf32>
        %mul3A_374 = arith.mulf %get3A_371, %mul3A_373 : vector<16xf32>
        %swap3A_375 = arith.constant 2 : i32
        %swap3A_376 = arith.index_cast %swap3A_375 : i32 to index
        %swap3A_377 = arith.index_cast %scan3A_287 : i32 to index
        %swap3A_378 = arith.constant 80 : index
        %swap3A_379 = tpu.vector_load %arg6[%swap3A_376, %swap3A_377, %swap3A_378] {strides = array<i32>} : memref<4x56x512xf32, #tpu.memory_space<vmem>>, vector<1x1x16xf32>,
        %swap3A_380 = vector.shape_cast %swap3A_379 : vector<1x1x16xf32> to vector<16xf32>
        %swap3A_381 = vector.shape_cast %mul3A_374 : vector<16xf32> to vector<1x1x16xf32>
        tpu.vector_store %arg6[%swap3A_376, %swap3A_377, %swap3A_378], %swap3A_381 {strides = array<i32>} : memref<4x56x512xf32, #tpu.memory_space<vmem>>, vector<1x1x16xf32>,
        %get3A_382 = arith.constant 2 : i32
        %get3A_383 = arith.index_cast %get3A_382 : i32 to index
        %get3A_384 = arith.index_cast %scan3A_287 : i32 to index
        %get3A_385 = arith.constant 96 : index
        %get3A_386 = tpu.vector_load %arg6[%get3A_383, %get3A_384, %get3A_385] {strides = array<i32>} : memref<4x56x512xf32, #tpu.memory_space<vmem>>, vector<1x1x16xf32>,
        %get3A_387 = vector.shape_cast %get3A_386 : vector<1x1x16xf32> to vector<16xf32>
        %mul3A_388 = arith.constant 22.6274166 : f32
        %mul3A_389 = vector.broadcast %mul3A_388 : f32 to vector<16xf32>
        %mul3A_390 = arith.mulf %get3A_387, %mul3A_389 : vector<16xf32>
        %swap3A_391 = arith.constant 2 : i32
        %swap3A_392 = arith.index_cast %swap3A_391 : i32 to index
        %swap3A_393 = arith.index_cast %scan3A_287 : i32 to index
        %swap3A_394 = arith.constant 96 : index
        %swap3A_395 = tpu.vector_load %arg6[%swap3A_392, %swap3A_393, %swap3A_394] {strides = array<i32>} : memref<4x56x512xf32, #tpu.memory_space<vmem>>, vector<1x1x16xf32>,
        %swap3A_396 = vector.shape_cast %swap3A_395 : vector<1x1x16xf32> to vector<16xf32>
        %swap3A_397 = vector.shape_cast %mul3A_390 : vector<16xf32> to vector<1x1x16xf32>
        tpu.vector_store %arg6[%swap3A_392, %swap3A_393, %swap3A_394], %swap3A_397 {strides = array<i32>} : memref<4x56x512xf32, #tpu.memory_space<vmem>>, vector<1x1x16xf32>,
        %get3A_398 = arith.constant 2 : i32
        %get3A_399 = arith.index_cast %get3A_398 : i32 to index
        %get3A_400 = arith.index_cast %scan3A_287 : i32 to index
        %get3A_401 = arith.constant 112 : index
        %get3A_402 = tpu.vector_load %arg6[%get3A_399, %get3A_400, %get3A_401] {strides = array<i32>} : memref<4x56x512xf32, #tpu.memory_space<vmem>>, vector<1x1x16xf32>,
        %get3A_403 = vector.shape_cast %get3A_402 : vector<1x1x16xf32> to vector<16xf32>
        %mul3A_404 = arith.constant 22.6274166 : f32
        %mul3A_405 = vector.broadcast %mul3A_404 : f32 to vector<16xf32>
        %mul3A_406 = arith.mulf %get3A_403, %mul3A_405 : vector<16xf32>
        %swap3A_407 = arith.constant 2 : i32
        %swap3A_408 = arith.index_cast %swap3A_407 : i32 to index
        %swap3A_409 = arith.index_cast %scan3A_287 : i32 to index
        %swap3A_410 = arith.constant 112 : index
        %swap3A_411 = tpu.vector_load %arg6[%swap3A_408, %swap3A_409, %swap3A_410] {strides = array<i32>} : memref<4x56x512xf32, #tpu.memory_space<vmem>>, vector<1x1x16xf32>,
        %swap3A_412 = vector.shape_cast %swap3A_411 : vector<1x1x16xf32> to vector<16xf32>
        %swap3A_413 = vector.shape_cast %mul3A_406 : vector<16xf32> to vector<1x1x16xf32>
        tpu.vector_store %arg6[%swap3A_408, %swap3A_409, %swap3A_410], %swap3A_413 {strides = array<i32>} : memref<4x56x512xf32, #tpu.memory_space<vmem>>, vector<1x1x16xf32>,
        %get3A_414 = arith.constant 2 : i32
        %get3A_415 = arith.index_cast %get3A_414 : i32 to index
        %get3A_416 = arith.index_cast %scan3A_287 : i32 to index
        %get3A_417 = arith.constant 128 : index
        %get3A_418 = tpu.vector_load %arg6[%get3A_415, %get3A_416, %get3A_417] {strides = array<i32>} : memref<4x56x512xf32, #tpu.memory_space<vmem>>, vector<1x1x16xf32>,
        %get3A_419 = vector.shape_cast %get3A_418 : vector<1x1x16xf32> to vector<16xf32>
        %mul3A_420 = arith.constant 22.6274166 : f32
        %mul3A_421 = vector.broadcast %mul3A_420 : f32 to vector<16xf32>
        %mul3A_422 = arith.mulf %get3A_419, %mul3A_421 : vector<16xf32>
        %swap3A_423 = arith.constant 2 : i32
        %swap3A_424 = arith.index_cast %swap3A_423 : i32 to index
        %swap3A_425 = arith.index_cast %scan3A_287 : i32 to index
        %swap3A_426 = arith.constant 128 : index
        %swap3A_427 = tpu.vector_load %arg6[%swap3A_424, %swap3A_425, %swap3A_426] {strides = array<i32>} : memref<4x56x512xf32, #tpu.memory_space<vmem>>, vector<1x1x16xf32>,
        %swap3A_428 = vector.shape_cast %swap3A_427 : vector<1x1x16xf32> to vector<16xf32>
        %swap3A_429 = vector.shape_cast %mul3A_422 : vector<16xf32> to vector<1x1x16xf32>
        tpu.vector_store %arg6[%swap3A_424, %swap3A_425, %swap3A_426], %swap3A_429 {strides = array<i32>} : memref<4x56x512xf32, #tpu.memory_space<vmem>>, vector<1x1x16xf32>,
        %get3A_430 = arith.constant 2 : i32
        %get3A_431 = arith.index_cast %get3A_430 : i32 to index
        %get3A_432 = arith.index_cast %scan3A_287 : i32 to index
        %get3A_433 = arith.constant 144 : index
        %get3A_434 = tpu.vector_load %arg6[%get3A_431, %get3A_432, %get3A_433] {strides = array<i32>} : memref<4x56x512xf32, #tpu.memory_space<vmem>>, vector<1x1x16xf32>,
        %get3A_435 = vector.shape_cast %get3A_434 : vector<1x1x16xf32> to vector<16xf32>
        %mul3A_436 = arith.constant 22.6274166 : f32
        %mul3A_437 = vector.broadcast %mul3A_436 : f32 to vector<16xf32>
        %mul3A_438 = arith.mulf %get3A_435, %mul3A_437 : vector<16xf32>
        %swap3A_439 = arith.constant 2 : i32
        %swap3A_440 = arith.index_cast %swap3A_439 : i32 to index
        %swap3A_441 = arith.index_cast %scan3A_287 : i32 to index
        %swap3A_442 = arith.constant 144 : index
        %swap3A_443 = tpu.vector_load %arg6[%swap3A_440, %swap3A_441, %swap3A_442] {strides = array<i32>} : memref<4x56x512xf32, #tpu.memory_space<vmem>>, vector<1x1x16xf32>,
        %swap3A_444 = vector.shape_cast %swap3A_443 : vector<1x1x16xf32> to vector<16xf32>
        %swap3A_445 = vector.shape_cast %mul3A_438 : vector<16xf32> to vector<1x1x16xf32>
        tpu.vector_store %arg6[%swap3A_440, %swap3A_441, %swap3A_442], %swap3A_445 {strides = array<i32>} : memref<4x56x512xf32, #tpu.memory_space<vmem>>, vector<1x1x16xf32>,
        %get3A_446 = arith.constant 2 : i32
        %get3A_447 = arith.index_cast %get3A_446 : i32 to index
        %get3A_448 = arith.index_cast %scan3A_287 : i32 to index
        %get3A_449 = arith.constant 160 : index
        %get3A_450 = tpu.vector_load %arg6[%get3A_447, %get3A_448, %get3A_449] {strides = array<i32>} : memref<4x56x512xf32, #tpu.memory_space<vmem>>, vector<1x1x16xf32>,
        %get3A_451 = vector.shape_cast %get3A_450 : vector<1x1x16xf32> to vector<16xf32>
        %mul3A_452 = arith.constant 22.6274166 : f32
        %mul3A_453 = vector.broadcast %mul3A_452 : f32 to vector<16xf32>
        %mul3A_454 = arith.mulf %get3A_451, %mul3A_453 : vector<16xf32>
        %swap3A_455 = arith.constant 2 : i32
        %swap3A_456 = arith.index_cast %swap3A_455 : i32 to index
        %swap3A_457 = arith.index_cast %scan3A_287 : i32 to index
        %swap3A_458 = arith.constant 160 : index
        %swap3A_459 = tpu.vector_load %arg6[%swap3A_456, %swap3A_457, %swap3A_458] {strides = array<i32>} : memref<4x56x512xf32, #tpu.memory_space<vmem>>, vector<1x1x16xf32>,
        %swap3A_460 = vector.shape_cast %swap3A_459 : vector<1x1x16xf32> to vector<16xf32>
        %swap3A_461 = vector.shape_cast %mul3A_454 : vector<16xf32> to vector<1x1x16xf32>
        tpu.vector_store %arg6[%swap3A_456, %swap3A_457, %swap3A_458], %swap3A_461 {strides = array<i32>} : memref<4x56x512xf32, #tpu.memory_space<vmem>>, vector<1x1x16xf32>,
        %get3A_462 = arith.constant 2 : i32
        %get3A_463 = arith.index_cast %get3A_462 : i32 to index
        %get3A_464 = arith.index_cast %scan3A_287 : i32 to index
        %get3A_465 = arith.constant 176 : index
        %get3A_466 = tpu.vector_load %arg6[%get3A_463, %get3A_464, %get3A_465] {strides = array<i32>} : memref<4x56x512xf32, #tpu.memory_space<vmem>>, vector<1x1x16xf32>,
        %get3A_467 = vector.shape_cast %get3A_466 : vector<1x1x16xf32> to vector<16xf32>
        %mul3A_468 = arith.constant 22.6274166 : f32
        %mul3A_469 = vector.broadcast %mul3A_468 : f32 to vector<16xf32>
        %mul3A_470 = arith.mulf %get3A_467, %mul3A_469 : vector<16xf32>
        %swap3A_471 = arith.constant 2 : i32
        %swap3A_472 = arith.index_cast %swap3A_471 : i32 to index
        %swap3A_473 = arith.index_cast %scan3A_287 : i32 to index
        %swap3A_474 = arith.constant 176 : index
        %swap3A_475 = tpu.vector_load %arg6[%swap3A_472, %swap3A_473, %swap3A_474] {strides = array<i32>} : memref<4x56x512xf32, #tpu.memory_space<vmem>>, vector<1x1x16xf32>,
        %swap3A_476 = vector.shape_cast %swap3A_475 : vector<1x1x16xf32> to vector<16xf32>
        %swap3A_477 = vector.shape_cast %mul3A_470 : vector<16xf32> to vector<1x1x16xf32>
        tpu.vector_store %arg6[%swap3A_472, %swap3A_473, %swap3A_474], %swap3A_477 {strides = array<i32>} : memref<4x56x512xf32, #tpu.memory_space<vmem>>, vector<1x1x16xf32>,
        %get3A_478 = arith.constant 2 : i32
        %get3A_479 = arith.index_cast %get3A_478 : i32 to index
        %get3A_480 = arith.index_cast %scan3A_287 : i32 to index
        %get3A_481 = arith.constant 192 : index
        %get3A_482 = tpu.vector_load %arg6[%get3A_479, %get3A_480, %get3A_481] {strides = array<i32>} : memref<4x56x512xf32, #tpu.memory_space<vmem>>, vector<1x1x16xf32>,
        %get3A_483 = vector.shape_cast %get3A_482 : vector<1x1x16xf32> to vector<16xf32>
        %mul3A_484 = arith.constant 22.6274166 : f32
        %mul3A_485 = vector.broadcast %mul3A_484 : f32 to vector<16xf32>
        %mul3A_486 = arith.mulf %get3A_483, %mul3A_485 : vector<16xf32>
        %swap3A_487 = arith.constant 2 : i32
        %swap3A_488 = arith.index_cast %swap3A_487 : i32 to index
        %swap3A_489 = arith.index_cast %scan3A_287 : i32 to index
        %swap3A_490 = arith.constant 192 : index
        %swap3A_491 = tpu.vector_load %arg6[%swap3A_488, %swap3A_489, %swap3A_490] {strides = array<i32>} : memref<4x56x512xf32, #tpu.memory_space<vmem>>, vector<1x1x16xf32>,
        %swap3A_492 = vector.shape_cast %swap3A_491 : vector<1x1x16xf32> to vector<16xf32>
        %swap3A_493 = vector.shape_cast %mul3A_486 : vector<16xf32> to vector<1x1x16xf32>
        tpu.vector_store %arg6[%swap3A_488, %swap3A_489, %swap3A_490], %swap3A_493 {strides = array<i32>} : memref<4x56x512xf32, #tpu.memory_space<vmem>>, vector<1x1x16xf32>,
        %get3A_494 = arith.constant 2 : i32
        %get3A_495 = arith.index_cast %get3A_494 : i32 to index
        %get3A_496 = arith.index_cast %scan3A_287 : i32 to index
        %get3A_497 = arith.constant 208 : index
        %get3A_498 = tpu.vector_load %arg6[%get3A_495, %get3A_496, %get3A_497] {strides = array<i32>} : memref<4x56x512xf32, #tpu.memory_space<vmem>>, vector<1x1x16xf32>,
        %get3A_499 = vector.shape_cast %get3A_498 : vector<1x1x16xf32> to vector<16xf32>
        %mul3A_500 = arith.constant 22.6274166 : f32
        %mul3A_501 = vector.broadcast %mul3A_500 : f32 to vector<16xf32>
        %mul3A_502 = arith.mulf %get3A_499, %mul3A_501 : vector<16xf32>
        %swap3A_503 = arith.constant 2 : i32
        %swap3A_504 = arith.index_cast %swap3A_503 : i32 to index
        %swap3A_505 = arith.index_cast %scan3A_287 : i32 to index
        %swap3A_506 = arith.constant 208 : index
        %swap3A_507 = tpu.vector_load %arg6[%swap3A_504, %swap3A_505, %swap3A_506] {strides = array<i32>} : memref<4x56x512xf32, #tpu.memory_space<vmem>>, vector<1x1x16xf32>,
        %swap3A_508 = vector.shape_cast %swap3A_507 : vector<1x1x16xf32> to vector<16xf32>
        %swap3A_509 = vector.shape_cast %mul3A_502 : vector<16xf32> to vector<1x1x16xf32>
        tpu.vector_store %arg6[%swap3A_504, %swap3A_505, %swap3A_506], %swap3A_509 {strides = array<i32>} : memref<4x56x512xf32, #tpu.memory_space<vmem>>, vector<1x1x16xf32>,
        %get3A_510 = arith.constant 2 : i32
        %get3A_511 = arith.index_cast %get3A_510 : i32 to index
        %get3A_512 = arith.index_cast %scan3A_287 : i32 to index
        %get3A_513 = arith.constant 224 : index
        %get3A_514 = tpu.vector_load %arg6[%get3A_511, %get3A_512, %get3A_513] {strides = array<i32>} : memref<4x56x512xf32, #tpu.memory_space<vmem>>, vector<1x1x16xf32>,
        %get3A_515 = vector.shape_cast %get3A_514 : vector<1x1x16xf32> to vector<16xf32>
        %mul3A_516 = arith.constant 22.6274166 : f32
        %mul3A_517 = vector.broadcast %mul3A_516 : f32 to vector<16xf32>
        %mul3A_518 = arith.mulf %get3A_515, %mul3A_517 : vector<16xf32>
        %swap3A_519 = arith.constant 2 : i32
        %swap3A_520 = arith.index_cast %swap3A_519 : i32 to index
        %swap3A_521 = arith.index_cast %scan3A_287 : i32 to index
        %swap3A_522 = arith.constant 224 : index
        %swap3A_523 = tpu.vector_load %arg6[%swap3A_520, %swap3A_521, %swap3A_522] {strides = array<i32>} : memref<4x56x512xf32, #tpu.memory_space<vmem>>, vector<1x1x16xf32>,
        %swap3A_524 = vector.shape_cast %swap3A_523 : vector<1x1x16xf32> to vector<16xf32>
        %swap3A_525 = vector.shape_cast %mul3A_518 : vector<16xf32> to vector<1x1x16xf32>
        tpu.vector_store %arg6[%swap3A_520, %swap3A_521, %swap3A_522], %swap3A_525 {strides = array<i32>} : memref<4x56x512xf32, #tpu.memory_space<vmem>>, vector<1x1x16xf32>,
        %get3A_526 = arith.constant 2 : i32
        %get3A_527 = arith.index_cast %get3A_526 : i32 to index
        %get3A_528 = arith.index_cast %scan3A_287 : i32 to index
        %get3A_529 = arith.constant 240 : index
        %get3A_530 = tpu.vector_load %arg6[%get3A_527, %get3A_528, %get3A_529] {strides = array<i32>} : memref<4x56x512xf32, #tpu.memory_space<vmem>>, vector<1x1x16xf32>,
        %get3A_531 = vector.shape_cast %get3A_530 : vector<1x1x16xf32> to vector<16xf32>
        %mul3A_532 = arith.constant 22.6274166 : f32
        %mul3A_533 = vector.broadcast %mul3A_532 : f32 to vector<16xf32>
        %mul3A_534 = arith.mulf %get3A_531, %mul3A_533 : vector<16xf32>
        %swap3A_535 = arith.constant 2 : i32
        %swap3A_536 = arith.index_cast %swap3A_535 : i32 to index
        %swap3A_537 = arith.index_cast %scan3A_287 : i32 to index
        %swap3A_538 = arith.constant 240 : index
        %swap3A_539 = tpu.vector_load %arg6[%swap3A_536, %swap3A_537, %swap3A_538] {strides = array<i32>} : memref<4x56x512xf32, #tpu.memory_space<vmem>>, vector<1x1x16xf32>,
        %swap3A_540 = vector.shape_cast %swap3A_539 : vector<1x1x16xf32> to vector<16xf32>
        %swap3A_541 = vector.shape_cast %mul3A_534 : vector<16xf32> to vector<1x1x16xf32>
        tpu.vector_store %arg6[%swap3A_536, %swap3A_537, %swap3A_538], %swap3A_541 {strides = array<i32>} : memref<4x56x512xf32, #tpu.memory_space<vmem>>, vector<1x1x16xf32>,
        %get3A_542 = arith.constant 2 : i32
        %get3A_543 = arith.index_cast %get3A_542 : i32 to index
        %get3A_544 = arith.index_cast %scan3A_287 : i32 to index
        %get3A_545 = arith.constant 256 : index
        %get3A_546 = tpu.vector_load %arg6[%get3A_543, %get3A_544, %get3A_545] {strides = array<i32>} : memref<4x56x512xf32, #tpu.memory_space<vmem>>, vector<1x1x16xf32>,
        %get3A_547 = vector.shape_cast %get3A_546 : vector<1x1x16xf32> to vector<16xf32>
        %mul3A_548 = arith.constant 22.6274166 : f32
        %mul3A_549 = vector.broadcast %mul3A_548 : f32 to vector<16xf32>
        %mul3A_550 = arith.mulf %get3A_547, %mul3A_549 : vector<16xf32>
        %swap3A_551 = arith.constant 2 : i32
        %swap3A_552 = arith.index_cast %swap3A_551 : i32 to index
        %swap3A_553 = arith.index_cast %scan3A_287 : i32 to index
        %swap3A_554 = arith.constant 256 : index
        %swap3A_555 = tpu.vector_load %arg6[%swap3A_552, %swap3A_553, %swap3A_554] {strides = array<i32>} : memref<4x56x512xf32, #tpu.memory_space<vmem>>, vector<1x1x16xf32>,
        %swap3A_556 = vector.shape_cast %swap3A_555 : vector<1x1x16xf32> to vector<16xf32>
        %swap3A_557 = vector.shape_cast %mul3A_550 : vector<16xf32> to vector<1x1x16xf32>
        tpu.vector_store %arg6[%swap3A_552, %swap3A_553, %swap3A_554], %swap3A_557 {strides = array<i32>} : memref<4x56x512xf32, #tpu.memory_space<vmem>>, vector<1x1x16xf32>,
        %get3A_558 = arith.constant 2 : i32
        %get3A_559 = arith.index_cast %get3A_558 : i32 to index
        %get3A_560 = arith.index_cast %scan3A_287 : i32 to index
        %get3A_561 = arith.constant 272 : index
        %get3A_562 = tpu.vector_load %arg6[%get3A_559, %get3A_560, %get3A_561] {strides = array<i32>} : memref<4x56x512xf32, #tpu.memory_space<vmem>>, vector<1x1x16xf32>,
        %get3A_563 = vector.shape_cast %get3A_562 : vector<1x1x16xf32> to vector<16xf32>
        %mul3A_564 = arith.constant 22.6274166 : f32
        %mul3A_565 = vector.broadcast %mul3A_564 : f32 to vector<16xf32>
        %mul3A_566 = arith.mulf %get3A_563, %mul3A_565 : vector<16xf32>
        %swap3A_567 = arith.constant 2 : i32
        %swap3A_568 = arith.index_cast %swap3A_567 : i32 to index
        %swap3A_569 = arith.index_cast %scan3A_287 : i32 to index
        %swap3A_570 = arith.constant 272 : index
        %swap3A_571 = tpu.vector_load %arg6[%swap3A_568, %swap3A_569, %swap3A_570] {strides = array<i32>} : memref<4x56x512xf32, #tpu.memory_space<vmem>>, vector<1x1x16xf32>,
        %swap3A_572 = vector.shape_cast %swap3A_571 : vector<1x1x16xf32> to vector<16xf32>
        %swap3A_573 = vector.shape_cast %mul3A_566 : vector<16xf32> to vector<1x1x16xf32>
        tpu.vector_store %arg6[%swap3A_568, %swap3A_569, %swap3A_570], %swap3A_573 {strides = array<i32>} : memref<4x56x512xf32, #tpu.memory_space<vmem>>, vector<1x1x16xf32>,
        %get3A_574 = arith.constant 2 : i32
        %get3A_575 = arith.index_cast %get3A_574 : i32 to index
        %get3A_576 = arith.index_cast %scan3A_287 : i32 to index
        %get3A_577 = arith.constant 288 : index
        %get3A_578 = tpu.vector_load %arg6[%get3A_575, %get3A_576, %get3A_577] {strides = array<i32>} : memref<4x56x512xf32, #tpu.memory_space<vmem>>, vector<1x1x16xf32>,
        %get3A_579 = vector.shape_cast %get3A_578 : vector<1x1x16xf32> to vector<16xf32>
        %mul3A_580 = arith.constant 22.6274166 : f32
        %mul3A_581 = vector.broadcast %mul3A_580 : f32 to vector<16xf32>
        %mul3A_582 = arith.mulf %get3A_579, %mul3A_581 : vector<16xf32>
        %swap3A_583 = arith.constant 2 : i32
        %swap3A_584 = arith.index_cast %swap3A_583 : i32 to index
        %swap3A_585 = arith.index_cast %scan3A_287 : i32 to index
        %swap3A_586 = arith.constant 288 : index
        %swap3A_587 = tpu.vector_load %arg6[%swap3A_584, %swap3A_585, %swap3A_586] {strides = array<i32>} : memref<4x56x512xf32, #tpu.memory_space<vmem>>, vector<1x1x16xf32>,
        %swap3A_588 = vector.shape_cast %swap3A_587 : vector<1x1x16xf32> to vector<16xf32>
        %swap3A_589 = vector.shape_cast %mul3A_582 : vector<16xf32> to vector<1x1x16xf32>
        tpu.vector_store %arg6[%swap3A_584, %swap3A_585, %swap3A_586], %swap3A_589 {strides = array<i32>} : memref<4x56x512xf32, #tpu.memory_space<vmem>>, vector<1x1x16xf32>,
        %get3A_590 = arith.constant 2 : i32
        %get3A_591 = arith.index_cast %get3A_590 : i32 to index
        %get3A_592 = arith.index_cast %scan3A_287 : i32 to index
        %get3A_593 = arith.constant 304 : index
        %get3A_594 = tpu.vector_load %arg6[%get3A_591, %get3A_592, %get3A_593] {strides = array<i32>} : memref<4x56x512xf32, #tpu.memory_space<vmem>>, vector<1x1x16xf32>,
        %get3A_595 = vector.shape_cast %get3A_594 : vector<1x1x16xf32> to vector<16xf32>
        %mul3A_596 = arith.constant 22.6274166 : f32
        %mul3A_597 = vector.broadcast %mul3A_596 : f32 to vector<16xf32>
        %mul3A_598 = arith.mulf %get3A_595, %mul3A_597 : vector<16xf32>
        %swap3A_599 = arith.constant 2 : i32
        %swap3A_600 = arith.index_cast %swap3A_599 : i32 to index
        %swap3A_601 = arith.index_cast %scan3A_287 : i32 to index
        %swap3A_602 = arith.constant 304 : index
        %swap3A_603 = tpu.vector_load %arg6[%swap3A_600, %swap3A_601, %swap3A_602] {strides = array<i32>} : memref<4x56x512xf32, #tpu.memory_space<vmem>>, vector<1x1x16xf32>,
        %swap3A_604 = vector.shape_cast %swap3A_603 : vector<1x1x16xf32> to vector<16xf32>
        %swap3A_605 = vector.shape_cast %mul3A_598 : vector<16xf32> to vector<1x1x16xf32>
        tpu.vector_store %arg6[%swap3A_600, %swap3A_601, %swap3A_602], %swap3A_605 {strides = array<i32>} : memref<4x56x512xf32, #tpu.memory_space<vmem>>, vector<1x1x16xf32>,
        %get3A_606 = arith.constant 2 : i32
        %get3A_607 = arith.index_cast %get3A_606 : i32 to index
        %get3A_608 = arith.index_cast %scan3A_287 : i32 to index
        %get3A_609 = arith.constant 320 : index
        %get3A_610 = tpu.vector_load %arg6[%get3A_607, %get3A_608, %get3A_609] {strides = array<i32>} : memref<4x56x512xf32, #tpu.memory_space<vmem>>, vector<1x1x16xf32>,
        %get3A_611 = vector.shape_cast %get3A_610 : vector<1x1x16xf32> to vector<16xf32>
        %mul3A_612 = arith.constant 22.6274166 : f32
        %mul3A_613 = vector.broadcast %mul3A_612 : f32 to vector<16xf32>
        %mul3A_614 = arith.mulf %get3A_611, %mul3A_613 : vector<16xf32>
        %swap3A_615 = arith.constant 2 : i32
        %swap3A_616 = arith.index_cast %swap3A_615 : i32 to index
        %swap3A_617 = arith.index_cast %scan3A_287 : i32 to index
        %swap3A_618 = arith.constant 320 : index
        %swap3A_619 = tpu.vector_load %arg6[%swap3A_616, %swap3A_617, %swap3A_618] {strides = array<i32>} : memref<4x56x512xf32, #tpu.memory_space<vmem>>, vector<1x1x16xf32>,
        %swap3A_620 = vector.shape_cast %swap3A_619 : vector<1x1x16xf32> to vector<16xf32>
        %swap3A_621 = vector.shape_cast %mul3A_614 : vector<16xf32> to vector<1x1x16xf32>
        tpu.vector_store %arg6[%swap3A_616, %swap3A_617, %swap3A_618], %swap3A_621 {strides = array<i32>} : memref<4x56x512xf32, #tpu.memory_space<vmem>>, vector<1x1x16xf32>,
        %get3A_622 = arith.constant 2 : i32
        %get3A_623 = arith.index_cast %get3A_622 : i32 to index
        %get3A_624 = arith.index_cast %scan3A_287 : i32 to index
        %get3A_625 = arith.constant 336 : index
        %get3A_626 = tpu.vector_load %arg6[%get3A_623, %get3A_624, %get3A_625] {strides = array<i32>} : memref<4x56x512xf32, #tpu.memory_space<vmem>>, vector<1x1x16xf32>,
        %get3A_627 = vector.shape_cast %get3A_626 : vector<1x1x16xf32> to vector<16xf32>
        %mul3A_628 = arith.constant 22.6274166 : f32
        %mul3A_629 = vector.broadcast %mul3A_628 : f32 to vector<16xf32>
        %mul3A_630 = arith.mulf %get3A_627, %mul3A_629 : vector<16xf32>
        %swap3A_631 = arith.constant 2 : i32
        %swap3A_632 = arith.index_cast %swap3A_631 : i32 to index
        %swap3A_633 = arith.index_cast %scan3A_287 : i32 to index
        %swap3A_634 = arith.constant 336 : index
        %swap3A_635 = tpu.vector_load %arg6[%swap3A_632, %swap3A_633, %swap3A_634] {strides = array<i32>} : memref<4x56x512xf32, #tpu.memory_space<vmem>>, vector<1x1x16xf32>,
        %swap3A_636 = vector.shape_cast %swap3A_635 : vector<1x1x16xf32> to vector<16xf32>
        %swap3A_637 = vector.shape_cast %mul3A_630 : vector<16xf32> to vector<1x1x16xf32>
        tpu.vector_store %arg6[%swap3A_632, %swap3A_633, %swap3A_634], %swap3A_637 {strides = array<i32>} : memref<4x56x512xf32, #tpu.memory_space<vmem>>, vector<1x1x16xf32>,
        %get3A_638 = arith.constant 2 : i32
        %get3A_639 = arith.index_cast %get3A_638 : i32 to index
        %get3A_640 = arith.index_cast %scan3A_287 : i32 to index
        %get3A_641 = arith.constant 352 : index
        %get3A_642 = tpu.vector_load %arg6[%get3A_639, %get3A_640, %get3A_641] {strides = array<i32>} : memref<4x56x512xf32, #tpu.memory_space<vmem>>, vector<1x1x16xf32>,
        %get3A_643 = vector.shape_cast %get3A_642 : vector<1x1x16xf32> to vector<16xf32>
        %mul3A_644 = arith.constant 22.6274166 : f32
        %mul3A_645 = vector.broadcast %mul3A_644 : f32 to vector<16xf32>
        %mul3A_646 = arith.mulf %get3A_643, %mul3A_645 : vector<16xf32>
        %swap3A_647 = arith.constant 2 : i32
        %swap3A_648 = arith.index_cast %swap3A_647 : i32 to index
        %swap3A_649 = arith.index_cast %scan3A_287 : i32 to index
        %swap3A_650 = arith.constant 352 : index
        %swap3A_651 = tpu.vector_load %arg6[%swap3A_648, %swap3A_649, %swap3A_650] {strides = array<i32>} : memref<4x56x512xf32, #tpu.memory_space<vmem>>, vector<1x1x16xf32>,
        %swap3A_652 = vector.shape_cast %swap3A_651 : vector<1x1x16xf32> to vector<16xf32>
        %swap3A_653 = vector.shape_cast %mul3A_646 : vector<16xf32> to vector<1x1x16xf32>
        tpu.vector_store %arg6[%swap3A_648, %swap3A_649, %swap3A_650], %swap3A_653 {strides = array<i32>} : memref<4x56x512xf32, #tpu.memory_space<vmem>>, vector<1x1x16xf32>,
        %get3A_654 = arith.constant 2 : i32
        %get3A_655 = arith.index_cast %get3A_654 : i32 to index
        %get3A_656 = arith.index_cast %scan3A_287 : i32 to index
        %get3A_657 = arith.constant 368 : index
        %get3A_658 = tpu.vector_load %arg6[%get3A_655, %get3A_656, %get3A_657] {strides = array<i32>} : memref<4x56x512xf32, #tpu.memory_space<vmem>>, vector<1x1x16xf32>,
        %get3A_659 = vector.shape_cast %get3A_658 : vector<1x1x16xf32> to vector<16xf32>
        %mul3A_660 = arith.constant 22.6274166 : f32
        %mul3A_661 = vector.broadcast %mul3A_660 : f32 to vector<16xf32>
        %mul3A_662 = arith.mulf %get3A_659, %mul3A_661 : vector<16xf32>
        %swap3A_663 = arith.constant 2 : i32
        %swap3A_664 = arith.index_cast %swap3A_663 : i32 to index
        %swap3A_665 = arith.index_cast %scan3A_287 : i32 to index
        %swap3A_666 = arith.constant 368 : index
        %swap3A_667 = tpu.vector_load %arg6[%swap3A_664, %swap3A_665, %swap3A_666] {strides = array<i32>} : memref<4x56x512xf32, #tpu.memory_space<vmem>>, vector<1x1x16xf32>,
        %swap3A_668 = vector.shape_cast %swap3A_667 : vector<1x1x16xf32> to vector<16xf32>
        %swap3A_669 = vector.shape_cast %mul3A_662 : vector<16xf32> to vector<1x1x16xf32>
        tpu.vector_store %arg6[%swap3A_664, %swap3A_665, %swap3A_666], %swap3A_669 {strides = array<i32>} : memref<4x56x512xf32, #tpu.memory_space<vmem>>, vector<1x1x16xf32>,
        %get3A_670 = arith.constant 2 : i32
        %get3A_671 = arith.index_cast %get3A_670 : i32 to index
        %get3A_672 = arith.index_cast %scan3A_287 : i32 to index
        %get3A_673 = arith.constant 384 : index
        %get3A_674 = tpu.vector_load %arg6[%get3A_671, %get3A_672, %get3A_673] {strides = array<i32>} : memref<4x56x512xf32, #tpu.memory_space<vmem>>, vector<1x1x16xf32>,
        %get3A_675 = vector.shape_cast %get3A_674 : vector<1x1x16xf32> to vector<16xf32>
        %mul3A_676 = arith.constant 22.6274166 : f32
        %mul3A_677 = vector.broadcast %mul3A_676 : f32 to vector<16xf32>
        %mul3A_678 = arith.mulf %get3A_675, %mul3A_677 : vector<16xf32>
        %swap3A_679 = arith.constant 2 : i32
        %swap3A_680 = arith.index_cast %swap3A_679 : i32 to index
        %swap3A_681 = arith.index_cast %scan3A_287 : i32 to index
        %swap3A_682 = arith.constant 384 : index
        %swap3A_683 = tpu.vector_load %arg6[%swap3A_680, %swap3A_681, %swap3A_682] {strides = array<i32>} : memref<4x56x512xf32, #tpu.memory_space<vmem>>, vector<1x1x16xf32>,
        %swap3A_684 = vector.shape_cast %swap3A_683 : vector<1x1x16xf32> to vector<16xf32>
        %swap3A_685 = vector.shape_cast %mul3A_678 : vector<16xf32> to vector<1x1x16xf32>
        tpu.vector_store %arg6[%swap3A_680, %swap3A_681, %swap3A_682], %swap3A_685 {strides = array<i32>} : memref<4x56x512xf32, #tpu.memory_space<vmem>>, vector<1x1x16xf32>,
        %get3A_686 = arith.constant 2 : i32
        %get3A_687 = arith.index_cast %get3A_686 : i32 to index
        %get3A_688 = arith.index_cast %scan3A_287 : i32 to index
        %get3A_689 = arith.constant 400 : index
        %get3A_690 = tpu.vector_load %arg6[%get3A_687, %get3A_688, %get3A_689] {strides = array<i32>} : memref<4x56x512xf32, #tpu.memory_space<vmem>>, vector<1x1x16xf32>,
        %get3A_691 = vector.shape_cast %get3A_690 : vector<1x1x16xf32> to vector<16xf32>
        %mul3A_692 = arith.constant 22.6274166 : f32
        %mul3A_693 = vector.broadcast %mul3A_692 : f32 to vector<16xf32>
        %mul3A_694 = arith.mulf %get3A_691, %mul3A_693 : vector<16xf32>
        %swap3A_695 = arith.constant 2 : i32
        %swap3A_696 = arith.index_cast %swap3A_695 : i32 to index
        %swap3A_697 = arith.index_cast %scan3A_287 : i32 to index
        %swap3A_698 = arith.constant 400 : index
        %swap3A_699 = tpu.vector_load %arg6[%swap3A_696, %swap3A_697, %swap3A_698] {strides = array<i32>} : memref<4x56x512xf32, #tpu.memory_space<vmem>>, vector<1x1x16xf32>,
        %swap3A_700 = vector.shape_cast %swap3A_699 : vector<1x1x16xf32> to vector<16xf32>
        %swap3A_701 = vector.shape_cast %mul3A_694 : vector<16xf32> to vector<1x1x16xf32>
        tpu.vector_store %arg6[%swap3A_696, %swap3A_697, %swap3A_698], %swap3A_701 {strides = array<i32>} : memref<4x56x512xf32, #tpu.memory_space<vmem>>, vector<1x1x16xf32>,
        %get3A_702 = arith.constant 2 : i32
        %get3A_703 = arith.index_cast %get3A_702 : i32 to index
        %get3A_704 = arith.index_cast %scan3A_287 : i32 to index
        %get3A_705 = arith.constant 416 : index
        %get3A_706 = tpu.vector_load %arg6[%get3A_703, %get3A_704, %get3A_705] {strides = array<i32>} : memref<4x56x512xf32, #tpu.memory_space<vmem>>, vector<1x1x16xf32>,
        %get3A_707 = vector.shape_cast %get3A_706 : vector<1x1x16xf32> to vector<16xf32>
        %mul3A_708 = arith.constant 22.6274166 : f32
        %mul3A_709 = vector.broadcast %mul3A_708 : f32 to vector<16xf32>
        %mul3A_710 = arith.mulf %get3A_707, %mul3A_709 : vector<16xf32>
        %swap3A_711 = arith.constant 2 : i32
        %swap3A_712 = arith.index_cast %swap3A_711 : i32 to index
        %swap3A_713 = arith.index_cast %scan3A_287 : i32 to index
        %swap3A_714 = arith.constant 416 : index
        %swap3A_715 = tpu.vector_load %arg6[%swap3A_712, %swap3A_713, %swap3A_714] {strides = array<i32>} : memref<4x56x512xf32, #tpu.memory_space<vmem>>, vector<1x1x16xf32>,
        %swap3A_716 = vector.shape_cast %swap3A_715 : vector<1x1x16xf32> to vector<16xf32>
        %swap3A_717 = vector.shape_cast %mul3A_710 : vector<16xf32> to vector<1x1x16xf32>
        tpu.vector_store %arg6[%swap3A_712, %swap3A_713, %swap3A_714], %swap3A_717 {strides = array<i32>} : memref<4x56x512xf32, #tpu.memory_space<vmem>>, vector<1x1x16xf32>,
        %get3A_718 = arith.constant 2 : i32
        %get3A_719 = arith.index_cast %get3A_718 : i32 to index
        %get3A_720 = arith.index_cast %scan3A_287 : i32 to index
        %get3A_721 = arith.constant 432 : index
        %get3A_722 = tpu.vector_load %arg6[%get3A_719, %get3A_720, %get3A_721] {strides = array<i32>} : memref<4x56x512xf32, #tpu.memory_space<vmem>>, vector<1x1x16xf32>,
        %get3A_723 = vector.shape_cast %get3A_722 : vector<1x1x16xf32> to vector<16xf32>
        %mul3A_724 = arith.constant 22.6274166 : f32
        %mul3A_725 = vector.broadcast %mul3A_724 : f32 to vector<16xf32>
        %mul3A_726 = arith.mulf %get3A_723, %mul3A_725 : vector<16xf32>
        %swap3A_727 = arith.constant 2 : i32
        %swap3A_728 = arith.index_cast %swap3A_727 : i32 to index
        %swap3A_729 = arith.index_cast %scan3A_287 : i32 to index
        %swap3A_730 = arith.constant 432 : index
        %swap3A_731 = tpu.vector_load %arg6[%swap3A_728, %swap3A_729, %swap3A_730] {strides = array<i32>} : memref<4x56x512xf32, #tpu.memory_space<vmem>>, vector<1x1x16xf32>,
        %swap3A_732 = vector.shape_cast %swap3A_731 : vector<1x1x16xf32> to vector<16xf32>
        %swap3A_733 = vector.shape_cast %mul3A_726 : vector<16xf32> to vector<1x1x16xf32>
        tpu.vector_store %arg6[%swap3A_728, %swap3A_729, %swap3A_730], %swap3A_733 {strides = array<i32>} : memref<4x56x512xf32, #tpu.memory_space<vmem>>, vector<1x1x16xf32>,
        %get3A_734 = arith.constant 2 : i32
        %get3A_735 = arith.index_cast %get3A_734 : i32 to index
        %get3A_736 = arith.index_cast %scan3A_287 : i32 to index
        %get3A_737 = arith.constant 448 : index
        %get3A_738 = tpu.vector_load %arg6[%get3A_735, %get3A_736, %get3A_737] {strides = array<i32>} : memref<4x56x512xf32, #tpu.memory_space<vmem>>, vector<1x1x16xf32>,
        %get3A_739 = vector.shape_cast %get3A_738 : vector<1x1x16xf32> to vector<16xf32>
        %mul3A_740 = arith.constant 22.6274166 : f32
        %mul3A_741 = vector.broadcast %mul3A_740 : f32 to vector<16xf32>
        %mul3A_742 = arith.mulf %get3A_739, %mul3A_741 : vector<16xf32>
        %swap3A_743 = arith.constant 2 : i32
        %swap3A_744 = arith.index_cast %swap3A_743 : i32 to index
        %swap3A_745 = arith.index_cast %scan3A_287 : i32 to index
        %swap3A_746 = arith.constant 448 : index
        %swap3A_747 = tpu.vector_load %arg6[%swap3A_744, %swap3A_745, %swap3A_746] {strides = array<i32>} : memref<4x56x512xf32, #tpu.memory_space<vmem>>, vector<1x1x16xf32>,
        %swap3A_748 = vector.shape_cast %swap3A_747 : vector<1x1x16xf32> to vector<16xf32>
        %swap3A_749 = vector.shape_cast %mul3A_742 : vector<16xf32> to vector<1x1x16xf32>
        tpu.vector_store %arg6[%swap3A_744, %swap3A_745, %swap3A_746], %swap3A_749 {strides = array<i32>} : memref<4x56x512xf32, #tpu.memory_space<vmem>>, vector<1x1x16xf32>,
        %get3A_750 = arith.constant 2 : i32
        %get3A_751 = arith.index_cast %get3A_750 : i32 to index
        %get3A_752 = arith.index_cast %scan3A_287 : i32 to index
        %get3A_753 = arith.constant 464 : index
        %get3A_754 = tpu.vector_load %arg6[%get3A_751, %get3A_752, %get3A_753] {strides = array<i32>} : memref<4x56x512xf32, #tpu.memory_space<vmem>>, vector<1x1x16xf32>,
        %get3A_755 = vector.shape_cast %get3A_754 : vector<1x1x16xf32> to vector<16xf32>
        %mul3A_756 = arith.constant 22.6274166 : f32
        %mul3A_757 = vector.broadcast %mul3A_756 : f32 to vector<16xf32>
        %mul3A_758 = arith.mulf %get3A_755, %mul3A_757 : vector<16xf32>
        %swap3A_759 = arith.constant 2 : i32
        %swap3A_760 = arith.index_cast %swap3A_759 : i32 to index
        %swap3A_761 = arith.index_cast %scan3A_287 : i32 to index
        %swap3A_762 = arith.constant 464 : index
        %swap3A_763 = tpu.vector_load %arg6[%swap3A_760, %swap3A_761, %swap3A_762] {strides = array<i32>} : memref<4x56x512xf32, #tpu.memory_space<vmem>>, vector<1x1x16xf32>,
        %swap3A_764 = vector.shape_cast %swap3A_763 : vector<1x1x16xf32> to vector<16xf32>
        %swap3A_765 = vector.shape_cast %mul3A_758 : vector<16xf32> to vector<1x1x16xf32>
        tpu.vector_store %arg6[%swap3A_760, %swap3A_761, %swap3A_762], %swap3A_765 {strides = array<i32>} : memref<4x56x512xf32, #tpu.memory_space<vmem>>, vector<1x1x16xf32>,
        %get3A_766 = arith.constant 2 : i32
        %get3A_767 = arith.index_cast %get3A_766 : i32 to index
        %get3A_768 = arith.index_cast %scan3A_287 : i32 to index
        %get3A_769 = arith.constant 480 : index
        %get3A_770 = tpu.vector_load %arg6[%get3A_767, %get3A_768, %get3A_769] {strides = array<i32>} : memref<4x56x512xf32, #tpu.memory_space<vmem>>, vector<1x1x16xf32>,
        %get3A_771 = vector.shape_cast %get3A_770 : vector<1x1x16xf32> to vector<16xf32>
        %mul3A_772 = arith.constant 22.6274166 : f32
        %mul3A_773 = vector.broadcast %mul3A_772 : f32 to vector<16xf32>
        %mul3A_774 = arith.mulf %get3A_771, %mul3A_773 : vector<16xf32>
        %swap3A_775 = arith.constant 2 : i32
        %swap3A_776 = arith.index_cast %swap3A_775 : i32 to index
        %swap3A_777 = arith.index_cast %scan3A_287 : i32 to index
        %swap3A_778 = arith.constant 480 : index
        %swap3A_779 = tpu.vector_load %arg6[%swap3A_776, %swap3A_777, %swap3A_778] {strides = array<i32>} : memref<4x56x512xf32, #tpu.memory_space<vmem>>, vector<1x1x16xf32>,
        %swap3A_780 = vector.shape_cast %swap3A_779 : vector<1x1x16xf32> to vector<16xf32>
        %swap3A_781 = vector.shape_cast %mul3A_774 : vector<16xf32> to vector<1x1x16xf32>
        tpu.vector_store %arg6[%swap3A_776, %swap3A_777, %swap3A_778], %swap3A_781 {strides = array<i32>} : memref<4x56x512xf32, #tpu.memory_space<vmem>>, vector<1x1x16xf32>,
        %get3A_782 = arith.constant 2 : i32
        %get3A_783 = arith.index_cast %get3A_782 : i32 to index
        %get3A_784 = arith.index_cast %scan3A_287 : i32 to index
        %get3A_785 = arith.constant 496 : index
        %get3A_786 = tpu.vector_load %arg6[%get3A_783, %get3A_784, %get3A_785] {strides = array<i32>} : memref<4x56x512xf32, #tpu.memory_space<vmem>>, vector<1x1x16xf32>,
        %get3A_787 = vector.shape_cast %get3A_786 : vector<1x1x16xf32> to vector<16xf32>
        %mul3A_788 = arith.constant 22.6274166 : f32
        %mul3A_789 = vector.broadcast %mul3A_788 : f32 to vector<16xf32>
        %mul3A_790 = arith.mulf %get3A_787, %mul3A_789 : vector<16xf32>
        %swap3A_791 = arith.constant 2 : i32
        %swap3A_792 = arith.index_cast %swap3A_791 : i32 to index
        %swap3A_793 = arith.index_cast %scan3A_287 : i32 to index
        %swap3A_794 = arith.constant 496 : index
        %swap3A_795 = tpu.vector_load %arg6[%swap3A_792, %swap3A_793, %swap3A_794] {strides = array<i32>} : memref<4x56x512xf32, #tpu.memory_space<vmem>>, vector<1x1x16xf32>,
        %swap3A_796 = vector.shape_cast %swap3A_795 : vector<1x1x16xf32> to vector<16xf32>
        %swap3A_797 = vector.shape_cast %mul3A_790 : vector<16xf32> to vector<1x1x16xf32>
        tpu.vector_store %arg6[%swap3A_792, %swap3A_793, %swap3A_794], %swap3A_797 {strides = array<i32>} : memref<4x56x512xf32, #tpu.memory_space<vmem>>, vector<1x1x16xf32>,
      }
      %scan3A_224 = arith.constant 50 : i32
      %add3A_225 = arith.addi %mul3A_2, %add3A_207 : i32
      %mul3A_226 = arith.constant 56 : i32
      %mul3A_227 = arith.muli %add3A_225, %mul3A_226 : i32
      %dma_start3A_228 = arith.constant 2 : i32
      %dma_start3A_229 = arith.constant 0 : i32
      %dma_start3A_230 = arith.constant 0 : i32
      %dma_start3A_231 = tpu.memref_slice %arg6[%dma_start3A_228, %dma_start3A_229, %dma_start3A_230] : memref<4x56x512xf32, #tpu.memory_space<vmem>> -> memref<1x56x512xf32, #tpu.memory_space<vmem>>
      %dma_start3A_232 = tpu.memref_squeeze %dma_start3A_231 : memref<1x56x512xf32, #tpu.memory_space<vmem>> -> memref<56x512xf32, #tpu.memory_space<vmem>>
      %dma_start3A_233 = arith.constant 0 : i32
      %dma_start3A_234 = tpu.memref_slice %arg4[%mul3A_227, %dma_start3A_233] : memref<229376x512xf32, #tpu.memory_space<hbm>> -> memref<56x512xf32, #tpu.memory_space<hbm>>
      %dma_start3A_235 = arith.constant 0 : i32
      %dma_start3A_236 = tpu.memref_slice %arg4[%mul3A_227, %dma_start3A_235] : memref<229376x512xf32, #tpu.memory_space<hbm>> -> memref<56x512xf32, #tpu.memory_space<hbm>>
      %dma_start3A_237 = arith.constant 0 : i32
      %dma_start3A_238 = arith.constant 0 : i32
      %dma_start3A_239 = tpu.memref_slice %arg6[%dma_start3A_228, %dma_start3A_237, %dma_start3A_238] : memref<4x56x512xf32, #tpu.memory_space<vmem>> -> memref<1x56x512xf32, #tpu.memory_space<vmem>>
      %dma_start3A_240 = tpu.memref_squeeze %dma_start3A_239 : memref<1x56x512xf32, #tpu.memory_space<vmem>> -> memref<56x512xf32, #tpu.memory_space<vmem>>
      tpu.enqueue_dma source(%dma_start3A_240 : memref<56x512xf32, #tpu.memory_space<vmem>>) target(%dma_start3A_236 : memref<56x512xf32, #tpu.memory_space<hbm>>) target_semaphore(%arg13 : memref<!tpu.dma_semaphore, #tpu.memory_space<semaphore_mem>>)
      %lt3A = arith.constant 31 : i32
      %lt3A_241 = arith.cmpi slt, %scan3A_96, %lt3A : i32
      %convert_element_type3A_242 = arith.extui %lt3A_241 : i1 to i32
      %cond3A_243 = arith.constant 0 : i32
      %cond3A_244 = arith.cmpi ne, %convert_element_type3A_242, %cond3A_243 : i32
      scf.if %cond3A_244 {
        %sub3A = arith.constant 2 : i32
        %sub3A_287 = arith.subi %add3A_207, %sub3A : i32
        %add3A_288 = arith.addi %mul3A_2, %sub3A_287 : i32
        %mul3A_289 = arith.constant 56 : i32
        %mul3A_290 = arith.muli %add3A_288, %mul3A_289 : i32
        %dma_wait3A_291 = arith.constant 0 : i32
        %dma_wait3A_292 = arith.constant 0 : i32
        %dma_wait3A_293 = arith.constant 0 : i32
        %dma_wait3A_294 = tpu.memref_slice %arg6[%dma_wait3A_291, %dma_wait3A_292, %dma_wait3A_293] : memref<4x56x512xf32, #tpu.memory_space<vmem>> -> memref<1x56x512xf32, #tpu.memory_space<vmem>>
        %dma_wait3A_295 = tpu.memref_squeeze %dma_wait3A_294 : memref<1x56x512xf32, #tpu.memory_space<vmem>> -> memref<56x512xf32, #tpu.memory_space<vmem>>
        %dma_wait3A_296 = arith.constant 0 : i32
        %dma_wait3A_297 = tpu.memref_slice %arg4[%mul3A_290, %dma_wait3A_296] : memref<229376x512xf32, #tpu.memory_space<hbm>> -> memref<56x512xf32, #tpu.memory_space<hbm>>
        %dma_wait3A_298 = arith.constant 0 : i32
        %dma_wait3A_299 = tpu.memref_slice %arg4[%mul3A_290, %dma_wait3A_298] : memref<229376x512xf32, #tpu.memory_space<hbm>> -> memref<56x512xf32, #tpu.memory_space<hbm>>
        %dma_wait3A_300 = arith.constant 0 : i32
        %dma_wait3A_301 = arith.constant 0 : i32
        %dma_wait3A_302 = tpu.memref_slice %arg6[%dma_wait3A_291, %dma_wait3A_300, %dma_wait3A_301] : memref<4x56x512xf32, #tpu.memory_space<vmem>> -> memref<1x56x512xf32, #tpu.memory_space<vmem>>
        %dma_wait3A_303 = tpu.memref_squeeze %dma_wait3A_302 : memref<1x56x512xf32, #tpu.memory_space<vmem>> -> memref<56x512xf32, #tpu.memory_space<vmem>>
        tpu.wait_dma2 semaphore(%arg11 : memref<!tpu.dma_semaphore, #tpu.memory_space<semaphore_mem>>) src(%dma_wait3A_303 : memref<56x512xf32, #tpu.memory_space<vmem>>) dst(%dma_wait3A_299 : memref<56x512xf32, #tpu.memory_space<hbm>>)
        %add3A_304 = arith.constant 2 : i32
        %add3A_305 = arith.addi %add3A_207, %add3A_304 : i32
        %mul3A_306 = arith.constant 56 : i32
        %mul3A_307 = arith.muli %add3A_305, %mul3A_306 : i32
        %dma_start3A_308 = arith.constant 0 : i32
        %dma_start3A_309 = arith.constant 0 : i32
        %dma_start3A_310 = arith.constant 0 : i32
        %dma_start3A_311 = tpu.memref_slice %arg6[%dma_start3A_308, %dma_start3A_309, %dma_start3A_310] : memref<4x56x512xf32, #tpu.memory_space<vmem>> -> memref<1x56x512xf32, #tpu.memory_space<vmem>>
        %dma_start3A_312 = tpu.memref_squeeze %dma_start3A_311 : memref<1x56x512xf32, #tpu.memory_space<vmem>> -> memref<56x512xf32, #tpu.memory_space<vmem>>
        %dma_start3A_313 = tpu.memref_slice %arg5[%mul3A_307] : memref<7168xi32, #tpu.memory_space<vmem>> -> memref<56xi32, #tpu.memory_space<vmem>>
        %dma_start3A_314 = arith.constant 0 : i32
        %dma_start3A_315 = arith.constant 0 : i32
        %dma_start3A_316 = tpu.memref_slice %arg3[%dma_start3A_314, %dma_start3A_315] : memref<32678x512xf32, #tpu.memory_space<hbm>> -> memref<32678x512xf32, #tpu.memory_space<hbm>>
        tpu.enqueue_indirect_dma source(%dma_start3A_316 : memref<32678x512xf32, #tpu.memory_space<hbm>>) target(%dma_start3A_312 : memref<56x512xf32, #tpu.memory_space<vmem>>) offsets(%dma_start3A_313 : memref<56xi32, #tpu.memory_space<vmem>>) semaphore(%arg7 : memref<!tpu.dma_semaphore, #tpu.memory_space<semaphore_mem>>)
      } else {
      }
      %mul3A_245 = arith.constant 4 : i32
      %mul3A_246 = arith.muli %scan3A_96, %mul3A_245 : i32
      %add3A_247 = arith.constant 3 : i32
      %add3A_248 = arith.addi %mul3A_246, %add3A_247 : i32
      %mul3A_249 = arith.constant 56 : i32
      %mul3A_250 = arith.muli %add3A_248, %mul3A_249 : i32
      %dma_wait3A_251 = arith.constant 3 : i32
      %dma_wait3A_252 = arith.constant 0 : i32
      %dma_wait3A_253 = arith.constant 0 : i32
      %dma_wait3A_254 = tpu.memref_slice %arg6[%dma_wait3A_251, %dma_wait3A_252, %dma_wait3A_253] : memref<4x56x512xf32, #tpu.memory_space<vmem>> -> memref<1x56x512xf32, #tpu.memory_space<vmem>>
      %dma_wait3A_255 = tpu.memref_squeeze %dma_wait3A_254 : memref<1x56x512xf32, #tpu.memory_space<vmem>> -> memref<56x512xf32, #tpu.memory_space<vmem>>
      %dma_wait3A_256 = tpu.memref_slice %arg5[%mul3A_250] : memref<7168xi32, #tpu.memory_space<vmem>> -> memref<56xi32, #tpu.memory_space<vmem>>
      %dma_wait3A_257 = arith.constant 0 : i32
      %dma_wait3A_258 = arith.constant 0 : i32
      %dma_wait3A_259 = tpu.memref_slice %arg3[%dma_wait3A_257, %dma_wait3A_258] : memref<32678x512xf32, #tpu.memory_space<hbm>> -> memref<32678x512xf32, #tpu.memory_space<hbm>>
      tpu.wait_indirect_dma semaphore(%arg10 : memref<!tpu.dma_semaphore, #tpu.memory_space<semaphore_mem>>) src(%dma_wait3A_259 : memref<32678x512xf32, #tpu.memory_space<hbm>>) dst(%dma_wait3A_255 : memref<56x512xf32, #tpu.memory_space<vmem>>)
      %scan3A_260 = arith.constant 0 : i32
      %scan3A_261 = arith.constant 0 : i32
      %scan3A_262 = arith.constant 50 : i32
      %scan3A_263 = arith.addi %scan3A_261, %scan3A_262 : i32
      %scan3A_264 = arith.constant 1 : i32
      scf.for %scan3A_287 = %scan3A_261 to %scan3A_263 step %scan3A_264  : i32 {
        %get3A = arith.constant 3 : i32
        %get3A_288 = arith.index_cast %get3A : i32 to index
        %get3A_289 = arith.index_cast %scan3A_287 : i32 to index
        %get3A_290 = arith.constant 0 : index
        %get3A_291 = tpu.vector_load %arg6[%get3A_288, %get3A_289, %get3A_290] {strides = array<i32>} : memref<4x56x512xf32, #tpu.memory_space<vmem>>, vector<1x1x16xf32>,
        %get3A_292 = vector.shape_cast %get3A_291 : vector<1x1x16xf32> to vector<16xf32>
        %mul3A_293 = arith.constant 22.6274166 : f32
        %mul3A_294 = vector.broadcast %mul3A_293 : f32 to vector<16xf32>
        %mul3A_295 = arith.mulf %get3A_292, %mul3A_294 : vector<16xf32>
        %swap3A = arith.constant 3 : i32
        %swap3A_296 = arith.index_cast %swap3A : i32 to index
        %swap3A_297 = arith.index_cast %scan3A_287 : i32 to index
        %swap3A_298 = arith.constant 0 : index
        %swap3A_299 = tpu.vector_load %arg6[%swap3A_296, %swap3A_297, %swap3A_298] {strides = array<i32>} : memref<4x56x512xf32, #tpu.memory_space<vmem>>, vector<1x1x16xf32>,
        %swap3A_300 = vector.shape_cast %swap3A_299 : vector<1x1x16xf32> to vector<16xf32>
        %swap3A_301 = vector.shape_cast %mul3A_295 : vector<16xf32> to vector<1x1x16xf32>
        tpu.vector_store %arg6[%swap3A_296, %swap3A_297, %swap3A_298], %swap3A_301 {strides = array<i32>} : memref<4x56x512xf32, #tpu.memory_space<vmem>>, vector<1x1x16xf32>,
        %get3A_302 = arith.constant 3 : i32
        %get3A_303 = arith.index_cast %get3A_302 : i32 to index
        %get3A_304 = arith.index_cast %scan3A_287 : i32 to index
        %get3A_305 = arith.constant 16 : index
        %get3A_306 = tpu.vector_load %arg6[%get3A_303, %get3A_304, %get3A_305] {strides = array<i32>} : memref<4x56x512xf32, #tpu.memory_space<vmem>>, vector<1x1x16xf32>,
        %get3A_307 = vector.shape_cast %get3A_306 : vector<1x1x16xf32> to vector<16xf32>
        %mul3A_308 = arith.constant 22.6274166 : f32
        %mul3A_309 = vector.broadcast %mul3A_308 : f32 to vector<16xf32>
        %mul3A_310 = arith.mulf %get3A_307, %mul3A_309 : vector<16xf32>
        %swap3A_311 = arith.constant 3 : i32
        %swap3A_312 = arith.index_cast %swap3A_311 : i32 to index
        %swap3A_313 = arith.index_cast %scan3A_287 : i32 to index
        %swap3A_314 = arith.constant 16 : index
        %swap3A_315 = tpu.vector_load %arg6[%swap3A_312, %swap3A_313, %swap3A_314] {strides = array<i32>} : memref<4x56x512xf32, #tpu.memory_space<vmem>>, vector<1x1x16xf32>,
        %swap3A_316 = vector.shape_cast %swap3A_315 : vector<1x1x16xf32> to vector<16xf32>
        %swap3A_317 = vector.shape_cast %mul3A_310 : vector<16xf32> to vector<1x1x16xf32>
        tpu.vector_store %arg6[%swap3A_312, %swap3A_313, %swap3A_314], %swap3A_317 {strides = array<i32>} : memref<4x56x512xf32, #tpu.memory_space<vmem>>, vector<1x1x16xf32>,
        %get3A_318 = arith.constant 3 : i32
        %get3A_319 = arith.index_cast %get3A_318 : i32 to index
        %get3A_320 = arith.index_cast %scan3A_287 : i32 to index
        %get3A_321 = arith.constant 32 : index
        %get3A_322 = tpu.vector_load %arg6[%get3A_319, %get3A_320, %get3A_321] {strides = array<i32>} : memref<4x56x512xf32, #tpu.memory_space<vmem>>, vector<1x1x16xf32>,
        %get3A_323 = vector.shape_cast %get3A_322 : vector<1x1x16xf32> to vector<16xf32>
        %mul3A_324 = arith.constant 22.6274166 : f32
        %mul3A_325 = vector.broadcast %mul3A_324 : f32 to vector<16xf32>
        %mul3A_326 = arith.mulf %get3A_323, %mul3A_325 : vector<16xf32>
        %swap3A_327 = arith.constant 3 : i32
        %swap3A_328 = arith.index_cast %swap3A_327 : i32 to index
        %swap3A_329 = arith.index_cast %scan3A_287 : i32 to index
        %swap3A_330 = arith.constant 32 : index
        %swap3A_331 = tpu.vector_load %arg6[%swap3A_328, %swap3A_329, %swap3A_330] {strides = array<i32>} : memref<4x56x512xf32, #tpu.memory_space<vmem>>, vector<1x1x16xf32>,
        %swap3A_332 = vector.shape_cast %swap3A_331 : vector<1x1x16xf32> to vector<16xf32>
        %swap3A_333 = vector.shape_cast %mul3A_326 : vector<16xf32> to vector<1x1x16xf32>
        tpu.vector_store %arg6[%swap3A_328, %swap3A_329, %swap3A_330], %swap3A_333 {strides = array<i32>} : memref<4x56x512xf32, #tpu.memory_space<vmem>>, vector<1x1x16xf32>,
        %get3A_334 = arith.constant 3 : i32
        %get3A_335 = arith.index_cast %get3A_334 : i32 to index
        %get3A_336 = arith.index_cast %scan3A_287 : i32 to index
        %get3A_337 = arith.constant 48 : index
        %get3A_338 = tpu.vector_load %arg6[%get3A_335, %get3A_336, %get3A_337] {strides = array<i32>} : memref<4x56x512xf32, #tpu.memory_space<vmem>>, vector<1x1x16xf32>,
        %get3A_339 = vector.shape_cast %get3A_338 : vector<1x1x16xf32> to vector<16xf32>
        %mul3A_340 = arith.constant 22.6274166 : f32
        %mul3A_341 = vector.broadcast %mul3A_340 : f32 to vector<16xf32>
        %mul3A_342 = arith.mulf %get3A_339, %mul3A_341 : vector<16xf32>
        %swap3A_343 = arith.constant 3 : i32
        %swap3A_344 = arith.index_cast %swap3A_343 : i32 to index
        %swap3A_345 = arith.index_cast %scan3A_287 : i32 to index
        %swap3A_346 = arith.constant 48 : index
        %swap3A_347 = tpu.vector_load %arg6[%swap3A_344, %swap3A_345, %swap3A_346] {strides = array<i32>} : memref<4x56x512xf32, #tpu.memory_space<vmem>>, vector<1x1x16xf32>,
        %swap3A_348 = vector.shape_cast %swap3A_347 : vector<1x1x16xf32> to vector<16xf32>
        %swap3A_349 = vector.shape_cast %mul3A_342 : vector<16xf32> to vector<1x1x16xf32>
        tpu.vector_store %arg6[%swap3A_344, %swap3A_345, %swap3A_346], %swap3A_349 {strides = array<i32>} : memref<4x56x512xf32, #tpu.memory_space<vmem>>, vector<1x1x16xf32>,
        %get3A_350 = arith.constant 3 : i32
        %get3A_351 = arith.index_cast %get3A_350 : i32 to index
        %get3A_352 = arith.index_cast %scan3A_287 : i32 to index
        %get3A_353 = arith.constant 64 : index
        %get3A_354 = tpu.vector_load %arg6[%get3A_351, %get3A_352, %get3A_353] {strides = array<i32>} : memref<4x56x512xf32, #tpu.memory_space<vmem>>, vector<1x1x16xf32>,
        %get3A_355 = vector.shape_cast %get3A_354 : vector<1x1x16xf32> to vector<16xf32>
        %mul3A_356 = arith.constant 22.6274166 : f32
        %mul3A_357 = vector.broadcast %mul3A_356 : f32 to vector<16xf32>
        %mul3A_358 = arith.mulf %get3A_355, %mul3A_357 : vector<16xf32>
        %swap3A_359 = arith.constant 3 : i32
        %swap3A_360 = arith.index_cast %swap3A_359 : i32 to index
        %swap3A_361 = arith.index_cast %scan3A_287 : i32 to index
        %swap3A_362 = arith.constant 64 : index
        %swap3A_363 = tpu.vector_load %arg6[%swap3A_360, %swap3A_361, %swap3A_362] {strides = array<i32>} : memref<4x56x512xf32, #tpu.memory_space<vmem>>, vector<1x1x16xf32>,
        %swap3A_364 = vector.shape_cast %swap3A_363 : vector<1x1x16xf32> to vector<16xf32>
        %swap3A_365 = vector.shape_cast %mul3A_358 : vector<16xf32> to vector<1x1x16xf32>
        tpu.vector_store %arg6[%swap3A_360, %swap3A_361, %swap3A_362], %swap3A_365 {strides = array<i32>} : memref<4x56x512xf32, #tpu.memory_space<vmem>>, vector<1x1x16xf32>,
        %get3A_366 = arith.constant 3 : i32
        %get3A_367 = arith.index_cast %get3A_366 : i32 to index
        %get3A_368 = arith.index_cast %scan3A_287 : i32 to index
        %get3A_369 = arith.constant 80 : index
        %get3A_370 = tpu.vector_load %arg6[%get3A_367, %get3A_368, %get3A_369] {strides = array<i32>} : memref<4x56x512xf32, #tpu.memory_space<vmem>>, vector<1x1x16xf32>,
        %get3A_371 = vector.shape_cast %get3A_370 : vector<1x1x16xf32> to vector<16xf32>
        %mul3A_372 = arith.constant 22.6274166 : f32
        %mul3A_373 = vector.broadcast %mul3A_372 : f32 to vector<16xf32>
        %mul3A_374 = arith.mulf %get3A_371, %mul3A_373 : vector<16xf32>
        %swap3A_375 = arith.constant 3 : i32
        %swap3A_376 = arith.index_cast %swap3A_375 : i32 to index
        %swap3A_377 = arith.index_cast %scan3A_287 : i32 to index
        %swap3A_378 = arith.constant 80 : index
        %swap3A_379 = tpu.vector_load %arg6[%swap3A_376, %swap3A_377, %swap3A_378] {strides = array<i32>} : memref<4x56x512xf32, #tpu.memory_space<vmem>>, vector<1x1x16xf32>,
        %swap3A_380 = vector.shape_cast %swap3A_379 : vector<1x1x16xf32> to vector<16xf32>
        %swap3A_381 = vector.shape_cast %mul3A_374 : vector<16xf32> to vector<1x1x16xf32>
        tpu.vector_store %arg6[%swap3A_376, %swap3A_377, %swap3A_378], %swap3A_381 {strides = array<i32>} : memref<4x56x512xf32, #tpu.memory_space<vmem>>, vector<1x1x16xf32>,
        %get3A_382 = arith.constant 3 : i32
        %get3A_383 = arith.index_cast %get3A_382 : i32 to index
        %get3A_384 = arith.index_cast %scan3A_287 : i32 to index
        %get3A_385 = arith.constant 96 : index
        %get3A_386 = tpu.vector_load %arg6[%get3A_383, %get3A_384, %get3A_385] {strides = array<i32>} : memref<4x56x512xf32, #tpu.memory_space<vmem>>, vector<1x1x16xf32>,
        %get3A_387 = vector.shape_cast %get3A_386 : vector<1x1x16xf32> to vector<16xf32>
        %mul3A_388 = arith.constant 22.6274166 : f32
        %mul3A_389 = vector.broadcast %mul3A_388 : f32 to vector<16xf32>
        %mul3A_390 = arith.mulf %get3A_387, %mul3A_389 : vector<16xf32>
        %swap3A_391 = arith.constant 3 : i32
        %swap3A_392 = arith.index_cast %swap3A_391 : i32 to index
        %swap3A_393 = arith.index_cast %scan3A_287 : i32 to index
        %swap3A_394 = arith.constant 96 : index
        %swap3A_395 = tpu.vector_load %arg6[%swap3A_392, %swap3A_393, %swap3A_394] {strides = array<i32>} : memref<4x56x512xf32, #tpu.memory_space<vmem>>, vector<1x1x16xf32>,
        %swap3A_396 = vector.shape_cast %swap3A_395 : vector<1x1x16xf32> to vector<16xf32>
        %swap3A_397 = vector.shape_cast %mul3A_390 : vector<16xf32> to vector<1x1x16xf32>
        tpu.vector_store %arg6[%swap3A_392, %swap3A_393, %swap3A_394], %swap3A_397 {strides = array<i32>} : memref<4x56x512xf32, #tpu.memory_space<vmem>>, vector<1x1x16xf32>,
        %get3A_398 = arith.constant 3 : i32
        %get3A_399 = arith.index_cast %get3A_398 : i32 to index
        %get3A_400 = arith.index_cast %scan3A_287 : i32 to index
        %get3A_401 = arith.constant 112 : index
        %get3A_402 = tpu.vector_load %arg6[%get3A_399, %get3A_400, %get3A_401] {strides = array<i32>} : memref<4x56x512xf32, #tpu.memory_space<vmem>>, vector<1x1x16xf32>,
        %get3A_403 = vector.shape_cast %get3A_402 : vector<1x1x16xf32> to vector<16xf32>
        %mul3A_404 = arith.constant 22.6274166 : f32
        %mul3A_405 = vector.broadcast %mul3A_404 : f32 to vector<16xf32>
        %mul3A_406 = arith.mulf %get3A_403, %mul3A_405 : vector<16xf32>
        %swap3A_407 = arith.constant 3 : i32
        %swap3A_408 = arith.index_cast %swap3A_407 : i32 to index
        %swap3A_409 = arith.index_cast %scan3A_287 : i32 to index
        %swap3A_410 = arith.constant 112 : index
        %swap3A_411 = tpu.vector_load %arg6[%swap3A_408, %swap3A_409, %swap3A_410] {strides = array<i32>} : memref<4x56x512xf32, #tpu.memory_space<vmem>>, vector<1x1x16xf32>,
        %swap3A_412 = vector.shape_cast %swap3A_411 : vector<1x1x16xf32> to vector<16xf32>
        %swap3A_413 = vector.shape_cast %mul3A_406 : vector<16xf32> to vector<1x1x16xf32>
        tpu.vector_store %arg6[%swap3A_408, %swap3A_409, %swap3A_410], %swap3A_413 {strides = array<i32>} : memref<4x56x512xf32, #tpu.memory_space<vmem>>, vector<1x1x16xf32>,
        %get3A_414 = arith.constant 3 : i32
        %get3A_415 = arith.index_cast %get3A_414 : i32 to index
        %get3A_416 = arith.index_cast %scan3A_287 : i32 to index
        %get3A_417 = arith.constant 128 : index
        %get3A_418 = tpu.vector_load %arg6[%get3A_415, %get3A_416, %get3A_417] {strides = array<i32>} : memref<4x56x512xf32, #tpu.memory_space<vmem>>, vector<1x1x16xf32>,
        %get3A_419 = vector.shape_cast %get3A_418 : vector<1x1x16xf32> to vector<16xf32>
        %mul3A_420 = arith.constant 22.6274166 : f32
        %mul3A_421 = vector.broadcast %mul3A_420 : f32 to vector<16xf32>
        %mul3A_422 = arith.mulf %get3A_419, %mul3A_421 : vector<16xf32>
        %swap3A_423 = arith.constant 3 : i32
        %swap3A_424 = arith.index_cast %swap3A_423 : i32 to index
        %swap3A_425 = arith.index_cast %scan3A_287 : i32 to index
        %swap3A_426 = arith.constant 128 : index
        %swap3A_427 = tpu.vector_load %arg6[%swap3A_424, %swap3A_425, %swap3A_426] {strides = array<i32>} : memref<4x56x512xf32, #tpu.memory_space<vmem>>, vector<1x1x16xf32>,
        %swap3A_428 = vector.shape_cast %swap3A_427 : vector<1x1x16xf32> to vector<16xf32>
        %swap3A_429 = vector.shape_cast %mul3A_422 : vector<16xf32> to vector<1x1x16xf32>
        tpu.vector_store %arg6[%swap3A_424, %swap3A_425, %swap3A_426], %swap3A_429 {strides = array<i32>} : memref<4x56x512xf32, #tpu.memory_space<vmem>>, vector<1x1x16xf32>,
        %get3A_430 = arith.constant 3 : i32
        %get3A_431 = arith.index_cast %get3A_430 : i32 to index
        %get3A_432 = arith.index_cast %scan3A_287 : i32 to index
        %get3A_433 = arith.constant 144 : index
        %get3A_434 = tpu.vector_load %arg6[%get3A_431, %get3A_432, %get3A_433] {strides = array<i32>} : memref<4x56x512xf32, #tpu.memory_space<vmem>>, vector<1x1x16xf32>,
        %get3A_435 = vector.shape_cast %get3A_434 : vector<1x1x16xf32> to vector<16xf32>
        %mul3A_436 = arith.constant 22.6274166 : f32
        %mul3A_437 = vector.broadcast %mul3A_436 : f32 to vector<16xf32>
        %mul3A_438 = arith.mulf %get3A_435, %mul3A_437 : vector<16xf32>
        %swap3A_439 = arith.constant 3 : i32
        %swap3A_440 = arith.index_cast %swap3A_439 : i32 to index
        %swap3A_441 = arith.index_cast %scan3A_287 : i32 to index
        %swap3A_442 = arith.constant 144 : index
        %swap3A_443 = tpu.vector_load %arg6[%swap3A_440, %swap3A_441, %swap3A_442] {strides = array<i32>} : memref<4x56x512xf32, #tpu.memory_space<vmem>>, vector<1x1x16xf32>,
        %swap3A_444 = vector.shape_cast %swap3A_443 : vector<1x1x16xf32> to vector<16xf32>
        %swap3A_445 = vector.shape_cast %mul3A_438 : vector<16xf32> to vector<1x1x16xf32>
        tpu.vector_store %arg6[%swap3A_440, %swap3A_441, %swap3A_442], %swap3A_445 {strides = array<i32>} : memref<4x56x512xf32, #tpu.memory_space<vmem>>, vector<1x1x16xf32>,
        %get3A_446 = arith.constant 3 : i32
        %get3A_447 = arith.index_cast %get3A_446 : i32 to index
        %get3A_448 = arith.index_cast %scan3A_287 : i32 to index
        %get3A_449 = arith.constant 160 : index
        %get3A_450 = tpu.vector_load %arg6[%get3A_447, %get3A_448, %get3A_449] {strides = array<i32>} : memref<4x56x512xf32, #tpu.memory_space<vmem>>, vector<1x1x16xf32>,
        %get3A_451 = vector.shape_cast %get3A_450 : vector<1x1x16xf32> to vector<16xf32>
        %mul3A_452 = arith.constant 22.6274166 : f32
        %mul3A_453 = vector.broadcast %mul3A_452 : f32 to vector<16xf32>
        %mul3A_454 = arith.mulf %get3A_451, %mul3A_453 : vector<16xf32>
        %swap3A_455 = arith.constant 3 : i32
        %swap3A_456 = arith.index_cast %swap3A_455 : i32 to index
        %swap3A_457 = arith.index_cast %scan3A_287 : i32 to index
        %swap3A_458 = arith.constant 160 : index
        %swap3A_459 = tpu.vector_load %arg6[%swap3A_456, %swap3A_457, %swap3A_458] {strides = array<i32>} : memref<4x56x512xf32, #tpu.memory_space<vmem>>, vector<1x1x16xf32>,
        %swap3A_460 = vector.shape_cast %swap3A_459 : vector<1x1x16xf32> to vector<16xf32>
        %swap3A_461 = vector.shape_cast %mul3A_454 : vector<16xf32> to vector<1x1x16xf32>
        tpu.vector_store %arg6[%swap3A_456, %swap3A_457, %swap3A_458], %swap3A_461 {strides = array<i32>} : memref<4x56x512xf32, #tpu.memory_space<vmem>>, vector<1x1x16xf32>,
        %get3A_462 = arith.constant 3 : i32
        %get3A_463 = arith.index_cast %get3A_462 : i32 to index
        %get3A_464 = arith.index_cast %scan3A_287 : i32 to index
        %get3A_465 = arith.constant 176 : index
        %get3A_466 = tpu.vector_load %arg6[%get3A_463, %get3A_464, %get3A_465] {strides = array<i32>} : memref<4x56x512xf32, #tpu.memory_space<vmem>>, vector<1x1x16xf32>,
        %get3A_467 = vector.shape_cast %get3A_466 : vector<1x1x16xf32> to vector<16xf32>
        %mul3A_468 = arith.constant 22.6274166 : f32
        %mul3A_469 = vector.broadcast %mul3A_468 : f32 to vector<16xf32>
        %mul3A_470 = arith.mulf %get3A_467, %mul3A_469 : vector<16xf32>
        %swap3A_471 = arith.constant 3 : i32
        %swap3A_472 = arith.index_cast %swap3A_471 : i32 to index
        %swap3A_473 = arith.index_cast %scan3A_287 : i32 to index
        %swap3A_474 = arith.constant 176 : index
        %swap3A_475 = tpu.vector_load %arg6[%swap3A_472, %swap3A_473, %swap3A_474] {strides = array<i32>} : memref<4x56x512xf32, #tpu.memory_space<vmem>>, vector<1x1x16xf32>,
        %swap3A_476 = vector.shape_cast %swap3A_475 : vector<1x1x16xf32> to vector<16xf32>
        %swap3A_477 = vector.shape_cast %mul3A_470 : vector<16xf32> to vector<1x1x16xf32>
        tpu.vector_store %arg6[%swap3A_472, %swap3A_473, %swap3A_474], %swap3A_477 {strides = array<i32>} : memref<4x56x512xf32, #tpu.memory_space<vmem>>, vector<1x1x16xf32>,
        %get3A_478 = arith.constant 3 : i32
        %get3A_479 = arith.index_cast %get3A_478 : i32 to index
        %get3A_480 = arith.index_cast %scan3A_287 : i32 to index
        %get3A_481 = arith.constant 192 : index
        %get3A_482 = tpu.vector_load %arg6[%get3A_479, %get3A_480, %get3A_481] {strides = array<i32>} : memref<4x56x512xf32, #tpu.memory_space<vmem>>, vector<1x1x16xf32>,
        %get3A_483 = vector.shape_cast %get3A_482 : vector<1x1x16xf32> to vector<16xf32>
        %mul3A_484 = arith.constant 22.6274166 : f32
        %mul3A_485 = vector.broadcast %mul3A_484 : f32 to vector<16xf32>
        %mul3A_486 = arith.mulf %get3A_483, %mul3A_485 : vector<16xf32>
        %swap3A_487 = arith.constant 3 : i32
        %swap3A_488 = arith.index_cast %swap3A_487 : i32 to index
        %swap3A_489 = arith.index_cast %scan3A_287 : i32 to index
        %swap3A_490 = arith.constant 192 : index
        %swap3A_491 = tpu.vector_load %arg6[%swap3A_488, %swap3A_489, %swap3A_490] {strides = array<i32>} : memref<4x56x512xf32, #tpu.memory_space<vmem>>, vector<1x1x16xf32>,
        %swap3A_492 = vector.shape_cast %swap3A_491 : vector<1x1x16xf32> to vector<16xf32>
        %swap3A_493 = vector.shape_cast %mul3A_486 : vector<16xf32> to vector<1x1x16xf32>
        tpu.vector_store %arg6[%swap3A_488, %swap3A_489, %swap3A_490], %swap3A_493 {strides = array<i32>} : memref<4x56x512xf32, #tpu.memory_space<vmem>>, vector<1x1x16xf32>,
        %get3A_494 = arith.constant 3 : i32
        %get3A_495 = arith.index_cast %get3A_494 : i32 to index
        %get3A_496 = arith.index_cast %scan3A_287 : i32 to index
        %get3A_497 = arith.constant 208 : index
        %get3A_498 = tpu.vector_load %arg6[%get3A_495, %get3A_496, %get3A_497] {strides = array<i32>} : memref<4x56x512xf32, #tpu.memory_space<vmem>>, vector<1x1x16xf32>,
        %get3A_499 = vector.shape_cast %get3A_498 : vector<1x1x16xf32> to vector<16xf32>
        %mul3A_500 = arith.constant 22.6274166 : f32
        %mul3A_501 = vector.broadcast %mul3A_500 : f32 to vector<16xf32>
        %mul3A_502 = arith.mulf %get3A_499, %mul3A_501 : vector<16xf32>
        %swap3A_503 = arith.constant 3 : i32
        %swap3A_504 = arith.index_cast %swap3A_503 : i32 to index
        %swap3A_505 = arith.index_cast %scan3A_287 : i32 to index
        %swap3A_506 = arith.constant 208 : index
        %swap3A_507 = tpu.vector_load %arg6[%swap3A_504, %swap3A_505, %swap3A_506] {strides = array<i32>} : memref<4x56x512xf32, #tpu.memory_space<vmem>>, vector<1x1x16xf32>,
        %swap3A_508 = vector.shape_cast %swap3A_507 : vector<1x1x16xf32> to vector<16xf32>
        %swap3A_509 = vector.shape_cast %mul3A_502 : vector<16xf32> to vector<1x1x16xf32>
        tpu.vector_store %arg6[%swap3A_504, %swap3A_505, %swap3A_506], %swap3A_509 {strides = array<i32>} : memref<4x56x512xf32, #tpu.memory_space<vmem>>, vector<1x1x16xf32>,
        %get3A_510 = arith.constant 3 : i32
        %get3A_511 = arith.index_cast %get3A_510 : i32 to index
        %get3A_512 = arith.index_cast %scan3A_287 : i32 to index
        %get3A_513 = arith.constant 224 : index
        %get3A_514 = tpu.vector_load %arg6[%get3A_511, %get3A_512, %get3A_513] {strides = array<i32>} : memref<4x56x512xf32, #tpu.memory_space<vmem>>, vector<1x1x16xf32>,
        %get3A_515 = vector.shape_cast %get3A_514 : vector<1x1x16xf32> to vector<16xf32>
        %mul3A_516 = arith.constant 22.6274166 : f32
        %mul3A_517 = vector.broadcast %mul3A_516 : f32 to vector<16xf32>
        %mul3A_518 = arith.mulf %get3A_515, %mul3A_517 : vector<16xf32>
        %swap3A_519 = arith.constant 3 : i32
        %swap3A_520 = arith.index_cast %swap3A_519 : i32 to index
        %swap3A_521 = arith.index_cast %scan3A_287 : i32 to index
        %swap3A_522 = arith.constant 224 : index
        %swap3A_523 = tpu.vector_load %arg6[%swap3A_520, %swap3A_521, %swap3A_522] {strides = array<i32>} : memref<4x56x512xf32, #tpu.memory_space<vmem>>, vector<1x1x16xf32>,
        %swap3A_524 = vector.shape_cast %swap3A_523 : vector<1x1x16xf32> to vector<16xf32>
        %swap3A_525 = vector.shape_cast %mul3A_518 : vector<16xf32> to vector<1x1x16xf32>
        tpu.vector_store %arg6[%swap3A_520, %swap3A_521, %swap3A_522], %swap3A_525 {strides = array<i32>} : memref<4x56x512xf32, #tpu.memory_space<vmem>>, vector<1x1x16xf32>,
        %get3A_526 = arith.constant 3 : i32
        %get3A_527 = arith.index_cast %get3A_526 : i32 to index
        %get3A_528 = arith.index_cast %scan3A_287 : i32 to index
        %get3A_529 = arith.constant 240 : index
        %get3A_530 = tpu.vector_load %arg6[%get3A_527, %get3A_528, %get3A_529] {strides = array<i32>} : memref<4x56x512xf32, #tpu.memory_space<vmem>>, vector<1x1x16xf32>,
        %get3A_531 = vector.shape_cast %get3A_530 : vector<1x1x16xf32> to vector<16xf32>
        %mul3A_532 = arith.constant 22.6274166 : f32
        %mul3A_533 = vector.broadcast %mul3A_532 : f32 to vector<16xf32>
        %mul3A_534 = arith.mulf %get3A_531, %mul3A_533 : vector<16xf32>
        %swap3A_535 = arith.constant 3 : i32
        %swap3A_536 = arith.index_cast %swap3A_535 : i32 to index
        %swap3A_537 = arith.index_cast %scan3A_287 : i32 to index
        %swap3A_538 = arith.constant 240 : index
        %swap3A_539 = tpu.vector_load %arg6[%swap3A_536, %swap3A_537, %swap3A_538] {strides = array<i32>} : memref<4x56x512xf32, #tpu.memory_space<vmem>>, vector<1x1x16xf32>,
        %swap3A_540 = vector.shape_cast %swap3A_539 : vector<1x1x16xf32> to vector<16xf32>
        %swap3A_541 = vector.shape_cast %mul3A_534 : vector<16xf32> to vector<1x1x16xf32>
        tpu.vector_store %arg6[%swap3A_536, %swap3A_537, %swap3A_538], %swap3A_541 {strides = array<i32>} : memref<4x56x512xf32, #tpu.memory_space<vmem>>, vector<1x1x16xf32>,
        %get3A_542 = arith.constant 3 : i32
        %get3A_543 = arith.index_cast %get3A_542 : i32 to index
        %get3A_544 = arith.index_cast %scan3A_287 : i32 to index
        %get3A_545 = arith.constant 256 : index
        %get3A_546 = tpu.vector_load %arg6[%get3A_543, %get3A_544, %get3A_545] {strides = array<i32>} : memref<4x56x512xf32, #tpu.memory_space<vmem>>, vector<1x1x16xf32>,
        %get3A_547 = vector.shape_cast %get3A_546 : vector<1x1x16xf32> to vector<16xf32>
        %mul3A_548 = arith.constant 22.6274166 : f32
        %mul3A_549 = vector.broadcast %mul3A_548 : f32 to vector<16xf32>
        %mul3A_550 = arith.mulf %get3A_547, %mul3A_549 : vector<16xf32>
        %swap3A_551 = arith.constant 3 : i32
        %swap3A_552 = arith.index_cast %swap3A_551 : i32 to index
        %swap3A_553 = arith.index_cast %scan3A_287 : i32 to index
        %swap3A_554 = arith.constant 256 : index
        %swap3A_555 = tpu.vector_load %arg6[%swap3A_552, %swap3A_553, %swap3A_554] {strides = array<i32>} : memref<4x56x512xf32, #tpu.memory_space<vmem>>, vector<1x1x16xf32>,
        %swap3A_556 = vector.shape_cast %swap3A_555 : vector<1x1x16xf32> to vector<16xf32>
        %swap3A_557 = vector.shape_cast %mul3A_550 : vector<16xf32> to vector<1x1x16xf32>
        tpu.vector_store %arg6[%swap3A_552, %swap3A_553, %swap3A_554], %swap3A_557 {strides = array<i32>} : memref<4x56x512xf32, #tpu.memory_space<vmem>>, vector<1x1x16xf32>,
        %get3A_558 = arith.constant 3 : i32
        %get3A_559 = arith.index_cast %get3A_558 : i32 to index
        %get3A_560 = arith.index_cast %scan3A_287 : i32 to index
        %get3A_561 = arith.constant 272 : index
        %get3A_562 = tpu.vector_load %arg6[%get3A_559, %get3A_560, %get3A_561] {strides = array<i32>} : memref<4x56x512xf32, #tpu.memory_space<vmem>>, vector<1x1x16xf32>,
        %get3A_563 = vector.shape_cast %get3A_562 : vector<1x1x16xf32> to vector<16xf32>
        %mul3A_564 = arith.constant 22.6274166 : f32
        %mul3A_565 = vector.broadcast %mul3A_564 : f32 to vector<16xf32>
        %mul3A_566 = arith.mulf %get3A_563, %mul3A_565 : vector<16xf32>
        %swap3A_567 = arith.constant 3 : i32
        %swap3A_568 = arith.index_cast %swap3A_567 : i32 to index
        %swap3A_569 = arith.index_cast %scan3A_287 : i32 to index
        %swap3A_570 = arith.constant 272 : index
        %swap3A_571 = tpu.vector_load %arg6[%swap3A_568, %swap3A_569, %swap3A_570] {strides = array<i32>} : memref<4x56x512xf32, #tpu.memory_space<vmem>>, vector<1x1x16xf32>,
        %swap3A_572 = vector.shape_cast %swap3A_571 : vector<1x1x16xf32> to vector<16xf32>
        %swap3A_573 = vector.shape_cast %mul3A_566 : vector<16xf32> to vector<1x1x16xf32>
        tpu.vector_store %arg6[%swap3A_568, %swap3A_569, %swap3A_570], %swap3A_573 {strides = array<i32>} : memref<4x56x512xf32, #tpu.memory_space<vmem>>, vector<1x1x16xf32>,
        %get3A_574 = arith.constant 3 : i32
        %get3A_575 = arith.index_cast %get3A_574 : i32 to index
        %get3A_576 = arith.index_cast %scan3A_287 : i32 to index
        %get3A_577 = arith.constant 288 : index
        %get3A_578 = tpu.vector_load %arg6[%get3A_575, %get3A_576, %get3A_577] {strides = array<i32>} : memref<4x56x512xf32, #tpu.memory_space<vmem>>, vector<1x1x16xf32>,
        %get3A_579 = vector.shape_cast %get3A_578 : vector<1x1x16xf32> to vector<16xf32>
        %mul3A_580 = arith.constant 22.6274166 : f32
        %mul3A_581 = vector.broadcast %mul3A_580 : f32 to vector<16xf32>
        %mul3A_582 = arith.mulf %get3A_579, %mul3A_581 : vector<16xf32>
        %swap3A_583 = arith.constant 3 : i32
        %swap3A_584 = arith.index_cast %swap3A_583 : i32 to index
        %swap3A_585 = arith.index_cast %scan3A_287 : i32 to index
        %swap3A_586 = arith.constant 288 : index
        %swap3A_587 = tpu.vector_load %arg6[%swap3A_584, %swap3A_585, %swap3A_586] {strides = array<i32>} : memref<4x56x512xf32, #tpu.memory_space<vmem>>, vector<1x1x16xf32>,
        %swap3A_588 = vector.shape_cast %swap3A_587 : vector<1x1x16xf32> to vector<16xf32>
        %swap3A_589 = vector.shape_cast %mul3A_582 : vector<16xf32> to vector<1x1x16xf32>
        tpu.vector_store %arg6[%swap3A_584, %swap3A_585, %swap3A_586], %swap3A_589 {strides = array<i32>} : memref<4x56x512xf32, #tpu.memory_space<vmem>>, vector<1x1x16xf32>,
        %get3A_590 = arith.constant 3 : i32
        %get3A_591 = arith.index_cast %get3A_590 : i32 to index
        %get3A_592 = arith.index_cast %scan3A_287 : i32 to index
        %get3A_593 = arith.constant 304 : index
        %get3A_594 = tpu.vector_load %arg6[%get3A_591, %get3A_592, %get3A_593] {strides = array<i32>} : memref<4x56x512xf32, #tpu.memory_space<vmem>>, vector<1x1x16xf32>,
        %get3A_595 = vector.shape_cast %get3A_594 : vector<1x1x16xf32> to vector<16xf32>
        %mul3A_596 = arith.constant 22.6274166 : f32
        %mul3A_597 = vector.broadcast %mul3A_596 : f32 to vector<16xf32>
        %mul3A_598 = arith.mulf %get3A_595, %mul3A_597 : vector<16xf32>
        %swap3A_599 = arith.constant 3 : i32
        %swap3A_600 = arith.index_cast %swap3A_599 : i32 to index
        %swap3A_601 = arith.index_cast %scan3A_287 : i32 to index
        %swap3A_602 = arith.constant 304 : index
        %swap3A_603 = tpu.vector_load %arg6[%swap3A_600, %swap3A_601, %swap3A_602] {strides = array<i32>} : memref<4x56x512xf32, #tpu.memory_space<vmem>>, vector<1x1x16xf32>,
        %swap3A_604 = vector.shape_cast %swap3A_603 : vector<1x1x16xf32> to vector<16xf32>
        %swap3A_605 = vector.shape_cast %mul3A_598 : vector<16xf32> to vector<1x1x16xf32>
        tpu.vector_store %arg6[%swap3A_600, %swap3A_601, %swap3A_602], %swap3A_605 {strides = array<i32>} : memref<4x56x512xf32, #tpu.memory_space<vmem>>, vector<1x1x16xf32>,
        %get3A_606 = arith.constant 3 : i32
        %get3A_607 = arith.index_cast %get3A_606 : i32 to index
        %get3A_608 = arith.index_cast %scan3A_287 : i32 to index
        %get3A_609 = arith.constant 320 : index
        %get3A_610 = tpu.vector_load %arg6[%get3A_607, %get3A_608, %get3A_609] {strides = array<i32>} : memref<4x56x512xf32, #tpu.memory_space<vmem>>, vector<1x1x16xf32>,
        %get3A_611 = vector.shape_cast %get3A_610 : vector<1x1x16xf32> to vector<16xf32>
        %mul3A_612 = arith.constant 22.6274166 : f32
        %mul3A_613 = vector.broadcast %mul3A_612 : f32 to vector<16xf32>
        %mul3A_614 = arith.mulf %get3A_611, %mul3A_613 : vector<16xf32>
        %swap3A_615 = arith.constant 3 : i32
        %swap3A_616 = arith.index_cast %swap3A_615 : i32 to index
        %swap3A_617 = arith.index_cast %scan3A_287 : i32 to index
        %swap3A_618 = arith.constant 320 : index
        %swap3A_619 = tpu.vector_load %arg6[%swap3A_616, %swap3A_617, %swap3A_618] {strides = array<i32>} : memref<4x56x512xf32, #tpu.memory_space<vmem>>, vector<1x1x16xf32>,
        %swap3A_620 = vector.shape_cast %swap3A_619 : vector<1x1x16xf32> to vector<16xf32>
        %swap3A_621 = vector.shape_cast %mul3A_614 : vector<16xf32> to vector<1x1x16xf32>
        tpu.vector_store %arg6[%swap3A_616, %swap3A_617, %swap3A_618], %swap3A_621 {strides = array<i32>} : memref<4x56x512xf32, #tpu.memory_space<vmem>>, vector<1x1x16xf32>,
        %get3A_622 = arith.constant 3 : i32
        %get3A_623 = arith.index_cast %get3A_622 : i32 to index
        %get3A_624 = arith.index_cast %scan3A_287 : i32 to index
        %get3A_625 = arith.constant 336 : index
        %get3A_626 = tpu.vector_load %arg6[%get3A_623, %get3A_624, %get3A_625] {strides = array<i32>} : memref<4x56x512xf32, #tpu.memory_space<vmem>>, vector<1x1x16xf32>,
        %get3A_627 = vector.shape_cast %get3A_626 : vector<1x1x16xf32> to vector<16xf32>
        %mul3A_628 = arith.constant 22.6274166 : f32
        %mul3A_629 = vector.broadcast %mul3A_628 : f32 to vector<16xf32>
        %mul3A_630 = arith.mulf %get3A_627, %mul3A_629 : vector<16xf32>
        %swap3A_631 = arith.constant 3 : i32
        %swap3A_632 = arith.index_cast %swap3A_631 : i32 to index
        %swap3A_633 = arith.index_cast %scan3A_287 : i32 to index
        %swap3A_634 = arith.constant 336 : index
        %swap3A_635 = tpu.vector_load %arg6[%swap3A_632, %swap3A_633, %swap3A_634] {strides = array<i32>} : memref<4x56x512xf32, #tpu.memory_space<vmem>>, vector<1x1x16xf32>,
        %swap3A_636 = vector.shape_cast %swap3A_635 : vector<1x1x16xf32> to vector<16xf32>
        %swap3A_637 = vector.shape_cast %mul3A_630 : vector<16xf32> to vector<1x1x16xf32>
        tpu.vector_store %arg6[%swap3A_632, %swap3A_633, %swap3A_634], %swap3A_637 {strides = array<i32>} : memref<4x56x512xf32, #tpu.memory_space<vmem>>, vector<1x1x16xf32>,
        %get3A_638 = arith.constant 3 : i32
        %get3A_639 = arith.index_cast %get3A_638 : i32 to index
        %get3A_640 = arith.index_cast %scan3A_287 : i32 to index
        %get3A_641 = arith.constant 352 : index
        %get3A_642 = tpu.vector_load %arg6[%get3A_639, %get3A_640, %get3A_641] {strides = array<i32>} : memref<4x56x512xf32, #tpu.memory_space<vmem>>, vector<1x1x16xf32>,
        %get3A_643 = vector.shape_cast %get3A_642 : vector<1x1x16xf32> to vector<16xf32>
        %mul3A_644 = arith.constant 22.6274166 : f32
        %mul3A_645 = vector.broadcast %mul3A_644 : f32 to vector<16xf32>
        %mul3A_646 = arith.mulf %get3A_643, %mul3A_645 : vector<16xf32>
        %swap3A_647 = arith.constant 3 : i32
        %swap3A_648 = arith.index_cast %swap3A_647 : i32 to index
        %swap3A_649 = arith.index_cast %scan3A_287 : i32 to index
        %swap3A_650 = arith.constant 352 : index
        %swap3A_651 = tpu.vector_load %arg6[%swap3A_648, %swap3A_649, %swap3A_650] {strides = array<i32>} : memref<4x56x512xf32, #tpu.memory_space<vmem>>, vector<1x1x16xf32>,
        %swap3A_652 = vector.shape_cast %swap3A_651 : vector<1x1x16xf32> to vector<16xf32>
        %swap3A_653 = vector.shape_cast %mul3A_646 : vector<16xf32> to vector<1x1x16xf32>
        tpu.vector_store %arg6[%swap3A_648, %swap3A_649, %swap3A_650], %swap3A_653 {strides = array<i32>} : memref<4x56x512xf32, #tpu.memory_space<vmem>>, vector<1x1x16xf32>,
        %get3A_654 = arith.constant 3 : i32
        %get3A_655 = arith.index_cast %get3A_654 : i32 to index
        %get3A_656 = arith.index_cast %scan3A_287 : i32 to index
        %get3A_657 = arith.constant 368 : index
        %get3A_658 = tpu.vector_load %arg6[%get3A_655, %get3A_656, %get3A_657] {strides = array<i32>} : memref<4x56x512xf32, #tpu.memory_space<vmem>>, vector<1x1x16xf32>,
        %get3A_659 = vector.shape_cast %get3A_658 : vector<1x1x16xf32> to vector<16xf32>
        %mul3A_660 = arith.constant 22.6274166 : f32
        %mul3A_661 = vector.broadcast %mul3A_660 : f32 to vector<16xf32>
        %mul3A_662 = arith.mulf %get3A_659, %mul3A_661 : vector<16xf32>
        %swap3A_663 = arith.constant 3 : i32
        %swap3A_664 = arith.index_cast %swap3A_663 : i32 to index
        %swap3A_665 = arith.index_cast %scan3A_287 : i32 to index
        %swap3A_666 = arith.constant 368 : index
        %swap3A_667 = tpu.vector_load %arg6[%swap3A_664, %swap3A_665, %swap3A_666] {strides = array<i32>} : memref<4x56x512xf32, #tpu.memory_space<vmem>>, vector<1x1x16xf32>,
        %swap3A_668 = vector.shape_cast %swap3A_667 : vector<1x1x16xf32> to vector<16xf32>
        %swap3A_669 = vector.shape_cast %mul3A_662 : vector<16xf32> to vector<1x1x16xf32>
        tpu.vector_store %arg6[%swap3A_664, %swap3A_665, %swap3A_666], %swap3A_669 {strides = array<i32>} : memref<4x56x512xf32, #tpu.memory_space<vmem>>, vector<1x1x16xf32>,
        %get3A_670 = arith.constant 3 : i32
        %get3A_671 = arith.index_cast %get3A_670 : i32 to index
        %get3A_672 = arith.index_cast %scan3A_287 : i32 to index
        %get3A_673 = arith.constant 384 : index
        %get3A_674 = tpu.vector_load %arg6[%get3A_671, %get3A_672, %get3A_673] {strides = array<i32>} : memref<4x56x512xf32, #tpu.memory_space<vmem>>, vector<1x1x16xf32>,
        %get3A_675 = vector.shape_cast %get3A_674 : vector<1x1x16xf32> to vector<16xf32>
        %mul3A_676 = arith.constant 22.6274166 : f32
        %mul3A_677 = vector.broadcast %mul3A_676 : f32 to vector<16xf32>
        %mul3A_678 = arith.mulf %get3A_675, %mul3A_677 : vector<16xf32>
        %swap3A_679 = arith.constant 3 : i32
        %swap3A_680 = arith.index_cast %swap3A_679 : i32 to index
        %swap3A_681 = arith.index_cast %scan3A_287 : i32 to index
        %swap3A_682 = arith.constant 384 : index
        %swap3A_683 = tpu.vector_load %arg6[%swap3A_680, %swap3A_681, %swap3A_682] {strides = array<i32>} : memref<4x56x512xf32, #tpu.memory_space<vmem>>, vector<1x1x16xf32>,
        %swap3A_684 = vector.shape_cast %swap3A_683 : vector<1x1x16xf32> to vector<16xf32>
        %swap3A_685 = vector.shape_cast %mul3A_678 : vector<16xf32> to vector<1x1x16xf32>
        tpu.vector_store %arg6[%swap3A_680, %swap3A_681, %swap3A_682], %swap3A_685 {strides = array<i32>} : memref<4x56x512xf32, #tpu.memory_space<vmem>>, vector<1x1x16xf32>,
        %get3A_686 = arith.constant 3 : i32
        %get3A_687 = arith.index_cast %get3A_686 : i32 to index
        %get3A_688 = arith.index_cast %scan3A_287 : i32 to index
        %get3A_689 = arith.constant 400 : index
        %get3A_690 = tpu.vector_load %arg6[%get3A_687, %get3A_688, %get3A_689] {strides = array<i32>} : memref<4x56x512xf32, #tpu.memory_space<vmem>>, vector<1x1x16xf32>,
        %get3A_691 = vector.shape_cast %get3A_690 : vector<1x1x16xf32> to vector<16xf32>
        %mul3A_692 = arith.constant 22.6274166 : f32
        %mul3A_693 = vector.broadcast %mul3A_692 : f32 to vector<16xf32>
        %mul3A_694 = arith.mulf %get3A_691, %mul3A_693 : vector<16xf32>
        %swap3A_695 = arith.constant 3 : i32
        %swap3A_696 = arith.index_cast %swap3A_695 : i32 to index
        %swap3A_697 = arith.index_cast %scan3A_287 : i32 to index
        %swap3A_698 = arith.constant 400 : index
        %swap3A_699 = tpu.vector_load %arg6[%swap3A_696, %swap3A_697, %swap3A_698] {strides = array<i32>} : memref<4x56x512xf32, #tpu.memory_space<vmem>>, vector<1x1x16xf32>,
        %swap3A_700 = vector.shape_cast %swap3A_699 : vector<1x1x16xf32> to vector<16xf32>
        %swap3A_701 = vector.shape_cast %mul3A_694 : vector<16xf32> to vector<1x1x16xf32>
        tpu.vector_store %arg6[%swap3A_696, %swap3A_697, %swap3A_698], %swap3A_701 {strides = array<i32>} : memref<4x56x512xf32, #tpu.memory_space<vmem>>, vector<1x1x16xf32>,
        %get3A_702 = arith.constant 3 : i32
        %get3A_703 = arith.index_cast %get3A_702 : i32 to index
        %get3A_704 = arith.index_cast %scan3A_287 : i32 to index
        %get3A_705 = arith.constant 416 : index
        %get3A_706 = tpu.vector_load %arg6[%get3A_703, %get3A_704, %get3A_705] {strides = array<i32>} : memref<4x56x512xf32, #tpu.memory_space<vmem>>, vector<1x1x16xf32>,
        %get3A_707 = vector.shape_cast %get3A_706 : vector<1x1x16xf32> to vector<16xf32>
        %mul3A_708 = arith.constant 22.6274166 : f32
        %mul3A_709 = vector.broadcast %mul3A_708 : f32 to vector<16xf32>
        %mul3A_710 = arith.mulf %get3A_707, %mul3A_709 : vector<16xf32>
        %swap3A_711 = arith.constant 3 : i32
        %swap3A_712 = arith.index_cast %swap3A_711 : i32 to index
        %swap3A_713 = arith.index_cast %scan3A_287 : i32 to index
        %swap3A_714 = arith.constant 416 : index
        %swap3A_715 = tpu.vector_load %arg6[%swap3A_712, %swap3A_713, %swap3A_714] {strides = array<i32>} : memref<4x56x512xf32, #tpu.memory_space<vmem>>, vector<1x1x16xf32>,
        %swap3A_716 = vector.shape_cast %swap3A_715 : vector<1x1x16xf32> to vector<16xf32>
        %swap3A_717 = vector.shape_cast %mul3A_710 : vector<16xf32> to vector<1x1x16xf32>
        tpu.vector_store %arg6[%swap3A_712, %swap3A_713, %swap3A_714], %swap3A_717 {strides = array<i32>} : memref<4x56x512xf32, #tpu.memory_space<vmem>>, vector<1x1x16xf32>,
        %get3A_718 = arith.constant 3 : i32
        %get3A_719 = arith.index_cast %get3A_718 : i32 to index
        %get3A_720 = arith.index_cast %scan3A_287 : i32 to index
        %get3A_721 = arith.constant 432 : index
        %get3A_722 = tpu.vector_load %arg6[%get3A_719, %get3A_720, %get3A_721] {strides = array<i32>} : memref<4x56x512xf32, #tpu.memory_space<vmem>>, vector<1x1x16xf32>,
        %get3A_723 = vector.shape_cast %get3A_722 : vector<1x1x16xf32> to vector<16xf32>
        %mul3A_724 = arith.constant 22.6274166 : f32
        %mul3A_725 = vector.broadcast %mul3A_724 : f32 to vector<16xf32>
        %mul3A_726 = arith.mulf %get3A_723, %mul3A_725 : vector<16xf32>
        %swap3A_727 = arith.constant 3 : i32
        %swap3A_728 = arith.index_cast %swap3A_727 : i32 to index
        %swap3A_729 = arith.index_cast %scan3A_287 : i32 to index
        %swap3A_730 = arith.constant 432 : index
        %swap3A_731 = tpu.vector_load %arg6[%swap3A_728, %swap3A_729, %swap3A_730] {strides = array<i32>} : memref<4x56x512xf32, #tpu.memory_space<vmem>>, vector<1x1x16xf32>,
        %swap3A_732 = vector.shape_cast %swap3A_731 : vector<1x1x16xf32> to vector<16xf32>
        %swap3A_733 = vector.shape_cast %mul3A_726 : vector<16xf32> to vector<1x1x16xf32>
        tpu.vector_store %arg6[%swap3A_728, %swap3A_729, %swap3A_730], %swap3A_733 {strides = array<i32>} : memref<4x56x512xf32, #tpu.memory_space<vmem>>, vector<1x1x16xf32>,
        %get3A_734 = arith.constant 3 : i32
        %get3A_735 = arith.index_cast %get3A_734 : i32 to index
        %get3A_736 = arith.index_cast %scan3A_287 : i32 to index
        %get3A_737 = arith.constant 448 : index
        %get3A_738 = tpu.vector_load %arg6[%get3A_735, %get3A_736, %get3A_737] {strides = array<i32>} : memref<4x56x512xf32, #tpu.memory_space<vmem>>, vector<1x1x16xf32>,
        %get3A_739 = vector.shape_cast %get3A_738 : vector<1x1x16xf32> to vector<16xf32>
        %mul3A_740 = arith.constant 22.6274166 : f32
        %mul3A_741 = vector.broadcast %mul3A_740 : f32 to vector<16xf32>
        %mul3A_742 = arith.mulf %get3A_739, %mul3A_741 : vector<16xf32>
        %swap3A_743 = arith.constant 3 : i32
        %swap3A_744 = arith.index_cast %swap3A_743 : i32 to index
        %swap3A_745 = arith.index_cast %scan3A_287 : i32 to index
        %swap3A_746 = arith.constant 448 : index
        %swap3A_747 = tpu.vector_load %arg6[%swap3A_744, %swap3A_745, %swap3A_746] {strides = array<i32>} : memref<4x56x512xf32, #tpu.memory_space<vmem>>, vector<1x1x16xf32>,
        %swap3A_748 = vector.shape_cast %swap3A_747 : vector<1x1x16xf32> to vector<16xf32>
        %swap3A_749 = vector.shape_cast %mul3A_742 : vector<16xf32> to vector<1x1x16xf32>
        tpu.vector_store %arg6[%swap3A_744, %swap3A_745, %swap3A_746], %swap3A_749 {strides = array<i32>} : memref<4x56x512xf32, #tpu.memory_space<vmem>>, vector<1x1x16xf32>,
        %get3A_750 = arith.constant 3 : i32
        %get3A_751 = arith.index_cast %get3A_750 : i32 to index
        %get3A_752 = arith.index_cast %scan3A_287 : i32 to index
        %get3A_753 = arith.constant 464 : index
        %get3A_754 = tpu.vector_load %arg6[%get3A_751, %get3A_752, %get3A_753] {strides = array<i32>} : memref<4x56x512xf32, #tpu.memory_space<vmem>>, vector<1x1x16xf32>,
        %get3A_755 = vector.shape_cast %get3A_754 : vector<1x1x16xf32> to vector<16xf32>
        %mul3A_756 = arith.constant 22.6274166 : f32
        %mul3A_757 = vector.broadcast %mul3A_756 : f32 to vector<16xf32>
        %mul3A_758 = arith.mulf %get3A_755, %mul3A_757 : vector<16xf32>
        %swap3A_759 = arith.constant 3 : i32
        %swap3A_760 = arith.index_cast %swap3A_759 : i32 to index
        %swap3A_761 = arith.index_cast %scan3A_287 : i32 to index
        %swap3A_762 = arith.constant 464 : index
        %swap3A_763 = tpu.vector_load %arg6[%swap3A_760, %swap3A_761, %swap3A_762] {strides = array<i32>} : memref<4x56x512xf32, #tpu.memory_space<vmem>>, vector<1x1x16xf32>,
        %swap3A_764 = vector.shape_cast %swap3A_763 : vector<1x1x16xf32> to vector<16xf32>
        %swap3A_765 = vector.shape_cast %mul3A_758 : vector<16xf32> to vector<1x1x16xf32>
        tpu.vector_store %arg6[%swap3A_760, %swap3A_761, %swap3A_762], %swap3A_765 {strides = array<i32>} : memref<4x56x512xf32, #tpu.memory_space<vmem>>, vector<1x1x16xf32>,
        %get3A_766 = arith.constant 3 : i32
        %get3A_767 = arith.index_cast %get3A_766 : i32 to index
        %get3A_768 = arith.index_cast %scan3A_287 : i32 to index
        %get3A_769 = arith.constant 480 : index
        %get3A_770 = tpu.vector_load %arg6[%get3A_767, %get3A_768, %get3A_769] {strides = array<i32>} : memref<4x56x512xf32, #tpu.memory_space<vmem>>, vector<1x1x16xf32>,
        %get3A_771 = vector.shape_cast %get3A_770 : vector<1x1x16xf32> to vector<16xf32>
        %mul3A_772 = arith.constant 22.6274166 : f32
        %mul3A_773 = vector.broadcast %mul3A_772 : f32 to vector<16xf32>
        %mul3A_774 = arith.mulf %get3A_771, %mul3A_773 : vector<16xf32>
        %swap3A_775 = arith.constant 3 : i32
        %swap3A_776 = arith.index_cast %swap3A_775 : i32 to index
        %swap3A_777 = arith.index_cast %scan3A_287 : i32 to index
        %swap3A_778 = arith.constant 480 : index
        %swap3A_779 = tpu.vector_load %arg6[%swap3A_776, %swap3A_777, %swap3A_778] {strides = array<i32>} : memref<4x56x512xf32, #tpu.memory_space<vmem>>, vector<1x1x16xf32>,
        %swap3A_780 = vector.shape_cast %swap3A_779 : vector<1x1x16xf32> to vector<16xf32>
        %swap3A_781 = vector.shape_cast %mul3A_774 : vector<16xf32> to vector<1x1x16xf32>
        tpu.vector_store %arg6[%swap3A_776, %swap3A_777, %swap3A_778], %swap3A_781 {strides = array<i32>} : memref<4x56x512xf32, #tpu.memory_space<vmem>>, vector<1x1x16xf32>,
        %get3A_782 = arith.constant 3 : i32
        %get3A_783 = arith.index_cast %get3A_782 : i32 to index
        %get3A_784 = arith.index_cast %scan3A_287 : i32 to index
        %get3A_785 = arith.constant 496 : index
        %get3A_786 = tpu.vector_load %arg6[%get3A_783, %get3A_784, %get3A_785] {strides = array<i32>} : memref<4x56x512xf32, #tpu.memory_space<vmem>>, vector<1x1x16xf32>,
        %get3A_787 = vector.shape_cast %get3A_786 : vector<1x1x16xf32> to vector<16xf32>
        %mul3A_788 = arith.constant 22.6274166 : f32
        %mul3A_789 = vector.broadcast %mul3A_788 : f32 to vector<16xf32>
        %mul3A_790 = arith.mulf %get3A_787, %mul3A_789 : vector<16xf32>
        %swap3A_791 = arith.constant 3 : i32
        %swap3A_792 = arith.index_cast %swap3A_791 : i32 to index
        %swap3A_793 = arith.index_cast %scan3A_287 : i32 to index
        %swap3A_794 = arith.constant 496 : index
        %swap3A_795 = tpu.vector_load %arg6[%swap3A_792, %swap3A_793, %swap3A_794] {strides = array<i32>} : memref<4x56x512xf32, #tpu.memory_space<vmem>>, vector<1x1x16xf32>,
        %swap3A_796 = vector.shape_cast %swap3A_795 : vector<1x1x16xf32> to vector<16xf32>
        %swap3A_797 = vector.shape_cast %mul3A_790 : vector<16xf32> to vector<1x1x16xf32>
        tpu.vector_store %arg6[%swap3A_792, %swap3A_793, %swap3A_794], %swap3A_797 {strides = array<i32>} : memref<4x56x512xf32, #tpu.memory_space<vmem>>, vector<1x1x16xf32>,
      }
      %scan3A_265 = arith.constant 50 : i32
      %add3A_266 = arith.addi %mul3A_2, %add3A_248 : i32
      %mul3A_267 = arith.constant 56 : i32
      %mul3A_268 = arith.muli %add3A_266, %mul3A_267 : i32
      %dma_start3A_269 = arith.constant 3 : i32
      %dma_start3A_270 = arith.constant 0 : i32
      %dma_start3A_271 = arith.constant 0 : i32
      %dma_start3A_272 = tpu.memref_slice %arg6[%dma_start3A_269, %dma_start3A_270, %dma_start3A_271] : memref<4x56x512xf32, #tpu.memory_space<vmem>> -> memref<1x56x512xf32, #tpu.memory_space<vmem>>
      %dma_start3A_273 = tpu.memref_squeeze %dma_start3A_272 : memref<1x56x512xf32, #tpu.memory_space<vmem>> -> memref<56x512xf32, #tpu.memory_space<vmem>>
      %dma_start3A_274 = arith.constant 0 : i32
      %dma_start3A_275 = tpu.memref_slice %arg4[%mul3A_268, %dma_start3A_274] : memref<229376x512xf32, #tpu.memory_space<hbm>> -> memref<56x512xf32, #tpu.memory_space<hbm>>
      %dma_start3A_276 = arith.constant 0 : i32
      %dma_start3A_277 = tpu.memref_slice %arg4[%mul3A_268, %dma_start3A_276] : memref<229376x512xf32, #tpu.memory_space<hbm>> -> memref<56x512xf32, #tpu.memory_space<hbm>>
      %dma_start3A_278 = arith.constant 0 : i32
      %dma_start3A_279 = arith.constant 0 : i32
      %dma_start3A_280 = tpu.memref_slice %arg6[%dma_start3A_269, %dma_start3A_278, %dma_start3A_279] : memref<4x56x512xf32, #tpu.memory_space<vmem>> -> memref<1x56x512xf32, #tpu.memory_space<vmem>>
      %dma_start3A_281 = tpu.memref_squeeze %dma_start3A_280 : memref<1x56x512xf32, #tpu.memory_space<vmem>> -> memref<56x512xf32, #tpu.memory_space<vmem>>
      tpu.enqueue_dma source(%dma_start3A_281 : memref<56x512xf32, #tpu.memory_space<vmem>>) target(%dma_start3A_277 : memref<56x512xf32, #tpu.memory_space<hbm>>) target_semaphore(%arg14 : memref<!tpu.dma_semaphore, #tpu.memory_space<semaphore_mem>>)
      %lt3A_282 = arith.constant 31 : i32
      %lt3A_283 = arith.cmpi slt, %scan3A_96, %lt3A_282 : i32
      %convert_element_type3A_284 = arith.extui %lt3A_283 : i1 to i32
      %cond3A_285 = arith.constant 0 : i32
      %cond3A_286 = arith.cmpi ne, %convert_element_type3A_284, %cond3A_285 : i32
      scf.if %cond3A_286 {
        %sub3A = arith.constant 2 : i32
        %sub3A_287 = arith.subi %add3A_248, %sub3A : i32
        %add3A_288 = arith.addi %mul3A_2, %sub3A_287 : i32
        %mul3A_289 = arith.constant 56 : i32
        %mul3A_290 = arith.muli %add3A_288, %mul3A_289 : i32
        %dma_wait3A_291 = arith.constant 1 : i32
        %dma_wait3A_292 = arith.constant 0 : i32
        %dma_wait3A_293 = arith.constant 0 : i32
        %dma_wait3A_294 = tpu.memref_slice %arg6[%dma_wait3A_291, %dma_wait3A_292, %dma_wait3A_293] : memref<4x56x512xf32, #tpu.memory_space<vmem>> -> memref<1x56x512xf32, #tpu.memory_space<vmem>>
        %dma_wait3A_295 = tpu.memref_squeeze %dma_wait3A_294 : memref<1x56x512xf32, #tpu.memory_space<vmem>> -> memref<56x512xf32, #tpu.memory_space<vmem>>
        %dma_wait3A_296 = arith.constant 0 : i32
        %dma_wait3A_297 = tpu.memref_slice %arg4[%mul3A_290, %dma_wait3A_296] : memref<229376x512xf32, #tpu.memory_space<hbm>> -> memref<56x512xf32, #tpu.memory_space<hbm>>
        %dma_wait3A_298 = arith.constant 0 : i32
        %dma_wait3A_299 = tpu.memref_slice %arg4[%mul3A_290, %dma_wait3A_298] : memref<229376x512xf32, #tpu.memory_space<hbm>> -> memref<56x512xf32, #tpu.memory_space<hbm>>
        %dma_wait3A_300 = arith.constant 0 : i32
        %dma_wait3A_301 = arith.constant 0 : i32
        %dma_wait3A_302 = tpu.memref_slice %arg6[%dma_wait3A_291, %dma_wait3A_300, %dma_wait3A_301] : memref<4x56x512xf32, #tpu.memory_space<vmem>> -> memref<1x56x512xf32, #tpu.memory_space<vmem>>
        %dma_wait3A_303 = tpu.memref_squeeze %dma_wait3A_302 : memref<1x56x512xf32, #tpu.memory_space<vmem>> -> memref<56x512xf32, #tpu.memory_space<vmem>>
        tpu.wait_dma2 semaphore(%arg12 : memref<!tpu.dma_semaphore, #tpu.memory_space<semaphore_mem>>) src(%dma_wait3A_303 : memref<56x512xf32, #tpu.memory_space<vmem>>) dst(%dma_wait3A_299 : memref<56x512xf32, #tpu.memory_space<hbm>>)
        %add3A_304 = arith.constant 2 : i32
        %add3A_305 = arith.addi %add3A_248, %add3A_304 : i32
        %mul3A_306 = arith.constant 56 : i32
        %mul3A_307 = arith.muli %add3A_305, %mul3A_306 : i32
        %dma_start3A_308 = arith.constant 1 : i32
        %dma_start3A_309 = arith.constant 0 : i32
        %dma_start3A_310 = arith.constant 0 : i32
        %dma_start3A_311 = tpu.memref_slice %arg6[%dma_start3A_308, %dma_start3A_309, %dma_start3A_310] : memref<4x56x512xf32, #tpu.memory_space<vmem>> -> memref<1x56x512xf32, #tpu.memory_space<vmem>>
        %dma_start3A_312 = tpu.memref_squeeze %dma_start3A_311 : memref<1x56x512xf32, #tpu.memory_space<vmem>> -> memref<56x512xf32, #tpu.memory_space<vmem>>
        %dma_start3A_313 = tpu.memref_slice %arg5[%mul3A_307] : memref<7168xi32, #tpu.memory_space<vmem>> -> memref<56xi32, #tpu.memory_space<vmem>>
        %dma_start3A_314 = arith.constant 0 : i32
        %dma_start3A_315 = arith.constant 0 : i32
        %dma_start3A_316 = tpu.memref_slice %arg3[%dma_start3A_314, %dma_start3A_315] : memref<32678x512xf32, #tpu.memory_space<hbm>> -> memref<32678x512xf32, #tpu.memory_space<hbm>>
        tpu.enqueue_indirect_dma source(%dma_start3A_316 : memref<32678x512xf32, #tpu.memory_space<hbm>>) target(%dma_start3A_312 : memref<56x512xf32, #tpu.memory_space<vmem>>) offsets(%dma_start3A_313 : memref<56xi32, #tpu.memory_space<vmem>>) semaphore(%arg8 : memref<!tpu.dma_semaphore, #tpu.memory_space<semaphore_mem>>)
      } else {
      }
    }
    %scan3A_28 = arith.constant 32 : i32
    %add3A_29 = arith.constant 124 : i32
    %add3A_30 = arith.addi %mul3A_2, %add3A_29 : i32
    %mul3A_31 = arith.constant 56 : i32
    %mul3A_32 = arith.muli %add3A_30, %mul3A_31 : i32
    %dma_wait3A = arith.constant 0 : i32
    %dma_wait3A_33 = arith.constant 0 : i32
    %dma_wait3A_34 = arith.constant 0 : i32
    %dma_wait3A_35 = tpu.memref_slice %arg6[%dma_wait3A, %dma_wait3A_33, %dma_wait3A_34] : memref<4x56x512xf32, #tpu.memory_space<vmem>> -> memref<1x56x512xf32, #tpu.memory_space<vmem>>
    %dma_wait3A_36 = tpu.memref_squeeze %dma_wait3A_35 : memref<1x56x512xf32, #tpu.memory_space<vmem>> -> memref<56x512xf32, #tpu.memory_space<vmem>>
    %dma_wait3A_37 = arith.constant 0 : i32
    %dma_wait3A_38 = tpu.memref_slice %arg4[%mul3A_32, %dma_wait3A_37] : memref<229376x512xf32, #tpu.memory_space<hbm>> -> memref<56x512xf32, #tpu.memory_space<hbm>>
    %dma_wait3A_39 = arith.constant 0 : i32
    %dma_wait3A_40 = tpu.memref_slice %arg4[%mul3A_32, %dma_wait3A_39] : memref<229376x512xf32, #tpu.memory_space<hbm>> -> memref<56x512xf32, #tpu.memory_space<hbm>>
    %dma_wait3A_41 = arith.constant 0 : i32
    %dma_wait3A_42 = arith.constant 0 : i32
    %dma_wait3A_43 = tpu.memref_slice %arg6[%dma_wait3A, %dma_wait3A_41, %dma_wait3A_42] : memref<4x56x512xf32, #tpu.memory_space<vmem>> -> memref<1x56x512xf32, #tpu.memory_space<vmem>>
    %dma_wait3A_44 = tpu.memref_squeeze %dma_wait3A_43 : memref<1x56x512xf32, #tpu.memory_space<vmem>> -> memref<56x512xf32, #tpu.memory_space<vmem>>
    tpu.wait_dma2 semaphore(%arg11 : memref<!tpu.dma_semaphore, #tpu.memory_space<semaphore_mem>>) src(%dma_wait3A_44 : memref<56x512xf32, #tpu.memory_space<vmem>>) dst(%dma_wait3A_40 : memref<56x512xf32, #tpu.memory_space<hbm>>)
    %add3A_45 = arith.constant 125 : i32
    %add3A_46 = arith.addi %mul3A_2, %add3A_45 : i32
    %mul3A_47 = arith.constant 56 : i32
    %mul3A_48 = arith.muli %add3A_46, %mul3A_47 : i32
    %dma_wait3A_49 = arith.constant 1 : i32
    %dma_wait3A_50 = arith.constant 0 : i32
    %dma_wait3A_51 = arith.constant 0 : i32
    %dma_wait3A_52 = tpu.memref_slice %arg6[%dma_wait3A_49, %dma_wait3A_50, %dma_wait3A_51] : memref<4x56x512xf32, #tpu.memory_space<vmem>> -> memref<1x56x512xf32, #tpu.memory_space<vmem>>
    %dma_wait3A_53 = tpu.memref_squeeze %dma_wait3A_52 : memref<1x56x512xf32, #tpu.memory_space<vmem>> -> memref<56x512xf32, #tpu.memory_space<vmem>>
    %dma_wait3A_54 = arith.constant 0 : i32
    %dma_wait3A_55 = tpu.memref_slice %arg4[%mul3A_48, %dma_wait3A_54] : memref<229376x512xf32, #tpu.memory_space<hbm>> -> memref<56x512xf32, #tpu.memory_space<hbm>>
    %dma_wait3A_56 = arith.constant 0 : i32
    %dma_wait3A_57 = tpu.memref_slice %arg4[%mul3A_48, %dma_wait3A_56] : memref<229376x512xf32, #tpu.memory_space<hbm>> -> memref<56x512xf32, #tpu.memory_space<hbm>>
    %dma_wait3A_58 = arith.constant 0 : i32
    %dma_wait3A_59 = arith.constant 0 : i32
    %dma_wait3A_60 = tpu.memref_slice %arg6[%dma_wait3A_49, %dma_wait3A_58, %dma_wait3A_59] : memref<4x56x512xf32, #tpu.memory_space<vmem>> -> memref<1x56x512xf32, #tpu.memory_space<vmem>>
    %dma_wait3A_61 = tpu.memref_squeeze %dma_wait3A_60 : memref<1x56x512xf32, #tpu.memory_space<vmem>> -> memref<56x512xf32, #tpu.memory_space<vmem>>
    tpu.wait_dma2 semaphore(%arg12 : memref<!tpu.dma_semaphore, #tpu.memory_space<semaphore_mem>>) src(%dma_wait3A_61 : memref<56x512xf32, #tpu.memory_space<vmem>>) dst(%dma_wait3A_57 : memref<56x512xf32, #tpu.memory_space<hbm>>)
    %add3A_62 = arith.constant 126 : i32
    %add3A_63 = arith.addi %mul3A_2, %add3A_62 : i32
    %mul3A_64 = arith.constant 56 : i32
    %mul3A_65 = arith.muli %add3A_63, %mul3A_64 : i32
    %dma_wait3A_66 = arith.constant 2 : i32
    %dma_wait3A_67 = arith.constant 0 : i32
    %dma_wait3A_68 = arith.constant 0 : i32
    %dma_wait3A_69 = tpu.memref_slice %arg6[%dma_wait3A_66, %dma_wait3A_67, %dma_wait3A_68] : memref<4x56x512xf32, #tpu.memory_space<vmem>> -> memref<1x56x512xf32, #tpu.memory_space<vmem>>
    %dma_wait3A_70 = tpu.memref_squeeze %dma_wait3A_69 : memref<1x56x512xf32, #tpu.memory_space<vmem>> -> memref<56x512xf32, #tpu.memory_space<vmem>>
    %dma_wait3A_71 = arith.constant 0 : i32
    %dma_wait3A_72 = tpu.memref_slice %arg4[%mul3A_65, %dma_wait3A_71] : memref<229376x512xf32, #tpu.memory_space<hbm>> -> memref<56x512xf32, #tpu.memory_space<hbm>>
    %dma_wait3A_73 = arith.constant 0 : i32
    %dma_wait3A_74 = tpu.memref_slice %arg4[%mul3A_65, %dma_wait3A_73] : memref<229376x512xf32, #tpu.memory_space<hbm>> -> memref<56x512xf32, #tpu.memory_space<hbm>>
    %dma_wait3A_75 = arith.constant 0 : i32
    %dma_wait3A_76 = arith.constant 0 : i32
    %dma_wait3A_77 = tpu.memref_slice %arg6[%dma_wait3A_66, %dma_wait3A_75, %dma_wait3A_76] : memref<4x56x512xf32, #tpu.memory_space<vmem>> -> memref<1x56x512xf32, #tpu.memory_space<vmem>>
    %dma_wait3A_78 = tpu.memref_squeeze %dma_wait3A_77 : memref<1x56x512xf32, #tpu.memory_space<vmem>> -> memref<56x512xf32, #tpu.memory_space<vmem>>
    tpu.wait_dma2 semaphore(%arg13 : memref<!tpu.dma_semaphore, #tpu.memory_space<semaphore_mem>>) src(%dma_wait3A_78 : memref<56x512xf32, #tpu.memory_space<vmem>>) dst(%dma_wait3A_74 : memref<56x512xf32, #tpu.memory_space<hbm>>)
    %add3A_79 = arith.constant 127 : i32
    %add3A_80 = arith.addi %mul3A_2, %add3A_79 : i32
    %mul3A_81 = arith.constant 56 : i32
    %mul3A_82 = arith.muli %add3A_80, %mul3A_81 : i32
    %dma_wait3A_83 = arith.constant 3 : i32
    %dma_wait3A_84 = arith.constant 0 : i32
    %dma_wait3A_85 = arith.constant 0 : i32
    %dma_wait3A_86 = tpu.memref_slice %arg6[%dma_wait3A_83, %dma_wait3A_84, %dma_wait3A_85] : memref<4x56x512xf32, #tpu.memory_space<vmem>> -> memref<1x56x512xf32, #tpu.memory_space<vmem>>
    %dma_wait3A_87 = tpu.memref_squeeze %dma_wait3A_86 : memref<1x56x512xf32, #tpu.memory_space<vmem>> -> memref<56x512xf32, #tpu.memory_space<vmem>>
    %dma_wait3A_88 = arith.constant 0 : i32
    %dma_wait3A_89 = tpu.memref_slice %arg4[%mul3A_82, %dma_wait3A_88] : memref<229376x512xf32, #tpu.memory_space<hbm>> -> memref<56x512xf32, #tpu.memory_space<hbm>>
    %dma_wait3A_90 = arith.constant 0 : i32
    %dma_wait3A_91 = tpu.memref_slice %arg4[%mul3A_82, %dma_wait3A_90] : memref<229376x512xf32, #tpu.memory_space<hbm>> -> memref<56x512xf32, #tpu.memory_space<hbm>>
    %dma_wait3A_92 = arith.constant 0 : i32
    %dma_wait3A_93 = arith.constant 0 : i32
    %dma_wait3A_94 = tpu.memref_slice %arg6[%dma_wait3A_83, %dma_wait3A_92, %dma_wait3A_93] : memref<4x56x512xf32, #tpu.memory_space<vmem>> -> memref<1x56x512xf32, #tpu.memory_space<vmem>>
    %dma_wait3A_95 = tpu.memref_squeeze %dma_wait3A_94 : memref<1x56x512xf32, #tpu.memory_space<vmem>> -> memref<56x512xf32, #tpu.memory_space<vmem>>
    tpu.wait_dma2 semaphore(%arg14 : memref<!tpu.dma_semaphore, #tpu.memory_space<semaphore_mem>>) src(%dma_wait3A_95 : memref<56x512xf32, #tpu.memory_space<vmem>>) dst(%dma_wait3A_91 : memref<56x512xf32, #tpu.memory_space<hbm>>)
    return
  }
}

</mosaic_0001>

<sc_bundles>
// kernel: kernel.3.cloned.1.call-start
scs
__scs_entry_jumppad:
0x0: {  	(pc) =	sbr.rel $0x88, $3  }
0x1: {  	(tag) =	ssettag $0x0;
	lr =	simm.s32 $0x1  }
0x2: {  	[smem:$0x3F9F] =	sst lr;
	_ =	strace $0xD0000000  }
0x3: {  	_ = 	snop  }
0x4: {  	_ = 	snop  }
0x5: {  	_ = 	snop  }
0x6: {  	_ = 	snop  }
0x7: {  	_ = 	snop  }
__scs_overlays_trampoline_lowered:
0x8: {  	[smem:$0x3FAE] =	sst s0  }
0x9: {  	[smem:$0x3FAF] =	sst s1  }
0xa: {  	[smem:$0x3FB0] =	sst s2  }
0xb: {  	[smem:$0x3FB1] =	sst s3  }
0xc: {  	[smem:$0x3FB2] =	sst s4  }
0xd: {  	[smem:$0x3FB3] =	sst s5  }
0xe: {  	[smem:$0x3FB4] =	sst s6  }
0xf: {  	[smem:$0x3FB5] =	sst s7  }
0x10: {  	[smem:$0x3FB6] =	sst s8  }
0x11: {  	[smem:$0x3FB7] =	sst s9;
	s0 =	simm.s32 @!p0 $0x0  }
0x12: {  	s1 =	sld [smem:$0x3F9D];
	s0 =	simm.s32 @p0 $0x1  }
0x13: {  	[smem:$0x3FB8] =	sst s0;
	s0 =	simm.s32 @!p1 $0x0  }
0x14: {  	s2 =	sld [smem:$0x3F9C];
	s0 =	simm.s32 @p1 $0x1  }
0x15: {  	[smem:$0x3FB9] =	sst s0;
	s0 =	simm.s32 @!p2 $0x0  }
0x16: {  	s3 =	sld [smem:$0x3FDB];
	s0 =	simm.s32 @p2 $0x1  }
0x17: {  	s4 =	simm.s32 $0x1BF5;
	[smem:$0x3FBB] =	sst s0  }
0x18: {  	s0 =	sld [smem:$0x3F9E];
	_ =	swait.ge [sflag:s4], $0x0  }
0x19: {  	s7 =	sld [smem:$0x3F9F]  }
0x1a: {  	s8 =	sadd.s32 $0xFFFFE003, lr  }
0x1b: {  	s9 =	sadd.s32 $0xFFFFFEF7, lr;
	s5 =	simm.s32 $0xFFFFFFFF;
	p2 =	slt.u32 s8, $0xFFFFF086  }
0x1c: {  	p1 =	slt.u32 s9, $0xF7A;
	s5 =	simm.s32 @!p2 $0x0  }
0x1d: {  	s5 =	simm.s32 @p1 $0x1;
	p0 =	seq.s32 s7, s2  }
0x1e: {  	s7 =	smul.u32 @!p0 $0xF7A, s2;
	p2 =	seq.s32 @!p0 s5, $0x0  }
0x1f: {  	s9 =	smul.u32 $0xF7A, s1;
	s8 =	simm.s32 @!p0 $0x1BF5;
	p2 =	por !p2, p0  }
0x20: {  	[sflag:s8] =	ssyncset.s32 @!p0 $0xFFFFF086;
	s6 =	sadd.s32 @!p0 s3, s7;
	s7 =	simm.s32 @!p0 $0x108  }
0x21: {  	s3 =	sadd.s32 s3, s9;
	s6 =	sadd.s32 @!p0 $0x88, s6;
	s7 =	simm.s32 @p2 $0x1082  }
0x22: {  	[simem:s7], [sflag:s8] =	dma.local @!p0 [hbm:s6], $0xF7A  }
0x23: {  	s9 =	sor.u32 $0xD0000000, s2;
	s6 =	simm.s32 $0x108;
	_ =	swait.ge @!p0 [sflag:s8], $0x0  }
0x24: {  	s3 =	sadd.s32 $0x88, s3;
	s6 =	simm.s32 @!p1 $0x1082;
	[sflag:s4] =	ssyncset.s32 $0xFFFFF086  }
0x25: {  	[simem:s6], [sflag:s4] =	dma.local [hbm:s3], $0xF7A  }
0x26: {  	[smem:$0x3F9F] =	sst s1;
	(tag) =	ssettag s2;
	_ =	strace s9  }
0x27: {  	s1 =	sld [smem:$0x3FAF]  }
0x28: {  	s2 =	sld [smem:$0x3FB0]  }
0x29: {  	s4 =	sld [smem:$0x3FB2]  }
0x2a: {  	p0 =	seq.s32 s5, $0x0;
	s5 =	sld [smem:$0x3FB3]  }
0x2b: {  	s6 =	sld [smem:$0x3FB4]  }
0x2c: {  	s7 =	sld [smem:$0x3FB5]  }
0x2d: {  	s3 =	simm.s32 $0x108;
	s8 =	sld [smem:$0x3FB6]  }
0x2e: {  	s3 =	simm.s32 @!p0 $0x1082;
	s9 =	sld [smem:$0x3FB7]  }
0x2f: {  	lr =	sadd.s32 s0, s3;
	s0 =	sld [smem:$0x3FAE]  }
0x30: {  	s3 =	sld [smem:$0x3FB1]  }
0x31: {  	[smem:$0x3FBA] =	sst s10  }
0x32: {  	s10 =	sld [smem:$0x3FB8];
	_ =	sdelay $0x3  }
0x33: {  	p0 =	seq.s32 s10, $0x1;
	s10 =	sld [smem:$0x3FBA];
	_ =	sdelay $0x3  }
0x34: {  	[smem:$0x3FBA] =	sst s10  }
0x35: {  	s10 =	sld [smem:$0x3FB9];
	_ =	sdelay $0x3  }
0x36: {  	p1 =	seq.s32 s10, $0x1;
	s10 =	sld [smem:$0x3FBA];
	_ =	sdelay $0x3  }
0x37: {  	[smem:$0x3FBA] =	sst s10  }
0x38: {  	s10 =	sld [smem:$0x3FBB]  }
0x39: {  	_ = 	snop;
	(pc) =	sbr.ind lr, $3  }
0x3a: {  	_ = 	snop  }
0x3b: {  	_ = 	snop  }
0x3c: {  	p2 =	seq.s32 s10, $0x1;
	s10 =	sld [smem:$0x3FBA]  }
0x3d: {  	_ =	shalt  }
0x3e: {  	_ =	shalt  }
0x3f: {  	_ =	shalt  }
0x40: {  	_ =	shalt  }
0x41: {  	_ =	shalt  }
0x42: {  	_ =	shalt  }
0x43: {  	_ =	shalt  }
0x44: {  	_ =	shalt  }
0x45: {  	_ =	shalt  }
0x46: {  	_ =	shalt  }
0x47: {  	_ =	shalt  }
0x48: {  	_ =	shalt  }
0x49: {  	_ =	shalt  }
0x4a: {  	_ =	shalt  }
0x4b: {  	_ =	shalt  }
0x4c: {  	_ =	shalt  }
0x4d: {  	_ =	shalt  }
0x4e: {  	_ =	shalt  }
0x4f: {  	_ =	shalt  }
0x50: {  	_ =	shalt  }
0x51: {  	_ =	shalt  }
0x52: {  	_ =	shalt  }
0x53: {  	_ =	shalt  }
0x54: {  	_ =	shalt  }
0x55: {  	_ =	shalt  }
0x56: {  	_ =	shalt  }
0x57: {  	_ =	shalt  }
0x58: {  	_ =	shalt  }
0x59: {  	_ =	shalt  }
0x5a: {  	_ =	shalt  }
0x5b: {  	_ =	shalt  }
0x5c: {  	_ =	shalt  }
0x5d: {  	_ =	shalt  }
0x5e: {  	_ =	shalt  }
0x5f: {  	_ =	shalt  }
0x60: {  	_ =	shalt  }
0x61: {  	_ =	shalt  }
0x62: {  	_ =	shalt  }
0x63: {  	_ =	shalt  }
0x64: {  	_ =	shalt  }
0x65: {  	_ =	shalt  }
0x66: {  	_ =	shalt  }
0x67: {  	_ =	shalt  }
0x68: {  	_ =	shalt  }
0x69: {  	_ =	shalt  }
0x6a: {  	_ =	shalt  }
0x6b: {  	_ =	shalt  }
0x6c: {  	_ =	shalt  }
0x6d: {  	_ =	shalt  }
0x6e: {  	_ =	shalt  }
0x6f: {  	_ =	shalt  }
0x70: {  	_ =	shalt  }
0x71: {  	_ =	shalt  }
0x72: {  	_ =	shalt  }
0x73: {  	_ =	shalt  }
0x74: {  	_ =	shalt  }
0x75: {  	_ =	shalt  }
0x76: {  	_ =	shalt  }
0x77: {  	_ =	shalt  }
0x78: {  	_ =	shalt  }
0x79: {  	_ =	shalt  }
0x7a: {  	_ =	shalt  }
0x7b: {  	_ =	shalt  }
0x7c: {  	_ =	shalt  }
0x7d: {  	_ =	shalt  }
0x7e: {  	_ =	shalt  }
0x7f: {  	_ =	shalt  }
0x80: {  	_ =	shalt  }
0x81: {  	_ =	shalt  }
0x82: {  	_ =	shalt  }
0x83: {  	_ =	shalt  }
0x84: {  	_ =	shalt  }
0x85: {  	_ =	shalt  }
0x86: {  	_ =	shalt  }
0x87: {  	_ =	shalt  }
.Lfunc_end0:
.L_simem_size_0:
called_computation.1_lowered:
.L_overlay_start_0:
0x88: {  	s2 =	sld [smem:$0x3FD9]  }
0x89: {  	s3 =	sld [smem:$0x3FFE];
	_ =	sdelay $0x1  }
0x8a: {  	s1 =	srdreg.scid  }
0x8b: {  	s0 =	sand.u32 $0x1, s1  }
0x8c: {  	s17 =	sshll.u32 s0, $0xA;
	s2 =	sadd.s32 s3, s2  }
0x8d: {  	s2 =	sadd.s32 s2, s17  }
0x8e: {  	[smem:$0x3FC6] =	sst s2  }
0x8f: {  	_ = 	snop  }
0x90: {  	s2 =	sld [smem:$0x3FC8]  }
0x91: {  	s18 =	sld [smem:$0x3FD0];
	(tm) =	ssettm $0x1  }
0x92: {  	s4 =	sld [smem:$0x3FFB];
	_ =	sdelay $0x3  }
0x93: {  	_ =	strace s4  }
0x94: {  	s4 =	sld [smem:$0x3FFC];
	_ =	sdelay $0x3  }
0x95: {  	_ =	strace s4  }
0x96: {  	s4 =	sld [smem:$0x3FFD];
	_ =	sdelay $0x3  }
0x97: {  	_ =	strace s4  }
0x98: {  	_ =	strace $0x8FFFFFFF  }
0x99: {  	s19 =	sld [smem:$0x3FDB];
	_ =	sdelay $0x1  }
0x9a: {  	s5 =	simm.s32 $_scs_section_size  }
0x9b: {  	s6 =	simm.s32 $_size__tile_overlayer_lowered;
	s7 =	simm.s32 $_tile_overlayer_lowered  }
0x9c: {  	s22 =	simm.s32 $0x1BFF;
	s21 =	sshll.u32 s7, $0x1;
	s4 =	sadd.s32 s5, s19  }
0x9d: {  	s8 =	simm.s32 $0x0;
	s20 =	sshll.u32 s6, $0x1;
	s6 =	sadd.s32 s21, s4  }
0x9e: {  	[timem:s8], [sflag:s22] =	dma.local [hbm:s6], s20  }
0x9f: {  	_ =	swait.ge [sflag:s22], s20  }
0xa0: {  	s5 =	ssub.s32 $0x0, s20;
	[sflag:s22] =	ssyncset.done $0x0  }
0xa1: {  	[sflag:s22] =	ssyncadd.s32 s5;
	_ =	sdelay $0x1  }
0xa2: {  	s23 =	simm.s32 $0x1B8B  }
0xa3: {  	_ =	swait.ge [sflag:s23], $0x1  }
0xa4: {  	[sflag:s23] =	ssyncset.done $0x0  }
0xa5: {  	s25 =	simm.s32 $0x1B8E;
	s24 =	sld [smem:$0x3FFE];
	[sflag:s23] =	ssyncadd.s32 $0xFFFFFFFF  }
0xa6: {  	s26 =	simm.s32 $execute0_lowered;
	[smem:$0x3FD2] =	sst s25  }
0xa7: {  	s6 =	sshll.u32 s26, $0x1;
	_ =	strace $0x80000046;
	[dreg:$0x1] =	wrdreg $0xFFFFFFFF  }
0xa8: {  	s28 =	simm.s32 $_size_execute0_lowered;
	s4 =	sadd.s32 s4, s6;
	[dreg:$0x0] =	wrdreg $0x0  }
0xa9: {  	s6 =	sshll.u32 s28, $0x1;
	[dreg:$0x2] =	wrdreg s4  }
0xaa: {  	[dreg:$0x3] =	wrdreg s6  }
0xab: {  	[dreg:$0x4] =	wrdreg $0xC0  }
0xac: {  	_ =	task [dreg:s8], $0x5FFFF  }
0xad: {  	[dreg:$0x1] =	wrdreg $0xFFFFFFFF  }
0xae: {  	[dreg:$0x0] =	wrdreg $0x60  }
0xaf: {  	[dreg:$0x2] =	wrdreg s18  }
0xb0: {  	[dreg:$0x3] =	wrdreg s2  }
0xb1: {  	[dreg:$0x4] =	wrdreg s24  }
0xb2: {  	[dreg:$0x5] =	wrdreg $0x9  }
0xb3: {  	_ =	task.clear_ibuf [dreg:s8], $0x6FFFF;
	_ =	strace $0x90000046  }
0xb4: {  	s29 =	simm.s32 $0x9;
	_ =	strace $0x80000048  }
0xb5: {  	_ =	swait.ge [sflag:s29], $0x1  }
0xb6: {  	[sflag:s29] =	ssyncadd.s32 $0xFFFFFFFF  }
0xb7: {  	_ =	strace $0x90000048  }
0xb8: {  	_ =	sfence  }
0xb9: {  	s30 =	sld [smem:$0x0];
	_ =	sdelay $0x2  }
0xba: {  	s31 =	sshll.u32 s1, $0xD;
	s1 =	sshrl.u32 s1, $0x2  }
0xbb: {  	s3 =	sand.u32 $0x4000, s31;
	s1 =	sadd.s32 s1, s30  }
0xbc: {  	s0 =	sor.u32 s3, s0;
	s1 =	sshll.u32 s1, $0x11  }
0xbd: {  	s0 =	sor.u32 s1, s0  }
0xbe: {  	s0 =	sadd.s32 $0x8F2B, s0  }
0xbf: {  	[sflag:s0] =	ssyncadd.remote.s32 $0x1  }
0xc0: {  	_ =	sfence.sel $0xFFFF  }
0xc1: {  	[dreg:$0x0] =	wrdreg $0xFFFFFFFF;
	(pc) =	sbr.abs _section_cstart, $3  }
0xc2: {  	[dreg:$0x1] =	wrdreg $0xFFFFFFFF  }
0xc3: {  	_ =	task.clear_ibuf [dreg:s8], $0x2FFFF;
	_ =	strace $0x9FFFFFFF  }
0xc4: {  	(tm) =	ssettm $0x7FFFFFFF  }
0xc5: {  	_ =	shalt  }
tec
execute0_lowered:
.L_overlay_start_1:
0x0: {  	(tag) =	ssettag $0x1  }
0x1: {  	s0 =	rddreg [dreg:$0x0]  }
0x2: {  	s2 =	rddreg [dreg:$0x1]  }
0x3: {  	s1 =	rddreg [dreg:$0x2]  }
0x4: {  	s4 =	srdreg.scid;
	s5 =	stileid.u32;
	s3 =	simm.s32 $0x0  }
0x5: {  	s10 =	simm.s32 $0x1C00;
	s24 =	simm.s32 $0x8C00;
	s13 =	simm.s32 $0x1  }
0x6: {  	s14 =	simm.s32 $0xFC00;
	s30 =	simm.s32 $0x2;
	s31 =	simm.s32 $0x16C00  }
0x7: {  	s11 =	simm.s32 $0x19C00;
	s12 =	simm.s32 $0x1A400;
	s15 =	simm.s32 $0x1AC00  }
0x8: {  	s16 =	simm.s32 $0x1B400;
	s17 =	simm.s32 $0x1BC00;
	s18 =	simm.s32 $0x1C400  }
0x9: {  	s19 =	simm.s32 $0x1CC00;
	s4 =	sand.u32 $0x1, s4;
	s5 =	sshll.u32 s5, $0x1  }
0xa: {  	s20 =	simm.s32 $0x1D400;
	s21 =	simm.s32 $0x3;
	s5 =	sor.u32 s4, s5  }
0xb: {  	s22 =	simm.s32 $0x4;
	s23 =	simm.s32 $0x5;
	s8 =	smul.u32 $0x380, s5  }
.Ltmp0:
0xc: {  	[smem:$0x7FF] =	sst s3;
	s6 =	ssub.s32 $0x2, s4;
	(pc) =	sbr.rel .LBB2_1-.Ltmp0, $4  }
0xd: {  	s25 =	simm.s32 $0x6;
	_ =	strace $0x80000047;
	s7 =	sshrl.u32 s6, $0x1  }
0xe: {  	v2 =	vlaneseq.u32;
	s4 =	sadd.s32 $0x800, s1;
	s28 =	ssub.s32 s6, s7;
	s0 =	sadd.s32 s0, s8  }
0xf: {  	vm0 =	vmmov $0xffff;
	v1 =	vshrl.u32 v2, $0x3;
	s5 =	sshll.u32 s5, $0x7;
	s29 =	smax.u32 s28, $0x1;
	[dreg:$0x4] =	wrdreg s0  }
0x10: {  	v0 =	vand.u32 $0x7, v2;
	v2 =	vor.u32 $0x8, v2;
	v1 =	vmul.u32 $0x8, v1;
	s7 =	sadd.s32 $0x100, s2;
	s6 =	simm.s32 $0x0;
	[dreg:$0x5] =	wrdreg s29  }
.LBB2_14:
0x11: {  	_ =	swait.ge [sflag:s23], $0x7000  }
0x12: {  	[sflag:s23] =	ssyncset.done $0x0  }
0x13: {  	[sflag:s23] =	ssyncadd.s32 $0xFFFF9000  }
0x14: {  	_ =	swait.ge [sflag:s25], $0x7000  }
0x15: {  	[sflag:s25] =	ssyncset.done $0x0  }
0x16: {  	s0 =	simm.s32 $0x7;
	[sflag:s25] =	ssyncadd.s32 $0xFFFF9000  }
0x17: {  	_ =	swait.ge [sflag:s0], $0x7000  }
0x18: {  	[sflag:s0] =	ssyncset.done $0x0  }
0x19: {  	s1 =	simm.s32 $0x8;
	[sflag:s0] =	ssyncadd.s32 $0xFFFF9000  }
0x1a: {  	_ =	swait.ge [sflag:s1], $0x7000  }
0x1b: {  	s6 =	rddreg [dreg:$0x6]  }
0x1c: {  	s29 =	rddreg [dreg:$0x5];
	s6 =	sadd.s32 $0x1, s6  }
0x1d: {  	p0 =	sne.s32 s6, s29  }
.Ltmp1:
0x1e: {  	_ = 	snop;
	(pc) =	sbr.rel @!p0 .LBB2_15-.Ltmp1, $3  }
0x1f: {  	_ =	sdelay $0x1  }
0x20: {  	[sflag:s1] =	ssyncset.done $0x0  }
0x21: {  	[sflag:s1] =	ssyncadd.s32 $0xFFFF9000  }
.LBB2_1:
0x22: {  	[dreg:$0x6] =	wrdreg s6  }
0x23: {  	s0 =	rddreg [dreg:$0x4];
	s6 =	simm.s32 $0x9  }
0x24: {  	[tilespmem:s3], [sflag:$0x9] =	stream.linear.gather [hbm4b:s0+s3], $0x1C00, $0x38;
	[tilespmem:$0x1DC00] =	vst v63  }
0x25: {  	_ =	swait.ge [sflag:s6], $0x1C00  }
0x26: {  	[sflag:s6] =	ssyncset.done $0x0  }
0x27: {  	[sflag:s6] =	ssyncadd.s32 $0xFFFFE400  }
0x28: {  	v3 =	vld [tilespmem:$0x0];
	_ =	sdelay $0x4  }
0x29: {  	v4 =	vshll.u32 v3, $0x2  }
0x2a: {  	v3 =	vand.u32 $0x7, v3;
	v4 =	vand.u32 $0xFFFFFFE0, v4  }
0x2b: {  	v3 =	vor.u32 v3, v4  }
0x2c: {  	v4 =	vperm.xlane v3, v0;
	_ =	sdelay $0x1  }
0x2d: {  	v4 =	vadd.s32 v1, v4;
	_ =	sdelay $0x1  }
0x2e: {  	v3 =	vperm.xlane v3, v2;
	_ =	sdelay $0x1  }
0x2f: {  	v3 =	vadd.s32 v1, v3  }
0x30: {  	[tilespmem:s10], [sflag:$0x1] =	stream.indirect_vreg.gather [hbm4b:s2+s3], $0x80, v4, vm0, $0xb8;
	[tilespmem:$0x1DC00] =	vst v63  }
0x31: {  	s8 =	simm.s32 $0x2400  }
0x32: {  	[tilespmem:s8], [sflag:$0x1] =	stream.indirect_vreg.gather [hbm4b:s7+s3], $0x80, v4, vm0, $0xb8;
	[tilespmem:$0x1DC00] =	vst v63  }
0x33: {  	s9 =	simm.s32 $0x2C00  }
0x34: {  	[tilespmem:s9], [sflag:$0x1] =	stream.indirect_vreg.gather [hbm4b:s2+s3], $0x80, v3, vm0, $0xb8;
	[tilespmem:$0x1DC00] =	vst v63  }
0x35: {  	s26 =	simm.s32 $0x3400  }
0x36: {  	[tilespmem:s26], [sflag:$0x1] =	stream.indirect_vreg.gather [hbm4b:s7+s3], $0x80, v3, vm0, $0xb8;
	[tilespmem:$0x1DC00] =	vst v63  }
0x37: {  	v3 =	vld [tilespmem:$0x10];
	_ =	sdelay $0x4  }
0x38: {  	v57 =	vshll.u32 v3, $0x2  }
0x39: {  	v3 =	vand.u32 $0x7, v3;
	v4 =	vand.u32 $0xFFFFFFE0, v57  }
0x3a: {  	v3 =	vor.u32 v3, v4  }
0x3b: {  	v4 =	vperm.xlane v3, v0;
	_ =	sdelay $0x1  }
0x3c: {  	v4 =	vadd.s32 v1, v4;
	_ =	sdelay $0x1  }
0x3d: {  	v3 =	vperm.xlane v3, v2;
	_ =	sdelay $0x1  }
0x3e: {  	s28 =	simm.s32 $0x3C00;
	v3 =	vadd.s32 v1, v3  }
0x3f: {  	[tilespmem:s28], [sflag:$0x1] =	stream.indirect_vreg.gather [hbm4b:s2+s3], $0x80, v4, vm0, $0xb8;
	[tilespmem:$0x1DC00] =	vst v63  }
0x40: {  	s29 =	simm.s32 $0x4400  }
0x41: {  	[tilespmem:s29], [sflag:$0x1] =	stream.indirect_vreg.gather [hbm4b:s7+s3], $0x80, v4, vm0, $0xb8;
	[tilespmem:$0x1DC00] =	vst v63  }
0x42: {  	s1 =	simm.s32 $0x4C00  }
0x43: {  	[tilespmem:s1], [sflag:$0x1] =	stream.indirect_vreg.gather [hbm4b:s2+s3], $0x80, v3, vm0, $0xb8;
	[tilespmem:$0x1DC00] =	vst v63  }
0x44: {  	s6 =	simm.s32 $0x5400  }
0x45: {  	[tilespmem:s6], [sflag:$0x1] =	stream.indirect_vreg.gather [hbm4b:s7+s3], $0x80, v3, vm0, $0xb8;
	[tilespmem:$0x1DC00] =	vst v63  }
0x46: {  	v3 =	vld [tilespmem:$0x20];
	_ =	sdelay $0x4  }
0x47: {  	v58 =	vshll.u32 v3, $0x2  }
0x48: {  	v3 =	vand.u32 $0x7, v3;
	v4 =	vand.u32 $0xFFFFFFE0, v58  }
0x49: {  	v3 =	vor.u32 v3, v4  }
0x4a: {  	v4 =	vperm.xlane v3, v0;
	_ =	sdelay $0x1  }
0x4b: {  	v4 =	vadd.s32 v1, v4;
	_ =	sdelay $0x1  }
0x4c: {  	v3 =	vperm.xlane v3, v2;
	_ =	sdelay $0x1  }
0x4d: {  	s8 =	simm.s32 $0x5C00;
	v3 =	vadd.s32 v1, v3  }
0x4e: {  	[tilespmem:s8], [sflag:$0x1] =	stream.indirect_vreg.gather [hbm4b:s2+s3], $0x80, v4, vm0, $0xb8;
	[tilespmem:$0x1DC00] =	vst v63  }
0x4f: {  	s9 =	simm.s32 $0x6400  }
0x50: {  	[tilespmem:s9], [sflag:$0x1] =	stream.indirect_vreg.gather [hbm4b:s7+s3], $0x80, v4, vm0, $0xb8;
	[tilespmem:$0x1DC00] =	vst v63  }
0x51: {  	s26 =	simm.s32 $0x6C00  }
0x52: {  	[tilespmem:s26], [sflag:$0x1] =	stream.indirect_vreg.gather [hbm4b:s2+s3], $0x80, v3, vm0, $0xb8;
	[tilespmem:$0x1DC00] =	vst v63  }
0x53: {  	s28 =	simm.s32 $0x7400  }
0x54: {  	[tilespmem:s28], [sflag:$0x1] =	stream.indirect_vreg.gather [hbm4b:s7+s3], $0x80, v3, vm0, $0xb8;
	[tilespmem:$0x1DC00] =	vst v63  }
0x55: {  	v3 =	vld.msk [tilespmem:$0x30], $0xff;
	_ =	sdelay $0x4  }
0x56: {  	v59 =	vshll.u32 v3, $0x2  }
0x57: {  	v3 =	vand.u32 $0x7, v3;
	v4 =	vand.u32 $0xFFFFFFE0, v59  }
0x58: {  	v3 =	vor.u32 v3, v4  }
0x59: {  	v3 =	vperm.xlane v3, v0;
	_ =	sdelay $0x1  }
0x5a: {  	v3 =	vadd.s32 v1, v3;
	_ =	sdelay $0x3  }
0x5b: {  	s29 =	simm.s32 $0x7C00  }
0x5c: {  	[tilespmem:s29], [sflag:$0x1] =	stream.indirect_vreg.gather [hbm4b:s2+s3], $0x80, v3, vm0, $0xb8;
	[tilespmem:$0x1DC00] =	vst v63  }
0x5d: {  	s1 =	simm.s32 $0x8400  }
0x5e: {  	[tilespmem:s1], [sflag:$0x1] =	stream.indirect_vreg.gather [hbm4b:s7+s3], $0x80, v3, vm0, $0xb8;
	[tilespmem:$0x1DC00] =	vst v63  }
0x5f: {  	v3 =	vld [tilespmem:$0x38];
	_ =	sdelay $0x4  }
0x60: {  	v60 =	vshll.u32 v3, $0x2  }
0x61: {  	v3 =	vand.u32 $0x7, v3;
	v4 =	vand.u32 $0xFFFFFFE0, v60  }
0x62: {  	v3 =	vor.u32 v3, v4  }
0x63: {  	v4 =	vperm.xlane v3, v0;
	_ =	sdelay $0x1  }
0x64: {  	v4 =	vadd.s32 v1, v4;
	_ =	sdelay $0x1  }
0x65: {  	v3 =	vperm.xlane v3, v2;
	_ =	sdelay $0x1  }
0x66: {  	v3 =	vadd.s32 v1, v3  }
0x67: {  	[tilespmem:s24], [sflag:$0x2] =	stream.indirect_vreg.gather [hbm4b:s2+s3], $0x80, v4, vm0, $0xb8;
	[tilespmem:$0x1DC00] =	vst v63  }
0x68: {  	s6 =	simm.s32 $0x9400  }
0x69: {  	[tilespmem:s6], [sflag:$0x2] =	stream.indirect_vreg.gather [hbm4b:s7+s3], $0x80, v4, vm0, $0xb8;
	[tilespmem:$0x1DC00] =	vst v63  }
0x6a: {  	s8 =	simm.s32 $0x9C00  }
0x6b: {  	[tilespmem:s8], [sflag:$0x2] =	stream.indirect_vreg.gather [hbm4b:s2+s3], $0x80, v3, vm0, $0xb8;
	[tilespmem:$0x1DC00] =	vst v63  }
0x6c: {  	s9 =	simm.s32 $0xA400  }
0x6d: {  	[tilespmem:s9], [sflag:$0x2] =	stream.indirect_vreg.gather [hbm4b:s7+s3], $0x80, v3, vm0, $0xb8;
	[tilespmem:$0x1DC00] =	vst v63  }
0x6e: {  	v3 =	vld [tilespmem:$0x48];
	_ =	sdelay $0x4  }
0x6f: {  	v61 =	vshll.u32 v3, $0x2  }
0x70: {  	v3 =	vand.u32 $0x7, v3;
	v4 =	vand.u32 $0xFFFFFFE0, v61  }
0x71: {  	v3 =	vor.u32 v3, v4  }
0x72: {  	v4 =	vperm.xlane v3, v0;
	_ =	sdelay $0x1  }
0x73: {  	v4 =	vadd.s32 v1, v4;
	_ =	sdelay $0x1  }
0x74: {  	v3 =	vperm.xlane v3, v2;
	_ =	sdelay $0x1  }
0x75: {  	s26 =	simm.s32 $0xAC00;
	v3 =	vadd.s32 v1, v3  }
0x76: {  	[tilespmem:s26], [sflag:$0x2] =	stream.indirect_vreg.gather [hbm4b:s2+s3], $0x80, v4, vm0, $0xb8;
	[tilespmem:$0x1DC00] =	vst v63  }
0x77: {  	s28 =	simm.s32 $0xB400  }
0x78: {  	[tilespmem:s28], [sflag:$0x2] =	stream.indirect_vreg.gather [hbm4b:s7+s3], $0x80, v4, vm0, $0xb8;
	[tilespmem:$0x1DC00] =	vst v63  }
0x79: {  	s29 =	simm.s32 $0xBC00  }
0x7a: {  	[tilespmem:s29], [sflag:$0x2] =	stream.indirect_vreg.gather [hbm4b:s2+s3], $0x80, v3, vm0, $0xb8;
	[tilespmem:$0x1DC00] =	vst v63  }
0x7b: {  	s1 =	simm.s32 $0xC400  }
0x7c: {  	[tilespmem:s1], [sflag:$0x2] =	stream.indirect_vreg.gather [hbm4b:s7+s3], $0x80, v3, vm0, $0xb8;
	[tilespmem:$0x1DC00] =	vst v63  }
0x7d: {  	v3 =	vld [tilespmem:$0x58];
	_ =	sdelay $0x4  }
0x7e: {  	v62 =	vshll.u32 v3, $0x2  }
0x7f: {  	v3 =	vand.u32 $0x7, v3;
	v4 =	vand.u32 $0xFFFFFFE0, v62  }
0x80: {  	v3 =	vor.u32 v3, v4  }
0x81: {  	v4 =	vperm.xlane v3, v0;
	_ =	sdelay $0x1  }
0x82: {  	v4 =	vadd.s32 v1, v4;
	_ =	sdelay $0x1  }
0x83: {  	v3 =	vperm.xlane v3, v2;
	_ =	sdelay $0x1  }
0x84: {  	s6 =	simm.s32 $0xCC00;
	v3 =	vadd.s32 v1, v3  }
0x85: {  	[tilespmem:s6], [sflag:$0x2] =	stream.indirect_vreg.gather [hbm4b:s2+s3], $0x80, v4, vm0, $0xb8;
	[tilespmem:$0x1DC00] =	vst v63  }
0x86: {  	s8 =	simm.s32 $0xD400  }
0x87: {  	[tilespmem:s8], [sflag:$0x2] =	stream.indirect_vreg.gather [hbm4b:s7+s3], $0x80, v4, vm0, $0xb8;
	[tilespmem:$0x1DC00] =	vst v63  }
0x88: {  	s9 =	simm.s32 $0xDC00  }
0x89: {  	[tilespmem:s9], [sflag:$0x2] =	stream.indirect_vreg.gather [hbm4b:s2+s3], $0x80, v3, vm0, $0xb8;
	[tilespmem:$0x1DC00] =	vst v63  }
0x8a: {  	s26 =	simm.s32 $0xE400  }
0x8b: {  	[tilespmem:s26], [sflag:$0x2] =	stream.indirect_vreg.gather [hbm4b:s7+s3], $0x80, v3, vm0, $0xb8;
	[tilespmem:$0x1DC00] =	vst v63  }
0x8c: {  	v3 =	vld.msk [tilespmem:$0x68], $0xff;
	_ =	sdelay $0x4  }
0x8d: {  	v63 =	vshll.u32 v3, $0x2  }
0x8e: {  	v3 =	vand.u32 $0x7, v3;
	v4 =	vand.u32 $0xFFFFFFE0, v63  }
0x8f: {  	v3 =	vor.u32 v3, v4  }
0x90: {  	v3 =	vperm.xlane v3, v0;
	_ =	sdelay $0x1  }
0x91: {  	v3 =	vadd.s32 v1, v3;
	_ =	sdelay $0x3  }
0x92: {  	s28 =	simm.s32 $0xEC00  }
0x93: {  	[tilespmem:s28], [sflag:$0x2] =	stream.indirect_vreg.gather [hbm4b:s2+s3], $0x80, v3, vm0, $0xb8;
	[tilespmem:$0x1DC00] =	vst v63  }
0x94: {  	s29 =	simm.s32 $0xF400;
	s26 =	simm.s32 $0x0  }
0x95: {  	[tilespmem:s29], [sflag:$0x2] =	stream.indirect_vreg.gather [hbm4b:s7+s3], $0x80, v3, vm0, $0xb8;
	[tilespmem:$0x1DC00] =	vst v63  }
.LBB2_2:
0x96: {  	_ =	swait.ge [sflag:s13], $0x7000;
	s0 =	simm.s32 $0x0  }
0x97: {  	[sflag:s13] =	ssyncset.done $0x0;
	s1 =	sand.u32 $0x7000, s0;
	s0 =	sand.u32 $0x380, s0  }
0x98: {  	[sflag:s13] =	ssyncadd.s32 $0xFFFF9000;
	s0 =	sor.u32 s0, s1  }
0x99: {  	v3 =	vld [tilespmem:s0+$0x2070]  }
0x9a: {  	v4 =	vld [tilespmem:s0+$0x2400]  }
0x9b: {  	v5 =	vld [tilespmem:s0+$0x2410]  }
0x9c: {  	v6 =	vld [tilespmem:s0+$0x2060]  }
0x9d: {  	v7 =	vld [tilespmem:s0+$0x2050]  }
0x9e: {  	v8 =	vld [tilespmem:s0+$0x2420]  }
0x9f: {  	v9 =	vld [tilespmem:s0+$0x2040]  }
0xa0: {  	v10 =	vld [tilespmem:s0+$0x2870]  }
0xa1: {  	v11 =	vld [tilespmem:s0+$0x2810]  }
0xa2: {  	v12 =	vld [tilespmem:s0+$0x2850]  }
0xa3: {  	v16 =	vld [tilespmem:s0+$0x2430]  }
0xa4: {  	v17 =	vld [tilespmem:s0+$0x2440]  }
0xa5: {  	v14 =	vld [tilespmem:s0+$0x2800]  }
0xa6: {  	v13 =	vld [tilespmem:s0+$0x2840]  }
0xa7: {  	v15 =	vld [tilespmem:s0+$0x2030];
	v11 =	vmul.f32 $2.262741660e+01, v11  }
0xa8: {  	v18 =	vld [tilespmem:s0+$0x2020];
	v10 =	vmul.f32 $2.262741660e+01, v10  }
0xa9: {  	v19 =	vld [tilespmem:s0+$0x2010];
	v12 =	vmul.f32 $2.262741660e+01, v12;
	[tilespmem:s0+$0x2810] =	vst v11  }
0xaa: {  	v20 =	vld [tilespmem:s0+$0x1C60];
	v14 =	vmul.f32 $2.262741660e+01, v14;
	[tilespmem:s0+$0x2870] =	vst v10  }
0xab: {  	v24 =	vld [tilespmem:s0+$0x1C00];
	v11 =	vmul.f32 $2.262741660e+01, v13;
	[tilespmem:s0+$0x2850] =	vst v12  }
0xac: {  	v15 =	vmul.f32 $2.262741660e+01, v15;
	v10 =	vld [tilespmem:s0+$0x2820];
	[tilespmem:s0+$0x2800] =	vst v14  }
0xad: {  	v13 =	vld [tilespmem:s0+$0x2000];
	[tilespmem:s0+$0x2840] =	vst v11;
	v11 =	vmul.f32 $2.262741660e+01, v18  }
0xae: {  	v12 =	vld [tilespmem:s0+$0x1C70];
	[tilespmem:s0+$0x2030] =	vst v15;
	v18 =	vmul.f32 $2.262741660e+01, v9;
	v9 =	vmul.f32 $2.262741660e+01, v19  }
0xaf: {  	v22 =	vld [tilespmem:s0+$0x2460];
	v21 =	vmul.f32 $2.262741660e+01, v7;
	v20 =	vmul.f32 $2.262741660e+01, v20;
	[tilespmem:s0+$0x2020] =	vst v11  }
0xb0: {  	v23 =	vld [tilespmem:s0+$0x2470];
	v11 =	vmul.f32 $2.262741660e+01, v6;
	[tilespmem:s0+$0x2010] =	vst v9;
	v9 =	vmul.f32 $2.262741660e+01, v8  }
0xb1: {  	[tilespmem:s0+$0x1C60] =	vst v20;
	v19 =	vld [tilespmem:s0+$0x2450];
	v8 =	vmul.f32 $2.262741660e+01, v24;
	v7 =	vmul.f32 $2.262741660e+01, v10  }
0xb2: {  	v14 =	vld [tilespmem:s0+$0x1C10];
	[tilespmem:s0+$0x2050] =	vst v21;
	v6 =	vmul.f32 $2.262741660e+01, v13;
	v10 =	vmul.f32 $2.262741660e+01, v3  }
0xb3: {  	v15 =	vld [tilespmem:s0+$0x1C40];
	[tilespmem:s0+$0x2040] =	vst v18;
	v3 =	vmul.f32 $2.262741660e+01, v12;
	v12 =	vmul.f32 $2.262741660e+01, v4  }
0xb4: {  	v13 =	vmul.f32 $2.262741660e+01, v5;
	v4 =	vmul.f32 $2.262741660e+01, v16;
	v16 =	vld [tilespmem:s0+$0x1C20];
	[tilespmem:s0+$0x2820] =	vst v7  }
0xb5: {  	v5 =	vmul.f32 $2.262741660e+01, v22;
	[tilespmem:s0+$0x2000] =	vst v6;
	v7 =	vmul.f32 $2.262741660e+01, v17;
	v17 =	vld [tilespmem:s0+$0x1C30]  }
0xb6: {  	s28 =	simm.s32 $0x80;
	s1 =	simm.s32 $0x200;
	v18 =	vld [tilespmem:s0+$0x2830];
	[tilespmem:s0+$0x1C70] =	vst v3;
	v6 =	vmul.f32 $2.262741660e+01, v19;
	v3 =	vmul.f32 $2.262741660e+01, v23  }
.LBB2_3:
0xb7: {  	s6 =	sand.u32 $0x7000, s1;
	s29 =	sand.u32 $0x380, s28;
	v14 =	vmul.f32 $2.262741660e+01, v14;
	[tilespmem:s0+$0x2060] =	vst v11;
	v11 =	vld [tilespmem:s0+$0x2860]  }
0xb8: {  	p0 =	sne.s32 s1, $0x6200;
	s1 =	sadd.s32 $0x200, s1;
	s6 =	sor.u32 s29, s6;
	v15 =	vmul.f32 $2.262741660e+01, v15;
	v19 =	vld [tilespmem:s0+$0x1C50];
	[tilespmem:s0+$0x2070] =	vst v10  }
0xb9: {  	v10 =	vld [tilespmem:s6+$0x2070];
	v16 =	vmul.f32 $2.262741660e+01, v16;
	[tilespmem:s0+$0x2400] =	vst v12  }
0xba: {  	v12 =	vld [tilespmem:s6+$0x2400];
	v17 =	vmul.f32 $2.262741660e+01, v17;
	[tilespmem:s0+$0x2410] =	vst v13  }
0xbb: {  	v13 =	vld [tilespmem:s6+$0x2410];
	[tilespmem:s0+$0x1C20] =	vst v16;
	v16 =	vmul.f32 $2.262741660e+01, v18  }
0xbc: {  	v18 =	vld [tilespmem:s6+$0x2060];
	[tilespmem:s0+$0x1C30] =	vst v17;
	v11 =	vmul.f32 $2.262741660e+01, v11  }
0xbd: {  	v17 =	vld [tilespmem:s6+$0x2050];
	v19 =	vmul.f32 $2.262741660e+01, v19;
	[tilespmem:s0+$0x2420] =	vst v9  }
0xbe: {  	v9 =	vld [tilespmem:s6+$0x2420];
	[tilespmem:s0+$0x2830] =	vst v16  }
0xbf: {  	v16 =	vld [tilespmem:s6+$0x2040];
	[tilespmem:s0+$0x1C50] =	vst v19  }
0xc0: {  	v19 =	vld [tilespmem:s6+$0x2870];
	[tilespmem:s0+$0x1C40] =	vst v15  }
0xc1: {  	v15 =	vld [tilespmem:s6+$0x2810];
	[tilespmem:s0+$0x2860] =	vst v11  }
0xc2: {  	v11 =	vld [tilespmem:s6+$0x2850];
	[tilespmem:s0+$0x2430] =	vst v4  }
0xc3: {  	v4 =	vld [tilespmem:s6+$0x2430];
	[tilespmem:s0+$0x2440] =	vst v7  }
0xc4: {  	v7 =	vld [tilespmem:s6+$0x2440];
	[tilespmem:s0+$0x1C10] =	vst v14  }
0xc5: {  	v14 =	vld [tilespmem:s6+$0x2840];
	[tilespmem:s0+$0x2450] =	vst v6  }
0xc6: {  	v19 =	vmul.f32 $2.262741660e+01, v19;
	v6 =	vld [tilespmem:s6+$0x2800];
	[tilespmem:s0+$0x2460] =	vst v5  }
0xc7: {  	v5 =	vld [tilespmem:s6+$0x2030];
	[tilespmem:s0+$0x1C00] =	vst v8  }
0xc8: {  	v15 =	vmul.f32 $2.262741660e+01, v15;
	v8 =	vld [tilespmem:s6+$0x2020];
	[tilespmem:s0+$0x2470] =	vst v3;
	s0 =	smov.u32 s6  }
0xc9: {  	v11 =	vmul.f32 $2.262741660e+01, v11;
	v3 =	vld [tilespmem:s0+$0x2010];
	[tilespmem:s0+$0x2870] =	vst v19  }
0xca: {  	v19 =	vmul.f32 $2.262741660e+01, v16;
	[tilespmem:s0+$0x2810] =	vst v15;
	v15 =	vld [tilespmem:s0+$0x2820];
	v14 =	vmul.f32 $2.262741660e+01, v14  }
0xcb: {  	v20 =	vmul.f32 $2.262741660e+01, v17;
	v16 =	vld [tilespmem:s0+$0x2000];
	v6 =	vmul.f32 $2.262741660e+01, v6;
	[tilespmem:s0+$0x2850] =	vst v11  }
0xcc: {  	v11 =	vmul.f32 $2.262741660e+01, v18;
	v17 =	vld [tilespmem:s0+$0x1C70];
	v5 =	vmul.f32 $2.262741660e+01, v5;
	[tilespmem:s0+$0x2840] =	vst v14  }
0xcd: {  	v10 =	vmul.f32 $2.262741660e+01, v10;
	v18 =	vld [tilespmem:s0+$0x1C60];
	v8 =	vmul.f32 $2.262741660e+01, v8;
	[tilespmem:s0+$0x2800] =	vst v6  }
0xce: {  	v12 =	vmul.f32 $2.262741660e+01, v12;
	v3 =	vmul.f32 $2.262741660e+01, v3;
	[tilespmem:s0+$0x2030] =	vst v5;
	v5 =	vld [tilespmem:s0+$0x2450]  }
0xcf: {  	v13 =	vmul.f32 $2.262741660e+01, v13;
	[tilespmem:s0+$0x2020] =	vst v8;
	v8 =	vld [tilespmem:s0+$0x2460];
	v6 =	vmul.f32 $2.262741660e+01, v15  }
0xd0: {  	v9 =	vmul.f32 $2.262741660e+01, v9;
	v15 =	vmul.f32 $2.262741660e+01, v16;
	[tilespmem:s0+$0x2010] =	vst v3;
	v3 =	vld [tilespmem:s0+$0x2470]  }
0xd1: {  	v4 =	vmul.f32 $2.262741660e+01, v4;
	v21 =	vld [tilespmem:s0+$0x1C00];
	v16 =	vmul.f32 $2.262741660e+01, v17;
	[tilespmem:s0+$0x2820] =	vst v6  }
.Ltmp2:
0xd2: {  	v7 =	vmul.f32 $2.262741660e+01, v7;
	v14 =	vld [tilespmem:s0+$0x1C10];
	v17 =	vmul.f32 $2.262741660e+01, v18;
	[tilespmem:s0+$0x2000] =	vst v15;
	(pc) =	sbr.rel @p0 .LBB2_3-.Ltmp2, $4  }
0xd3: {  	v15 =	vld [tilespmem:s0+$0x1C40];
	[tilespmem:s0+$0x1C70] =	vst v16;
	v6 =	vmul.f32 $2.262741660e+01, v5  }
0xd4: {  	v16 =	vld [tilespmem:s0+$0x1C20];
	[tilespmem:s0+$0x1C60] =	vst v17;
	v5 =	vmul.f32 $2.262741660e+01, v8  }
0xd5: {  	v17 =	vld [tilespmem:s0+$0x1C30];
	[tilespmem:s0+$0x2040] =	vst v19;
	v3 =	vmul.f32 $2.262741660e+01, v3  }
0xd6: {  	s28 =	sadd.s32 $0x80, s28;
	v8 =	vmul.f32 $2.262741660e+01, v21;
	[tilespmem:s0+$0x2050] =	vst v20;
	v18 =	vld [tilespmem:s0+$0x2830]  }
0xd7: {  	[tilespmem:s0+$0x2060] =	vst v11  }
0xd8: {  	[tilespmem:s0+$0x2070] =	vst v10  }
0xd9: {  	[tilespmem:s0+$0x2400] =	vst v12  }
0xda: {  	[tilespmem:s0+$0x2410] =	vst v13  }
0xdb: {  	[tilespmem:s0+$0x2420] =	vst v9  }
0xdc: {  	[tilespmem:s0+$0x2430] =	vst v4  }
0xdd: {  	[tilespmem:s0+$0x2440] =	vst v7  }
0xde: {  	[tilespmem:s0+$0x2450] =	vst v6  }
0xdf: {  	[tilespmem:s0+$0x2460] =	vst v5  }
0xe0: {  	v11 =	vld [tilespmem:s0+$0x1C50];
	[tilespmem:s0+$0x2470] =	vst v3;
	v9 =	vmul.f32 $2.262741660e+01, v15  }
0xe1: {  	v12 =	vld [tilespmem:s0+$0x2860];
	[tilespmem:s0+$0x1C00] =	vst v8;
	v10 =	vmul.f32 $2.262741660e+01, v16  }
0xe2: {  	v16 =	vmul.f32 $2.262741660e+01, v17;
	[tilespmem:s0+$0x1C40] =	vst v9  }
0xe3: {  	v9 =	vmul.f32 $2.262741660e+01, v14;
	[tilespmem:s0+$0x1C20] =	vst v10  }
0xe4: {  	s28 =	sshll.u32 s26, $0x2;
	v10 =	vmul.f32 $2.262741660e+01, v18;
	[tilespmem:s0+$0x1C30] =	vst v16  }
0xe5: {  	s1 =	sadd.s32 s5, s28;
	v11 =	vmul.f32 $2.262741660e+01, v11;
	[tilespmem:s0+$0x1C10] =	vst v9  }
0xe6: {  	s1 =	smul.u32 $0xE00, s1;
	[tilespmem:s0+$0x2830] =	vst v10;
	v10 =	vmul.f32 $2.262741660e+01, v12  }
0xe7: {  	p0 =	seq.s32 s26, $0x0;
	[tilespmem:s0+$0x1C50] =	vst v11  }
0xe8: {  	s29 =	sor.u32 $0x2, s28;
	s1 =	sadd.s32 s4, s1;
	[tilespmem:s0+$0x2860] =	vst v10;
	s0 =	simm.s32 @!p0 $0x7  }
0xe9: {  	[hbm4b:s1+s3] =	stream.linear.scatter [tilespmem:s10], [sflag:$0x5], $0x7000, $0x38;
	[tilespmem:$0x1DC00] =	vst v63  }
0xea: {  	s6 =	smul.u32 $0xE0, s29;
	_ =	swait.ge @!p0 [sflag:s0], $0x7000  }
0xeb: {  	[sflag:s0] =	ssyncset.done @!p0 $0x0  }
0xec: {  	[sflag:s0] =	ssyncadd.s32 @!p0 $0xFFFF9000;
	s0 =	sshra.s32 s6, $0x2  }
0xed: {  	v3 =	vld [tilespmem:s0+$0x0];
	_ =	sdelay $0x4  }
0xee: {  	v4 =	vshll.u32 v3, $0x2  }
0xef: {  	v3 =	vand.u32 $0x7, v3;
	v4 =	vand.u32 $0xFFFFFFE0, v4  }
0xf0: {  	v3 =	vor.u32 v3, v4  }
0xf1: {  	v4 =	vperm.xlane v3, v0;
	_ =	sdelay $0x1  }
0xf2: {  	v4 =	vadd.s32 v1, v4;
	_ =	sdelay $0x1  }
0xf3: {  	v3 =	vperm.xlane v3, v2;
	_ =	sdelay $0x1  }
0xf4: {  	s1 =	simm.s32 $0x0;
	v3 =	vadd.s32 v1, v3  }
0xf5: {  	[tilespmem:s14], [sflag:$0x3] =	stream.indirect_vreg.gather [hbm4b:s2+s1], $0x80, v4, vm0, $0xb8;
	[tilespmem:$0x1DC00] =	vst v63  }
0xf6: {  	s6 =	simm.s32 $0x10400  }
0xf7: {  	[tilespmem:s6], [sflag:$0x3] =	stream.indirect_vreg.gather [hbm4b:s7+s1], $0x80, v4, vm0, $0xb8;
	[tilespmem:$0x1DC00] =	vst v63  }
0xf8: {  	s8 =	simm.s32 $0x10C00  }
0xf9: {  	[tilespmem:s8], [sflag:$0x3] =	stream.indirect_vreg.gather [hbm4b:s2+s1], $0x80, v3, vm0, $0xb8;
	[tilespmem:$0x1DC00] =	vst v63  }
0xfa: {  	s9 =	simm.s32 $0x11400  }
0xfb: {  	[tilespmem:s9], [sflag:$0x3] =	stream.indirect_vreg.gather [hbm4b:s7+s1], $0x80, v3, vm0, $0xb8;
	[tilespmem:$0x1DC00] =	vst v63  }
0xfc: {  	v3 =	vld [tilespmem:s0+$0x10];
	_ =	sdelay $0x4  }
0xfd: {  	v4 =	vshll.u32 v3, $0x2  }
0xfe: {  	v3 =	vand.u32 $0x7, v3;
	v4 =	vand.u32 $0xFFFFFFE0, v4  }
0xff: {  	v3 =	vor.u32 v3, v4  }
0x100: {  	v4 =	vperm.xlane v3, v0;
	_ =	sdelay $0x1  }
0x101: {  	v4 =	vadd.s32 v1, v4;
	_ =	sdelay $0x1  }
0x102: {  	v3 =	vperm.xlane v3, v2;
	_ =	sdelay $0x1  }
0x103: {  	s8 =	simm.s32 $0x11C00;
	v3 =	vadd.s32 v1, v3  }
0x104: {  	[tilespmem:s8], [sflag:$0x3] =	stream.indirect_vreg.gather [hbm4b:s2+s1], $0x80, v4, vm0, $0xb8;
	[tilespmem:$0x1DC00] =	vst v63  }
0x105: {  	s9 =	simm.s32 $0x12400  }
0x106: {  	[tilespmem:s9], [sflag:$0x3] =	stream.indirect_vreg.gather [hbm4b:s7+s1], $0x80, v4, vm0, $0xb8;
	[tilespmem:$0x1DC00] =	vst v63  }
0x107: {  	s8 =	simm.s32 $0x12C00  }
0x108: {  	[tilespmem:s8], [sflag:$0x3] =	stream.indirect_vreg.gather [hbm4b:s2+s1], $0x80, v3, vm0, $0xb8;
	[tilespmem:$0x1DC00] =	vst v63  }
0x109: {  	s9 =	simm.s32 $0x13400  }
0x10a: {  	[tilespmem:s9], [sflag:$0x3] =	stream.indirect_vreg.gather [hbm4b:s7+s1], $0x80, v3, vm0, $0xb8;
	[tilespmem:$0x1DC00] =	vst v63  }
0x10b: {  	v3 =	vld [tilespmem:s0+$0x20];
	_ =	sdelay $0x4  }
0x10c: {  	v4 =	vshll.u32 v3, $0x2  }
0x10d: {  	v3 =	vand.u32 $0x7, v3;
	v4 =	vand.u32 $0xFFFFFFE0, v4  }
0x10e: {  	v3 =	vor.u32 v3, v4  }
0x10f: {  	v4 =	vperm.xlane v3, v0;
	_ =	sdelay $0x1  }
0x110: {  	v4 =	vadd.s32 v1, v4;
	_ =	sdelay $0x1  }
0x111: {  	v3 =	vperm.xlane v3, v2;
	_ =	sdelay $0x1  }
0x112: {  	s8 =	simm.s32 $0x13C00;
	v3 =	vadd.s32 v1, v3  }
0x113: {  	[tilespmem:s8], [sflag:$0x3] =	stream.indirect_vreg.gather [hbm4b:s2+s1], $0x80, v4, vm0, $0xb8;
	[tilespmem:$0x1DC00] =	vst v63  }
0x114: {  	s9 =	simm.s32 $0x14400  }
0x115: {  	[tilespmem:s9], [sflag:$0x3] =	stream.indirect_vreg.gather [hbm4b:s7+s1], $0x80, v4, vm0, $0xb8;
	[tilespmem:$0x1DC00] =	vst v63  }
0x116: {  	s8 =	simm.s32 $0x14C00  }
0x117: {  	[tilespmem:s8], [sflag:$0x3] =	stream.indirect_vreg.gather [hbm4b:s2+s1], $0x80, v3, vm0, $0xb8;
	[tilespmem:$0x1DC00] =	vst v63  }
0x118: {  	s9 =	simm.s32 $0x15400  }
0x119: {  	[tilespmem:s9], [sflag:$0x3] =	stream.indirect_vreg.gather [hbm4b:s7+s1], $0x80, v3, vm0, $0xb8;
	[tilespmem:$0x1DC00] =	vst v63  }
0x11a: {  	v3 =	vld.msk [tilespmem:s0+$0x30], $0xff;
	_ =	sdelay $0x4  }
0x11b: {  	v4 =	vshll.u32 v3, $0x2  }
0x11c: {  	v3 =	vand.u32 $0x7, v3;
	v4 =	vand.u32 $0xFFFFFFE0, v4  }
0x11d: {  	v3 =	vor.u32 v3, v4  }
0x11e: {  	v3 =	vperm.xlane v3, v0;
	_ =	sdelay $0x1  }
0x11f: {  	v3 =	vadd.s32 v1, v3;
	_ =	sdelay $0x3  }
0x120: {  	s6 =	simm.s32 $0x15C00  }
0x121: {  	[tilespmem:s6], [sflag:$0x3] =	stream.indirect_vreg.gather [hbm4b:s2+s1], $0x80, v3, vm0, $0xb8;
	[tilespmem:$0x1DC00] =	vst v63  }
0x122: {  	s8 =	simm.s32 $0x16400  }
0x123: {  	[tilespmem:s8], [sflag:$0x3] =	stream.indirect_vreg.gather [hbm4b:s7+s1], $0x80, v3, vm0, $0xb8;
	[tilespmem:$0x1DC00] =	vst v63  }
0x124: {  	_ =	swait.ge [sflag:s30], $0x7000  }
0x125: {  	s9 =	sand.u32 $0x7000, s1;
	s1 =	sand.u32 $0x380, s1;
	[sflag:s30] =	ssyncset.done $0x0  }
0x126: {  	s0 =	sor.u32 s1, s9;
	[sflag:s30] =	ssyncadd.s32 $0xFFFF9000  }
0x127: {  	v3 =	vld [tilespmem:s0+$0x9070]  }
0x128: {  	v4 =	vld [tilespmem:s0+$0x9400]  }
0x129: {  	v5 =	vld [tilespmem:s0+$0x9410]  }
0x12a: {  	v6 =	vld [tilespmem:s0+$0x9060]  }
0x12b: {  	v7 =	vld [tilespmem:s0+$0x9050]  }
0x12c: {  	v8 =	vld [tilespmem:s0+$0x9420]  }
0x12d: {  	v9 =	vld [tilespmem:s0+$0x9040]  }
0x12e: {  	v10 =	vld [tilespmem:s0+$0x9870]  }
0x12f: {  	v11 =	vld [tilespmem:s0+$0x9810]  }
0x130: {  	v12 =	vld [tilespmem:s0+$0x9850]  }
0x131: {  	v19 =	vld [tilespmem:s0+$0x9440]  }
0x132: {  	v13 =	vld [tilespmem:s0+$0x9840]  }
0x133: {  	v14 =	vld [tilespmem:s0+$0x9800]  }
0x134: {  	v15 =	vld [tilespmem:s0+$0x9030]  }
0x135: {  	v16 =	vld [tilespmem:s0+$0x9020];
	v11 =	vmul.f32 $2.262741660e+01, v11  }
0x136: {  	v17 =	vld [tilespmem:s0+$0x9010];
	v10 =	vmul.f32 $2.262741660e+01, v10  }
0x137: {  	v20 =	vld [tilespmem:s0+$0x9450];
	v13 =	vmul.f32 $2.262741660e+01, v13;
	[tilespmem:s0+$0x9810] =	vst v11  }
0x138: {  	v14 =	vmul.f32 $2.262741660e+01, v14;
	[tilespmem:s0+$0x9870] =	vst v10;
	v10 =	vld [tilespmem:s0+$0x9820]  }
0x139: {  	v11 =	vmul.f32 $2.262741660e+01, v12;
	v12 =	vld [tilespmem:s0+$0x9000];
	[tilespmem:s0+$0x9840] =	vst v13  }
0x13a: {  	v13 =	vmul.f32 $2.262741660e+01, v15;
	v15 =	vld [tilespmem:s0+$0x8C60];
	[tilespmem:s0+$0x9800] =	vst v14  }
0x13b: {  	v24 =	vmul.f32 $2.262741660e+01, v9;
	[tilespmem:s0+$0x9850] =	vst v11;
	v11 =	vld [tilespmem:s0+$0x8C70]  }
0x13c: {  	v18 =	vld [tilespmem:s0+$0x9430];
	v25 =	vmul.f32 $2.262741660e+01, v7;
	[tilespmem:s0+$0x9030] =	vst v13;
	v13 =	vmul.f32 $2.262741660e+01, v17  }
0x13d: {  	v21 =	vld [tilespmem:s0+$0x9460];
	v7 =	vmul.f32 $2.262741660e+01, v19;
	v14 =	vmul.f32 $2.262741660e+01, v16;
	[tilespmem:s0+$0x9040] =	vst v24  }
0x13e: {  	v23 =	vld [tilespmem:s0+$0x8C00];
	[tilespmem:s0+$0x9010] =	vst v13;
	v13 =	vmul.f32 $2.262741660e+01, v6;
	v10 =	vmul.f32 $2.262741660e+01, v10  }
0x13f: {  	v22 =	vld [tilespmem:s0+$0x9470];
	[tilespmem:s0+$0x9020] =	vst v14;
	v6 =	vmul.f32 $2.262741660e+01, v20;
	v12 =	vmul.f32 $2.262741660e+01, v12  }
0x140: {  	v14 =	vld [tilespmem:s0+$0x8C10];
	v9 =	vmul.f32 $2.262741660e+01, v15;
	[tilespmem:s0+$0x9820] =	vst v10;
	v10 =	vmul.f32 $2.262741660e+01, v11  }
0x141: {  	v15 =	vld [tilespmem:s0+$0x8C40];
	[tilespmem:s0+$0x9000] =	vst v12;
	v11 =	vmul.f32 $2.262741660e+01, v4;
	v12 =	vmul.f32 $2.262741660e+01, v5  }
0x142: {  	v16 =	vld [tilespmem:s0+$0x8C20];
	[tilespmem:s0+$0x8C60] =	vst v9;
	v9 =	vmul.f32 $2.262741660e+01, v8;
	v5 =	vmul.f32 $2.262741660e+01, v18  }
0x143: {  	[tilespmem:s0+$0x9050] =	vst v25;
	v17 =	vld [tilespmem:s0+$0x8C30];
	v4 =	vmul.f32 $2.262741660e+01, v21;
	v8 =	vmul.f32 $2.262741660e+01, v23  }
0x144: {  	s6 =	simm.s32 $0x80;
	s1 =	simm.s32 $0x200;
	v18 =	vld [tilespmem:s0+$0x9830];
	[tilespmem:s0+$0x8C70] =	vst v10;
	v10 =	vmul.f32 $2.262741660e+01, v3;
	v3 =	vmul.f32 $2.262741660e+01, v22  }
.LBB2_5:
0x145: {  	s8 =	sand.u32 $0x7000, s1;
	s9 =	sand.u32 $0x380, s6;
	v14 =	vmul.f32 $2.262741660e+01, v14;
	[tilespmem:s0+$0x9060] =	vst v13;
	v13 =	vld [tilespmem:s0+$0x9860]  }
0x146: {  	p1 =	sne.s32 s1, $0x6200;
	s1 =	sadd.s32 $0x200, s1;
	s8 =	sor.u32 s9, s8;
	v15 =	vmul.f32 $2.262741660e+01, v15;
	v19 =	vld [tilespmem:s0+$0x8C50];
	[tilespmem:s0+$0x9070] =	vst v10  }
0x147: {  	v10 =	vld [tilespmem:s8+$0x9070];
	v16 =	vmul.f32 $2.262741660e+01, v16;
	[tilespmem:s0+$0x9400] =	vst v11  }
0x148: {  	v11 =	vld [tilespmem:s8+$0x9400];
	v17 =	vmul.f32 $2.262741660e+01, v17;
	[tilespmem:s0+$0x9410] =	vst v12  }
0x149: {  	v12 =	vld [tilespmem:s8+$0x9410];
	[tilespmem:s0+$0x8C20] =	vst v16;
	v16 =	vmul.f32 $2.262741660e+01, v18  }
0x14a: {  	v18 =	vld [tilespmem:s8+$0x9060];
	[tilespmem:s0+$0x8C30] =	vst v17;
	v13 =	vmul.f32 $2.262741660e+01, v13  }
0x14b: {  	v17 =	vld [tilespmem:s8+$0x9050];
	v19 =	vmul.f32 $2.262741660e+01, v19;
	[tilespmem:s0+$0x9420] =	vst v9  }
0x14c: {  	v9 =	vld [tilespmem:s8+$0x9420];
	[tilespmem:s0+$0x9830] =	vst v16  }
0x14d: {  	v16 =	vld [tilespmem:s8+$0x9040];
	[tilespmem:s0+$0x8C50] =	vst v19  }
0x14e: {  	v19 =	vld [tilespmem:s8+$0x9870];
	[tilespmem:s0+$0x8C40] =	vst v15  }
0x14f: {  	v15 =	vld [tilespmem:s8+$0x9810];
	[tilespmem:s0+$0x9860] =	vst v13  }
0x150: {  	v13 =	vld [tilespmem:s8+$0x9850];
	[tilespmem:s0+$0x9430] =	vst v5  }
0x151: {  	v5 =	vld [tilespmem:s8+$0x9430];
	[tilespmem:s0+$0x9440] =	vst v7  }
0x152: {  	v7 =	vld [tilespmem:s8+$0x9440];
	[tilespmem:s0+$0x8C10] =	vst v14  }
0x153: {  	v14 =	vld [tilespmem:s8+$0x9840];
	[tilespmem:s0+$0x9450] =	vst v6  }
0x154: {  	v19 =	vmul.f32 $2.262741660e+01, v19;
	v6 =	vld [tilespmem:s8+$0x9800];
	[tilespmem:s0+$0x9460] =	vst v4  }
0x155: {  	v4 =	vld [tilespmem:s8+$0x9030];
	[tilespmem:s0+$0x8C00] =	vst v8  }
0x156: {  	v15 =	vmul.f32 $2.262741660e+01, v15;
	v8 =	vld [tilespmem:s8+$0x9020];
	[tilespmem:s0+$0x9470] =	vst v3;
	s0 =	smov.u32 s8  }
0x157: {  	v13 =	vmul.f32 $2.262741660e+01, v13;
	v3 =	vld [tilespmem:s0+$0x9010];
	[tilespmem:s0+$0x9870] =	vst v19  }
0x158: {  	v19 =	vmul.f32 $2.262741660e+01, v16;
	[tilespmem:s0+$0x9810] =	vst v15;
	v15 =	vld [tilespmem:s0+$0x9820];
	v14 =	vmul.f32 $2.262741660e+01, v14  }
0x159: {  	v20 =	vmul.f32 $2.262741660e+01, v17;
	v16 =	vld [tilespmem:s0+$0x9000];
	v6 =	vmul.f32 $2.262741660e+01, v6;
	[tilespmem:s0+$0x9850] =	vst v13  }
0x15a: {  	v13 =	vmul.f32 $2.262741660e+01, v18;
	v17 =	vld [tilespmem:s0+$0x8C70];
	v4 =	vmul.f32 $2.262741660e+01, v4;
	[tilespmem:s0+$0x9840] =	vst v14  }
0x15b: {  	v10 =	vmul.f32 $2.262741660e+01, v10;
	v18 =	vld [tilespmem:s0+$0x8C60];
	v8 =	vmul.f32 $2.262741660e+01, v8;
	[tilespmem:s0+$0x9800] =	vst v6  }
0x15c: {  	v11 =	vmul.f32 $2.262741660e+01, v11;
	v3 =	vmul.f32 $2.262741660e+01, v3;
	[tilespmem:s0+$0x9030] =	vst v4;
	v4 =	vld [tilespmem:s0+$0x9450]  }
0x15d: {  	v12 =	vmul.f32 $2.262741660e+01, v12;
	[tilespmem:s0+$0x9020] =	vst v8;
	v8 =	vld [tilespmem:s0+$0x9460];
	v6 =	vmul.f32 $2.262741660e+01, v15  }
0x15e: {  	v9 =	vmul.f32 $2.262741660e+01, v9;
	v15 =	vmul.f32 $2.262741660e+01, v16;
	[tilespmem:s0+$0x9010] =	vst v3;
	v3 =	vld [tilespmem:s0+$0x9470]  }
0x15f: {  	v5 =	vmul.f32 $2.262741660e+01, v5;
	v21 =	vld [tilespmem:s0+$0x8C00];
	v16 =	vmul.f32 $2.262741660e+01, v17;
	[tilespmem:s0+$0x9820] =	vst v6  }
.Ltmp3:
0x160: {  	v7 =	vmul.f32 $2.262741660e+01, v7;
	v14 =	vld [tilespmem:s0+$0x8C10];
	v17 =	vmul.f32 $2.262741660e+01, v18;
	[tilespmem:s0+$0x9000] =	vst v15;
	(pc) =	sbr.rel @p1 .LBB2_5-.Ltmp3, $4  }
0x161: {  	v15 =	vld [tilespmem:s0+$0x8C40];
	[tilespmem:s0+$0x8C70] =	vst v16;
	v6 =	vmul.f32 $2.262741660e+01, v4  }
0x162: {  	v16 =	vld [tilespmem:s0+$0x8C20];
	[tilespmem:s0+$0x8C60] =	vst v17;
	v4 =	vmul.f32 $2.262741660e+01, v8  }
0x163: {  	v17 =	vld [tilespmem:s0+$0x8C30];
	[tilespmem:s0+$0x9040] =	vst v19;
	v3 =	vmul.f32 $2.262741660e+01, v3  }
0x164: {  	s6 =	sadd.s32 $0x80, s6;
	v8 =	vmul.f32 $2.262741660e+01, v21;
	[tilespmem:s0+$0x9050] =	vst v20;
	v18 =	vld [tilespmem:s0+$0x9830]  }
0x165: {  	[tilespmem:s0+$0x9060] =	vst v13  }
0x166: {  	[tilespmem:s0+$0x9070] =	vst v10  }
0x167: {  	[tilespmem:s0+$0x9400] =	vst v11  }
0x168: {  	[tilespmem:s0+$0x9410] =	vst v12  }
0x169: {  	[tilespmem:s0+$0x9420] =	vst v9  }
0x16a: {  	[tilespmem:s0+$0x9430] =	vst v5  }
0x16b: {  	[tilespmem:s0+$0x9440] =	vst v7  }
0x16c: {  	[tilespmem:s0+$0x9450] =	vst v6  }
0x16d: {  	[tilespmem:s0+$0x9460] =	vst v4  }
0x16e: {  	v19 =	vld [tilespmem:s0+$0x8C50];
	[tilespmem:s0+$0x9470] =	vst v3;
	v9 =	vmul.f32 $2.262741660e+01, v15  }
0x16f: {  	v13 =	vld [tilespmem:s0+$0x9860];
	[tilespmem:s0+$0x8C00] =	vst v8;
	v10 =	vmul.f32 $2.262741660e+01, v16  }
0x170: {  	v11 =	vmul.f32 $2.262741660e+01, v17;
	[tilespmem:s0+$0x8C40] =	vst v9  }
0x171: {  	v9 =	vmul.f32 $2.262741660e+01, v14;
	[tilespmem:s0+$0x8C20] =	vst v10  }
0x172: {  	s1 =	sadd.s32 s28, s5;
	v10 =	vmul.f32 $2.262741660e+01, v18;
	[tilespmem:s0+$0x8C30] =	vst v11  }
0x173: {  	s1 =	smul.u32 $0xE00, s1;
	v11 =	vmul.f32 $2.262741660e+01, v19;
	[tilespmem:s0+$0x8C10] =	vst v9  }
0x174: {  	[tilespmem:s0+$0x9830] =	vst v10;
	v10 =	vmul.f32 $2.262741660e+01, v13  }
0x175: {  	s1 =	sadd.s32 s4, s1;
	[tilespmem:s0+$0x8C50] =	vst v11  }
0x176: {  	s28 =	sor.u32 $0x3, s28;
	s6 =	sadd.s32 $0xE00, s1;
	[tilespmem:s0+$0x9860] =	vst v10;
	s0 =	simm.s32 @!p0 $0x8  }
0x177: {  	[hbm4b:s6+s3] =	stream.linear.scatter [tilespmem:s24], [sflag:$0x6], $0x7000, $0x38;
	[tilespmem:$0x1DC00] =	vst v63  }
0x178: {  	s8 =	smul.u32 $0xE0, s28;
	_ =	swait.ge @!p0 [sflag:s0], $0x7000  }
0x179: {  	[sflag:s0] =	ssyncset.done @!p0 $0x0  }
0x17a: {  	[sflag:s0] =	ssyncadd.s32 @!p0 $0xFFFF9000;
	s0 =	sshra.s32 s8, $0x2  }
0x17b: {  	v3 =	vld [tilespmem:s0+$0x0];
	_ =	sdelay $0x4  }
0x17c: {  	v4 =	vshll.u32 v3, $0x2  }
0x17d: {  	v3 =	vand.u32 $0x7, v3;
	v4 =	vand.u32 $0xFFFFFFE0, v4  }
0x17e: {  	v3 =	vor.u32 v3, v4  }
0x17f: {  	v4 =	vperm.xlane v3, v0;
	_ =	sdelay $0x1  }
0x180: {  	v4 =	vadd.s32 v1, v4;
	_ =	sdelay $0x1  }
0x181: {  	v3 =	vperm.xlane v3, v2;
	_ =	sdelay $0x1  }
0x182: {  	s1 =	simm.s32 $0x0;
	v3 =	vadd.s32 v1, v3  }
0x183: {  	[tilespmem:s31], [sflag:$0x4] =	stream.indirect_vreg.gather [hbm4b:s2+s1], $0x80, v4, vm0, $0xb8;
	[tilespmem:$0x1DC00] =	vst v63  }
0x184: {  	s6 =	simm.s32 $0x17400  }
0x185: {  	[tilespmem:s6], [sflag:$0x4] =	stream.indirect_vreg.gather [hbm4b:s7+s1], $0x80, v4, vm0, $0xb8;
	[tilespmem:$0x1DC00] =	vst v63  }
0x186: {  	s9 =	simm.s32 $0x17C00  }
0x187: {  	[tilespmem:s9], [sflag:$0x4] =	stream.indirect_vreg.gather [hbm4b:s2+s1], $0x80, v3, vm0, $0xb8;
	[tilespmem:$0x1DC00] =	vst v63  }
0x188: {  	s8 =	simm.s32 $0x18400  }
0x189: {  	[tilespmem:s8], [sflag:$0x4] =	stream.indirect_vreg.gather [hbm4b:s7+s1], $0x80, v3, vm0, $0xb8;
	[tilespmem:$0x1DC00] =	vst v63  }
0x18a: {  	v3 =	vld [tilespmem:s0+$0x10];
	_ =	sdelay $0x4  }
0x18b: {  	v4 =	vshll.u32 v3, $0x2  }
0x18c: {  	v3 =	vand.u32 $0x7, v3;
	v4 =	vand.u32 $0xFFFFFFE0, v4  }
0x18d: {  	v3 =	vor.u32 v3, v4  }
0x18e: {  	v4 =	vperm.xlane v3, v0;
	_ =	sdelay $0x1  }
0x18f: {  	v4 =	vadd.s32 v1, v4;
	_ =	sdelay $0x1  }
0x190: {  	v3 =	vperm.xlane v3, v2;
	_ =	sdelay $0x1  }
0x191: {  	s9 =	simm.s32 $0x18C00;
	v3 =	vadd.s32 v1, v3  }
0x192: {  	[tilespmem:s9], [sflag:$0x4] =	stream.indirect_vreg.gather [hbm4b:s2+s1], $0x80, v4, vm0, $0xb8;
	[tilespmem:$0x1DC00] =	vst v63  }
0x193: {  	s8 =	simm.s32 $0x19400  }
0x194: {  	[tilespmem:s8], [sflag:$0x4] =	stream.indirect_vreg.gather [hbm4b:s7+s1], $0x80, v4, vm0, $0xb8;
	[tilespmem:$0x1DC00] =	vst v63  }
0x195: {  	_ = 	snop  }
0x196: {  	[tilespmem:s11], [sflag:$0x4] =	stream.indirect_vreg.gather [hbm4b:s2+s1], $0x80, v3, vm0, $0xb8;
	[tilespmem:$0x1DC00] =	vst v63  }
0x197: {  	_ = 	snop  }
0x198: {  	[tilespmem:s12], [sflag:$0x4] =	stream.indirect_vreg.gather [hbm4b:s7+s1], $0x80, v3, vm0, $0xb8;
	[tilespmem:$0x1DC00] =	vst v63  }
0x199: {  	v3 =	vld [tilespmem:s0+$0x20];
	_ =	sdelay $0x4  }
0x19a: {  	v4 =	vshll.u32 v3, $0x2  }
0x19b: {  	v3 =	vand.u32 $0x7, v3;
	v4 =	vand.u32 $0xFFFFFFE0, v4  }
0x19c: {  	v3 =	vor.u32 v3, v4  }
0x19d: {  	v4 =	vperm.xlane v3, v0;
	_ =	sdelay $0x1  }
0x19e: {  	v4 =	vadd.s32 v1, v4;
	_ =	sdelay $0x1  }
0x19f: {  	v3 =	vperm.xlane v3, v2;
	_ =	sdelay $0x1  }
0x1a0: {  	v3 =	vadd.s32 v1, v3  }
0x1a1: {  	[tilespmem:s15], [sflag:$0x4] =	stream.indirect_vreg.gather [hbm4b:s2+s1], $0x80, v4, vm0, $0xb8;
	[tilespmem:$0x1DC00] =	vst v63  }
0x1a2: {  	_ = 	snop  }
0x1a3: {  	[tilespmem:s16], [sflag:$0x4] =	stream.indirect_vreg.gather [hbm4b:s7+s1], $0x80, v4, vm0, $0xb8;
	[tilespmem:$0x1DC00] =	vst v63  }
0x1a4: {  	_ = 	snop  }
0x1a5: {  	[tilespmem:s17], [sflag:$0x4] =	stream.indirect_vreg.gather [hbm4b:s2+s1], $0x80, v3, vm0, $0xb8;
	[tilespmem:$0x1DC00] =	vst v63  }
0x1a6: {  	_ = 	snop  }
0x1a7: {  	[tilespmem:s18], [sflag:$0x4] =	stream.indirect_vreg.gather [hbm4b:s7+s1], $0x80, v3, vm0, $0xb8;
	[tilespmem:$0x1DC00] =	vst v63  }
0x1a8: {  	v3 =	vld.msk [tilespmem:s0+$0x30], $0xff;
	_ =	sdelay $0x4  }
0x1a9: {  	v4 =	vshll.u32 v3, $0x2  }
0x1aa: {  	v3 =	vand.u32 $0x7, v3;
	v4 =	vand.u32 $0xFFFFFFE0, v4  }
0x1ab: {  	v3 =	vor.u32 v3, v4  }
0x1ac: {  	v3 =	vperm.xlane v3, v0;
	_ =	sdelay $0x1  }
0x1ad: {  	v3 =	vadd.s32 v1, v3;
	_ =	sdelay $0x4  }
0x1ae: {  	[tilespmem:s19], [sflag:$0x4] =	stream.indirect_vreg.gather [hbm4b:s2+s1], $0x80, v3, vm0, $0xb8;
	[tilespmem:$0x1DC00] =	vst v63  }
0x1af: {  	_ = 	snop  }
0x1b0: {  	[tilespmem:s20], [sflag:$0x4] =	stream.indirect_vreg.gather [hbm4b:s7+s1], $0x80, v3, vm0, $0xb8;
	[tilespmem:$0x1DC00] =	vst v63  }
0x1b1: {  	_ =	swait.ge [sflag:s21], $0x7000  }
0x1b2: {  	s9 =	sand.u32 $0x7000, s1;
	s1 =	sand.u32 $0x380, s1;
	[sflag:s21] =	ssyncset.done $0x0  }
0x1b3: {  	s0 =	sor.u32 s1, s9;
	[sflag:s21] =	ssyncadd.s32 $0xFFFF9000  }
0x1b4: {  	v3 =	vld [tilespmem:s0+$0x10070]  }
0x1b5: {  	v4 =	vld [tilespmem:s0+$0x10400]  }
0x1b6: {  	v5 =	vld [tilespmem:s0+$0x10410]  }
0x1b7: {  	v6 =	vld [tilespmem:s0+$0x10060]  }
0x1b8: {  	v7 =	vld [tilespmem:s0+$0x10050]  }
0x1b9: {  	v8 =	vld [tilespmem:s0+$0x10420]  }
0x1ba: {  	v9 =	vld [tilespmem:s0+$0x10040]  }
0x1bb: {  	v10 =	vld [tilespmem:s0+$0x10870]  }
0x1bc: {  	v11 =	vld [tilespmem:s0+$0x10810]  }
0x1bd: {  	v12 =	vld [tilespmem:s0+$0x10850]  }
0x1be: {  	v19 =	vld [tilespmem:s0+$0x10440]  }
0x1bf: {  	v13 =	vld [tilespmem:s0+$0x10840]  }
0x1c0: {  	v14 =	vld [tilespmem:s0+$0x10800]  }
0x1c1: {  	v15 =	vld [tilespmem:s0+$0x10030]  }
0x1c2: {  	v16 =	vld [tilespmem:s0+$0x10020];
	v11 =	vmul.f32 $2.262741660e+01, v11  }
0x1c3: {  	v17 =	vld [tilespmem:s0+$0x10010];
	v10 =	vmul.f32 $2.262741660e+01, v10  }
0x1c4: {  	v20 =	vld [tilespmem:s0+$0x10450];
	v13 =	vmul.f32 $2.262741660e+01, v13;
	[tilespmem:s0+$0x10810] =	vst v11  }
0x1c5: {  	v14 =	vmul.f32 $2.262741660e+01, v14;
	[tilespmem:s0+$0x10870] =	vst v10;
	v10 =	vld [tilespmem:s0+$0x10820]  }
0x1c6: {  	v11 =	vmul.f32 $2.262741660e+01, v12;
	v12 =	vld [tilespmem:s0+$0x10000];
	[tilespmem:s0+$0x10840] =	vst v13  }
0x1c7: {  	v13 =	vmul.f32 $2.262741660e+01, v15;
	v15 =	vld [tilespmem:s0+$0xFC60];
	[tilespmem:s0+$0x10800] =	vst v14  }
0x1c8: {  	v24 =	vmul.f32 $2.262741660e+01, v9;
	[tilespmem:s0+$0x10850] =	vst v11;
	v11 =	vld [tilespmem:s0+$0xFC70]  }
0x1c9: {  	v18 =	vld [tilespmem:s0+$0x10430];
	v25 =	vmul.f32 $2.262741660e+01, v7;
	[tilespmem:s0+$0x10030] =	vst v13;
	v13 =	vmul.f32 $2.262741660e+01, v17  }
0x1ca: {  	v21 =	vld [tilespmem:s0+$0x10460];
	v7 =	vmul.f32 $2.262741660e+01, v19;
	v14 =	vmul.f32 $2.262741660e+01, v16;
	[tilespmem:s0+$0x10040] =	vst v24  }
0x1cb: {  	v23 =	vld [tilespmem:s0+$0xFC00];
	[tilespmem:s0+$0x10010] =	vst v13;
	v13 =	vmul.f32 $2.262741660e+01, v6;
	v10 =	vmul.f32 $2.262741660e+01, v10  }
0x1cc: {  	v22 =	vld [tilespmem:s0+$0x10470];
	[tilespmem:s0+$0x10020] =	vst v14;
	v6 =	vmul.f32 $2.262741660e+01, v20;
	v12 =	vmul.f32 $2.262741660e+01, v12  }
0x1cd: {  	v14 =	vld [tilespmem:s0+$0xFC10];
	v9 =	vmul.f32 $2.262741660e+01, v15;
	[tilespmem:s0+$0x10820] =	vst v10;
	v10 =	vmul.f32 $2.262741660e+01, v11  }
0x1ce: {  	v15 =	vld [tilespmem:s0+$0xFC40];
	[tilespmem:s0+$0x10000] =	vst v12;
	v11 =	vmul.f32 $2.262741660e+01, v4;
	v12 =	vmul.f32 $2.262741660e+01, v5  }
0x1cf: {  	v16 =	vld [tilespmem:s0+$0xFC20];
	[tilespmem:s0+$0xFC60] =	vst v9;
	v9 =	vmul.f32 $2.262741660e+01, v8;
	v4 =	vmul.f32 $2.262741660e+01, v18  }
0x1d0: {  	[tilespmem:s0+$0x10050] =	vst v25;
	v17 =	vld [tilespmem:s0+$0xFC30];
	v5 =	vmul.f32 $2.262741660e+01, v21;
	v8 =	vmul.f32 $2.262741660e+01, v23  }
0x1d1: {  	s6 =	simm.s32 $0x80;
	s1 =	simm.s32 $0x200;
	v18 =	vld [tilespmem:s0+$0x10830];
	[tilespmem:s0+$0xFC70] =	vst v10;
	v10 =	vmul.f32 $2.262741660e+01, v3;
	v3 =	vmul.f32 $2.262741660e+01, v22  }
.LBB2_7:
0x1d2: {  	s8 =	sand.u32 $0x7000, s1;
	s9 =	sand.u32 $0x380, s6;
	v14 =	vmul.f32 $2.262741660e+01, v14;
	[tilespmem:s0+$0x10060] =	vst v13;
	v13 =	vld [tilespmem:s0+$0x10860]  }
0x1d3: {  	p0 =	sne.s32 s1, $0x6200;
	s1 =	sadd.s32 $0x200, s1;
	s8 =	sor.u32 s9, s8;
	v15 =	vmul.f32 $2.262741660e+01, v15;
	v19 =	vld [tilespmem:s0+$0xFC50];
	[tilespmem:s0+$0x10070] =	vst v10  }
0x1d4: {  	v10 =	vld [tilespmem:s8+$0x10070];
	v16 =	vmul.f32 $2.262741660e+01, v16;
	[tilespmem:s0+$0x10400] =	vst v11  }
0x1d5: {  	v11 =	vld [tilespmem:s8+$0x10400];
	v17 =	vmul.f32 $2.262741660e+01, v17;
	[tilespmem:s0+$0x10410] =	vst v12  }
0x1d6: {  	v12 =	vld [tilespmem:s8+$0x10410];
	[tilespmem:s0+$0xFC20] =	vst v16;
	v16 =	vmul.f32 $2.262741660e+01, v18  }
0x1d7: {  	v18 =	vld [tilespmem:s8+$0x10060];
	[tilespmem:s0+$0xFC30] =	vst v17;
	v13 =	vmul.f32 $2.262741660e+01, v13  }
0x1d8: {  	v17 =	vld [tilespmem:s8+$0x10050];
	v19 =	vmul.f32 $2.262741660e+01, v19;
	[tilespmem:s0+$0x10420] =	vst v9  }
0x1d9: {  	v9 =	vld [tilespmem:s8+$0x10420];
	[tilespmem:s0+$0x10830] =	vst v16  }
0x1da: {  	v16 =	vld [tilespmem:s8+$0x10040];
	[tilespmem:s0+$0xFC50] =	vst v19  }
0x1db: {  	v19 =	vld [tilespmem:s8+$0x10870];
	[tilespmem:s0+$0xFC40] =	vst v15  }
0x1dc: {  	v15 =	vld [tilespmem:s8+$0x10810];
	[tilespmem:s0+$0x10860] =	vst v13  }
0x1dd: {  	v13 =	vld [tilespmem:s8+$0x10850];
	[tilespmem:s0+$0x10430] =	vst v4  }
0x1de: {  	v4 =	vld [tilespmem:s8+$0x10430];
	[tilespmem:s0+$0x10440] =	vst v7  }
0x1df: {  	v7 =	vld [tilespmem:s8+$0x10440];
	[tilespmem:s0+$0xFC10] =	vst v14  }
0x1e0: {  	v14 =	vld [tilespmem:s8+$0x10840];
	[tilespmem:s0+$0x10450] =	vst v6  }
0x1e1: {  	v19 =	vmul.f32 $2.262741660e+01, v19;
	v6 =	vld [tilespmem:s8+$0x10800];
	[tilespmem:s0+$0x10460] =	vst v5  }
0x1e2: {  	v5 =	vld [tilespmem:s8+$0x10030];
	[tilespmem:s0+$0xFC00] =	vst v8  }
0x1e3: {  	v15 =	vmul.f32 $2.262741660e+01, v15;
	v8 =	vld [tilespmem:s8+$0x10020];
	[tilespmem:s0+$0x10470] =	vst v3;
	s0 =	smov.u32 s8  }
0x1e4: {  	v13 =	vmul.f32 $2.262741660e+01, v13;
	v3 =	vld [tilespmem:s0+$0x10010];
	[tilespmem:s0+$0x10870] =	vst v19  }
0x1e5: {  	v19 =	vmul.f32 $2.262741660e+01, v16;
	[tilespmem:s0+$0x10810] =	vst v15;
	v15 =	vld [tilespmem:s0+$0x10820];
	v14 =	vmul.f32 $2.262741660e+01, v14  }
0x1e6: {  	v20 =	vmul.f32 $2.262741660e+01, v17;
	v16 =	vld [tilespmem:s0+$0x10000];
	v6 =	vmul.f32 $2.262741660e+01, v6;
	[tilespmem:s0+$0x10850] =	vst v13  }
0x1e7: {  	v13 =	vmul.f32 $2.262741660e+01, v18;
	v17 =	vld [tilespmem:s0+$0xFC70];
	v5 =	vmul.f32 $2.262741660e+01, v5;
	[tilespmem:s0+$0x10840] =	vst v14  }
0x1e8: {  	v10 =	vmul.f32 $2.262741660e+01, v10;
	v18 =	vld [tilespmem:s0+$0xFC60];
	v8 =	vmul.f32 $2.262741660e+01, v8;
	[tilespmem:s0+$0x10800] =	vst v6  }
0x1e9: {  	v11 =	vmul.f32 $2.262741660e+01, v11;
	v3 =	vmul.f32 $2.262741660e+01, v3;
	[tilespmem:s0+$0x10030] =	vst v5;
	v5 =	vld [tilespmem:s0+$0x10450]  }
0x1ea: {  	v12 =	vmul.f32 $2.262741660e+01, v12;
	[tilespmem:s0+$0x10020] =	vst v8;
	v8 =	vld [tilespmem:s0+$0x10460];
	v6 =	vmul.f32 $2.262741660e+01, v15  }
0x1eb: {  	v9 =	vmul.f32 $2.262741660e+01, v9;
	v15 =	vmul.f32 $2.262741660e+01, v16;
	[tilespmem:s0+$0x10010] =	vst v3;
	v3 =	vld [tilespmem:s0+$0x10470]  }
0x1ec: {  	v4 =	vmul.f32 $2.262741660e+01, v4;
	v21 =	vld [tilespmem:s0+$0xFC00];
	v16 =	vmul.f32 $2.262741660e+01, v17;
	[tilespmem:s0+$0x10820] =	vst v6  }
.Ltmp4:
0x1ed: {  	v7 =	vmul.f32 $2.262741660e+01, v7;
	v14 =	vld [tilespmem:s0+$0xFC10];
	v17 =	vmul.f32 $2.262741660e+01, v18;
	[tilespmem:s0+$0x10000] =	vst v15;
	(pc) =	sbr.rel @p0 .LBB2_7-.Ltmp4, $4  }
0x1ee: {  	v15 =	vld [tilespmem:s0+$0xFC40];
	[tilespmem:s0+$0xFC70] =	vst v16;
	v6 =	vmul.f32 $2.262741660e+01, v5  }
0x1ef: {  	v16 =	vld [tilespmem:s0+$0xFC20];
	[tilespmem:s0+$0xFC60] =	vst v17;
	v5 =	vmul.f32 $2.262741660e+01, v8  }
0x1f0: {  	v17 =	vld [tilespmem:s0+$0xFC30];
	[tilespmem:s0+$0x10040] =	vst v19;
	v3 =	vmul.f32 $2.262741660e+01, v3  }
0x1f1: {  	s6 =	sadd.s32 $0x80, s6;
	v8 =	vmul.f32 $2.262741660e+01, v21;
	[tilespmem:s0+$0x10050] =	vst v20;
	v18 =	vld [tilespmem:s0+$0x10830]  }
0x1f2: {  	[tilespmem:s0+$0x10060] =	vst v13  }
0x1f3: {  	[tilespmem:s0+$0x10070] =	vst v10  }
0x1f4: {  	[tilespmem:s0+$0x10400] =	vst v11  }
0x1f5: {  	[tilespmem:s0+$0x10410] =	vst v12  }
0x1f6: {  	[tilespmem:s0+$0x10420] =	vst v9  }
0x1f7: {  	[tilespmem:s0+$0x10430] =	vst v4  }
0x1f8: {  	[tilespmem:s0+$0x10440] =	vst v7  }
0x1f9: {  	[tilespmem:s0+$0x10450] =	vst v6  }
0x1fa: {  	[tilespmem:s0+$0x10460] =	vst v5  }
0x1fb: {  	v19 =	vld [tilespmem:s0+$0xFC50];
	v63 =	vmul.f32 $2.262741660e+01, v14;
	[tilespmem:s0+$0x10470] =	vst v3  }
0x1fc: {  	v56 =	vld [tilespmem:s0+$0x10860];
	v61 =	vmul.f32 $2.262741660e+01, v15;
	[tilespmem:s0+$0xFC00] =	vst v8  }
0x1fd: {  	v57 =	vmul.f32 $2.262741660e+01, v16;
	[tilespmem:s0+$0xFC10] =	vst v63  }
0x1fe: {  	v58 =	vmul.f32 $2.262741660e+01, v17;
	[tilespmem:s0+$0xFC40] =	vst v61  }
0x1ff: {  	p0 =	seq.s32 s26, $0x1F;
	[tilespmem:s0+$0xFC20] =	vst v57;
	v59 =	vmul.f32 $2.262741660e+01, v18  }
.Ltmp5:
0x200: {  	s1 =	sadd.s32 s5, s29;
	[tilespmem:s0+$0xFC30] =	vst v58;
	v60 =	vmul.f32 $2.262741660e+01, v19;
	(pc) =	sbr.rel @p0 .LBB2_10-.Ltmp5, $4  }
0x201: {  	s1 =	smul.u32 $0xE00, s1;
	v62 =	vmul.f32 $2.262741660e+01, v56;
	[tilespmem:s0+$0x10830] =	vst v59  }
0x202: {  	[tilespmem:s0+$0xFC50] =	vst v60  }
0x203: {  	s29 =	sadd.s32 s4, s1;
	[tilespmem:s0+$0x10860] =	vst v62  }
0x204: {  	[hbm4b:s29+s3] =	stream.linear.scatter [tilespmem:s14], [sflag:$0x7], $0x7000, $0x38;
	[tilespmem:$0x1DC00] =	vst v63  }
0x205: {  	_ =	swait.ge [sflag:s23], $0x7000;
	s0 =	smul.u32 $0x380, s26  }
0x206: {  	[sflag:s23] =	ssyncset.done $0x0  }
0x207: {  	[sflag:s23] =	ssyncadd.s32 $0xFFFF9000;
	s0 =	sshra.s32 s0, $0x2  }
0x208: {  	v3 =	vld [tilespmem:s0+$0xE0];
	_ =	sdelay $0x4  }
0x209: {  	v4 =	vshll.u32 v3, $0x2  }
0x20a: {  	v3 =	vand.u32 $0x7, v3;
	v4 =	vand.u32 $0xFFFFFFE0, v4  }
0x20b: {  	v3 =	vor.u32 v3, v4  }
0x20c: {  	v4 =	vperm.xlane v3, v0;
	_ =	sdelay $0x1  }
0x20d: {  	v4 =	vadd.s32 v1, v4;
	_ =	sdelay $0x1  }
0x20e: {  	v3 =	vperm.xlane v3, v2;
	_ =	sdelay $0x1  }
0x20f: {  	v3 =	vadd.s32 v1, v3  }
0x210: {  	[tilespmem:s10], [sflag:$0x1] =	stream.indirect_vreg.gather [hbm4b:s2+s3], $0x80, v4, vm0, $0xb8;
	[tilespmem:$0x1DC00] =	vst v63  }
0x211: {  	s1 =	simm.s32 $0x2400  }
0x212: {  	[tilespmem:s1], [sflag:$0x1] =	stream.indirect_vreg.gather [hbm4b:s7+s3], $0x80, v4, vm0, $0xb8;
	[tilespmem:$0x1DC00] =	vst v63  }
0x213: {  	s6 =	simm.s32 $0x2C00  }
0x214: {  	[tilespmem:s6], [sflag:$0x1] =	stream.indirect_vreg.gather [hbm4b:s2+s3], $0x80, v3, vm0, $0xb8;
	[tilespmem:$0x1DC00] =	vst v63  }
0x215: {  	s8 =	simm.s32 $0x3400  }
0x216: {  	[tilespmem:s8], [sflag:$0x1] =	stream.indirect_vreg.gather [hbm4b:s7+s3], $0x80, v3, vm0, $0xb8;
	[tilespmem:$0x1DC00] =	vst v63  }
0x217: {  	v3 =	vld [tilespmem:s0+$0xF0];
	_ =	sdelay $0x4  }
0x218: {  	v61 =	vshll.u32 v3, $0x2  }
0x219: {  	v3 =	vand.u32 $0x7, v3;
	v4 =	vand.u32 $0xFFFFFFE0, v61  }
0x21a: {  	v3 =	vor.u32 v3, v4  }
0x21b: {  	v4 =	vperm.xlane v3, v0;
	_ =	sdelay $0x1  }
0x21c: {  	v4 =	vadd.s32 v1, v4;
	_ =	sdelay $0x1  }
0x21d: {  	v3 =	vperm.xlane v3, v2;
	_ =	sdelay $0x1  }
0x21e: {  	s9 =	simm.s32 $0x3C00;
	v3 =	vadd.s32 v1, v3  }
0x21f: {  	[tilespmem:s9], [sflag:$0x1] =	stream.indirect_vreg.gather [hbm4b:s2+s3], $0x80, v4, vm0, $0xb8;
	[tilespmem:$0x1DC00] =	vst v63  }
0x220: {  	s29 =	simm.s32 $0x4400  }
0x221: {  	[tilespmem:s29], [sflag:$0x1] =	stream.indirect_vreg.gather [hbm4b:s7+s3], $0x80, v4, vm0, $0xb8;
	[tilespmem:$0x1DC00] =	vst v63  }
0x222: {  	s6 =	simm.s32 $0x4C00  }
0x223: {  	[tilespmem:s6], [sflag:$0x1] =	stream.indirect_vreg.gather [hbm4b:s2+s3], $0x80, v3, vm0, $0xb8;
	[tilespmem:$0x1DC00] =	vst v63  }
0x224: {  	s8 =	simm.s32 $0x5400  }
0x225: {  	[tilespmem:s8], [sflag:$0x1] =	stream.indirect_vreg.gather [hbm4b:s7+s3], $0x80, v3, vm0, $0xb8;
	[tilespmem:$0x1DC00] =	vst v63  }
0x226: {  	v3 =	vld [tilespmem:s0+$0x100];
	_ =	sdelay $0x4  }
0x227: {  	v62 =	vshll.u32 v3, $0x2  }
0x228: {  	v3 =	vand.u32 $0x7, v3;
	v4 =	vand.u32 $0xFFFFFFE0, v62  }
0x229: {  	v3 =	vor.u32 v3, v4  }
0x22a: {  	v4 =	vperm.xlane v3, v0;
	_ =	sdelay $0x1  }
0x22b: {  	v4 =	vadd.s32 v1, v4;
	_ =	sdelay $0x1  }
0x22c: {  	v3 =	vperm.xlane v3, v2;
	_ =	sdelay $0x1  }
0x22d: {  	s9 =	simm.s32 $0x5C00;
	v3 =	vadd.s32 v1, v3  }
0x22e: {  	[tilespmem:s9], [sflag:$0x1] =	stream.indirect_vreg.gather [hbm4b:s2+s3], $0x80, v4, vm0, $0xb8;
	[tilespmem:$0x1DC00] =	vst v63  }
0x22f: {  	s29 =	simm.s32 $0x6400  }
0x230: {  	[tilespmem:s29], [sflag:$0x1] =	stream.indirect_vreg.gather [hbm4b:s7+s3], $0x80, v4, vm0, $0xb8;
	[tilespmem:$0x1DC00] =	vst v63  }
0x231: {  	s6 =	simm.s32 $0x6C00  }
0x232: {  	[tilespmem:s6], [sflag:$0x1] =	stream.indirect_vreg.gather [hbm4b:s2+s3], $0x80, v3, vm0, $0xb8;
	[tilespmem:$0x1DC00] =	vst v63  }
0x233: {  	s8 =	simm.s32 $0x7400  }
0x234: {  	[tilespmem:s8], [sflag:$0x1] =	stream.indirect_vreg.gather [hbm4b:s7+s3], $0x80, v3, vm0, $0xb8;
	[tilespmem:$0x1DC00] =	vst v63  }
0x235: {  	v3 =	vld.msk [tilespmem:s0+$0x110], $0xff;
	_ =	sdelay $0x4  }
0x236: {  	v63 =	vshll.u32 v3, $0x2  }
0x237: {  	v3 =	vand.u32 $0x7, v3;
	v4 =	vand.u32 $0xFFFFFFE0, v63  }
0x238: {  	v3 =	vor.u32 v3, v4  }
0x239: {  	v3 =	vperm.xlane v3, v0;
	_ =	sdelay $0x1  }
0x23a: {  	v3 =	vadd.s32 v1, v3;
	_ =	sdelay $0x3  }
0x23b: {  	s9 =	simm.s32 $0x7C00  }
0x23c: {  	[tilespmem:s9], [sflag:$0x1] =	stream.indirect_vreg.gather [hbm4b:s2+s3], $0x80, v3, vm0, $0xb8;
	[tilespmem:$0x1DC00] =	vst v63  }
0x23d: {  	s29 =	simm.s32 $0x8400  }
0x23e: {  	[tilespmem:s29], [sflag:$0x1] =	stream.indirect_vreg.gather [hbm4b:s7+s3], $0x80, v3, vm0, $0xb8;
	[tilespmem:$0x1DC00] =	vst v63  }
.LBB2_10:
0x23f: {  	_ =	swait.ge [sflag:s22], $0x7000;
	s29 =	simm.s32 $0x0  }
0x240: {  	[sflag:s22] =	ssyncset.done $0x0;
	s0 =	sand.u32 $0x7000, s29;
	s1 =	sand.u32 $0x380, s29  }
0x241: {  	[sflag:s22] =	ssyncadd.s32 $0xFFFF9000;
	s0 =	sor.u32 s1, s0  }
0x242: {  	v3 =	vld [tilespmem:s0+$0x16C00];
	_ =	sdelay $0x2  }
0x243: {  	s1 =	sadd.s32 $0x16C00, s0  }
0x244: {  	v4 =	vld [tilespmem:s1+$0x60]  }
0x245: {  	v5 =	vld [tilespmem:s1+$0x50];
	v3 =	vmul.f32 $2.262741660e+01, v3  }
0x246: {  	v6 =	vld [tilespmem:s1+$0x40]  }
0x247: {  	[tilespmem:s0+$0x16C00] =	vst v3;
	v3 =	vld [tilespmem:s1+$0x70]  }
0x248: {  	v7 =	vld [tilespmem:s1+$0x30]  }
0x249: {  	v4 =	vmul.f32 $2.262741660e+01, v4;
	v8 =	vld [tilespmem:s1+$0x20]  }
0x24a: {  	v5 =	vmul.f32 $2.262741660e+01, v5;
	v9 =	vld [tilespmem:s1+$0x10]  }
0x24b: {  	v6 =	vmul.f32 $2.262741660e+01, v6;
	[tilespmem:s1+$0x60] =	vst v4  }
0x24c: {  	[tilespmem:s1+$0x50] =	vst v5;
	v3 =	vmul.f32 $2.262741660e+01, v3  }
0x24d: {  	[tilespmem:s1+$0x40] =	vst v6;
	v4 =	vmul.f32 $2.262741660e+01, v7  }
0x24e: {  	v5 =	vmul.f32 $2.262741660e+01, v8;
	[tilespmem:s1+$0x70] =	vst v3  }
0x24f: {  	v3 =	vmul.f32 $2.262741660e+01, v9;
	[tilespmem:s1+$0x30] =	vst v4  }
0x250: {  	[tilespmem:s1+$0x20] =	vst v5  }
0x251: {  	[tilespmem:s1+$0x10] =	vst v3  }
0x252: {  	v3 =	vld [tilespmem:s0+$0x17000];
	_ =	sdelay $0x2  }
0x253: {  	s8 =	sadd.s32 $0x17000, s0  }
0x254: {  	v4 =	vld [tilespmem:s8+$0x70]  }
0x255: {  	v5 =	vld [tilespmem:s8+$0x60];
	v3 =	vmul.f32 $2.262741660e+01, v3  }
0x256: {  	v6 =	vld [tilespmem:s8+$0x50]  }
0x257: {  	[tilespmem:s0+$0x17000] =	vst v3;
	v3 =	vld [tilespmem:s8+$0x40]  }
0x258: {  	v7 =	vld [tilespmem:s8+$0x10]  }
0x259: {  	v4 =	vmul.f32 $2.262741660e+01, v4;
	v8 =	vld [tilespmem:s8+$0x20]  }
0x25a: {  	v5 =	vmul.f32 $2.262741660e+01, v5;
	v62 =	vld [tilespmem:s8+$0x30]  }
0x25b: {  	v6 =	vmul.f32 $2.262741660e+01, v6;
	[tilespmem:s8+$0x70] =	vst v4  }
0x25c: {  	[tilespmem:s8+$0x60] =	vst v5;
	v3 =	vmul.f32 $2.262741660e+01, v3  }
0x25d: {  	[tilespmem:s8+$0x50] =	vst v6;
	v4 =	vmul.f32 $2.262741660e+01, v7  }
0x25e: {  	v5 =	vmul.f32 $2.262741660e+01, v8;
	[tilespmem:s8+$0x40] =	vst v3  }
0x25f: {  	v3 =	vmul.f32 $2.262741660e+01, v62;
	[tilespmem:s8+$0x10] =	vst v4  }
0x260: {  	[tilespmem:s8+$0x20] =	vst v5  }
0x261: {  	[tilespmem:s8+$0x30] =	vst v3  }
0x262: {  	v3 =	vld [tilespmem:s0+$0x17400];
	_ =	sdelay $0x2  }
0x263: {  	s9 =	sadd.s32 $0x17400, s0  }
0x264: {  	v4 =	vld [tilespmem:s9+$0x40]  }
0x265: {  	v5 =	vld [tilespmem:s9+$0x50];
	v3 =	vmul.f32 $2.262741660e+01, v3  }
0x266: {  	v6 =	vld [tilespmem:s9+$0x60]  }
0x267: {  	v7 =	vld [tilespmem:s9+$0x70];
	[tilespmem:s0+$0x17400] =	vst v3  }
0x268: {  	v3 =	vld [tilespmem:s9+$0x30]  }
0x269: {  	v4 =	vmul.f32 $2.262741660e+01, v4;
	v8 =	vld [tilespmem:s9+$0x10]  }
0x26a: {  	v5 =	vmul.f32 $2.262741660e+01, v5;
	v63 =	vld [tilespmem:s9+$0x20]  }
0x26b: {  	[tilespmem:s9+$0x40] =	vst v4;
	v4 =	vmul.f32 $2.262741660e+01, v6  }
0x26c: {  	[tilespmem:s9+$0x50] =	vst v5;
	v5 =	vmul.f32 $2.262741660e+01, v7  }
0x26d: {  	[tilespmem:s9+$0x60] =	vst v4;
	v3 =	vmul.f32 $2.262741660e+01, v3  }
0x26e: {  	[tilespmem:s9+$0x70] =	vst v5;
	v4 =	vmul.f32 $2.262741660e+01, v8  }
0x26f: {  	v5 =	vmul.f32 $2.262741660e+01, v63;
	[tilespmem:s9+$0x30] =	vst v3  }
0x270: {  	[tilespmem:s9+$0x10] =	vst v4  }
0x271: {  	[tilespmem:s9+$0x20] =	vst v5  }
0x272: {  	s6 =	sadd.s32 $0x17800, s0;
	v6 =	vld [tilespmem:s0+$0x17800]  }
0x273: {  	v5 =	vld [tilespmem:s6+$0x40]  }
0x274: {  	v4 =	vld [tilespmem:s6+$0x50]  }
0x275: {  	s1 =	simm.s32 $0x200;
	v3 =	vld [tilespmem:s6+$0x60]  }
.LBB2_11:
0x276: {  	p1 =	sne.s32 s1, $0x6200  }
0x277: {  	v7 =	vld [tilespmem:s6+$0x70];
	s29 =	sadd.s32 $0x80, s29;
	s8 =	smov.u32 s1;
	s1 =	sadd.s32 $0x200, s1  }
0x278: {  	v6 =	vmul.f32 $2.262741660e+01, v6  }
0x279: {  	v5 =	vmul.f32 $2.262741660e+01, v5  }
0x27a: {  	[tilespmem:s0+$0x17800] =	vst v6;
	v4 =	vmul.f32 $2.262741660e+01, v4  }
0x27b: {  	v6 =	vld [tilespmem:s6+$0x10];
	[tilespmem:s6+$0x40] =	vst v5;
	v3 =	vmul.f32 $2.262741660e+01, v3  }
0x27c: {  	v5 =	vld [tilespmem:s6+$0x20];
	[tilespmem:s6+$0x50] =	vst v4;
	v4 =	vmul.f32 $2.262741660e+01, v7  }
0x27d: {  	v7 =	vld [tilespmem:s6+$0x30];
	[tilespmem:s6+$0x60] =	vst v3  }
0x27e: {  	s0 =	sand.u32 $0x7000, s8;
	s8 =	sand.u32 $0x380, s29;
	[tilespmem:s6+$0x70] =	vst v4  }
0x27f: {  	s0 =	sor.u32 s8, s0  }
0x280: {  	v3 =	vmul.f32 $2.262741660e+01, v6  }
0x281: {  	v4 =	vmul.f32 $2.262741660e+01, v5  }
0x282: {  	[tilespmem:s6+$0x10] =	vst v3;
	v3 =	vmul.f32 $2.262741660e+01, v7  }
0x283: {  	[tilespmem:s6+$0x20] =	vst v4  }
0x284: {  	[tilespmem:s6+$0x30] =	vst v3  }
0x285: {  	v3 =	vld [tilespmem:s0+$0x16C00];
	_ =	sdelay $0x2  }
0x286: {  	s6 =	sadd.s32 $0x16C00, s0  }
0x287: {  	v4 =	vld [tilespmem:s6+$0x60]  }
0x288: {  	v3 =	vmul.f32 $2.262741660e+01, v3;
	v5 =	vld [tilespmem:s6+$0x50]  }
0x289: {  	v6 =	vld [tilespmem:s6+$0x40]  }
0x28a: {  	[tilespmem:s0+$0x16C00] =	vst v3;
	v3 =	vld [tilespmem:s6+$0x70]  }
0x28b: {  	v7 =	vld [tilespmem:s6+$0x30]  }
0x28c: {  	v8 =	vld [tilespmem:s6+$0x20];
	v4 =	vmul.f32 $2.262741660e+01, v4  }
0x28d: {  	v9 =	vld [tilespmem:s6+$0x10];
	v5 =	vmul.f32 $2.262741660e+01, v5  }
0x28e: {  	v6 =	vmul.f32 $2.262741660e+01, v6;
	[tilespmem:s6+$0x60] =	vst v4  }
0x28f: {  	[tilespmem:s6+$0x50] =	vst v5;
	v3 =	vmul.f32 $2.262741660e+01, v3  }
0x290: {  	v4 =	vmul.f32 $2.262741660e+01, v7;
	[tilespmem:s6+$0x40] =	vst v6  }
0x291: {  	v5 =	vmul.f32 $2.262741660e+01, v8;
	[tilespmem:s6+$0x70] =	vst v3  }
0x292: {  	v3 =	vmul.f32 $2.262741660e+01, v9;
	[tilespmem:s6+$0x30] =	vst v4  }
0x293: {  	[tilespmem:s6+$0x20] =	vst v5  }
0x294: {  	[tilespmem:s6+$0x10] =	vst v3  }
0x295: {  	v3 =	vld [tilespmem:s0+$0x17000];
	_ =	sdelay $0x2  }
0x296: {  	s6 =	sadd.s32 $0x17000, s0  }
0x297: {  	v4 =	vld [tilespmem:s6+$0x70]  }
0x298: {  	v3 =	vmul.f32 $2.262741660e+01, v3;
	v5 =	vld [tilespmem:s6+$0x60]  }
0x299: {  	v6 =	vld [tilespmem:s6+$0x50]  }
0x29a: {  	[tilespmem:s0+$0x17000] =	vst v3;
	v3 =	vld [tilespmem:s6+$0x40]  }
0x29b: {  	v7 =	vld [tilespmem:s6+$0x10]  }
0x29c: {  	v8 =	vld [tilespmem:s6+$0x20];
	v4 =	vmul.f32 $2.262741660e+01, v4  }
0x29d: {  	v9 =	vld [tilespmem:s6+$0x30];
	v5 =	vmul.f32 $2.262741660e+01, v5  }
0x29e: {  	v6 =	vmul.f32 $2.262741660e+01, v6;
	[tilespmem:s6+$0x70] =	vst v4  }
0x29f: {  	v3 =	vmul.f32 $2.262741660e+01, v3;
	[tilespmem:s6+$0x60] =	vst v5  }
0x2a0: {  	v4 =	vmul.f32 $2.262741660e+01, v7;
	[tilespmem:s6+$0x50] =	vst v6  }
0x2a1: {  	v5 =	vmul.f32 $2.262741660e+01, v8;
	[tilespmem:s6+$0x40] =	vst v3  }
0x2a2: {  	[tilespmem:s6+$0x10] =	vst v4;
	v3 =	vmul.f32 $2.262741660e+01, v9  }
0x2a3: {  	[tilespmem:s6+$0x20] =	vst v5  }
0x2a4: {  	[tilespmem:s6+$0x30] =	vst v3  }
0x2a5: {  	s6 =	sadd.s32 $0x17400, s0;
	v3 =	vld [tilespmem:s0+$0x17400]  }
0x2a6: {  	v4 =	vld [tilespmem:s6+$0x40]  }
0x2a7: {  	v5 =	vld [tilespmem:s6+$0x50]  }
0x2a8: {  	v6 =	vld [tilespmem:s6+$0x60]  }
0x2a9: {  	v7 =	vld [tilespmem:s6+$0x70]  }
0x2aa: {  	v3 =	vmul.f32 $2.262741660e+01, v3  }
0x2ab: {  	v4 =	vmul.f32 $2.262741660e+01, v4  }
0x2ac: {  	[tilespmem:s0+$0x17400] =	vst v3;
	v3 =	vmul.f32 $2.262741660e+01, v5  }
0x2ad: {  	v5 =	vld [tilespmem:s6+$0x30];
	[tilespmem:s6+$0x40] =	vst v4;
	v4 =	vmul.f32 $2.262741660e+01, v6  }
0x2ae: {  	v6 =	vld [tilespmem:s6+$0x10];
	[tilespmem:s6+$0x50] =	vst v3;
	v3 =	vmul.f32 $2.262741660e+01, v7  }
0x2af: {  	v7 =	vld [tilespmem:s6+$0x20];
	[tilespmem:s6+$0x60] =	vst v4  }
0x2b0: {  	[tilespmem:s6+$0x70] =	vst v3;
	_ =	sdelay $0x1  }
0x2b1: {  	v3 =	vmul.f32 $2.262741660e+01, v5  }
0x2b2: {  	v4 =	vmul.f32 $2.262741660e+01, v6  }
0x2b3: {  	v5 =	vmul.f32 $2.262741660e+01, v7;
	[tilespmem:s6+$0x30] =	vst v3  }
0x2b4: {  	[tilespmem:s6+$0x10] =	vst v4  }
.Ltmp6:
0x2b5: {  	[tilespmem:s6+$0x20] =	vst v5;
	(pc) =	sbr.rel @p1 .LBB2_11-.Ltmp6, $4  }
0x2b6: {  	s6 =	sadd.s32 $0x17800, s0;
	v6 =	vld [tilespmem:s0+$0x17800]  }
0x2b7: {  	v5 =	vld [tilespmem:s6+$0x40]  }
0x2b8: {  	v4 =	vld [tilespmem:s6+$0x50]  }
0x2b9: {  	v3 =	vld [tilespmem:s6+$0x60]  }
0x2ba: {  	_ = 	snop  }
0x2bb: {  	v6 =	vmul.f32 $2.262741660e+01, v6;
	_ =	sdelay $0x1  }
0x2bc: {  	v7 =	vld [tilespmem:s6+$0x70];
	[tilespmem:s0+$0x17800] =	vst v6  }
0x2bd: {  	v6 =	vld [tilespmem:s6+$0x10]  }
0x2be: {  	v5 =	vmul.f32 $2.262741660e+01, v5;
	v62 =	vld [tilespmem:s6+$0x20]  }
0x2bf: {  	v4 =	vmul.f32 $2.262741660e+01, v4;
	v63 =	vld [tilespmem:s6+$0x30]  }
0x2c0: {  	[tilespmem:s6+$0x40] =	vst v5;
	v3 =	vmul.f32 $2.262741660e+01, v3  }
0x2c1: {  	[tilespmem:s6+$0x50] =	vst v4;
	v7 =	vmul.f32 $2.262741660e+01, v7  }
0x2c2: {  	[tilespmem:s6+$0x60] =	vst v3;
	v3 =	vmul.f32 $2.262741660e+01, v6  }
.Ltmp7:
0x2c3: {  	s29 =	sadd.s32 s5, s28;
	[tilespmem:s6+$0x70] =	vst v7;
	v5 =	vmul.f32 $2.262741660e+01, v62;
	(pc) =	sbr.rel @p0 .LBB2_14-.Ltmp7, $4  }
0x2c4: {  	s0 =	smul.u32 $0xE00, s29;
	[tilespmem:s6+$0x10] =	vst v3;
	v3 =	vmul.f32 $2.262741660e+01, v63  }
0x2c5: {  	[tilespmem:s6+$0x20] =	vst v5  }
0x2c6: {  	s0 =	sadd.s32 s4, s0;
	[tilespmem:s6+$0x30] =	vst v3  }
0x2c7: {  	[hbm4b:s0+s3] =	stream.linear.scatter [tilespmem:s31], [sflag:$0x8], $0x7000, $0x38;
	[tilespmem:$0x1DC00] =	vst v63  }
0x2c8: {  	_ =	swait.ge [sflag:s25], $0x7000;
	s0 =	smul.u32 $0x380, s26  }
0x2c9: {  	[sflag:s25] =	ssyncset.done $0x0  }
0x2ca: {  	[sflag:s25] =	ssyncadd.s32 $0xFFFF9000;
	s0 =	sshra.s32 s0, $0x2  }
0x2cb: {  	v3 =	vld [tilespmem:s0+$0x118];
	_ =	sdelay $0x4  }
0x2cc: {  	v4 =	vshll.u32 v3, $0x2  }
0x2cd: {  	v3 =	vand.u32 $0x7, v3;
	v4 =	vand.u32 $0xFFFFFFE0, v4  }
0x2ce: {  	v3 =	vor.u32 v3, v4  }
0x2cf: {  	v4 =	vperm.xlane v3, v0;
	_ =	sdelay $0x1  }
0x2d0: {  	v4 =	vadd.s32 v1, v4;
	_ =	sdelay $0x1  }
0x2d1: {  	v3 =	vperm.xlane v3, v2;
	_ =	sdelay $0x1  }
0x2d2: {  	v3 =	vadd.s32 v1, v3  }
0x2d3: {  	[tilespmem:s24], [sflag:$0x2] =	stream.indirect_vreg.gather [hbm4b:s2+s3], $0x80, v4, vm0, $0xb8;
	[tilespmem:$0x1DC00] =	vst v63  }
0x2d4: {  	s1 =	simm.s32 $0x9400  }
0x2d5: {  	[tilespmem:s1], [sflag:$0x2] =	stream.indirect_vreg.gather [hbm4b:s7+s3], $0x80, v4, vm0, $0xb8;
	[tilespmem:$0x1DC00] =	vst v63  }
0x2d6: {  	s28 =	simm.s32 $0x9C00  }
0x2d7: {  	[tilespmem:s28], [sflag:$0x2] =	stream.indirect_vreg.gather [hbm4b:s2+s3], $0x80, v3, vm0, $0xb8;
	[tilespmem:$0x1DC00] =	vst v63  }
0x2d8: {  	s29 =	simm.s32 $0xA400  }
0x2d9: {  	[tilespmem:s29], [sflag:$0x2] =	stream.indirect_vreg.gather [hbm4b:s7+s3], $0x80, v3, vm0, $0xb8;
	[tilespmem:$0x1DC00] =	vst v63  }
0x2da: {  	v3 =	vld [tilespmem:s0+$0x128];
	_ =	sdelay $0x4  }
0x2db: {  	v61 =	vshll.u32 v3, $0x2  }
0x2dc: {  	v3 =	vand.u32 $0x7, v3;
	v4 =	vand.u32 $0xFFFFFFE0, v61  }
0x2dd: {  	v3 =	vor.u32 v3, v4  }
0x2de: {  	v4 =	vperm.xlane v3, v0;
	_ =	sdelay $0x1  }
0x2df: {  	v4 =	vadd.s32 v1, v4;
	_ =	sdelay $0x1  }
0x2e0: {  	v3 =	vperm.xlane v3, v2;
	_ =	sdelay $0x1  }
0x2e1: {  	s6 =	simm.s32 $0xAC00;
	v3 =	vadd.s32 v1, v3  }
0x2e2: {  	[tilespmem:s6], [sflag:$0x2] =	stream.indirect_vreg.gather [hbm4b:s2+s3], $0x80, v4, vm0, $0xb8;
	[tilespmem:$0x1DC00] =	vst v63  }
0x2e3: {  	s8 =	simm.s32 $0xB400  }
0x2e4: {  	[tilespmem:s8], [sflag:$0x2] =	stream.indirect_vreg.gather [hbm4b:s7+s3], $0x80, v4, vm0, $0xb8;
	[tilespmem:$0x1DC00] =	vst v63  }
0x2e5: {  	s9 =	simm.s32 $0xBC00  }
0x2e6: {  	[tilespmem:s9], [sflag:$0x2] =	stream.indirect_vreg.gather [hbm4b:s2+s3], $0x80, v3, vm0, $0xb8;
	[tilespmem:$0x1DC00] =	vst v63  }
0x2e7: {  	s28 =	simm.s32 $0xC400  }
0x2e8: {  	[tilespmem:s28], [sflag:$0x2] =	stream.indirect_vreg.gather [hbm4b:s7+s3], $0x80, v3, vm0, $0xb8;
	[tilespmem:$0x1DC00] =	vst v63  }
0x2e9: {  	v3 =	vld [tilespmem:s0+$0x138];
	_ =	sdelay $0x4  }
0x2ea: {  	v62 =	vshll.u32 v3, $0x2  }
0x2eb: {  	v3 =	vand.u32 $0x7, v3;
	v4 =	vand.u32 $0xFFFFFFE0, v62  }
0x2ec: {  	v3 =	vor.u32 v3, v4  }
0x2ed: {  	v4 =	vperm.xlane v3, v0;
	_ =	sdelay $0x1  }
0x2ee: {  	v4 =	vadd.s32 v1, v4;
	_ =	sdelay $0x1  }
0x2ef: {  	v3 =	vperm.xlane v3, v2;
	_ =	sdelay $0x1  }
0x2f0: {  	s29 =	simm.s32 $0xCC00;
	v3 =	vadd.s32 v1, v3  }
0x2f1: {  	[tilespmem:s29], [sflag:$0x2] =	stream.indirect_vreg.gather [hbm4b:s2+s3], $0x80, v4, vm0, $0xb8;
	[tilespmem:$0x1DC00] =	vst v63  }
0x2f2: {  	s6 =	simm.s32 $0xD400  }
0x2f3: {  	[tilespmem:s6], [sflag:$0x2] =	stream.indirect_vreg.gather [hbm4b:s7+s3], $0x80, v4, vm0, $0xb8;
	[tilespmem:$0x1DC00] =	vst v63  }
0x2f4: {  	s8 =	simm.s32 $0xDC00  }
0x2f5: {  	[tilespmem:s8], [sflag:$0x2] =	stream.indirect_vreg.gather [hbm4b:s2+s3], $0x80, v3, vm0, $0xb8;
	[tilespmem:$0x1DC00] =	vst v63  }
0x2f6: {  	s9 =	simm.s32 $0xE400  }
0x2f7: {  	[tilespmem:s9], [sflag:$0x2] =	stream.indirect_vreg.gather [hbm4b:s7+s3], $0x80, v3, vm0, $0xb8;
	[tilespmem:$0x1DC00] =	vst v63  }
0x2f8: {  	v3 =	vld.msk [tilespmem:s0+$0x148], $0xff;
	_ =	sdelay $0x4  }
0x2f9: {  	v63 =	vshll.u32 v3, $0x2  }
0x2fa: {  	v3 =	vand.u32 $0x7, v3;
	v4 =	vand.u32 $0xFFFFFFE0, v63  }
0x2fb: {  	v3 =	vor.u32 v3, v4  }
0x2fc: {  	v3 =	vperm.xlane v3, v0;
	_ =	sdelay $0x1  }
0x2fd: {  	v3 =	vadd.s32 v1, v3;
	_ =	sdelay $0x2  }
.Ltmp8:
0x2fe: {  	_ = 	snop;
	(pc) =	sbr.rel .LBB2_2-.Ltmp8, $4  }
0x2ff: {  	s28 =	simm.s32 $0xEC00  }
0x300: {  	[tilespmem:s28], [sflag:$0x2] =	stream.indirect_vreg.gather [hbm4b:s2+s3], $0x80, v3, vm0, $0xb8;
	[tilespmem:$0x1DC00] =	vst v63  }
0x301: {  	s26 =	sadd.s32 $0x1, s26;
	s29 =	simm.s32 $0xF400  }
0x302: {  	[tilespmem:s29], [sflag:$0x2] =	stream.indirect_vreg.gather [hbm4b:s7+s3], $0x80, v3, vm0, $0xb8;
	[tilespmem:$0x1DC00] =	vst v63  }
.LBB2_15:
0x303: {  	_ =	sfence.sel $0x180000  }
0x304: {  	[bflag:$0x0] =	sbarrier.arrive $0xFFFF  }
0x305: {  	_ =	strace $0x90000047  }
0x306: {  	s0 =	stileid.u32;
	[bflag:$0x2] =	sbarrier.arrive $0xFFFF  }
0x307: {  	p0 =	sne.s32 s0, $0x0;
	s0 =	rddreg [dreg:$0x3]  }
0x308: {  	s0 =	sadd.s32 @!p0 $0x100000, s0  }
0x309: {  	[sflag:s0] =	ssyncadd.tile.s32 @!p0 $0x1;
	_ =	shalt  }
.Lfunc_end2:
_tile_overlayer_lowered:
.L_overlay_start_2:
0x30a: {  	(tag) =	ssettag $0x2  }
0x30b: {  	s0 =	rddreg [dreg:$0x0];
	s2 =	stileid.u32  }
0x30c: {  	s1 =	rddreg [dreg:$0x1];
	p0 =	sne.s32 s2, $0x0  }
0x30d: {  	s3 =	rddreg [dreg:$0x2];
	[bflag:$0x3] =	sbarrier.arrive $0xFFFF;
	s2 =	simm.s32 @!p0 $0x1C09  }
0x30e: {  	[timem:s3], [sflag:s2] =	dma.local @!p0 [hbm:s0], s1  }
0x30f: {  	s0 =	simm.s32 @!p0 $0x9  }
0x310: {  	_ =	swait.ge @!p0 [sflag:s0], s1  }
0x311: {  	s1 =	ssub.s32 @!p0 $0x0, s1;
	[sflag:s0] =	ssyncset.done @!p0 $0x0  }
0x312: {  	[sflag:s0] =	ssyncadd.s32 @!p0 s1  }
0x313: {  	[bflag:$0x3] =	sbarrier.arrive $0xFFFF  }
0x314: {  	_ =	shalt  }

// kernel: sparse-core-data-format-call.cloned.1.call-start
scs
called_computation_lowered:
.L_overlay_start_0:
0x0: {  	s2 =	sld [smem:$0x3FD9]  }
0x1: {  	s3 =	sld [smem:$0x3FFE];
	_ =	sdelay $0x1  }
0x2: {  	s1 =	srdreg.scid  }
0x3: {  	s0 =	sand.u32 $0x1, s1  }
0x4: {  	s18 =	sshll.u32 s0, $0xA;
	s2 =	sadd.s32 s3, s2  }
0x5: {  	s2 =	sadd.s32 s2, s18  }
0x6: {  	[smem:$0x3FC6] =	sst s2  }
0x7: {  	_ = 	snop  }
0x8: {  	s2 =	sld [smem:$0x3FD0];
	(tm) =	ssettm $0x1  }
0x9: {  	s19 =	sld [smem:$0x3FFB];
	_ =	sdelay $0x3  }
0xa: {  	_ =	strace s19  }
0xb: {  	s3 =	sld [smem:$0x3FFC];
	_ =	sdelay $0x3  }
0xc: {  	_ =	strace s3  }
0xd: {  	s3 =	sld [smem:$0x3FFD];
	_ =	sdelay $0x3  }
0xe: {  	_ =	strace s3  }
0xf: {  	_ =	strace $0x8FFFFFFF  }
0x10: {  	s20 =	sld [smem:$0x3FDB];
	_ =	sdelay $0x1  }
0x11: {  	s4 =	simm.s32 $_scs_section_size  }
0x12: {  	s5 =	simm.s32 $_size__tile_overlayer_lowered;
	s6 =	simm.s32 $_tile_overlayer_lowered  }
0x13: {  	s23 =	simm.s32 $0x1BFF;
	s22 =	sshll.u32 s6, $0x1;
	s3 =	sadd.s32 s4, s20  }
0x14: {  	s7 =	simm.s32 $0x0;
	s21 =	sshll.u32 s5, $0x1;
	s5 =	sadd.s32 s22, s3  }
0x15: {  	[timem:s7], [sflag:s23] =	dma.local [hbm:s5], s21  }
0x16: {  	_ =	swait.ge [sflag:s23], s21  }
0x17: {  	s4 =	ssub.s32 $0x0, s21;
	[sflag:s23] =	ssyncset.done $0x0  }
0x18: {  	[sflag:s23] =	ssyncadd.s32 s4;
	_ =	sdelay $0x1  }
0x19: {  	s24 =	simm.s32 $0x1B8B  }
0x1a: {  	_ =	swait.ge [sflag:s24], $0x1  }
0x1b: {  	[sflag:s24] =	ssyncset.done $0x0  }
0x1c: {  	s26 =	simm.s32 $0x1B8E;
	s25 =	sld [smem:$0x3FFE];
	[sflag:s24] =	ssyncadd.s32 $0xFFFFFFFF  }
0x1d: {  	s27 =	simm.s32 $execute0_lowered;
	[smem:$0x3FD2] =	sst s26  }
0x1e: {  	s5 =	sshll.u32 s27, $0x1;
	_ =	strace $0x80000049;
	[dreg:$0x1] =	wrdreg $0xFFFFFFFF  }
0x1f: {  	s28 =	simm.s32 $_size_execute0_lowered;
	s3 =	sadd.s32 s3, s5;
	[dreg:$0x0] =	wrdreg $0x0  }
0x20: {  	s5 =	sshll.u32 s28, $0x1;
	[dreg:$0x2] =	wrdreg s3  }
0x21: {  	[dreg:$0x3] =	wrdreg s5  }
0x22: {  	[dreg:$0x4] =	wrdreg $0xC0  }
0x23: {  	_ =	task [dreg:s7], $0x5FFFF  }
0x24: {  	[dreg:$0x1] =	wrdreg $0xFFFFFFFF  }
0x25: {  	[dreg:$0x0] =	wrdreg $0x60  }
0x26: {  	[dreg:$0x2] =	wrdreg s25  }
0x27: {  	[dreg:$0x3] =	wrdreg s2  }
0x28: {  	[dreg:$0x4] =	wrdreg $0x9  }
0x29: {  	_ =	task.clear_ibuf [dreg:s7], $0x5FFFF;
	_ =	strace $0x90000049  }
0x2a: {  	s29 =	simm.s32 $0x9;
	_ =	strace $0x8000004B  }
0x2b: {  	_ =	swait.ge [sflag:s29], $0x1  }
0x2c: {  	[sflag:s29] =	ssyncadd.s32 $0xFFFFFFFF  }
0x2d: {  	_ =	strace $0x9000004B  }
0x2e: {  	_ =	sfence  }
0x2f: {  	s30 =	sld [smem:$0x0];
	_ =	sdelay $0x2  }
0x30: {  	s31 =	sshll.u32 s1, $0xD;
	s1 =	sshrl.u32 s1, $0x2  }
0x31: {  	s3 =	sand.u32 $0x4000, s31;
	s1 =	sadd.s32 s1, s30  }
0x32: {  	s0 =	sor.u32 s3, s0;
	s1 =	sshll.u32 s1, $0x11  }
0x33: {  	s0 =	sor.u32 s1, s0  }
0x34: {  	s0 =	sadd.s32 $0x8F2B, s0  }
0x35: {  	[sflag:s0] =	ssyncadd.remote.s32 $0x1  }
0x36: {  	_ =	sfence.sel $0xFFFF  }
0x37: {  	[dreg:$0x0] =	wrdreg $0xFFFFFFFF;
	(pc) =	sbr.abs _section_cstart, $3  }
0x38: {  	[dreg:$0x1] =	wrdreg $0xFFFFFFFF  }
0x39: {  	_ =	task.clear_ibuf [dreg:s7], $0x2FFFF;
	_ =	strace $0x9FFFFFFF  }
0x3a: {  	(tm) =	ssettm $0x7FFFFFFF  }
0x3b: {  	_ =	shalt  }
tec
execute0_lowered:
.L_overlay_start_1:
0x0: {  	(tag) =	ssettag $0x1  }
0x1: {  	s0 =	srdreg.scid  }
0x2: {  	s1 =	sshll.u32 s0, $0x4  }
0x3: {  	s6 =	rddreg [dreg:$0x0];
	s0 =	stileid.u32;
	s1 =	sand.u32 $0x10, s1  }
0x4: {  	s3 =	rddreg [dreg:$0x1];
	s1 =	sor.u32 s0, s1  }
0x5: {  	s5 =	simm.s32 $0x1;
	s31 =	simm.s32 $0x2;
	s2 =	sshll.u32 s1, $0x7  }
0x6: {  	s14 =	simm.s32 $0x0;
	s8 =	simm.s32 $0x1000;
	s4 =	ssub.s32 $0x1000, s2  }
0x7: {  	s9 =	simm.s32 $0x0;
	s15 =	simm.s32 $0x0;
	s30 =	sand.u32 $0xF80, s4  }
0x8: {  	s16 =	simm.s32 $0x0;
	s10 =	simm.s32 $0x0;
	p0 =	sne.s32 s30, $0x0  }
.Ltmp0:
0x9: {  	s7 =	sshrl.u32 s4, $0xC;
	s5 =	simm.s32 @!p0 $0x0;
	(pc) =	sbr.rel .LBB1_1-.Ltmp0, $4  }
0xa: {  	s11 =	simm.s32 $0x0;
	s1 =	rddreg [dreg:$0x2];
	s5 =	sadd.s32 s5, s7  }
0xb: {  	_ =	strace $0x8000004A;
	s4 =	simm.s32 $0x1;
	s5 =	smul.u32 $0xC8, s5  }
0xc: {  	s13 =	simm.s32 $0x0;
	s6 =	sadd.s32 $0x800, s6;
	[sflag:s4] =	ssyncpa.u1 $0x0  }
0xd: {  	s12 =	smov.u32 s2;
	[sflag:s31] =	ssyncpa.u1 $0x0;
	s7 =	sor.u32 $0x1, s5  }
.LBB1_4:
0xe: {  	_ =	sdelay $0x3  }
0xf: {  	[tilespmem:v0+s19+$0xFFFFFFD0 ss:$0x1] =	vst.idx.msk $0xffff, v6  }
0x10: {  	v56 =	vld.idx.msk [tilespmem:v1+s18+$0x0 ss:$0x1], $0xffff;
	[tilespmem:v0+s19+$0xFFFFFFE0 ss:$0x1] =	vst.idx.msk $0xffff, v4  }
0x11: {  	v57 =	vld.idx.msk [tilespmem:v1+s18+$0xFFFFFF90 ss:$0x1], $0xffff;
	[tilespmem:v0+s19+$0xFFFFFFF0 ss:$0x1] =	vst.idx.msk $0xffff, v2  }
0x12: {  	v58 =	vld.idx.msk [tilespmem:v1+s18+$0xFFFFFFA0 ss:$0x1], $0xffff;
	[tilespmem:v0+s19+$0x0 ss:$0x1] =	vst.idx.msk $0xffff, v3  }
0x13: {  	v59 =	vld.idx.msk [tilespmem:v1+s18+$0xFFFFFFB0 ss:$0x1], $0xffff;
	[tilespmem:v0+s19+$0x10 ss:$0x1] =	vst.idx.msk $0xffff, v5  }
0x14: {  	v60 =	vld.idx.msk [tilespmem:v1+s18+$0xFFFFFFC0 ss:$0x1], $0xffff;
	[tilespmem:v0+s19+$0x20 ss:$0x1] =	vst.idx.msk $0xffff, v7  }
0x15: {  	v61 =	vld.idx.msk [tilespmem:v1+s18+$0xFFFFFFD0 ss:$0x1], $0xffff;
	s27 =	sshll.u32 s16, $0x9;
	[tilespmem:v0+s18+$0x30 ss:$0x1] =	vst.idx.msk $0xffff, v56  }
0x16: {  	s20 =	sshll.u32 s14, $0x3;
	v62 =	vld.idx.msk [tilespmem:v1+s18+$0xFFFFFFE0 ss:$0x1], $0xffff;
	s28 =	sshll.u32 s16, $0x7;
	s30 =	sand.u32 $0x78, s14;
	[tilespmem:v0+s18+$0xFFFFFFC0 ss:$0x1] =	vst.idx.msk $0xffff, v57  }
0x17: {  	v63 =	vld.idx.msk [tilespmem:v1+s18+$0xFFFFFFF0 ss:$0x1], $0xffff;
	s15 =	sshll.u32 s15, $0x12;
	s19 =	sand.u32 $0x1FF000, s27;
	s20 =	sand.u32 $0x1FFC00, s20;
	[tilespmem:v0+s18+$0xFFFFFFD0 ss:$0x1] =	vst.idx.msk $0xffff, v58  }
0x18: {  	s29 =	sand.u32 $0x200, s28;
	s16 =	sand.u32 $0x180, s28;
	s19 =	sadd.s32 s19, s20;
	[tilespmem:v0+s18+$0xFFFFFFE0 ss:$0x1] =	vst.idx.msk $0xffff, v59  }
0x19: {  	s31 =	sand.u32 $0x7, s14;
	s16 =	sor.u32 s16, s30;
	s19 =	sor.u32 s29, s19;
	[tilespmem:v0+s18+$0xFFFFFFF0 ss:$0x1] =	vst.idx.msk $0xffff, v60  }
0x1a: {  	s15 =	sadd.s32 s3, s15;
	s16 =	sshrl.u32 s16, $0x3;
	s19 =	sshrl.u32 s19, $0x3;
	[tilespmem:v0+s18+$0x0 ss:$0x1] =	vst.idx.msk $0xffff, v61  }
0x1b: {  	s14 =	sshll.u32 s31, $0x12;
	s15 =	sadd.s32 s16, s15;
	[tilespmem:v0+s18+$0x10 ss:$0x1] =	vst.idx.msk $0xffff, v62;
	s19 =	sand.u32 $0x3FFC0, s19  }
0x1c: {  	s14 =	sor.u32 $0x400, s14;
	[tilespmem:v0+s18+$0x20 ss:$0x1] =	vst.idx.msk $0xffff, v63;
	s15 =	sadd.s32 s19, s15  }
0x1d: {  	[hbm4b:s15+s14] =	stream.strided.scatter [tilespmem:s17], [sflag:$0x2], $0x4000, s8, s14, $0x38;
	[tilespmem:$0x10000] =	vst v63  }
.LBB1_5:
0x1e: {  	s17 =	sadd.s32 $0x80, s10  }
0x1f: {  	s14 =	simm.s32 $0x1;
	p1 =	sgt.s32 s17, $0x1FF  }
0x20: {  	s14 =	simm.s32 @!p1 $0x0  }
0x21: {  	s18 =	sadd.s32 s14, s11  }
0x22: {  	s20 =	smov.u32 s12;
	s14 =	sadd.s32 $0x1000, s12;
	p2 =	sgt.s32 s18, $0x31  }
0x23: {  	s20 =	smov.u32 @p2 s14  }
0x24: {  	p0 =	slt.u32 s13, $0x2;
	s17 =	simm.s32 @p1 $0x0;
	p1 =	sgt.s32 s20, $0xFFF  }
0x25: {  	s19 =	simm.s32 @!p0 $0x2;
	s20 =	smov.u32 @p1 s2;
	p1 =	sne.s32 s13, s7  }
.Ltmp1:
0x26: {  	_ =	swait.ge @!p0 [sflag:s19], $0x4000;
	(pc) =	sbr.rel @!p1 .LBB1_6-.Ltmp1, $4  }
0x27: {  	s15 =	smov.u32 s11;
	[sflag:s19] =	ssyncset.done @!p0 $0x0  }
0x28: {  	s16 =	smov.u32 s12;
	s9 =	sadd.s32 $0x4000, s9;
	[sflag:s19] =	ssyncadd.s32 @!p0 $0xFFFFC000  }
0x29: {  	s18 =	simm.s32 @p2 $0x0;
	s14 =	smov.u32 s10;
	s10 =	smov.u32 s17  }
0x2a: {  	s11 =	smov.u32 s18;
	s13 =	sadd.s32 $0x1, s13;
	s12 =	smov.u32 s20  }
.LBB1_1:
0x2b: {  	p0 =	sge.u32 s13, s5  }
0x2c: {  	s17 =	sshll.u32 @!p0 s11, $0x9;
	s18 =	sshll.u32 @!p0 s10, $0x3  }
0x2d: {  	s19 =	sshll.u32 @!p0 s11, $0x7;
	s17 =	sand.u32 @!p0 $0xFFFFF000, s17;
	s18 =	sand.u32 @!p0 $0xFFFFFC00, s18  }
0x2e: {  	s17 =	sadd.s32 @!p0 s17, s18;
	s18 =	sand.u32 @!p0 $0x200, s19  }
0x2f: {  	s17 =	sor.u32 @!p0 s18, s17  }
0x30: {  	s17 =	sshrl.u32 @!p0 s17, $0x9  }
0x31: {  	s31 =	sadd.s32 $0xFFFFFFFF, s13;
	s18 =	smulhi.u32 @!p0 $0x4924925, s17  }
0x32: {  	s20 =	sxor.u32 @!p0 $0xFFFFFFFF, s13;
	s21 =	sand.u32 @!p0 $0x78, s10;
	s22 =	smul.u32 @!p0 $0xE00, s12  }
0x33: {  	s20 =	sshll.u32 @!p0 s20, $0xE;
	s19 =	sand.u32 @!p0 $0x180, s19;
	s18 =	smul.u32 @!p0 $0x38, s18  }
0x34: {  	s20 =	sand.u32 @!p0 $0x4000, s20;
	s19 =	sor.u32 @!p0 s21, s19;
	s21 =	sand.u32 @!p0 $0x7, s10  }
0x35: {  	s17 =	ssub.s32 @!p0 s17, s18;
	s18 =	sshrl.u32 @!p0 s19, $0x3;
	s19 =	sadd.s32 @!p0 s6, s22  }
0x36: {  	s17 =	sshll.u32 @!p0 s17, $0x6;
	s18 =	sadd.s32 @!p0 s18, s19;
	s19 =	sshll.u32 @!p0 s21, $0x12  }
0x37: {  	s17 =	sadd.s32 @!p0 s17, s18;
	s18 =	sor.u32 @!p0 $0x80, s19;
	s19 =	simm.s32 @!p0 $0x7000  }
0x38: {  	[tilespmem:s20], [sflag:$0x1] =	stream.strided.gather @!p0 [hbm4b:s17+s18], $0x4000, s19, s18, $0x38;
	[tilespmem:$0x10000] =	vst v63  }
0x39: {  	p0 =	sge.u32 s31, s5  }
.Ltmp2:
0x3a: {  	_ = 	snop;
	(pc) =	sbr.rel @p0 .LBB1_5-.Ltmp2, $1  }
0x3b: {  	_ =	sdelay $0x3  }
0x3c: {  	s17 =	sand.u32 $0x4000, s9  }
0x3d: {  	s18 =	sor.u32 $0x70, s17  }
0x3e: {  	v1 =	vmov s18;
	_ =	sdelay $0x1  }
0x3f: {  	_ =	swait.ge [sflag:s4], $0x4000  }
0x40: {  	[sflag:s4] =	ssyncset.done $0x0  }
0x41: {  	s19 =	simm.s32 $0x0;
	[sflag:s4] =	ssyncadd.s32 $0xFFFFC000  }
0x42: {  	s17 =	sor.u32 $0x8040, s17;
	v7 =	vld.idx.msk [tilespmem:v1+s19+$0x0 ss:$0x1], $0xffff  }
0x43: {  	v0 =	vmov s17;
	v8 =	vld.idx.msk [tilespmem:v1+s19+$0xFFFFFF90 ss:$0x1], $0xffff  }
0x44: {  	v6 =	vld.idx.msk [tilespmem:v1+s19+$0xFFFFFFA0 ss:$0x1], $0xffff  }
0x45: {  	v4 =	vld.idx.msk [tilespmem:v1+s19+$0xFFFFFFB0 ss:$0x1], $0xffff  }
0x46: {  	v2 =	vld.idx.msk [tilespmem:v1+s19+$0xFFFFFFC0 ss:$0x1], $0xffff  }
0x47: {  	s31 =	sshll.u32 s13, $0xE;
	v3 =	vld.idx.msk [tilespmem:v1+s19+$0xFFFFFFD0 ss:$0x1], $0xffff  }
0x48: {  	s17 =	sand.u32 $0x4000, s31;
	v5 =	vld.idx.msk [tilespmem:v1+s19+$0xFFFFFFE0 ss:$0x1], $0xffff;
	[tilespmem:v0+s19+$0x30 ss:$0x1] =	vst.idx.msk $0xffff, v7  }
0x49: {  	s20 =	simm.s32 $0x400;
	s18 =	simm.s32 $0x80;
	s17 =	sor.u32 $0x8000, s17;
	[tilespmem:v0+s19+$0xFFFFFFC0 ss:$0x1] =	vst.idx.msk $0xffff, v8;
	v7 =	vld.idx.msk [tilespmem:v1+s19+$0xFFFFFFF0 ss:$0x1], $0xffff  }
.LBB1_3:
0x4a: {  	p0 =	sne.s32 s20, $0xFE00;
	v8 =	vld.idx.msk [tilespmem:v1+s18+$0x0 ss:$0x1], $0xffff;
	[tilespmem:v0+s19+$0xFFFFFFD0 ss:$0x1] =	vst.idx.msk $0xffff, v6  }
0x4b: {  	v9 =	vld.idx.msk [tilespmem:v1+s18+$0xFFFFFF90 ss:$0x1], $0xffff;
	[tilespmem:v0+s19+$0xFFFFFFE0 ss:$0x1] =	vst.idx.msk $0xffff, v4  }
0x4c: {  	v6 =	vld.idx.msk [tilespmem:v1+s18+$0xFFFFFFA0 ss:$0x1], $0xffff;
	[tilespmem:v0+s19+$0xFFFFFFF0 ss:$0x1] =	vst.idx.msk $0xffff, v2  }
.Ltmp3:
0x4d: {  	v4 =	vld.idx.msk [tilespmem:v1+s18+$0xFFFFFFB0 ss:$0x1], $0xffff;
	[tilespmem:v0+s19+$0x0 ss:$0x1] =	vst.idx.msk $0xffff, v3;
	(pc) =	sbr.rel @p0 .LBB1_3-.Ltmp3, $4  }
0x4e: {  	v2 =	vld.idx.msk [tilespmem:v1+s18+$0xFFFFFFC0 ss:$0x1], $0xffff;
	[tilespmem:v0+s19+$0x10 ss:$0x1] =	vst.idx.msk $0xffff, v5  }
0x4f: {  	v3 =	vld.idx.msk [tilespmem:v1+s18+$0xFFFFFFD0 ss:$0x1], $0xffff;
	[tilespmem:v0+s19+$0x20 ss:$0x1] =	vst.idx.msk $0xffff, v7;
	s19 =	smov.u32 s18  }
0x50: {  	v5 =	vld.idx.msk [tilespmem:v1+s19+$0xFFFFFFE0 ss:$0x1], $0xffff;
	[tilespmem:v0+s19+$0x30 ss:$0x1] =	vst.idx.msk $0xffff, v8  }
0x51: {  	s18 =	sshra.s32 s20, $0x2;
	s20 =	sadd.s32 $0x200, s20;
	[tilespmem:v0+s19+$0xFFFFFFC0 ss:$0x1] =	vst.idx.msk $0xffff, v9;
	v7 =	vld.idx.msk [tilespmem:v1+s19+$0xFFFFFFF0 ss:$0x1], $0xffff  }
.Ltmp4:
0x52: {  	_ = 	snop;
	(pc) =	sbr.rel .LBB1_4-.Ltmp4, $1  }
0x53: {  	_ =	sdelay $0x3  }
.LBB1_6:
0x54: {  	_ =	sfence.sel $0x180000  }
0x55: {  	s2 =	simm.s32 $0x1;
	[bflag:$0x0] =	sbarrier.arrive $0xFFFF  }
0x56: {  	s31 =	simm.s32 $0x2;
	[sflag:s2] =	ssyncpa.u1 $0x1  }
0x57: {  	[sflag:s31] =	ssyncpa.u1 $0x1  }
0x58: {  	p0 =	sne.s32 s0, $0x0;
	_ =	strace $0x9000004A  }
0x59: {  	s0 =	sadd.s32 @!p0 $0x100000, s1;
	[bflag:$0x2] =	sbarrier.arrive $0xFFFF  }
0x5a: {  	[sflag:s0] =	ssyncadd.tile.s32 @!p0 $0x1;
	_ =	shalt  }
.Lfunc_end1:
_tile_overlayer_lowered:
.L_overlay_start_2:
0x5b: {  	(tag) =	ssettag $0x2  }
0x5c: {  	s0 =	rddreg [dreg:$0x0];
	s2 =	stileid.u32  }
0x5d: {  	s1 =	rddreg [dreg:$0x1];
	p0 =	sne.s32 s2, $0x0  }
0x5e: {  	s3 =	rddreg [dreg:$0x2];
	[bflag:$0x3] =	sbarrier.arrive $0xFFFF;
	s2 =	simm.s32 @!p0 $0x1C01  }
0x5f: {  	[timem:s3], [sflag:s2] =	dma.local @!p0 [hbm:s0], s1  }
0x60: {  	s0 =	simm.s32 @!p0 $0x1  }
0x61: {  	_ =	swait.ge @!p0 [sflag:s0], s1  }
0x62: {  	s1 =	ssub.s32 @!p0 $0x0, s1;
	[sflag:s0] =	ssyncset.done @!p0 $0x0  }
0x63: {  	[sflag:s0] =	ssyncadd.s32 @!p0 s1  }
0x64: {  	[bflag:$0x3] =	sbarrier.arrive $0xFFFF  }
0x65: {  	_ =	shalt  }

</sc_bundles>
